<compile_context>
chip_gen: v7x
topology: tpu7x:2x2x1
jax: 0.10.2.dev20260603
libtpu: 0.0.44.dev20260713+nightly
codegen_flags: <defaults>
</compile_context>

<pallas_src>
import functools

import jax
import jax.numpy as jnp
from jax import lax
from jax.experimental import pallas as pl
from jax.experimental.pallas import tpu as pltpu
from jax.experimental.pallas import tpu_sc as plsc

N_NODES = 10000
N_EDGES = 320000
D_NODE = 128
D_EDGE = 16
D_OUT = 15

L = 16
NC = 2
NS = 16
NW = NC * NS

GRAN = 128
E_PAD = 327680
IDX_ROWS = E_PAD // GRAN
ACC_ROWS = 10112
ZR = ACC_ROWS // NS


def _mm_body(a_ref, w_ref, o_ref):
    o_ref[...] = jnp.dot(a_ref[...], w_ref[...], preferred_element_type=jnp.float32)


def _edge_mm_body(a_ref, w_ref, o_ref, ot_ref):
    m = jnp.dot(a_ref[...], w_ref[...], preferred_element_type=jnp.float32)
    o_ref[...] = m
    ot_ref[...] = m.T


def _edge_matmul(edge_attr, w_edge):
    bm = 8192
    return pl.pallas_call(
        _edge_mm_body,
        grid=(E_PAD // bm,),
        in_specs=[
            pl.BlockSpec((bm, D_EDGE), lambda i: (i, 0)),
            pl.BlockSpec((D_EDGE, D_OUT), lambda i: (0, 0)),
        ],
        out_specs=[
            pl.BlockSpec((bm, D_OUT), lambda i: (i, 0)),
            pl.BlockSpec((D_OUT, bm), lambda i: (0, i)),
        ],
        out_shape=[
            jax.ShapeDtypeStruct((N_EDGES, D_OUT), jnp.float32),
            jax.ShapeDtypeStruct((D_OUT, E_PAD), jnp.float32),
        ],
    )(edge_attr, w_edge)


def _merge_mm_body(p_ref, w_ref, o_ref):
    agg = p_ref[0] + p_ref[1]
    o_ref[...] = jnp.dot(agg, w_ref[...], preferred_element_type=jnp.float32)


def _merge_matmul(partials, w_pad):
    bm = 1264
    return pl.pallas_call(
        _merge_mm_body,
        grid=(ACC_ROWS // bm,),
        in_specs=[
            pl.BlockSpec((2, bm, D_NODE), lambda i: (0, i, 0)),
            pl.BlockSpec((D_NODE, L), lambda i: (0, 0)),
        ],
        out_specs=pl.BlockSpec((bm, L), lambda i: (i, 0)),
        out_shape=jax.ShapeDtypeStruct((ACC_ROWS, L), jnp.float32),
    )(partials, w_pad)


def _make_agg_kernel():
    CE = GRAN
    TR0 = 96
    TR1 = 64
    SPLIT = TR0 * NS

    mesh = plsc.VectorSubcoreMesh(core_axis_name="c", subcore_axis_name="s")

    @functools.partial(
        pl.kernel,
        out_type=jax.ShapeDtypeStruct((NC, ACC_ROWS, D_NODE), jnp.float32),
        mesh=mesh,
        compiler_params=pltpu.CompilerParams(use_tc_tiling_on_sc=False,
                                             needs_layout_passes=False),
        scratch_types=[
            pltpu.VMEM((1, GRAN), jnp.int32),
            pltpu.VMEM((1, GRAN), jnp.int32),
            pltpu.VMEM((1, GRAN), jnp.int32),
            pltpu.VMEM((1, GRAN), jnp.int32),
            pltpu.VMEM((GRAN, D_NODE), jnp.float32),
            pltpu.VMEM((GRAN, D_NODE), jnp.float32),
            pltpu.VMEM_SHARED((ACC_ROWS, D_NODE), jnp.float32),
            pltpu.SemaphoreType.DMA,
            pltpu.SemaphoreType.DMA,
            pltpu.SemaphoreType.DMA,
            pltpu.SemaphoreType.DMA,
        ],
    )
    def k2(x_hbm, src_hbm, dst_hbm, zeros_hbm, out_hbm, sidx_a, didx_a, sidx_b,
           didx_b, rows_a, rows_b, acc_sh, sem_ga, sem_gb, sem_sa, sem_sb):
        c = lax.axis_index("c")
        s = lax.axis_index("s")
        base = jnp.where(c == 0, s * TR0, SPLIT + s * TR1)
        hpair = jnp.where(c == 0, TR0 // 2, TR1 // 2)

        pltpu.sync_copy(zeros_hbm, acc_sh.at[pl.ds(s * ZR, ZR)])
        plsc.subcore_barrier()

        HG = GRAN // 2

        def load_and_gather(r, sidx, didx, rows, sem):
            pltpu.sync_copy(src_hbm.at[pl.ds(r, 1)], sidx)
            pltpu.sync_copy(dst_hbm.at[pl.ds(r, 1)], didx)
            pltpu.async_copy(x_hbm.at[sidx.at[0, pl.ds(0, HG)]],
                             rows.at[pl.ds(0, HG)], sem)
            return pltpu.async_copy(x_hbm.at[sidx.at[0, pl.ds(HG, HG)]],
                                    rows.at[pl.ds(HG, HG)], sem)

        def gather_wait(rows, sem):
            pltpu.make_async_copy(x_hbm.at[pl.ds(0, HG)], rows.at[pl.ds(0, HG)],
                                  sem).wait()
            pltpu.make_async_copy(x_hbm.at[pl.ds(0, HG)], rows.at[pl.ds(HG, HG)],
                                  sem).wait()

        load_and_gather(base, sidx_a, didx_a, rows_a, sem_ga)
        gather_wait(rows_a, sem_ga)

        def pair_body(i, carry):
            a = base + 2 * i
            load_and_gather(a + 1, sidx_b, didx_b, rows_b, sem_gb)
            pltpu.async_copy(rows_a, acc_sh.at[didx_a.at[0]], sem_sa,
                             add=True).wait()

            @pl.when(i < hpair - 1)
            def _():
                load_and_gather(a + 2, sidx_a, didx_a, rows_a, sem_ga)
            gather_wait(rows_b, sem_gb)
            pltpu.async_copy(rows_b, acc_sh.at[didx_b.at[0]], sem_sb,
                             add=True).wait()

            @pl.when(i < hpair - 1)
            def _():
                gather_wait(rows_a, sem_ga)
            return carry
        lax.fori_loop(0, hpair, pair_body, 0)

        plsc.subcore_barrier()
        pltpu.sync_copy(acc_sh.at[pl.ds(s * ZR, ZR)],
                        out_hbm.at[c, pl.ds(s * ZR, ZR)])

    return k2


def _make_score_kernel():
    CH = 8
    CE = CH * GRAN
    TR0 = 96
    TR1 = 64
    SPLIT = TR0 * NS

    mesh = plsc.VectorSubcoreMesh(core_axis_name="c", subcore_axis_name="s")

    def _half_scratch():
        return [
            pltpu.VMEM((CH, GRAN), jnp.int32),
            pltpu.VMEM((CH, GRAN), jnp.int32),
            pltpu.VMEM((CE, L), jnp.float32),
            pltpu.VMEM((CE, L), jnp.float32),
            pltpu.VMEM((D_OUT, CE), jnp.float32),
            pltpu.VMEM((CE,), jnp.float32),
            pltpu.SemaphoreType.DMA,
            pltpu.SemaphoreType.DMA,
            pltpu.SemaphoreType.DMA,
        ]

    @functools.partial(
        pl.kernel,
        out_type=jax.ShapeDtypeStruct((E_PAD,), jnp.float32),
        mesh=mesh,
        compiler_params=pltpu.CompilerParams(use_tc_tiling_on_sc=False,
                                             needs_layout_passes=False),
        scratch_types=_half_scratch() + _half_scratch(),
    )
    def k3(axw_hbm, src_hbm, dst_hbm, ewt_hbm, out_hbm,
           sidx_a, didx_a, h_a, t_a, ewt_a, sc_a, sem_ga, sem_ea, sem_oa,
           sidx_b, didx_b, h_b, t_b, ewt_b, sc_b, sem_gb, sem_eb, sem_ob):
        c = lax.axis_index("c")
        s = lax.axis_index("s")
        iota = lax.iota(jnp.int32, L)

        def fire(rbase, sidx, didx, h_v, t_v, ewt_v, sem_g, sem_e):
            ebase = rbase * GRAN
            pltpu.sync_copy(src_hbm.at[pl.ds(rbase, CH)], sidx)
            pltpu.sync_copy(dst_hbm.at[pl.ds(rbase, CH)], didx)
            pltpu.async_copy(ewt_hbm.at[:, pl.ds(ebase, CE)], ewt_v, sem_e)
            for r in range(CH):
                pltpu.async_copy(axw_hbm.at[sidx.at[r]],
                                 h_v.at[pl.ds(r * GRAN, GRAN)], sem_g)
                pltpu.async_copy(axw_hbm.at[didx.at[r]],
                                 t_v.at[pl.ds(r * GRAN, GRAN)], sem_g)

        def drain(sidx, h_v, t_v, ewt_v, sem_g, sem_e):
            for r in range(CH):
                pltpu.make_async_copy(axw_hbm.at[sidx.at[r]],
                                      h_v.at[pl.ds(r * GRAN, GRAN)], sem_g).wait()
                pltpu.make_async_copy(axw_hbm.at[sidx.at[r]],
                                      t_v.at[pl.ds(r * GRAN, GRAN)], sem_g).wait()
            pltpu.make_async_copy(ewt_hbm.at[:, pl.ds(0, CE)], ewt_v, sem_e).wait()

        def compute(h_v, t_v, ewt_v, sc_v):
            def blk(b2, carry2):
                e0 = b2 * L
                e_ids = e0 + iota
                acc = None
                for f in range(D_OUT):
                    fv = jnp.full((L,), f, jnp.int32)
                    hf = plsc.load_gather(h_v, [e_ids, fv])
                    tf = plsc.load_gather(t_v, [e_ids, fv])
                    evf = ewt_v[f, pl.ds(e0, L)]
                    term = hf * evf * tf
                    acc = term if acc is None else acc + term
                sc_v[pl.ds(e0, L)] = 1.0 / (1.0 + jnp.exp(-acc))
                return carry2
            lax.fori_loop(0, CE // L, blk, 0)

        def out_wait(sc_v, sem_o):
            pltpu.make_async_copy(sc_v, out_hbm.at[pl.ds(0, CE)], sem_o).wait()

        base = jnp.where(c == 0, s * TR0, SPLIT + s * TR1)
        hpair = jnp.where(c == 0, TR0 // (2 * CH), TR1 // (2 * CH))
        fire(base, sidx_a, didx_a, h_a, t_a, ewt_a, sem_ga, sem_ea)

        def pair_body(i, carry):
            ra = base + 2 * i * CH
            fire(ra + CH, sidx_b, didx_b, h_b, t_b, ewt_b, sem_gb, sem_eb)
            drain(sidx_a, h_a, t_a, ewt_a, sem_ga, sem_ea)

            @pl.when(i > 0)
            def _():
                out_wait(sc_a, sem_oa)
            compute(h_a, t_a, ewt_a, sc_a)
            pltpu.async_copy(sc_a, out_hbm.at[pl.ds(ra * GRAN, CE)], sem_oa)

            @pl.when(i < hpair - 1)
            def _():
                fire(ra + 2 * CH, sidx_a, didx_a, h_a, t_a, ewt_a, sem_ga, sem_ea)
            drain(sidx_b, h_b, t_b, ewt_b, sem_gb, sem_eb)

            @pl.when(i > 0)
            def _():
                out_wait(sc_b, sem_ob)
            compute(h_b, t_b, ewt_b, sc_b)
            pltpu.async_copy(sc_b, out_hbm.at[pl.ds((ra + CH) * GRAN, CE)], sem_ob)
            return carry
        lax.fori_loop(0, hpair, pair_body, 0)
        out_wait(sc_a, sem_oa)
        out_wait(sc_b, sem_ob)

    return k3


_k2 = _make_agg_kernel()
_k3 = _make_score_kernel()


def kernel(x, edge_index, edge_attr, W_node, W_edge):
    src = edge_index[0].astype(jnp.int32)
    dst = edge_index[1].astype(jnp.int32)
    pad = E_PAD - N_EDGES
    src_p = jnp.concatenate([src, jnp.zeros((pad,), jnp.int32)]).reshape(IDX_ROWS, GRAN)
    dump = N_NODES + (jnp.arange(pad, dtype=jnp.int32) % (ACC_ROWS - N_NODES))
    dst_p = jnp.concatenate([dst, dump]).reshape(IDX_ROWS, GRAN)

    ew, ewt = _edge_matmul(edge_attr, W_edge)

    zeros = jnp.zeros((ZR, D_NODE), jnp.float32)
    partials = _k2(x, src_p, dst_p, zeros)

    w_node_pad = jnp.pad(W_node, ((0, 0), (0, L - D_OUT)))
    axw_pad = _merge_matmul(partials, w_node_pad)

    scores_p = _k3(axw_pad, src_p, dst_p, ewt)

    return (axw_pad[:N_NODES, :D_OUT], ew, scores_p[:N_EDGES])

# --- scband reference (transcript-rebuilt; emitter-appended) ---
"""Pipeline reference for scband-gnnmodel-11278584119897 (READ-ONLY COPY).

The authoritative reference and input builder live on the scoring server;
editing this copy changes nothing except your own understanding.
"""

import jax, jax.numpy as jnp
import numpy as np

N_NODES = 10000
N_EDGES = 320000
D_NODE = 128
D_EDGE = 16
D_OUT = 15

def setup_inputs(seed: int = 0) -> dict:
    key = jax.random.key(seed)
    k1, k2, k3, k4, k5 = jax.random.split(key, 5)
    x = jax.random.normal(k1, (N_NODES, D_NODE), dtype=jnp.float32)
    edge_index = jax.random.randint(k2, (2, N_EDGES), 0, N_NODES, dtype=jnp.int64)
    edge_attr = jax.random.normal(k3, (N_EDGES, D_EDGE), dtype=jnp.float32)
    # xavier_uniform init for weights
    bn = float(np.sqrt(6.0 / (D_NODE + D_OUT)))
    be = float(np.sqrt(6.0 / (D_EDGE + D_OUT)))
    W_node = jax.random.uniform(k4, (D_NODE, D_OUT), minval=-bn, maxval=bn, dtype=jnp.float32)
    W_edge = jax.random.uniform(k5, (D_EDGE, D_OUT), minval=-be, maxval=be, dtype=jnp.float32)
    return {"x": x, "edge_index": edge_index, "edge_attr": edge_attr, "W_node": W_node, "W_edge": W_edge}

def reference(x, edge_index, edge_attr, W_node, W_edge):
    # adjacency A[dst, src] = 1 built from edge_index; A @ x via scatter-add
    src = edge_index[0]
    dst = edge_index[1]
    agg = jax.ops.segment_sum(jnp.take(x, src, axis=0), dst, num_segments=x.shape[0])
    axw = agg @ W_node  # sparse.mm(A, x) @ weight_node
    ew = edge_attr @ W_edge
    # dropout is identity in eval mode (deterministic reference)
    # complex scoring: heads * ew * conj(tails); all imaginary parts are zero
    heads = jnp.take(axw, src, axis=0)
    tails = jnp.take(axw, dst, axis=0)
    raw_scores = jnp.sum(heads * ew * tails, axis=-1)
    scores = jax.nn.sigmoid(raw_scores)
    return (axw, ew, scores)

if __name__ == "__main__":
    import jax
    _d = setup_inputs()
    print(jax.jit(kernel)(*tuple(_d.values())))

</pallas_src>

<mosaic_0001>
#map = affine_map<(d0, d1) -> (0, 0)>
#map1 = affine_map<(d0, d1) -> (0)>
module attributes {stable_mosaic.version = 14 : i64} {
  func.func @k3(%arg0: i32, %arg1: i32, %arg2: memref<10112x16xf32, #tpu.memory_space<hbm>>, %arg3: memref<2560x128xi32, #tpu.memory_space<hbm>>, %arg4: memref<2560x128xi32, #tpu.memory_space<hbm>>, %arg5: memref<15x327680xf32, #tpu.memory_space<hbm>>, %arg6: memref<327680xf32, #tpu.memory_space<hbm>>, %arg7: memref<8x128xi32, #tpu.memory_space<vmem>>, %arg8: memref<8x128xi32, #tpu.memory_space<vmem>>, %arg9: memref<1024x16xf32, #tpu.memory_space<vmem>>, %arg10: memref<1024x16xf32, #tpu.memory_space<vmem>>, %arg11: memref<15x1024xf32, #tpu.memory_space<vmem>>, %arg12: memref<1024xf32, #tpu.memory_space<vmem>>, %arg13: memref<!tpu.dma_semaphore, #tpu.memory_space<semaphore_mem>>, %arg14: memref<!tpu.dma_semaphore, #tpu.memory_space<semaphore_mem>>, %arg15: memref<!tpu.dma_semaphore, #tpu.memory_space<semaphore_mem>>, %arg16: memref<8x128xi32, #tpu.memory_space<vmem>>, %arg17: memref<8x128xi32, #tpu.memory_space<vmem>>, %arg18: memref<1024x16xf32, #tpu.memory_space<vmem>>, %arg19: memref<1024x16xf32, #tpu.memory_space<vmem>>, %arg20: memref<15x1024xf32, #tpu.memory_space<vmem>>, %arg21: memref<1024xf32, #tpu.memory_space<vmem>>, %arg22: memref<!tpu.dma_semaphore, #tpu.memory_space<semaphore_mem>>, %arg23: memref<!tpu.dma_semaphore, #tpu.memory_space<semaphore_mem>>, %arg24: memref<!tpu.dma_semaphore, #tpu.memory_space<semaphore_mem>>) attributes {dimension_semantics = [#tpu.dimension_semantics<core_parallel>, #tpu.dimension_semantics<subcore_parallel>], iteration_bounds = array<i64: 2, 16>, scalar_prefetch = 0 : i64, scratch_operands = 18 : i64, tpu.core_type = #tpu.core_type<sc_vector_subcore>, window_params = [{transform_indices = #map}, {transform_indices = #map}, {transform_indices = #map}, {transform_indices = #map}, {transform_indices = #map1}]} {
    %iota3A = tpu.iota {dimensions = array<i32: 0>} : vector<16xi32>
    %eq3A = arith.constant 0 : i32
    %eq3A_0 = arith.cmpi eq, %arg0, %eq3A : i32
    %mul3A = arith.constant 96 : i32
    %mul3A_1 = arith.muli %arg1, %mul3A : i32
    %mul3A_2 = arith.constant 64 : i32
    %mul3A_3 = arith.muli %arg1, %mul3A_2 : i32
    %add3A = arith.constant 1536 : i32
    %add3A_4 = arith.addi %add3A, %mul3A_3 : i32
    %select_n3A = arith.select %eq3A_0, %mul3A_1, %add3A_4 : i32
    %eq3A_5 = arith.constant 0 : i32
    %eq3A_6 = arith.cmpi eq, %arg0, %eq3A_5 : i32
    %jit3A = arith.constant 6 : i32
    %jit3A_7 = arith.constant 4 : i32
    %select_n3A_8 = arith.select %eq3A_6, %jit3A, %jit3A_7 : i32
    %mul3A_9 = arith.constant 128 : i32
    %mul3A_10 = arith.muli %select_n3A, %mul3A_9 : i32
    "tpu.region"() ({
      %run_scoped3A = tpu.sem_alloc : memref<!tpu.dma_semaphore, #tpu.memory_space<semaphore_mem>>
      %dma_start3A_190 = arith.constant 0 : i32
      %dma_start3A_191 = tpu.memref_slice %arg3[%select_n3A, %dma_start3A_190] : memref<2560x128xi32, #tpu.memory_space<hbm>> -> memref<8x128xi32, #tpu.memory_space<hbm>>
      %dma_start3A_192 = arith.constant 0 : i32
      %dma_start3A_193 = tpu.memref_slice %arg3[%select_n3A, %dma_start3A_192] : memref<2560x128xi32, #tpu.memory_space<hbm>> -> memref<8x128xi32, #tpu.memory_space<hbm>>
      tpu.enqueue_dma source(%dma_start3A_193 : memref<8x128xi32, #tpu.memory_space<hbm>>) target(%arg7 : memref<8x128xi32, #tpu.memory_space<vmem>>) target_semaphore(%run_scoped3A : memref<!tpu.dma_semaphore, #tpu.memory_space<semaphore_mem>>)
      %dma_wait3A_194 = arith.constant 0 : i32
      %dma_wait3A_195 = tpu.memref_slice %arg3[%select_n3A, %dma_wait3A_194] : memref<2560x128xi32, #tpu.memory_space<hbm>> -> memref<8x128xi32, #tpu.memory_space<hbm>>
      %dma_wait3A_196 = arith.constant 0 : i32
      %dma_wait3A_197 = tpu.memref_slice %arg3[%select_n3A, %dma_wait3A_196] : memref<2560x128xi32, #tpu.memory_space<hbm>> -> memref<8x128xi32, #tpu.memory_space<hbm>>
      tpu.wait_dma2 semaphore(%run_scoped3A : memref<!tpu.dma_semaphore, #tpu.memory_space<semaphore_mem>>) src(%dma_wait3A_197 : memref<8x128xi32, #tpu.memory_space<hbm>>) dst(%arg7 : memref<8x128xi32, #tpu.memory_space<vmem>>)
      tpu.yield
    }) : () -> ()
    "tpu.region"() ({
      %run_scoped3A = tpu.sem_alloc : memref<!tpu.dma_semaphore, #tpu.memory_space<semaphore_mem>>
      %dma_start3A_190 = arith.constant 0 : i32
      %dma_start3A_191 = tpu.memref_slice %arg4[%select_n3A, %dma_start3A_190] : memref<2560x128xi32, #tpu.memory_space<hbm>> -> memref<8x128xi32, #tpu.memory_space<hbm>>
      %dma_start3A_192 = arith.constant 0 : i32
      %dma_start3A_193 = tpu.memref_slice %arg4[%select_n3A, %dma_start3A_192] : memref<2560x128xi32, #tpu.memory_space<hbm>> -> memref<8x128xi32, #tpu.memory_space<hbm>>
      tpu.enqueue_dma source(%dma_start3A_193 : memref<8x128xi32, #tpu.memory_space<hbm>>) target(%arg8 : memref<8x128xi32, #tpu.memory_space<vmem>>) target_semaphore(%run_scoped3A : memref<!tpu.dma_semaphore, #tpu.memory_space<semaphore_mem>>)
      %dma_wait3A_194 = arith.constant 0 : i32
      %dma_wait3A_195 = tpu.memref_slice %arg4[%select_n3A, %dma_wait3A_194] : memref<2560x128xi32, #tpu.memory_space<hbm>> -> memref<8x128xi32, #tpu.memory_space<hbm>>
      %dma_wait3A_196 = arith.constant 0 : i32
      %dma_wait3A_197 = tpu.memref_slice %arg4[%select_n3A, %dma_wait3A_196] : memref<2560x128xi32, #tpu.memory_space<hbm>> -> memref<8x128xi32, #tpu.memory_space<hbm>>
      tpu.wait_dma2 semaphore(%run_scoped3A : memref<!tpu.dma_semaphore, #tpu.memory_space<semaphore_mem>>) src(%dma_wait3A_197 : memref<8x128xi32, #tpu.memory_space<hbm>>) dst(%arg8 : memref<8x128xi32, #tpu.memory_space<vmem>>)
      tpu.yield
    }) : () -> ()
    %dma_start3A = arith.constant 0 : i32
    %dma_start3A_11 = tpu.memref_slice %arg5[%dma_start3A, %mul3A_10] : memref<15x327680xf32, #tpu.memory_space<hbm>> -> memref<15x1024xf32, #tpu.memory_space<hbm>>
    %dma_start3A_12 = arith.constant 0 : i32
    %dma_start3A_13 = tpu.memref_slice %arg5[%dma_start3A_12, %mul3A_10] : memref<15x327680xf32, #tpu.memory_space<hbm>> -> memref<15x1024xf32, #tpu.memory_space<hbm>>
    tpu.enqueue_dma source(%dma_start3A_13 : memref<15x1024xf32, #tpu.memory_space<hbm>>) target(%arg11 : memref<15x1024xf32, #tpu.memory_space<vmem>>) target_semaphore(%arg14 : memref<!tpu.dma_semaphore, #tpu.memory_space<semaphore_mem>>)
    %dma_start3A_14 = arith.constant 0 : i32
    %dma_start3A_15 = arith.constant 0 : i32
    %dma_start3A_16 = arith.constant 0 : i32
    %dma_start3A_17 = tpu.memref_slice %arg9[%dma_start3A_15, %dma_start3A_16] : memref<1024x16xf32, #tpu.memory_space<vmem>> -> memref<128x16xf32, #tpu.memory_space<vmem>>
    %dma_start3A_18 = arith.constant 0 : i32
    %dma_start3A_19 = tpu.memref_slice %arg7[%dma_start3A_14, %dma_start3A_18] : memref<8x128xi32, #tpu.memory_space<vmem>> -> memref<1x128xi32, #tpu.memory_space<vmem>>
    %dma_start3A_20 = tpu.memref_squeeze %dma_start3A_19 : memref<1x128xi32, #tpu.memory_space<vmem>> -> memref<128xi32, #tpu.memory_space<vmem>>
    %dma_start3A_21 = arith.constant 0 : i32
    %dma_start3A_22 = arith.constant 0 : i32
    %dma_start3A_23 = tpu.memref_slice %arg2[%dma_start3A_21, %dma_start3A_22] : memref<10112x16xf32, #tpu.memory_space<hbm>> -> memref<10112x16xf32, #tpu.memory_space<hbm>>
    tpu.enqueue_indirect_dma source(%dma_start3A_23 : memref<10112x16xf32, #tpu.memory_space<hbm>>) target(%dma_start3A_17 : memref<128x16xf32, #tpu.memory_space<vmem>>) offsets(%dma_start3A_20 : memref<128xi32, #tpu.memory_space<vmem>>) semaphore(%arg13 : memref<!tpu.dma_semaphore, #tpu.memory_space<semaphore_mem>>)
    %dma_start3A_24 = arith.constant 0 : i32
    %dma_start3A_25 = arith.constant 0 : i32
    %dma_start3A_26 = arith.constant 0 : i32
    %dma_start3A_27 = tpu.memref_slice %arg10[%dma_start3A_25, %dma_start3A_26] : memref<1024x16xf32, #tpu.memory_space<vmem>> -> memref<128x16xf32, #tpu.memory_space<vmem>>
    %dma_start3A_28 = arith.constant 0 : i32
    %dma_start3A_29 = tpu.memref_slice %arg8[%dma_start3A_24, %dma_start3A_28] : memref<8x128xi32, #tpu.memory_space<vmem>> -> memref<1x128xi32, #tpu.memory_space<vmem>>
    %dma_start3A_30 = tpu.memref_squeeze %dma_start3A_29 : memref<1x128xi32, #tpu.memory_space<vmem>> -> memref<128xi32, #tpu.memory_space<vmem>>
    %dma_start3A_31 = arith.constant 0 : i32
    %dma_start3A_32 = arith.constant 0 : i32
    %dma_start3A_33 = tpu.memref_slice %arg2[%dma_start3A_31, %dma_start3A_32] : memref<10112x16xf32, #tpu.memory_space<hbm>> -> memref<10112x16xf32, #tpu.memory_space<hbm>>
    tpu.enqueue_indirect_dma source(%dma_start3A_33 : memref<10112x16xf32, #tpu.memory_space<hbm>>) target(%dma_start3A_27 : memref<128x16xf32, #tpu.memory_space<vmem>>) offsets(%dma_start3A_30 : memref<128xi32, #tpu.memory_space<vmem>>) semaphore(%arg13 : memref<!tpu.dma_semaphore, #tpu.memory_space<semaphore_mem>>)
    %dma_start3A_34 = arith.constant 1 : i32
    %dma_start3A_35 = arith.constant 128 : i32
    %dma_start3A_36 = arith.constant 0 : i32
    %dma_start3A_37 = tpu.memref_slice %arg9[%dma_start3A_35, %dma_start3A_36] : memref<1024x16xf32, #tpu.memory_space<vmem>> -> memref<128x16xf32, #tpu.memory_space<vmem>>
    %dma_start3A_38 = arith.constant 0 : i32
    %dma_start3A_39 = tpu.memref_slice %arg7[%dma_start3A_34, %dma_start3A_38] : memref<8x128xi32, #tpu.memory_space<vmem>> -> memref<1x128xi32, #tpu.memory_space<vmem>>
    %dma_start3A_40 = tpu.memref_squeeze %dma_start3A_39 : memref<1x128xi32, #tpu.memory_space<vmem>> -> memref<128xi32, #tpu.memory_space<vmem>>
    %dma_start3A_41 = arith.constant 0 : i32
    %dma_start3A_42 = arith.constant 0 : i32
    %dma_start3A_43 = tpu.memref_slice %arg2[%dma_start3A_41, %dma_start3A_42] : memref<10112x16xf32, #tpu.memory_space<hbm>> -> memref<10112x16xf32, #tpu.memory_space<hbm>>
    tpu.enqueue_indirect_dma source(%dma_start3A_43 : memref<10112x16xf32, #tpu.memory_space<hbm>>) target(%dma_start3A_37 : memref<128x16xf32, #tpu.memory_space<vmem>>) offsets(%dma_start3A_40 : memref<128xi32, #tpu.memory_space<vmem>>) semaphore(%arg13 : memref<!tpu.dma_semaphore, #tpu.memory_space<semaphore_mem>>)
    %dma_start3A_44 = arith.constant 1 : i32
    %dma_start3A_45 = arith.constant 128 : i32
    %dma_start3A_46 = arith.constant 0 : i32
    %dma_start3A_47 = tpu.memref_slice %arg10[%dma_start3A_45, %dma_start3A_46] : memref<1024x16xf32, #tpu.memory_space<vmem>> -> memref<128x16xf32, #tpu.memory_space<vmem>>
    %dma_start3A_48 = arith.constant 0 : i32
    %dma_start3A_49 = tpu.memref_slice %arg8[%dma_start3A_44, %dma_start3A_48] : memref<8x128xi32, #tpu.memory_space<vmem>> -> memref<1x128xi32, #tpu.memory_space<vmem>>
    %dma_start3A_50 = tpu.memref_squeeze %dma_start3A_49 : memref<1x128xi32, #tpu.memory_space<vmem>> -> memref<128xi32, #tpu.memory_space<vmem>>
    %dma_start3A_51 = arith.constant 0 : i32
    %dma_start3A_52 = arith.constant 0 : i32
    %dma_start3A_53 = tpu.memref_slice %arg2[%dma_start3A_51, %dma_start3A_52] : memref<10112x16xf32, #tpu.memory_space<hbm>> -> memref<10112x16xf32, #tpu.memory_space<hbm>>
    tpu.enqueue_indirect_dma source(%dma_start3A_53 : memref<10112x16xf32, #tpu.memory_space<hbm>>) target(%dma_start3A_47 : memref<128x16xf32, #tpu.memory_space<vmem>>) offsets(%dma_start3A_50 : memref<128xi32, #tpu.memory_space<vmem>>) semaphore(%arg13 : memref<!tpu.dma_semaphore, #tpu.memory_space<semaphore_mem>>)
    %dma_start3A_54 = arith.constant 2 : i32
    %dma_start3A_55 = arith.constant 256 : i32
    %dma_start3A_56 = arith.constant 0 : i32
    %dma_start3A_57 = tpu.memref_slice %arg9[%dma_start3A_55, %dma_start3A_56] : memref<1024x16xf32, #tpu.memory_space<vmem>> -> memref<128x16xf32, #tpu.memory_space<vmem>>
    %dma_start3A_58 = arith.constant 0 : i32
    %dma_start3A_59 = tpu.memref_slice %arg7[%dma_start3A_54, %dma_start3A_58] : memref<8x128xi32, #tpu.memory_space<vmem>> -> memref<1x128xi32, #tpu.memory_space<vmem>>
    %dma_start3A_60 = tpu.memref_squeeze %dma_start3A_59 : memref<1x128xi32, #tpu.memory_space<vmem>> -> memref<128xi32, #tpu.memory_space<vmem>>
    %dma_start3A_61 = arith.constant 0 : i32
    %dma_start3A_62 = arith.constant 0 : i32
    %dma_start3A_63 = tpu.memref_slice %arg2[%dma_start3A_61, %dma_start3A_62] : memref<10112x16xf32, #tpu.memory_space<hbm>> -> memref<10112x16xf32, #tpu.memory_space<hbm>>
    tpu.enqueue_indirect_dma source(%dma_start3A_63 : memref<10112x16xf32, #tpu.memory_space<hbm>>) target(%dma_start3A_57 : memref<128x16xf32, #tpu.memory_space<vmem>>) offsets(%dma_start3A_60 : memref<128xi32, #tpu.memory_space<vmem>>) semaphore(%arg13 : memref<!tpu.dma_semaphore, #tpu.memory_space<semaphore_mem>>)
    %dma_start3A_64 = arith.constant 2 : i32
    %dma_start3A_65 = arith.constant 256 : i32
    %dma_start3A_66 = arith.constant 0 : i32
    %dma_start3A_67 = tpu.memref_slice %arg10[%dma_start3A_65, %dma_start3A_66] : memref<1024x16xf32, #tpu.memory_space<vmem>> -> memref<128x16xf32, #tpu.memory_space<vmem>>
    %dma_start3A_68 = arith.constant 0 : i32
    %dma_start3A_69 = tpu.memref_slice %arg8[%dma_start3A_64, %dma_start3A_68] : memref<8x128xi32, #tpu.memory_space<vmem>> -> memref<1x128xi32, #tpu.memory_space<vmem>>
    %dma_start3A_70 = tpu.memref_squeeze %dma_start3A_69 : memref<1x128xi32, #tpu.memory_space<vmem>> -> memref<128xi32, #tpu.memory_space<vmem>>
    %dma_start3A_71 = arith.constant 0 : i32
    %dma_start3A_72 = arith.constant 0 : i32
    %dma_start3A_73 = tpu.memref_slice %arg2[%dma_start3A_71, %dma_start3A_72] : memref<10112x16xf32, #tpu.memory_space<hbm>> -> memref<10112x16xf32, #tpu.memory_space<hbm>>
    tpu.enqueue_indirect_dma source(%dma_start3A_73 : memref<10112x16xf32, #tpu.memory_space<hbm>>) target(%dma_start3A_67 : memref<128x16xf32, #tpu.memory_space<vmem>>) offsets(%dma_start3A_70 : memref<128xi32, #tpu.memory_space<vmem>>) semaphore(%arg13 : memref<!tpu.dma_semaphore, #tpu.memory_space<semaphore_mem>>)
    %dma_start3A_74 = arith.constant 3 : i32
    %dma_start3A_75 = arith.constant 384 : i32
    %dma_start3A_76 = arith.constant 0 : i32
    %dma_start3A_77 = tpu.memref_slice %arg9[%dma_start3A_75, %dma_start3A_76] : memref<1024x16xf32, #tpu.memory_space<vmem>> -> memref<128x16xf32, #tpu.memory_space<vmem>>
    %dma_start3A_78 = arith.constant 0 : i32
    %dma_start3A_79 = tpu.memref_slice %arg7[%dma_start3A_74, %dma_start3A_78] : memref<8x128xi32, #tpu.memory_space<vmem>> -> memref<1x128xi32, #tpu.memory_space<vmem>>
    %dma_start3A_80 = tpu.memref_squeeze %dma_start3A_79 : memref<1x128xi32, #tpu.memory_space<vmem>> -> memref<128xi32, #tpu.memory_space<vmem>>
    %dma_start3A_81 = arith.constant 0 : i32
    %dma_start3A_82 = arith.constant 0 : i32
    %dma_start3A_83 = tpu.memref_slice %arg2[%dma_start3A_81, %dma_start3A_82] : memref<10112x16xf32, #tpu.memory_space<hbm>> -> memref<10112x16xf32, #tpu.memory_space<hbm>>
    tpu.enqueue_indirect_dma source(%dma_start3A_83 : memref<10112x16xf32, #tpu.memory_space<hbm>>) target(%dma_start3A_77 : memref<128x16xf32, #tpu.memory_space<vmem>>) offsets(%dma_start3A_80 : memref<128xi32, #tpu.memory_space<vmem>>) semaphore(%arg13 : memref<!tpu.dma_semaphore, #tpu.memory_space<semaphore_mem>>)
    %dma_start3A_84 = arith.constant 3 : i32
    %dma_start3A_85 = arith.constant 384 : i32
    %dma_start3A_86 = arith.constant 0 : i32
    %dma_start3A_87 = tpu.memref_slice %arg10[%dma_start3A_85, %dma_start3A_86] : memref<1024x16xf32, #tpu.memory_space<vmem>> -> memref<128x16xf32, #tpu.memory_space<vmem>>
    %dma_start3A_88 = arith.constant 0 : i32
    %dma_start3A_89 = tpu.memref_slice %arg8[%dma_start3A_84, %dma_start3A_88] : memref<8x128xi32, #tpu.memory_space<vmem>> -> memref<1x128xi32, #tpu.memory_space<vmem>>
    %dma_start3A_90 = tpu.memref_squeeze %dma_start3A_89 : memref<1x128xi32, #tpu.memory_space<vmem>> -> memref<128xi32, #tpu.memory_space<vmem>>
    %dma_start3A_91 = arith.constant 0 : i32
    %dma_start3A_92 = arith.constant 0 : i32
    %dma_start3A_93 = tpu.memref_slice %arg2[%dma_start3A_91, %dma_start3A_92] : memref<10112x16xf32, #tpu.memory_space<hbm>> -> memref<10112x16xf32, #tpu.memory_space<hbm>>
    tpu.enqueue_indirect_dma source(%dma_start3A_93 : memref<10112x16xf32, #tpu.memory_space<hbm>>) target(%dma_start3A_87 : memref<128x16xf32, #tpu.memory_space<vmem>>) offsets(%dma_start3A_90 : memref<128xi32, #tpu.memory_space<vmem>>) semaphore(%arg13 : memref<!tpu.dma_semaphore, #tpu.memory_space<semaphore_mem>>)
    %dma_start3A_94 = arith.constant 4 : i32
    %dma_start3A_95 = arith.constant 512 : i32
    %dma_start3A_96 = arith.constant 0 : i32
    %dma_start3A_97 = tpu.memref_slice %arg9[%dma_start3A_95, %dma_start3A_96] : memref<1024x16xf32, #tpu.memory_space<vmem>> -> memref<128x16xf32, #tpu.memory_space<vmem>>
    %dma_start3A_98 = arith.constant 0 : i32
    %dma_start3A_99 = tpu.memref_slice %arg7[%dma_start3A_94, %dma_start3A_98] : memref<8x128xi32, #tpu.memory_space<vmem>> -> memref<1x128xi32, #tpu.memory_space<vmem>>
    %dma_start3A_100 = tpu.memref_squeeze %dma_start3A_99 : memref<1x128xi32, #tpu.memory_space<vmem>> -> memref<128xi32, #tpu.memory_space<vmem>>
    %dma_start3A_101 = arith.constant 0 : i32
    %dma_start3A_102 = arith.constant 0 : i32
    %dma_start3A_103 = tpu.memref_slice %arg2[%dma_start3A_101, %dma_start3A_102] : memref<10112x16xf32, #tpu.memory_space<hbm>> -> memref<10112x16xf32, #tpu.memory_space<hbm>>
    tpu.enqueue_indirect_dma source(%dma_start3A_103 : memref<10112x16xf32, #tpu.memory_space<hbm>>) target(%dma_start3A_97 : memref<128x16xf32, #tpu.memory_space<vmem>>) offsets(%dma_start3A_100 : memref<128xi32, #tpu.memory_space<vmem>>) semaphore(%arg13 : memref<!tpu.dma_semaphore, #tpu.memory_space<semaphore_mem>>)
    %dma_start3A_104 = arith.constant 4 : i32
    %dma_start3A_105 = arith.constant 512 : i32
    %dma_start3A_106 = arith.constant 0 : i32
    %dma_start3A_107 = tpu.memref_slice %arg10[%dma_start3A_105, %dma_start3A_106] : memref<1024x16xf32, #tpu.memory_space<vmem>> -> memref<128x16xf32, #tpu.memory_space<vmem>>
    %dma_start3A_108 = arith.constant 0 : i32
    %dma_start3A_109 = tpu.memref_slice %arg8[%dma_start3A_104, %dma_start3A_108] : memref<8x128xi32, #tpu.memory_space<vmem>> -> memref<1x128xi32, #tpu.memory_space<vmem>>
    %dma_start3A_110 = tpu.memref_squeeze %dma_start3A_109 : memref<1x128xi32, #tpu.memory_space<vmem>> -> memref<128xi32, #tpu.memory_space<vmem>>
    %dma_start3A_111 = arith.constant 0 : i32
    %dma_start3A_112 = arith.constant 0 : i32
    %dma_start3A_113 = tpu.memref_slice %arg2[%dma_start3A_111, %dma_start3A_112] : memref<10112x16xf32, #tpu.memory_space<hbm>> -> memref<10112x16xf32, #tpu.memory_space<hbm>>
    tpu.enqueue_indirect_dma source(%dma_start3A_113 : memref<10112x16xf32, #tpu.memory_space<hbm>>) target(%dma_start3A_107 : memref<128x16xf32, #tpu.memory_space<vmem>>) offsets(%dma_start3A_110 : memref<128xi32, #tpu.memory_space<vmem>>) semaphore(%arg13 : memref<!tpu.dma_semaphore, #tpu.memory_space<semaphore_mem>>)
    %dma_start3A_114 = arith.constant 5 : i32
    %dma_start3A_115 = arith.constant 640 : i32
    %dma_start3A_116 = arith.constant 0 : i32
    %dma_start3A_117 = tpu.memref_slice %arg9[%dma_start3A_115, %dma_start3A_116] : memref<1024x16xf32, #tpu.memory_space<vmem>> -> memref<128x16xf32, #tpu.memory_space<vmem>>
    %dma_start3A_118 = arith.constant 0 : i32
    %dma_start3A_119 = tpu.memref_slice %arg7[%dma_start3A_114, %dma_start3A_118] : memref<8x128xi32, #tpu.memory_space<vmem>> -> memref<1x128xi32, #tpu.memory_space<vmem>>
    %dma_start3A_120 = tpu.memref_squeeze %dma_start3A_119 : memref<1x128xi32, #tpu.memory_space<vmem>> -> memref<128xi32, #tpu.memory_space<vmem>>
    %dma_start3A_121 = arith.constant 0 : i32
    %dma_start3A_122 = arith.constant 0 : i32
    %dma_start3A_123 = tpu.memref_slice %arg2[%dma_start3A_121, %dma_start3A_122] : memref<10112x16xf32, #tpu.memory_space<hbm>> -> memref<10112x16xf32, #tpu.memory_space<hbm>>
    tpu.enqueue_indirect_dma source(%dma_start3A_123 : memref<10112x16xf32, #tpu.memory_space<hbm>>) target(%dma_start3A_117 : memref<128x16xf32, #tpu.memory_space<vmem>>) offsets(%dma_start3A_120 : memref<128xi32, #tpu.memory_space<vmem>>) semaphore(%arg13 : memref<!tpu.dma_semaphore, #tpu.memory_space<semaphore_mem>>)
    %dma_start3A_124 = arith.constant 5 : i32
    %dma_start3A_125 = arith.constant 640 : i32
    %dma_start3A_126 = arith.constant 0 : i32
    %dma_start3A_127 = tpu.memref_slice %arg10[%dma_start3A_125, %dma_start3A_126] : memref<1024x16xf32, #tpu.memory_space<vmem>> -> memref<128x16xf32, #tpu.memory_space<vmem>>
    %dma_start3A_128 = arith.constant 0 : i32
    %dma_start3A_129 = tpu.memref_slice %arg8[%dma_start3A_124, %dma_start3A_128] : memref<8x128xi32, #tpu.memory_space<vmem>> -> memref<1x128xi32, #tpu.memory_space<vmem>>
    %dma_start3A_130 = tpu.memref_squeeze %dma_start3A_129 : memref<1x128xi32, #tpu.memory_space<vmem>> -> memref<128xi32, #tpu.memory_space<vmem>>
    %dma_start3A_131 = arith.constant 0 : i32
    %dma_start3A_132 = arith.constant 0 : i32
    %dma_start3A_133 = tpu.memref_slice %arg2[%dma_start3A_131, %dma_start3A_132] : memref<10112x16xf32, #tpu.memory_space<hbm>> -> memref<10112x16xf32, #tpu.memory_space<hbm>>
    tpu.enqueue_indirect_dma source(%dma_start3A_133 : memref<10112x16xf32, #tpu.memory_space<hbm>>) target(%dma_start3A_127 : memref<128x16xf32, #tpu.memory_space<vmem>>) offsets(%dma_start3A_130 : memref<128xi32, #tpu.memory_space<vmem>>) semaphore(%arg13 : memref<!tpu.dma_semaphore, #tpu.memory_space<semaphore_mem>>)
    %dma_start3A_134 = arith.constant 6 : i32
    %dma_start3A_135 = arith.constant 768 : i32
    %dma_start3A_136 = arith.constant 0 : i32
    %dma_start3A_137 = tpu.memref_slice %arg9[%dma_start3A_135, %dma_start3A_136] : memref<1024x16xf32, #tpu.memory_space<vmem>> -> memref<128x16xf32, #tpu.memory_space<vmem>>
    %dma_start3A_138 = arith.constant 0 : i32
    %dma_start3A_139 = tpu.memref_slice %arg7[%dma_start3A_134, %dma_start3A_138] : memref<8x128xi32, #tpu.memory_space<vmem>> -> memref<1x128xi32, #tpu.memory_space<vmem>>
    %dma_start3A_140 = tpu.memref_squeeze %dma_start3A_139 : memref<1x128xi32, #tpu.memory_space<vmem>> -> memref<128xi32, #tpu.memory_space<vmem>>
    %dma_start3A_141 = arith.constant 0 : i32
    %dma_start3A_142 = arith.constant 0 : i32
    %dma_start3A_143 = tpu.memref_slice %arg2[%dma_start3A_141, %dma_start3A_142] : memref<10112x16xf32, #tpu.memory_space<hbm>> -> memref<10112x16xf32, #tpu.memory_space<hbm>>
    tpu.enqueue_indirect_dma source(%dma_start3A_143 : memref<10112x16xf32, #tpu.memory_space<hbm>>) target(%dma_start3A_137 : memref<128x16xf32, #tpu.memory_space<vmem>>) offsets(%dma_start3A_140 : memref<128xi32, #tpu.memory_space<vmem>>) semaphore(%arg13 : memref<!tpu.dma_semaphore, #tpu.memory_space<semaphore_mem>>)
    %dma_start3A_144 = arith.constant 6 : i32
    %dma_start3A_145 = arith.constant 768 : i32
    %dma_start3A_146 = arith.constant 0 : i32
    %dma_start3A_147 = tpu.memref_slice %arg10[%dma_start3A_145, %dma_start3A_146] : memref<1024x16xf32, #tpu.memory_space<vmem>> -> memref<128x16xf32, #tpu.memory_space<vmem>>
    %dma_start3A_148 = arith.constant 0 : i32
    %dma_start3A_149 = tpu.memref_slice %arg8[%dma_start3A_144, %dma_start3A_148] : memref<8x128xi32, #tpu.memory_space<vmem>> -> memref<1x128xi32, #tpu.memory_space<vmem>>
    %dma_start3A_150 = tpu.memref_squeeze %dma_start3A_149 : memref<1x128xi32, #tpu.memory_space<vmem>> -> memref<128xi32, #tpu.memory_space<vmem>>
    %dma_start3A_151 = arith.constant 0 : i32
    %dma_start3A_152 = arith.constant 0 : i32
    %dma_start3A_153 = tpu.memref_slice %arg2[%dma_start3A_151, %dma_start3A_152] : memref<10112x16xf32, #tpu.memory_space<hbm>> -> memref<10112x16xf32, #tpu.memory_space<hbm>>
    tpu.enqueue_indirect_dma source(%dma_start3A_153 : memref<10112x16xf32, #tpu.memory_space<hbm>>) target(%dma_start3A_147 : memref<128x16xf32, #tpu.memory_space<vmem>>) offsets(%dma_start3A_150 : memref<128xi32, #tpu.memory_space<vmem>>) semaphore(%arg13 : memref<!tpu.dma_semaphore, #tpu.memory_space<semaphore_mem>>)
    %dma_start3A_154 = arith.constant 7 : i32
    %dma_start3A_155 = arith.constant 896 : i32
    %dma_start3A_156 = arith.constant 0 : i32
    %dma_start3A_157 = tpu.memref_slice %arg9[%dma_start3A_155, %dma_start3A_156] : memref<1024x16xf32, #tpu.memory_space<vmem>> -> memref<128x16xf32, #tpu.memory_space<vmem>>
    %dma_start3A_158 = arith.constant 0 : i32
    %dma_start3A_159 = tpu.memref_slice %arg7[%dma_start3A_154, %dma_start3A_158] : memref<8x128xi32, #tpu.memory_space<vmem>> -> memref<1x128xi32, #tpu.memory_space<vmem>>
    %dma_start3A_160 = tpu.memref_squeeze %dma_start3A_159 : memref<1x128xi32, #tpu.memory_space<vmem>> -> memref<128xi32, #tpu.memory_space<vmem>>
    %dma_start3A_161 = arith.constant 0 : i32
    %dma_start3A_162 = arith.constant 0 : i32
    %dma_start3A_163 = tpu.memref_slice %arg2[%dma_start3A_161, %dma_start3A_162] : memref<10112x16xf32, #tpu.memory_space<hbm>> -> memref<10112x16xf32, #tpu.memory_space<hbm>>
    tpu.enqueue_indirect_dma source(%dma_start3A_163 : memref<10112x16xf32, #tpu.memory_space<hbm>>) target(%dma_start3A_157 : memref<128x16xf32, #tpu.memory_space<vmem>>) offsets(%dma_start3A_160 : memref<128xi32, #tpu.memory_space<vmem>>) semaphore(%arg13 : memref<!tpu.dma_semaphore, #tpu.memory_space<semaphore_mem>>)
    %dma_start3A_164 = arith.constant 7 : i32
    %dma_start3A_165 = arith.constant 896 : i32
    %dma_start3A_166 = arith.constant 0 : i32
    %dma_start3A_167 = tpu.memref_slice %arg10[%dma_start3A_165, %dma_start3A_166] : memref<1024x16xf32, #tpu.memory_space<vmem>> -> memref<128x16xf32, #tpu.memory_space<vmem>>
    %dma_start3A_168 = arith.constant 0 : i32
    %dma_start3A_169 = tpu.memref_slice %arg8[%dma_start3A_164, %dma_start3A_168] : memref<8x128xi32, #tpu.memory_space<vmem>> -> memref<1x128xi32, #tpu.memory_space<vmem>>
    %dma_start3A_170 = tpu.memref_squeeze %dma_start3A_169 : memref<1x128xi32, #tpu.memory_space<vmem>> -> memref<128xi32, #tpu.memory_space<vmem>>
    %dma_start3A_171 = arith.constant 0 : i32
    %dma_start3A_172 = arith.constant 0 : i32
    %dma_start3A_173 = tpu.memref_slice %arg2[%dma_start3A_171, %dma_start3A_172] : memref<10112x16xf32, #tpu.memory_space<hbm>> -> memref<10112x16xf32, #tpu.memory_space<hbm>>
    tpu.enqueue_indirect_dma source(%dma_start3A_173 : memref<10112x16xf32, #tpu.memory_space<hbm>>) target(%dma_start3A_167 : memref<128x16xf32, #tpu.memory_space<vmem>>) offsets(%dma_start3A_170 : memref<128xi32, #tpu.memory_space<vmem>>) semaphore(%arg13 : memref<!tpu.dma_semaphore, #tpu.memory_space<semaphore_mem>>)
    %while3A = arith.constant 0 : i32
    %while3A_174 = arith.constant 0 : i32
    %while3A_175 = arith.subi %select_n3A_8, %while3A_174 : i32
    %while3A_176 = arith.addi %while3A_174, %while3A_175 : i32
    %while3A_177 = arith.constant 1 : i32
    %while3A_178 = arith.divsi %while3A_175, %while3A_177 : i32
    %while3A_179 = arith.muli %while3A_178, %while3A_177 : i32
    %while3A_180 = arith.addi %while3A_174, %while3A_179 : i32
    %while3A_181 = arith.constant 1 : i32
    scf.for %while3A_190 = %while3A_174 to %while3A_180 step %while3A_181  : i32 {
      %mul3A_191 = arith.constant 2 : i32
      %mul3A_192 = arith.muli %mul3A_191, %while3A_190 : i32
      %mul3A_193 = arith.constant 8 : i32
      %mul3A_194 = arith.muli %mul3A_192, %mul3A_193 : i32
      %add3A_195 = arith.addi %select_n3A, %mul3A_194 : i32
      %add3A_196 = arith.constant 8 : i32
      %add3A_197 = arith.addi %add3A_195, %add3A_196 : i32
      %mul3A_198 = arith.constant 128 : i32
      %mul3A_199 = arith.muli %add3A_197, %mul3A_198 : i32
      "tpu.region"() ({
        %run_scoped3A = tpu.sem_alloc : memref<!tpu.dma_semaphore, #tpu.memory_space<semaphore_mem>>
        %dma_start3A_728 = arith.constant 0 : i32
        %dma_start3A_729 = tpu.memref_slice %arg3[%add3A_197, %dma_start3A_728] : memref<2560x128xi32, #tpu.memory_space<hbm>> -> memref<8x128xi32, #tpu.memory_space<hbm>>
        %dma_start3A_730 = arith.constant 0 : i32
        %dma_start3A_731 = tpu.memref_slice %arg3[%add3A_197, %dma_start3A_730] : memref<2560x128xi32, #tpu.memory_space<hbm>> -> memref<8x128xi32, #tpu.memory_space<hbm>>
        tpu.enqueue_dma source(%dma_start3A_731 : memref<8x128xi32, #tpu.memory_space<hbm>>) target(%arg16 : memref<8x128xi32, #tpu.memory_space<vmem>>) target_semaphore(%run_scoped3A : memref<!tpu.dma_semaphore, #tpu.memory_space<semaphore_mem>>)
        %dma_wait3A_732 = arith.constant 0 : i32
        %dma_wait3A_733 = tpu.memref_slice %arg3[%add3A_197, %dma_wait3A_732] : memref<2560x128xi32, #tpu.memory_space<hbm>> -> memref<8x128xi32, #tpu.memory_space<hbm>>
        %dma_wait3A_734 = arith.constant 0 : i32
        %dma_wait3A_735 = tpu.memref_slice %arg3[%add3A_197, %dma_wait3A_734] : memref<2560x128xi32, #tpu.memory_space<hbm>> -> memref<8x128xi32, #tpu.memory_space<hbm>>
        tpu.wait_dma2 semaphore(%run_scoped3A : memref<!tpu.dma_semaphore, #tpu.memory_space<semaphore_mem>>) src(%dma_wait3A_735 : memref<8x128xi32, #tpu.memory_space<hbm>>) dst(%arg16 : memref<8x128xi32, #tpu.memory_space<vmem>>)
        tpu.yield
      }) : () -> ()
      "tpu.region"() ({
        %run_scoped3A = tpu.sem_alloc : memref<!tpu.dma_semaphore, #tpu.memory_space<semaphore_mem>>
        %dma_start3A_728 = arith.constant 0 : i32
        %dma_start3A_729 = tpu.memref_slice %arg4[%add3A_197, %dma_start3A_728] : memref<2560x128xi32, #tpu.memory_space<hbm>> -> memref<8x128xi32, #tpu.memory_space<hbm>>
        %dma_start3A_730 = arith.constant 0 : i32
        %dma_start3A_731 = tpu.memref_slice %arg4[%add3A_197, %dma_start3A_730] : memref<2560x128xi32, #tpu.memory_space<hbm>> -> memref<8x128xi32, #tpu.memory_space<hbm>>
        tpu.enqueue_dma source(%dma_start3A_731 : memref<8x128xi32, #tpu.memory_space<hbm>>) target(%arg17 : memref<8x128xi32, #tpu.memory_space<vmem>>) target_semaphore(%run_scoped3A : memref<!tpu.dma_semaphore, #tpu.memory_space<semaphore_mem>>)
        %dma_wait3A_732 = arith.constant 0 : i32
        %dma_wait3A_733 = tpu.memref_slice %arg4[%add3A_197, %dma_wait3A_732] : memref<2560x128xi32, #tpu.memory_space<hbm>> -> memref<8x128xi32, #tpu.memory_space<hbm>>
        %dma_wait3A_734 = arith.constant 0 : i32
        %dma_wait3A_735 = tpu.memref_slice %arg4[%add3A_197, %dma_wait3A_734] : memref<2560x128xi32, #tpu.memory_space<hbm>> -> memref<8x128xi32, #tpu.memory_space<hbm>>
        tpu.wait_dma2 semaphore(%run_scoped3A : memref<!tpu.dma_semaphore, #tpu.memory_space<semaphore_mem>>) src(%dma_wait3A_735 : memref<8x128xi32, #tpu.memory_space<hbm>>) dst(%arg17 : memref<8x128xi32, #tpu.memory_space<vmem>>)
        tpu.yield
      }) : () -> ()
      %dma_start3A_200 = arith.constant 0 : i32
      %dma_start3A_201 = tpu.memref_slice %arg5[%dma_start3A_200, %mul3A_199] : memref<15x327680xf32, #tpu.memory_space<hbm>> -> memref<15x1024xf32, #tpu.memory_space<hbm>>
      %dma_start3A_202 = arith.constant 0 : i32
      %dma_start3A_203 = tpu.memref_slice %arg5[%dma_start3A_202, %mul3A_199] : memref<15x327680xf32, #tpu.memory_space<hbm>> -> memref<15x1024xf32, #tpu.memory_space<hbm>>
      tpu.enqueue_dma source(%dma_start3A_203 : memref<15x1024xf32, #tpu.memory_space<hbm>>) target(%arg20 : memref<15x1024xf32, #tpu.memory_space<vmem>>) target_semaphore(%arg23 : memref<!tpu.dma_semaphore, #tpu.memory_space<semaphore_mem>>)
      %dma_start3A_204 = arith.constant 0 : i32
      %dma_start3A_205 = arith.constant 0 : i32
      %dma_start3A_206 = arith.constant 0 : i32
      %dma_start3A_207 = tpu.memref_slice %arg18[%dma_start3A_205, %dma_start3A_206] : memref<1024x16xf32, #tpu.memory_space<vmem>> -> memref<128x16xf32, #tpu.memory_space<vmem>>
      %dma_start3A_208 = arith.constant 0 : i32
      %dma_start3A_209 = tpu.memref_slice %arg16[%dma_start3A_204, %dma_start3A_208] : memref<8x128xi32, #tpu.memory_space<vmem>> -> memref<1x128xi32, #tpu.memory_space<vmem>>
      %dma_start3A_210 = tpu.memref_squeeze %dma_start3A_209 : memref<1x128xi32, #tpu.memory_space<vmem>> -> memref<128xi32, #tpu.memory_space<vmem>>
      %dma_start3A_211 = arith.constant 0 : i32
      %dma_start3A_212 = arith.constant 0 : i32
      %dma_start3A_213 = tpu.memref_slice %arg2[%dma_start3A_211, %dma_start3A_212] : memref<10112x16xf32, #tpu.memory_space<hbm>> -> memref<10112x16xf32, #tpu.memory_space<hbm>>
      tpu.enqueue_indirect_dma source(%dma_start3A_213 : memref<10112x16xf32, #tpu.memory_space<hbm>>) target(%dma_start3A_207 : memref<128x16xf32, #tpu.memory_space<vmem>>) offsets(%dma_start3A_210 : memref<128xi32, #tpu.memory_space<vmem>>) semaphore(%arg22 : memref<!tpu.dma_semaphore, #tpu.memory_space<semaphore_mem>>)
      %dma_start3A_214 = arith.constant 0 : i32
      %dma_start3A_215 = arith.constant 0 : i32
      %dma_start3A_216 = arith.constant 0 : i32
      %dma_start3A_217 = tpu.memref_slice %arg19[%dma_start3A_215, %dma_start3A_216] : memref<1024x16xf32, #tpu.memory_space<vmem>> -> memref<128x16xf32, #tpu.memory_space<vmem>>
      %dma_start3A_218 = arith.constant 0 : i32
      %dma_start3A_219 = tpu.memref_slice %arg17[%dma_start3A_214, %dma_start3A_218] : memref<8x128xi32, #tpu.memory_space<vmem>> -> memref<1x128xi32, #tpu.memory_space<vmem>>
      %dma_start3A_220 = tpu.memref_squeeze %dma_start3A_219 : memref<1x128xi32, #tpu.memory_space<vmem>> -> memref<128xi32, #tpu.memory_space<vmem>>
      %dma_start3A_221 = arith.constant 0 : i32
      %dma_start3A_222 = arith.constant 0 : i32
      %dma_start3A_223 = tpu.memref_slice %arg2[%dma_start3A_221, %dma_start3A_222] : memref<10112x16xf32, #tpu.memory_space<hbm>> -> memref<10112x16xf32, #tpu.memory_space<hbm>>
      tpu.enqueue_indirect_dma source(%dma_start3A_223 : memref<10112x16xf32, #tpu.memory_space<hbm>>) target(%dma_start3A_217 : memref<128x16xf32, #tpu.memory_space<vmem>>) offsets(%dma_start3A_220 : memref<128xi32, #tpu.memory_space<vmem>>) semaphore(%arg22 : memref<!tpu.dma_semaphore, #tpu.memory_space<semaphore_mem>>)
      %dma_start3A_224 = arith.constant 1 : i32
      %dma_start3A_225 = arith.constant 128 : i32
      %dma_start3A_226 = arith.constant 0 : i32
      %dma_start3A_227 = tpu.memref_slice %arg18[%dma_start3A_225, %dma_start3A_226] : memref<1024x16xf32, #tpu.memory_space<vmem>> -> memref<128x16xf32, #tpu.memory_space<vmem>>
      %dma_start3A_228 = arith.constant 0 : i32
      %dma_start3A_229 = tpu.memref_slice %arg16[%dma_start3A_224, %dma_start3A_228] : memref<8x128xi32, #tpu.memory_space<vmem>> -> memref<1x128xi32, #tpu.memory_space<vmem>>
      %dma_start3A_230 = tpu.memref_squeeze %dma_start3A_229 : memref<1x128xi32, #tpu.memory_space<vmem>> -> memref<128xi32, #tpu.memory_space<vmem>>
      %dma_start3A_231 = arith.constant 0 : i32
      %dma_start3A_232 = arith.constant 0 : i32
      %dma_start3A_233 = tpu.memref_slice %arg2[%dma_start3A_231, %dma_start3A_232] : memref<10112x16xf32, #tpu.memory_space<hbm>> -> memref<10112x16xf32, #tpu.memory_space<hbm>>
      tpu.enqueue_indirect_dma source(%dma_start3A_233 : memref<10112x16xf32, #tpu.memory_space<hbm>>) target(%dma_start3A_227 : memref<128x16xf32, #tpu.memory_space<vmem>>) offsets(%dma_start3A_230 : memref<128xi32, #tpu.memory_space<vmem>>) semaphore(%arg22 : memref<!tpu.dma_semaphore, #tpu.memory_space<semaphore_mem>>)
      %dma_start3A_234 = arith.constant 1 : i32
      %dma_start3A_235 = arith.constant 128 : i32
      %dma_start3A_236 = arith.constant 0 : i32
      %dma_start3A_237 = tpu.memref_slice %arg19[%dma_start3A_235, %dma_start3A_236] : memref<1024x16xf32, #tpu.memory_space<vmem>> -> memref<128x16xf32, #tpu.memory_space<vmem>>
      %dma_start3A_238 = arith.constant 0 : i32
      %dma_start3A_239 = tpu.memref_slice %arg17[%dma_start3A_234, %dma_start3A_238] : memref<8x128xi32, #tpu.memory_space<vmem>> -> memref<1x128xi32, #tpu.memory_space<vmem>>
      %dma_start3A_240 = tpu.memref_squeeze %dma_start3A_239 : memref<1x128xi32, #tpu.memory_space<vmem>> -> memref<128xi32, #tpu.memory_space<vmem>>
      %dma_start3A_241 = arith.constant 0 : i32
      %dma_start3A_242 = arith.constant 0 : i32
      %dma_start3A_243 = tpu.memref_slice %arg2[%dma_start3A_241, %dma_start3A_242] : memref<10112x16xf32, #tpu.memory_space<hbm>> -> memref<10112x16xf32, #tpu.memory_space<hbm>>
      tpu.enqueue_indirect_dma source(%dma_start3A_243 : memref<10112x16xf32, #tpu.memory_space<hbm>>) target(%dma_start3A_237 : memref<128x16xf32, #tpu.memory_space<vmem>>) offsets(%dma_start3A_240 : memref<128xi32, #tpu.memory_space<vmem>>) semaphore(%arg22 : memref<!tpu.dma_semaphore, #tpu.memory_space<semaphore_mem>>)
      %dma_start3A_244 = arith.constant 2 : i32
      %dma_start3A_245 = arith.constant 256 : i32
      %dma_start3A_246 = arith.constant 0 : i32
      %dma_start3A_247 = tpu.memref_slice %arg18[%dma_start3A_245, %dma_start3A_246] : memref<1024x16xf32, #tpu.memory_space<vmem>> -> memref<128x16xf32, #tpu.memory_space<vmem>>
      %dma_start3A_248 = arith.constant 0 : i32
      %dma_start3A_249 = tpu.memref_slice %arg16[%dma_start3A_244, %dma_start3A_248] : memref<8x128xi32, #tpu.memory_space<vmem>> -> memref<1x128xi32, #tpu.memory_space<vmem>>
      %dma_start3A_250 = tpu.memref_squeeze %dma_start3A_249 : memref<1x128xi32, #tpu.memory_space<vmem>> -> memref<128xi32, #tpu.memory_space<vmem>>
      %dma_start3A_251 = arith.constant 0 : i32
      %dma_start3A_252 = arith.constant 0 : i32
      %dma_start3A_253 = tpu.memref_slice %arg2[%dma_start3A_251, %dma_start3A_252] : memref<10112x16xf32, #tpu.memory_space<hbm>> -> memref<10112x16xf32, #tpu.memory_space<hbm>>
      tpu.enqueue_indirect_dma source(%dma_start3A_253 : memref<10112x16xf32, #tpu.memory_space<hbm>>) target(%dma_start3A_247 : memref<128x16xf32, #tpu.memory_space<vmem>>) offsets(%dma_start3A_250 : memref<128xi32, #tpu.memory_space<vmem>>) semaphore(%arg22 : memref<!tpu.dma_semaphore, #tpu.memory_space<semaphore_mem>>)
      %dma_start3A_254 = arith.constant 2 : i32
      %dma_start3A_255 = arith.constant 256 : i32
      %dma_start3A_256 = arith.constant 0 : i32
      %dma_start3A_257 = tpu.memref_slice %arg19[%dma_start3A_255, %dma_start3A_256] : memref<1024x16xf32, #tpu.memory_space<vmem>> -> memref<128x16xf32, #tpu.memory_space<vmem>>
      %dma_start3A_258 = arith.constant 0 : i32
      %dma_start3A_259 = tpu.memref_slice %arg17[%dma_start3A_254, %dma_start3A_258] : memref<8x128xi32, #tpu.memory_space<vmem>> -> memref<1x128xi32, #tpu.memory_space<vmem>>
      %dma_start3A_260 = tpu.memref_squeeze %dma_start3A_259 : memref<1x128xi32, #tpu.memory_space<vmem>> -> memref<128xi32, #tpu.memory_space<vmem>>
      %dma_start3A_261 = arith.constant 0 : i32
      %dma_start3A_262 = arith.constant 0 : i32
      %dma_start3A_263 = tpu.memref_slice %arg2[%dma_start3A_261, %dma_start3A_262] : memref<10112x16xf32, #tpu.memory_space<hbm>> -> memref<10112x16xf32, #tpu.memory_space<hbm>>
      tpu.enqueue_indirect_dma source(%dma_start3A_263 : memref<10112x16xf32, #tpu.memory_space<hbm>>) target(%dma_start3A_257 : memref<128x16xf32, #tpu.memory_space<vmem>>) offsets(%dma_start3A_260 : memref<128xi32, #tpu.memory_space<vmem>>) semaphore(%arg22 : memref<!tpu.dma_semaphore, #tpu.memory_space<semaphore_mem>>)
      %dma_start3A_264 = arith.constant 3 : i32
      %dma_start3A_265 = arith.constant 384 : i32
      %dma_start3A_266 = arith.constant 0 : i32
      %dma_start3A_267 = tpu.memref_slice %arg18[%dma_start3A_265, %dma_start3A_266] : memref<1024x16xf32, #tpu.memory_space<vmem>> -> memref<128x16xf32, #tpu.memory_space<vmem>>
      %dma_start3A_268 = arith.constant 0 : i32
      %dma_start3A_269 = tpu.memref_slice %arg16[%dma_start3A_264, %dma_start3A_268] : memref<8x128xi32, #tpu.memory_space<vmem>> -> memref<1x128xi32, #tpu.memory_space<vmem>>
      %dma_start3A_270 = tpu.memref_squeeze %dma_start3A_269 : memref<1x128xi32, #tpu.memory_space<vmem>> -> memref<128xi32, #tpu.memory_space<vmem>>
      %dma_start3A_271 = arith.constant 0 : i32
      %dma_start3A_272 = arith.constant 0 : i32
      %dma_start3A_273 = tpu.memref_slice %arg2[%dma_start3A_271, %dma_start3A_272] : memref<10112x16xf32, #tpu.memory_space<hbm>> -> memref<10112x16xf32, #tpu.memory_space<hbm>>
      tpu.enqueue_indirect_dma source(%dma_start3A_273 : memref<10112x16xf32, #tpu.memory_space<hbm>>) target(%dma_start3A_267 : memref<128x16xf32, #tpu.memory_space<vmem>>) offsets(%dma_start3A_270 : memref<128xi32, #tpu.memory_space<vmem>>) semaphore(%arg22 : memref<!tpu.dma_semaphore, #tpu.memory_space<semaphore_mem>>)
      %dma_start3A_274 = arith.constant 3 : i32
      %dma_start3A_275 = arith.constant 384 : i32
      %dma_start3A_276 = arith.constant 0 : i32
      %dma_start3A_277 = tpu.memref_slice %arg19[%dma_start3A_275, %dma_start3A_276] : memref<1024x16xf32, #tpu.memory_space<vmem>> -> memref<128x16xf32, #tpu.memory_space<vmem>>
      %dma_start3A_278 = arith.constant 0 : i32
      %dma_start3A_279 = tpu.memref_slice %arg17[%dma_start3A_274, %dma_start3A_278] : memref<8x128xi32, #tpu.memory_space<vmem>> -> memref<1x128xi32, #tpu.memory_space<vmem>>
      %dma_start3A_280 = tpu.memref_squeeze %dma_start3A_279 : memref<1x128xi32, #tpu.memory_space<vmem>> -> memref<128xi32, #tpu.memory_space<vmem>>
      %dma_start3A_281 = arith.constant 0 : i32
      %dma_start3A_282 = arith.constant 0 : i32
      %dma_start3A_283 = tpu.memref_slice %arg2[%dma_start3A_281, %dma_start3A_282] : memref<10112x16xf32, #tpu.memory_space<hbm>> -> memref<10112x16xf32, #tpu.memory_space<hbm>>
      tpu.enqueue_indirect_dma source(%dma_start3A_283 : memref<10112x16xf32, #tpu.memory_space<hbm>>) target(%dma_start3A_277 : memref<128x16xf32, #tpu.memory_space<vmem>>) offsets(%dma_start3A_280 : memref<128xi32, #tpu.memory_space<vmem>>) semaphore(%arg22 : memref<!tpu.dma_semaphore, #tpu.memory_space<semaphore_mem>>)
      %dma_start3A_284 = arith.constant 4 : i32
      %dma_start3A_285 = arith.constant 512 : i32
      %dma_start3A_286 = arith.constant 0 : i32
      %dma_start3A_287 = tpu.memref_slice %arg18[%dma_start3A_285, %dma_start3A_286] : memref<1024x16xf32, #tpu.memory_space<vmem>> -> memref<128x16xf32, #tpu.memory_space<vmem>>
      %dma_start3A_288 = arith.constant 0 : i32
      %dma_start3A_289 = tpu.memref_slice %arg16[%dma_start3A_284, %dma_start3A_288] : memref<8x128xi32, #tpu.memory_space<vmem>> -> memref<1x128xi32, #tpu.memory_space<vmem>>
      %dma_start3A_290 = tpu.memref_squeeze %dma_start3A_289 : memref<1x128xi32, #tpu.memory_space<vmem>> -> memref<128xi32, #tpu.memory_space<vmem>>
      %dma_start3A_291 = arith.constant 0 : i32
      %dma_start3A_292 = arith.constant 0 : i32
      %dma_start3A_293 = tpu.memref_slice %arg2[%dma_start3A_291, %dma_start3A_292] : memref<10112x16xf32, #tpu.memory_space<hbm>> -> memref<10112x16xf32, #tpu.memory_space<hbm>>
      tpu.enqueue_indirect_dma source(%dma_start3A_293 : memref<10112x16xf32, #tpu.memory_space<hbm>>) target(%dma_start3A_287 : memref<128x16xf32, #tpu.memory_space<vmem>>) offsets(%dma_start3A_290 : memref<128xi32, #tpu.memory_space<vmem>>) semaphore(%arg22 : memref<!tpu.dma_semaphore, #tpu.memory_space<semaphore_mem>>)
      %dma_start3A_294 = arith.constant 4 : i32
      %dma_start3A_295 = arith.constant 512 : i32
      %dma_start3A_296 = arith.constant 0 : i32
      %dma_start3A_297 = tpu.memref_slice %arg19[%dma_start3A_295, %dma_start3A_296] : memref<1024x16xf32, #tpu.memory_space<vmem>> -> memref<128x16xf32, #tpu.memory_space<vmem>>
      %dma_start3A_298 = arith.constant 0 : i32
      %dma_start3A_299 = tpu.memref_slice %arg17[%dma_start3A_294, %dma_start3A_298] : memref<8x128xi32, #tpu.memory_space<vmem>> -> memref<1x128xi32, #tpu.memory_space<vmem>>
      %dma_start3A_300 = tpu.memref_squeeze %dma_start3A_299 : memref<1x128xi32, #tpu.memory_space<vmem>> -> memref<128xi32, #tpu.memory_space<vmem>>
      %dma_start3A_301 = arith.constant 0 : i32
      %dma_start3A_302 = arith.constant 0 : i32
      %dma_start3A_303 = tpu.memref_slice %arg2[%dma_start3A_301, %dma_start3A_302] : memref<10112x16xf32, #tpu.memory_space<hbm>> -> memref<10112x16xf32, #tpu.memory_space<hbm>>
      tpu.enqueue_indirect_dma source(%dma_start3A_303 : memref<10112x16xf32, #tpu.memory_space<hbm>>) target(%dma_start3A_297 : memref<128x16xf32, #tpu.memory_space<vmem>>) offsets(%dma_start3A_300 : memref<128xi32, #tpu.memory_space<vmem>>) semaphore(%arg22 : memref<!tpu.dma_semaphore, #tpu.memory_space<semaphore_mem>>)
      %dma_start3A_304 = arith.constant 5 : i32
      %dma_start3A_305 = arith.constant 640 : i32
      %dma_start3A_306 = arith.constant 0 : i32
      %dma_start3A_307 = tpu.memref_slice %arg18[%dma_start3A_305, %dma_start3A_306] : memref<1024x16xf32, #tpu.memory_space<vmem>> -> memref<128x16xf32, #tpu.memory_space<vmem>>
      %dma_start3A_308 = arith.constant 0 : i32
      %dma_start3A_309 = tpu.memref_slice %arg16[%dma_start3A_304, %dma_start3A_308] : memref<8x128xi32, #tpu.memory_space<vmem>> -> memref<1x128xi32, #tpu.memory_space<vmem>>
      %dma_start3A_310 = tpu.memref_squeeze %dma_start3A_309 : memref<1x128xi32, #tpu.memory_space<vmem>> -> memref<128xi32, #tpu.memory_space<vmem>>
      %dma_start3A_311 = arith.constant 0 : i32
      %dma_start3A_312 = arith.constant 0 : i32
      %dma_start3A_313 = tpu.memref_slice %arg2[%dma_start3A_311, %dma_start3A_312] : memref<10112x16xf32, #tpu.memory_space<hbm>> -> memref<10112x16xf32, #tpu.memory_space<hbm>>
      tpu.enqueue_indirect_dma source(%dma_start3A_313 : memref<10112x16xf32, #tpu.memory_space<hbm>>) target(%dma_start3A_307 : memref<128x16xf32, #tpu.memory_space<vmem>>) offsets(%dma_start3A_310 : memref<128xi32, #tpu.memory_space<vmem>>) semaphore(%arg22 : memref<!tpu.dma_semaphore, #tpu.memory_space<semaphore_mem>>)
      %dma_start3A_314 = arith.constant 5 : i32
      %dma_start3A_315 = arith.constant 640 : i32
      %dma_start3A_316 = arith.constant 0 : i32
      %dma_start3A_317 = tpu.memref_slice %arg19[%dma_start3A_315, %dma_start3A_316] : memref<1024x16xf32, #tpu.memory_space<vmem>> -> memref<128x16xf32, #tpu.memory_space<vmem>>
      %dma_start3A_318 = arith.constant 0 : i32
      %dma_start3A_319 = tpu.memref_slice %arg17[%dma_start3A_314, %dma_start3A_318] : memref<8x128xi32, #tpu.memory_space<vmem>> -> memref<1x128xi32, #tpu.memory_space<vmem>>
      %dma_start3A_320 = tpu.memref_squeeze %dma_start3A_319 : memref<1x128xi32, #tpu.memory_space<vmem>> -> memref<128xi32, #tpu.memory_space<vmem>>
      %dma_start3A_321 = arith.constant 0 : i32
      %dma_start3A_322 = arith.constant 0 : i32
      %dma_start3A_323 = tpu.memref_slice %arg2[%dma_start3A_321, %dma_start3A_322] : memref<10112x16xf32, #tpu.memory_space<hbm>> -> memref<10112x16xf32, #tpu.memory_space<hbm>>
      tpu.enqueue_indirect_dma source(%dma_start3A_323 : memref<10112x16xf32, #tpu.memory_space<hbm>>) target(%dma_start3A_317 : memref<128x16xf32, #tpu.memory_space<vmem>>) offsets(%dma_start3A_320 : memref<128xi32, #tpu.memory_space<vmem>>) semaphore(%arg22 : memref<!tpu.dma_semaphore, #tpu.memory_space<semaphore_mem>>)
      %dma_start3A_324 = arith.constant 6 : i32
      %dma_start3A_325 = arith.constant 768 : i32
      %dma_start3A_326 = arith.constant 0 : i32
      %dma_start3A_327 = tpu.memref_slice %arg18[%dma_start3A_325, %dma_start3A_326] : memref<1024x16xf32, #tpu.memory_space<vmem>> -> memref<128x16xf32, #tpu.memory_space<vmem>>
      %dma_start3A_328 = arith.constant 0 : i32
      %dma_start3A_329 = tpu.memref_slice %arg16[%dma_start3A_324, %dma_start3A_328] : memref<8x128xi32, #tpu.memory_space<vmem>> -> memref<1x128xi32, #tpu.memory_space<vmem>>
      %dma_start3A_330 = tpu.memref_squeeze %dma_start3A_329 : memref<1x128xi32, #tpu.memory_space<vmem>> -> memref<128xi32, #tpu.memory_space<vmem>>
      %dma_start3A_331 = arith.constant 0 : i32
      %dma_start3A_332 = arith.constant 0 : i32
      %dma_start3A_333 = tpu.memref_slice %arg2[%dma_start3A_331, %dma_start3A_332] : memref<10112x16xf32, #tpu.memory_space<hbm>> -> memref<10112x16xf32, #tpu.memory_space<hbm>>
      tpu.enqueue_indirect_dma source(%dma_start3A_333 : memref<10112x16xf32, #tpu.memory_space<hbm>>) target(%dma_start3A_327 : memref<128x16xf32, #tpu.memory_space<vmem>>) offsets(%dma_start3A_330 : memref<128xi32, #tpu.memory_space<vmem>>) semaphore(%arg22 : memref<!tpu.dma_semaphore, #tpu.memory_space<semaphore_mem>>)
      %dma_start3A_334 = arith.constant 6 : i32
      %dma_start3A_335 = arith.constant 768 : i32
      %dma_start3A_336 = arith.constant 0 : i32
      %dma_start3A_337 = tpu.memref_slice %arg19[%dma_start3A_335, %dma_start3A_336] : memref<1024x16xf32, #tpu.memory_space<vmem>> -> memref<128x16xf32, #tpu.memory_space<vmem>>
      %dma_start3A_338 = arith.constant 0 : i32
      %dma_start3A_339 = tpu.memref_slice %arg17[%dma_start3A_334, %dma_start3A_338] : memref<8x128xi32, #tpu.memory_space<vmem>> -> memref<1x128xi32, #tpu.memory_space<vmem>>
      %dma_start3A_340 = tpu.memref_squeeze %dma_start3A_339 : memref<1x128xi32, #tpu.memory_space<vmem>> -> memref<128xi32, #tpu.memory_space<vmem>>
      %dma_start3A_341 = arith.constant 0 : i32
      %dma_start3A_342 = arith.constant 0 : i32
      %dma_start3A_343 = tpu.memref_slice %arg2[%dma_start3A_341, %dma_start3A_342] : memref<10112x16xf32, #tpu.memory_space<hbm>> -> memref<10112x16xf32, #tpu.memory_space<hbm>>
      tpu.enqueue_indirect_dma source(%dma_start3A_343 : memref<10112x16xf32, #tpu.memory_space<hbm>>) target(%dma_start3A_337 : memref<128x16xf32, #tpu.memory_space<vmem>>) offsets(%dma_start3A_340 : memref<128xi32, #tpu.memory_space<vmem>>) semaphore(%arg22 : memref<!tpu.dma_semaphore, #tpu.memory_space<semaphore_mem>>)
      %dma_start3A_344 = arith.constant 7 : i32
      %dma_start3A_345 = arith.constant 896 : i32
      %dma_start3A_346 = arith.constant 0 : i32
      %dma_start3A_347 = tpu.memref_slice %arg18[%dma_start3A_345, %dma_start3A_346] : memref<1024x16xf32, #tpu.memory_space<vmem>> -> memref<128x16xf32, #tpu.memory_space<vmem>>
      %dma_start3A_348 = arith.constant 0 : i32
      %dma_start3A_349 = tpu.memref_slice %arg16[%dma_start3A_344, %dma_start3A_348] : memref<8x128xi32, #tpu.memory_space<vmem>> -> memref<1x128xi32, #tpu.memory_space<vmem>>
      %dma_start3A_350 = tpu.memref_squeeze %dma_start3A_349 : memref<1x128xi32, #tpu.memory_space<vmem>> -> memref<128xi32, #tpu.memory_space<vmem>>
      %dma_start3A_351 = arith.constant 0 : i32
      %dma_start3A_352 = arith.constant 0 : i32
      %dma_start3A_353 = tpu.memref_slice %arg2[%dma_start3A_351, %dma_start3A_352] : memref<10112x16xf32, #tpu.memory_space<hbm>> -> memref<10112x16xf32, #tpu.memory_space<hbm>>
      tpu.enqueue_indirect_dma source(%dma_start3A_353 : memref<10112x16xf32, #tpu.memory_space<hbm>>) target(%dma_start3A_347 : memref<128x16xf32, #tpu.memory_space<vmem>>) offsets(%dma_start3A_350 : memref<128xi32, #tpu.memory_space<vmem>>) semaphore(%arg22 : memref<!tpu.dma_semaphore, #tpu.memory_space<semaphore_mem>>)
      %dma_start3A_354 = arith.constant 7 : i32
      %dma_start3A_355 = arith.constant 896 : i32
      %dma_start3A_356 = arith.constant 0 : i32
      %dma_start3A_357 = tpu.memref_slice %arg19[%dma_start3A_355, %dma_start3A_356] : memref<1024x16xf32, #tpu.memory_space<vmem>> -> memref<128x16xf32, #tpu.memory_space<vmem>>
      %dma_start3A_358 = arith.constant 0 : i32
      %dma_start3A_359 = tpu.memref_slice %arg17[%dma_start3A_354, %dma_start3A_358] : memref<8x128xi32, #tpu.memory_space<vmem>> -> memref<1x128xi32, #tpu.memory_space<vmem>>
      %dma_start3A_360 = tpu.memref_squeeze %dma_start3A_359 : memref<1x128xi32, #tpu.memory_space<vmem>> -> memref<128xi32, #tpu.memory_space<vmem>>
      %dma_start3A_361 = arith.constant 0 : i32
      %dma_start3A_362 = arith.constant 0 : i32
      %dma_start3A_363 = tpu.memref_slice %arg2[%dma_start3A_361, %dma_start3A_362] : memref<10112x16xf32, #tpu.memory_space<hbm>> -> memref<10112x16xf32, #tpu.memory_space<hbm>>
      tpu.enqueue_indirect_dma source(%dma_start3A_363 : memref<10112x16xf32, #tpu.memory_space<hbm>>) target(%dma_start3A_357 : memref<128x16xf32, #tpu.memory_space<vmem>>) offsets(%dma_start3A_360 : memref<128xi32, #tpu.memory_space<vmem>>) semaphore(%arg22 : memref<!tpu.dma_semaphore, #tpu.memory_space<semaphore_mem>>)
      %dma_wait3A_364 = arith.constant 0 : i32
      %dma_wait3A_365 = arith.constant 0 : i32
      %dma_wait3A_366 = arith.constant 0 : i32
      %dma_wait3A_367 = tpu.memref_slice %arg9[%dma_wait3A_365, %dma_wait3A_366] : memref<1024x16xf32, #tpu.memory_space<vmem>> -> memref<128x16xf32, #tpu.memory_space<vmem>>
      %dma_wait3A_368 = arith.constant 0 : i32
      %dma_wait3A_369 = tpu.memref_slice %arg7[%dma_wait3A_364, %dma_wait3A_368] : memref<8x128xi32, #tpu.memory_space<vmem>> -> memref<1x128xi32, #tpu.memory_space<vmem>>
      %dma_wait3A_370 = tpu.memref_squeeze %dma_wait3A_369 : memref<1x128xi32, #tpu.memory_space<vmem>> -> memref<128xi32, #tpu.memory_space<vmem>>
      %dma_wait3A_371 = arith.constant 0 : i32
      %dma_wait3A_372 = arith.constant 0 : i32
      %dma_wait3A_373 = tpu.memref_slice %arg2[%dma_wait3A_371, %dma_wait3A_372] : memref<10112x16xf32, #tpu.memory_space<hbm>> -> memref<10112x16xf32, #tpu.memory_space<hbm>>
      tpu.wait_indirect_dma semaphore(%arg13 : memref<!tpu.dma_semaphore, #tpu.memory_space<semaphore_mem>>) src(%dma_wait3A_373 : memref<10112x16xf32, #tpu.memory_space<hbm>>) dst(%dma_wait3A_367 : memref<128x16xf32, #tpu.memory_space<vmem>>)
      %dma_wait3A_374 = arith.constant 0 : i32
      %dma_wait3A_375 = arith.constant 0 : i32
      %dma_wait3A_376 = arith.constant 0 : i32
      %dma_wait3A_377 = tpu.memref_slice %arg10[%dma_wait3A_375, %dma_wait3A_376] : memref<1024x16xf32, #tpu.memory_space<vmem>> -> memref<128x16xf32, #tpu.memory_space<vmem>>
      %dma_wait3A_378 = arith.constant 0 : i32
      %dma_wait3A_379 = tpu.memref_slice %arg7[%dma_wait3A_374, %dma_wait3A_378] : memref<8x128xi32, #tpu.memory_space<vmem>> -> memref<1x128xi32, #tpu.memory_space<vmem>>
      %dma_wait3A_380 = tpu.memref_squeeze %dma_wait3A_379 : memref<1x128xi32, #tpu.memory_space<vmem>> -> memref<128xi32, #tpu.memory_space<vmem>>
      %dma_wait3A_381 = arith.constant 0 : i32
      %dma_wait3A_382 = arith.constant 0 : i32
      %dma_wait3A_383 = tpu.memref_slice %arg2[%dma_wait3A_381, %dma_wait3A_382] : memref<10112x16xf32, #tpu.memory_space<hbm>> -> memref<10112x16xf32, #tpu.memory_space<hbm>>
      tpu.wait_indirect_dma semaphore(%arg13 : memref<!tpu.dma_semaphore, #tpu.memory_space<semaphore_mem>>) src(%dma_wait3A_383 : memref<10112x16xf32, #tpu.memory_space<hbm>>) dst(%dma_wait3A_377 : memref<128x16xf32, #tpu.memory_space<vmem>>)
      %dma_wait3A_384 = arith.constant 1 : i32
      %dma_wait3A_385 = arith.constant 128 : i32
      %dma_wait3A_386 = arith.constant 0 : i32
      %dma_wait3A_387 = tpu.memref_slice %arg9[%dma_wait3A_385, %dma_wait3A_386] : memref<1024x16xf32, #tpu.memory_space<vmem>> -> memref<128x16xf32, #tpu.memory_space<vmem>>
      %dma_wait3A_388 = arith.constant 0 : i32
      %dma_wait3A_389 = tpu.memref_slice %arg7[%dma_wait3A_384, %dma_wait3A_388] : memref<8x128xi32, #tpu.memory_space<vmem>> -> memref<1x128xi32, #tpu.memory_space<vmem>>
      %dma_wait3A_390 = tpu.memref_squeeze %dma_wait3A_389 : memref<1x128xi32, #tpu.memory_space<vmem>> -> memref<128xi32, #tpu.memory_space<vmem>>
      %dma_wait3A_391 = arith.constant 0 : i32
      %dma_wait3A_392 = arith.constant 0 : i32
      %dma_wait3A_393 = tpu.memref_slice %arg2[%dma_wait3A_391, %dma_wait3A_392] : memref<10112x16xf32, #tpu.memory_space<hbm>> -> memref<10112x16xf32, #tpu.memory_space<hbm>>
      tpu.wait_indirect_dma semaphore(%arg13 : memref<!tpu.dma_semaphore, #tpu.memory_space<semaphore_mem>>) src(%dma_wait3A_393 : memref<10112x16xf32, #tpu.memory_space<hbm>>) dst(%dma_wait3A_387 : memref<128x16xf32, #tpu.memory_space<vmem>>)
      %dma_wait3A_394 = arith.constant 1 : i32
      %dma_wait3A_395 = arith.constant 128 : i32
      %dma_wait3A_396 = arith.constant 0 : i32
      %dma_wait3A_397 = tpu.memref_slice %arg10[%dma_wait3A_395, %dma_wait3A_396] : memref<1024x16xf32, #tpu.memory_space<vmem>> -> memref<128x16xf32, #tpu.memory_space<vmem>>
      %dma_wait3A_398 = arith.constant 0 : i32
      %dma_wait3A_399 = tpu.memref_slice %arg7[%dma_wait3A_394, %dma_wait3A_398] : memref<8x128xi32, #tpu.memory_space<vmem>> -> memref<1x128xi32, #tpu.memory_space<vmem>>
      %dma_wait3A_400 = tpu.memref_squeeze %dma_wait3A_399 : memref<1x128xi32, #tpu.memory_space<vmem>> -> memref<128xi32, #tpu.memory_space<vmem>>
      %dma_wait3A_401 = arith.constant 0 : i32
      %dma_wait3A_402 = arith.constant 0 : i32
      %dma_wait3A_403 = tpu.memref_slice %arg2[%dma_wait3A_401, %dma_wait3A_402] : memref<10112x16xf32, #tpu.memory_space<hbm>> -> memref<10112x16xf32, #tpu.memory_space<hbm>>
      tpu.wait_indirect_dma semaphore(%arg13 : memref<!tpu.dma_semaphore, #tpu.memory_space<semaphore_mem>>) src(%dma_wait3A_403 : memref<10112x16xf32, #tpu.memory_space<hbm>>) dst(%dma_wait3A_397 : memref<128x16xf32, #tpu.memory_space<vmem>>)
      %dma_wait3A_404 = arith.constant 2 : i32
      %dma_wait3A_405 = arith.constant 256 : i32
      %dma_wait3A_406 = arith.constant 0 : i32
      %dma_wait3A_407 = tpu.memref_slice %arg9[%dma_wait3A_405, %dma_wait3A_406] : memref<1024x16xf32, #tpu.memory_space<vmem>> -> memref<128x16xf32, #tpu.memory_space<vmem>>
      %dma_wait3A_408 = arith.constant 0 : i32
      %dma_wait3A_409 = tpu.memref_slice %arg7[%dma_wait3A_404, %dma_wait3A_408] : memref<8x128xi32, #tpu.memory_space<vmem>> -> memref<1x128xi32, #tpu.memory_space<vmem>>
      %dma_wait3A_410 = tpu.memref_squeeze %dma_wait3A_409 : memref<1x128xi32, #tpu.memory_space<vmem>> -> memref<128xi32, #tpu.memory_space<vmem>>
      %dma_wait3A_411 = arith.constant 0 : i32
      %dma_wait3A_412 = arith.constant 0 : i32
      %dma_wait3A_413 = tpu.memref_slice %arg2[%dma_wait3A_411, %dma_wait3A_412] : memref<10112x16xf32, #tpu.memory_space<hbm>> -> memref<10112x16xf32, #tpu.memory_space<hbm>>
      tpu.wait_indirect_dma semaphore(%arg13 : memref<!tpu.dma_semaphore, #tpu.memory_space<semaphore_mem>>) src(%dma_wait3A_413 : memref<10112x16xf32, #tpu.memory_space<hbm>>) dst(%dma_wait3A_407 : memref<128x16xf32, #tpu.memory_space<vmem>>)
      %dma_wait3A_414 = arith.constant 2 : i32
      %dma_wait3A_415 = arith.constant 256 : i32
      %dma_wait3A_416 = arith.constant 0 : i32
      %dma_wait3A_417 = tpu.memref_slice %arg10[%dma_wait3A_415, %dma_wait3A_416] : memref<1024x16xf32, #tpu.memory_space<vmem>> -> memref<128x16xf32, #tpu.memory_space<vmem>>
      %dma_wait3A_418 = arith.constant 0 : i32
      %dma_wait3A_419 = tpu.memref_slice %arg7[%dma_wait3A_414, %dma_wait3A_418] : memref<8x128xi32, #tpu.memory_space<vmem>> -> memref<1x128xi32, #tpu.memory_space<vmem>>
      %dma_wait3A_420 = tpu.memref_squeeze %dma_wait3A_419 : memref<1x128xi32, #tpu.memory_space<vmem>> -> memref<128xi32, #tpu.memory_space<vmem>>
      %dma_wait3A_421 = arith.constant 0 : i32
      %dma_wait3A_422 = arith.constant 0 : i32
      %dma_wait3A_423 = tpu.memref_slice %arg2[%dma_wait3A_421, %dma_wait3A_422] : memref<10112x16xf32, #tpu.memory_space<hbm>> -> memref<10112x16xf32, #tpu.memory_space<hbm>>
      tpu.wait_indirect_dma semaphore(%arg13 : memref<!tpu.dma_semaphore, #tpu.memory_space<semaphore_mem>>) src(%dma_wait3A_423 : memref<10112x16xf32, #tpu.memory_space<hbm>>) dst(%dma_wait3A_417 : memref<128x16xf32, #tpu.memory_space<vmem>>)
      %dma_wait3A_424 = arith.constant 3 : i32
      %dma_wait3A_425 = arith.constant 384 : i32
      %dma_wait3A_426 = arith.constant 0 : i32
      %dma_wait3A_427 = tpu.memref_slice %arg9[%dma_wait3A_425, %dma_wait3A_426] : memref<1024x16xf32, #tpu.memory_space<vmem>> -> memref<128x16xf32, #tpu.memory_space<vmem>>
      %dma_wait3A_428 = arith.constant 0 : i32
      %dma_wait3A_429 = tpu.memref_slice %arg7[%dma_wait3A_424, %dma_wait3A_428] : memref<8x128xi32, #tpu.memory_space<vmem>> -> memref<1x128xi32, #tpu.memory_space<vmem>>
      %dma_wait3A_430 = tpu.memref_squeeze %dma_wait3A_429 : memref<1x128xi32, #tpu.memory_space<vmem>> -> memref<128xi32, #tpu.memory_space<vmem>>
      %dma_wait3A_431 = arith.constant 0 : i32
      %dma_wait3A_432 = arith.constant 0 : i32
      %dma_wait3A_433 = tpu.memref_slice %arg2[%dma_wait3A_431, %dma_wait3A_432] : memref<10112x16xf32, #tpu.memory_space<hbm>> -> memref<10112x16xf32, #tpu.memory_space<hbm>>
      tpu.wait_indirect_dma semaphore(%arg13 : memref<!tpu.dma_semaphore, #tpu.memory_space<semaphore_mem>>) src(%dma_wait3A_433 : memref<10112x16xf32, #tpu.memory_space<hbm>>) dst(%dma_wait3A_427 : memref<128x16xf32, #tpu.memory_space<vmem>>)
      %dma_wait3A_434 = arith.constant 3 : i32
      %dma_wait3A_435 = arith.constant 384 : i32
      %dma_wait3A_436 = arith.constant 0 : i32
      %dma_wait3A_437 = tpu.memref_slice %arg10[%dma_wait3A_435, %dma_wait3A_436] : memref<1024x16xf32, #tpu.memory_space<vmem>> -> memref<128x16xf32, #tpu.memory_space<vmem>>
      %dma_wait3A_438 = arith.constant 0 : i32
      %dma_wait3A_439 = tpu.memref_slice %arg7[%dma_wait3A_434, %dma_wait3A_438] : memref<8x128xi32, #tpu.memory_space<vmem>> -> memref<1x128xi32, #tpu.memory_space<vmem>>
      %dma_wait3A_440 = tpu.memref_squeeze %dma_wait3A_439 : memref<1x128xi32, #tpu.memory_space<vmem>> -> memref<128xi32, #tpu.memory_space<vmem>>
      %dma_wait3A_441 = arith.constant 0 : i32
      %dma_wait3A_442 = arith.constant 0 : i32
      %dma_wait3A_443 = tpu.memref_slice %arg2[%dma_wait3A_441, %dma_wait3A_442] : memref<10112x16xf32, #tpu.memory_space<hbm>> -> memref<10112x16xf32, #tpu.memory_space<hbm>>
      tpu.wait_indirect_dma semaphore(%arg13 : memref<!tpu.dma_semaphore, #tpu.memory_space<semaphore_mem>>) src(%dma_wait3A_443 : memref<10112x16xf32, #tpu.memory_space<hbm>>) dst(%dma_wait3A_437 : memref<128x16xf32, #tpu.memory_space<vmem>>)
      %dma_wait3A_444 = arith.constant 4 : i32
      %dma_wait3A_445 = arith.constant 512 : i32
      %dma_wait3A_446 = arith.constant 0 : i32
      %dma_wait3A_447 = tpu.memref_slice %arg9[%dma_wait3A_445, %dma_wait3A_446] : memref<1024x16xf32, #tpu.memory_space<vmem>> -> memref<128x16xf32, #tpu.memory_space<vmem>>
      %dma_wait3A_448 = arith.constant 0 : i32
      %dma_wait3A_449 = tpu.memref_slice %arg7[%dma_wait3A_444, %dma_wait3A_448] : memref<8x128xi32, #tpu.memory_space<vmem>> -> memref<1x128xi32, #tpu.memory_space<vmem>>
      %dma_wait3A_450 = tpu.memref_squeeze %dma_wait3A_449 : memref<1x128xi32, #tpu.memory_space<vmem>> -> memref<128xi32, #tpu.memory_space<vmem>>
      %dma_wait3A_451 = arith.constant 0 : i32
      %dma_wait3A_452 = arith.constant 0 : i32
      %dma_wait3A_453 = tpu.memref_slice %arg2[%dma_wait3A_451, %dma_wait3A_452] : memref<10112x16xf32, #tpu.memory_space<hbm>> -> memref<10112x16xf32, #tpu.memory_space<hbm>>
      tpu.wait_indirect_dma semaphore(%arg13 : memref<!tpu.dma_semaphore, #tpu.memory_space<semaphore_mem>>) src(%dma_wait3A_453 : memref<10112x16xf32, #tpu.memory_space<hbm>>) dst(%dma_wait3A_447 : memref<128x16xf32, #tpu.memory_space<vmem>>)
      %dma_wait3A_454 = arith.constant 4 : i32
      %dma_wait3A_455 = arith.constant 512 : i32
      %dma_wait3A_456 = arith.constant 0 : i32
      %dma_wait3A_457 = tpu.memref_slice %arg10[%dma_wait3A_455, %dma_wait3A_456] : memref<1024x16xf32, #tpu.memory_space<vmem>> -> memref<128x16xf32, #tpu.memory_space<vmem>>
      %dma_wait3A_458 = arith.constant 0 : i32
      %dma_wait3A_459 = tpu.memref_slice %arg7[%dma_wait3A_454, %dma_wait3A_458] : memref<8x128xi32, #tpu.memory_space<vmem>> -> memref<1x128xi32, #tpu.memory_space<vmem>>
      %dma_wait3A_460 = tpu.memref_squeeze %dma_wait3A_459 : memref<1x128xi32, #tpu.memory_space<vmem>> -> memref<128xi32, #tpu.memory_space<vmem>>
      %dma_wait3A_461 = arith.constant 0 : i32
      %dma_wait3A_462 = arith.constant 0 : i32
      %dma_wait3A_463 = tpu.memref_slice %arg2[%dma_wait3A_461, %dma_wait3A_462] : memref<10112x16xf32, #tpu.memory_space<hbm>> -> memref<10112x16xf32, #tpu.memory_space<hbm>>
      tpu.wait_indirect_dma semaphore(%arg13 : memref<!tpu.dma_semaphore, #tpu.memory_space<semaphore_mem>>) src(%dma_wait3A_463 : memref<10112x16xf32, #tpu.memory_space<hbm>>) dst(%dma_wait3A_457 : memref<128x16xf32, #tpu.memory_space<vmem>>)
      %dma_wait3A_464 = arith.constant 5 : i32
      %dma_wait3A_465 = arith.constant 640 : i32
      %dma_wait3A_466 = arith.constant 0 : i32
      %dma_wait3A_467 = tpu.memref_slice %arg9[%dma_wait3A_465, %dma_wait3A_466] : memref<1024x16xf32, #tpu.memory_space<vmem>> -> memref<128x16xf32, #tpu.memory_space<vmem>>
      %dma_wait3A_468 = arith.constant 0 : i32
      %dma_wait3A_469 = tpu.memref_slice %arg7[%dma_wait3A_464, %dma_wait3A_468] : memref<8x128xi32, #tpu.memory_space<vmem>> -> memref<1x128xi32, #tpu.memory_space<vmem>>
      %dma_wait3A_470 = tpu.memref_squeeze %dma_wait3A_469 : memref<1x128xi32, #tpu.memory_space<vmem>> -> memref<128xi32, #tpu.memory_space<vmem>>
      %dma_wait3A_471 = arith.constant 0 : i32
      %dma_wait3A_472 = arith.constant 0 : i32
      %dma_wait3A_473 = tpu.memref_slice %arg2[%dma_wait3A_471, %dma_wait3A_472] : memref<10112x16xf32, #tpu.memory_space<hbm>> -> memref<10112x16xf32, #tpu.memory_space<hbm>>
      tpu.wait_indirect_dma semaphore(%arg13 : memref<!tpu.dma_semaphore, #tpu.memory_space<semaphore_mem>>) src(%dma_wait3A_473 : memref<10112x16xf32, #tpu.memory_space<hbm>>) dst(%dma_wait3A_467 : memref<128x16xf32, #tpu.memory_space<vmem>>)
      %dma_wait3A_474 = arith.constant 5 : i32
      %dma_wait3A_475 = arith.constant 640 : i32
      %dma_wait3A_476 = arith.constant 0 : i32
      %dma_wait3A_477 = tpu.memref_slice %arg10[%dma_wait3A_475, %dma_wait3A_476] : memref<1024x16xf32, #tpu.memory_space<vmem>> -> memref<128x16xf32, #tpu.memory_space<vmem>>
      %dma_wait3A_478 = arith.constant 0 : i32
      %dma_wait3A_479 = tpu.memref_slice %arg7[%dma_wait3A_474, %dma_wait3A_478] : memref<8x128xi32, #tpu.memory_space<vmem>> -> memref<1x128xi32, #tpu.memory_space<vmem>>
      %dma_wait3A_480 = tpu.memref_squeeze %dma_wait3A_479 : memref<1x128xi32, #tpu.memory_space<vmem>> -> memref<128xi32, #tpu.memory_space<vmem>>
      %dma_wait3A_481 = arith.constant 0 : i32
      %dma_wait3A_482 = arith.constant 0 : i32
      %dma_wait3A_483 = tpu.memref_slice %arg2[%dma_wait3A_481, %dma_wait3A_482] : memref<10112x16xf32, #tpu.memory_space<hbm>> -> memref<10112x16xf32, #tpu.memory_space<hbm>>
      tpu.wait_indirect_dma semaphore(%arg13 : memref<!tpu.dma_semaphore, #tpu.memory_space<semaphore_mem>>) src(%dma_wait3A_483 : memref<10112x16xf32, #tpu.memory_space<hbm>>) dst(%dma_wait3A_477 : memref<128x16xf32, #tpu.memory_space<vmem>>)
      %dma_wait3A_484 = arith.constant 6 : i32
      %dma_wait3A_485 = arith.constant 768 : i32
      %dma_wait3A_486 = arith.constant 0 : i32
      %dma_wait3A_487 = tpu.memref_slice %arg9[%dma_wait3A_485, %dma_wait3A_486] : memref<1024x16xf32, #tpu.memory_space<vmem>> -> memref<128x16xf32, #tpu.memory_space<vmem>>
      %dma_wait3A_488 = arith.constant 0 : i32
      %dma_wait3A_489 = tpu.memref_slice %arg7[%dma_wait3A_484, %dma_wait3A_488] : memref<8x128xi32, #tpu.memory_space<vmem>> -> memref<1x128xi32, #tpu.memory_space<vmem>>
      %dma_wait3A_490 = tpu.memref_squeeze %dma_wait3A_489 : memref<1x128xi32, #tpu.memory_space<vmem>> -> memref<128xi32, #tpu.memory_space<vmem>>
      %dma_wait3A_491 = arith.constant 0 : i32
      %dma_wait3A_492 = arith.constant 0 : i32
      %dma_wait3A_493 = tpu.memref_slice %arg2[%dma_wait3A_491, %dma_wait3A_492] : memref<10112x16xf32, #tpu.memory_space<hbm>> -> memref<10112x16xf32, #tpu.memory_space<hbm>>
      tpu.wait_indirect_dma semaphore(%arg13 : memref<!tpu.dma_semaphore, #tpu.memory_space<semaphore_mem>>) src(%dma_wait3A_493 : memref<10112x16xf32, #tpu.memory_space<hbm>>) dst(%dma_wait3A_487 : memref<128x16xf32, #tpu.memory_space<vmem>>)
      %dma_wait3A_494 = arith.constant 6 : i32
      %dma_wait3A_495 = arith.constant 768 : i32
      %dma_wait3A_496 = arith.constant 0 : i32
      %dma_wait3A_497 = tpu.memref_slice %arg10[%dma_wait3A_495, %dma_wait3A_496] : memref<1024x16xf32, #tpu.memory_space<vmem>> -> memref<128x16xf32, #tpu.memory_space<vmem>>
      %dma_wait3A_498 = arith.constant 0 : i32
      %dma_wait3A_499 = tpu.memref_slice %arg7[%dma_wait3A_494, %dma_wait3A_498] : memref<8x128xi32, #tpu.memory_space<vmem>> -> memref<1x128xi32, #tpu.memory_space<vmem>>
      %dma_wait3A_500 = tpu.memref_squeeze %dma_wait3A_499 : memref<1x128xi32, #tpu.memory_space<vmem>> -> memref<128xi32, #tpu.memory_space<vmem>>
      %dma_wait3A_501 = arith.constant 0 : i32
      %dma_wait3A_502 = arith.constant 0 : i32
      %dma_wait3A_503 = tpu.memref_slice %arg2[%dma_wait3A_501, %dma_wait3A_502] : memref<10112x16xf32, #tpu.memory_space<hbm>> -> memref<10112x16xf32, #tpu.memory_space<hbm>>
      tpu.wait_indirect_dma semaphore(%arg13 : memref<!tpu.dma_semaphore, #tpu.memory_space<semaphore_mem>>) src(%dma_wait3A_503 : memref<10112x16xf32, #tpu.memory_space<hbm>>) dst(%dma_wait3A_497 : memref<128x16xf32, #tpu.memory_space<vmem>>)
      %dma_wait3A_504 = arith.constant 7 : i32
      %dma_wait3A_505 = arith.constant 896 : i32
      %dma_wait3A_506 = arith.constant 0 : i32
      %dma_wait3A_507 = tpu.memref_slice %arg9[%dma_wait3A_505, %dma_wait3A_506] : memref<1024x16xf32, #tpu.memory_space<vmem>> -> memref<128x16xf32, #tpu.memory_space<vmem>>
      %dma_wait3A_508 = arith.constant 0 : i32
      %dma_wait3A_509 = tpu.memref_slice %arg7[%dma_wait3A_504, %dma_wait3A_508] : memref<8x128xi32, #tpu.memory_space<vmem>> -> memref<1x128xi32, #tpu.memory_space<vmem>>
      %dma_wait3A_510 = tpu.memref_squeeze %dma_wait3A_509 : memref<1x128xi32, #tpu.memory_space<vmem>> -> memref<128xi32, #tpu.memory_space<vmem>>
      %dma_wait3A_511 = arith.constant 0 : i32
      %dma_wait3A_512 = arith.constant 0 : i32
      %dma_wait3A_513 = tpu.memref_slice %arg2[%dma_wait3A_511, %dma_wait3A_512] : memref<10112x16xf32, #tpu.memory_space<hbm>> -> memref<10112x16xf32, #tpu.memory_space<hbm>>
      tpu.wait_indirect_dma semaphore(%arg13 : memref<!tpu.dma_semaphore, #tpu.memory_space<semaphore_mem>>) src(%dma_wait3A_513 : memref<10112x16xf32, #tpu.memory_space<hbm>>) dst(%dma_wait3A_507 : memref<128x16xf32, #tpu.memory_space<vmem>>)
      %dma_wait3A_514 = arith.constant 7 : i32
      %dma_wait3A_515 = arith.constant 896 : i32
      %dma_wait3A_516 = arith.constant 0 : i32
      %dma_wait3A_517 = tpu.memref_slice %arg10[%dma_wait3A_515, %dma_wait3A_516] : memref<1024x16xf32, #tpu.memory_space<vmem>> -> memref<128x16xf32, #tpu.memory_space<vmem>>
      %dma_wait3A_518 = arith.constant 0 : i32
      %dma_wait3A_519 = tpu.memref_slice %arg7[%dma_wait3A_514, %dma_wait3A_518] : memref<8x128xi32, #tpu.memory_space<vmem>> -> memref<1x128xi32, #tpu.memory_space<vmem>>
      %dma_wait3A_520 = tpu.memref_squeeze %dma_wait3A_519 : memref<1x128xi32, #tpu.memory_space<vmem>> -> memref<128xi32, #tpu.memory_space<vmem>>
      %dma_wait3A_521 = arith.constant 0 : i32
      %dma_wait3A_522 = arith.constant 0 : i32
      %dma_wait3A_523 = tpu.memref_slice %arg2[%dma_wait3A_521, %dma_wait3A_522] : memref<10112x16xf32, #tpu.memory_space<hbm>> -> memref<10112x16xf32, #tpu.memory_space<hbm>>
      tpu.wait_indirect_dma semaphore(%arg13 : memref<!tpu.dma_semaphore, #tpu.memory_space<semaphore_mem>>) src(%dma_wait3A_523 : memref<10112x16xf32, #tpu.memory_space<hbm>>) dst(%dma_wait3A_517 : memref<128x16xf32, #tpu.memory_space<vmem>>)
      %dma_wait3A_524 = arith.constant 0 : i32
      %dma_wait3A_525 = arith.constant 0 : i32
      %dma_wait3A_526 = tpu.memref_slice %arg5[%dma_wait3A_524, %dma_wait3A_525] : memref<15x327680xf32, #tpu.memory_space<hbm>> -> memref<15x1024xf32, #tpu.memory_space<hbm>>
      %dma_wait3A_527 = arith.constant 0 : i32
      %dma_wait3A_528 = arith.constant 0 : i32
      %dma_wait3A_529 = tpu.memref_slice %arg5[%dma_wait3A_527, %dma_wait3A_528] : memref<15x327680xf32, #tpu.memory_space<hbm>> -> memref<15x1024xf32, #tpu.memory_space<hbm>>
      tpu.wait_dma2 semaphore(%arg14 : memref<!tpu.dma_semaphore, #tpu.memory_space<semaphore_mem>>) src(%dma_wait3A_529 : memref<15x1024xf32, #tpu.memory_space<hbm>>) dst(%arg11 : memref<15x1024xf32, #tpu.memory_space<vmem>>)
      %gt3A = arith.constant 0 : i32
      %gt3A_530 = arith.cmpi sgt, %while3A_190, %gt3A : i32
      %convert_element_type3A = arith.extui %gt3A_530 : i1 to i32
      %cond3A = arith.constant 0 : i32
      %cond3A_531 = arith.cmpi ne, %convert_element_type3A, %cond3A : i32
      scf.if %cond3A_531 {
        %dma_wait3A_728 = arith.constant 0 : i32
        %dma_wait3A_729 = tpu.memref_slice %arg6[%dma_wait3A_728] : memref<327680xf32, #tpu.memory_space<hbm>> -> memref<1024xf32, #tpu.memory_space<hbm>>
        %dma_wait3A_730 = arith.constant 0 : i32
        %dma_wait3A_731 = tpu.memref_slice %arg6[%dma_wait3A_730] : memref<327680xf32, #tpu.memory_space<hbm>> -> memref<1024xf32, #tpu.memory_space<hbm>>
        tpu.wait_dma2 semaphore(%arg15 : memref<!tpu.dma_semaphore, #tpu.memory_space<semaphore_mem>>) src(%arg12 : memref<1024xf32, #tpu.memory_space<vmem>>) dst(%dma_wait3A_731 : memref<1024xf32, #tpu.memory_space<hbm>>)
      } else {
      }
      %scan3A = arith.constant 0 : i32
      %scan3A_532 = arith.constant 0 : i32
      %scan3A_533 = arith.constant 64 : i32
      %scan3A_534 = arith.addi %scan3A_532, %scan3A_533 : i32
      %scan3A_535 = arith.constant 1 : i32
      scf.for %scan3A_728 = %scan3A_532 to %scan3A_534 step %scan3A_535  : i32 {
        %mul3A_729 = arith.constant 16 : i32
        %mul3A_730 = arith.muli %scan3A_728, %mul3A_729 : i32
        %add3A_731 = vector.broadcast %mul3A_730 : i32 to vector<16xi32>
        %add3A_732 = arith.addi %add3A_731, %iota3A : vector<16xi32>
        %broadcast_in_dim3A = arith.constant 0 : i32
        %broadcast_in_dim3A_733 = vector.broadcast %broadcast_in_dim3A : i32 to vector<16xi32>
        %gather3A = tpu.vector_load_idx %arg9[%add3A_732, %broadcast_in_dim3A_733] : memref<1024x16xf32, #tpu.memory_space<vmem>>[vector<16xi32>, vector<16xi32>], vector<16xf32>,
        %gather3A_734 = tpu.vector_load_idx %arg10[%add3A_732, %broadcast_in_dim3A_733] : memref<1024x16xf32, #tpu.memory_space<vmem>>[vector<16xi32>, vector<16xi32>], vector<16xf32>,
        %get3A = arith.constant 0 : i32
        %get3A_735 = arith.index_cast %get3A : i32 to index
        %get3A_736 = arith.index_cast %mul3A_730 : i32 to index
        %get3A_737 = tpu.vector_load %arg11[%get3A_735, %get3A_736] {strides = array<i32>} : memref<15x1024xf32, #tpu.memory_space<vmem>>, vector<16xf32>,
        %mul3A_738 = arith.mulf %gather3A, %get3A_737 : vector<16xf32>
        %mul3A_739 = arith.mulf %mul3A_738, %gather3A_734 : vector<16xf32>
        %broadcast_in_dim3A_740 = arith.constant 1 : i32
        %broadcast_in_dim3A_741 = vector.broadcast %broadcast_in_dim3A_740 : i32 to vector<16xi32>
        %gather3A_742 = tpu.vector_load_idx %arg9[%add3A_732, %broadcast_in_dim3A_741] : memref<1024x16xf32, #tpu.memory_space<vmem>>[vector<16xi32>, vector<16xi32>], vector<16xf32>,
        %gather3A_743 = tpu.vector_load_idx %arg10[%add3A_732, %broadcast_in_dim3A_741] : memref<1024x16xf32, #tpu.memory_space<vmem>>[vector<16xi32>, vector<16xi32>], vector<16xf32>,
        %get3A_744 = arith.constant 1 : i32
        %get3A_745 = arith.index_cast %get3A_744 : i32 to index
        %get3A_746 = arith.index_cast %mul3A_730 : i32 to index
        %get3A_747 = tpu.vector_load %arg11[%get3A_745, %get3A_746] {strides = array<i32>} : memref<15x1024xf32, #tpu.memory_space<vmem>>, vector<16xf32>,
        %mul3A_748 = arith.mulf %gather3A_742, %get3A_747 : vector<16xf32>
        %mul3A_749 = arith.mulf %mul3A_748, %gather3A_743 : vector<16xf32>
        %add3A_750 = arith.addf %mul3A_739, %mul3A_749 : vector<16xf32>
        %broadcast_in_dim3A_751 = arith.constant 2 : i32
        %broadcast_in_dim3A_752 = vector.broadcast %broadcast_in_dim3A_751 : i32 to vector<16xi32>
        %gather3A_753 = tpu.vector_load_idx %arg9[%add3A_732, %broadcast_in_dim3A_752] : memref<1024x16xf32, #tpu.memory_space<vmem>>[vector<16xi32>, vector<16xi32>], vector<16xf32>,
        %gather3A_754 = tpu.vector_load_idx %arg10[%add3A_732, %broadcast_in_dim3A_752] : memref<1024x16xf32, #tpu.memory_space<vmem>>[vector<16xi32>, vector<16xi32>], vector<16xf32>,
        %get3A_755 = arith.constant 2 : i32
        %get3A_756 = arith.index_cast %get3A_755 : i32 to index
        %get3A_757 = arith.index_cast %mul3A_730 : i32 to index
        %get3A_758 = tpu.vector_load %arg11[%get3A_756, %get3A_757] {strides = array<i32>} : memref<15x1024xf32, #tpu.memory_space<vmem>>, vector<16xf32>,
        %mul3A_759 = arith.mulf %gather3A_753, %get3A_758 : vector<16xf32>
        %mul3A_760 = arith.mulf %mul3A_759, %gather3A_754 : vector<16xf32>
        %add3A_761 = arith.addf %add3A_750, %mul3A_760 : vector<16xf32>
        %broadcast_in_dim3A_762 = arith.constant 3 : i32
        %broadcast_in_dim3A_763 = vector.broadcast %broadcast_in_dim3A_762 : i32 to vector<16xi32>
        %gather3A_764 = tpu.vector_load_idx %arg9[%add3A_732, %broadcast_in_dim3A_763] : memref<1024x16xf32, #tpu.memory_space<vmem>>[vector<16xi32>, vector<16xi32>], vector<16xf32>,
        %gather3A_765 = tpu.vector_load_idx %arg10[%add3A_732, %broadcast_in_dim3A_763] : memref<1024x16xf32, #tpu.memory_space<vmem>>[vector<16xi32>, vector<16xi32>], vector<16xf32>,
        %get3A_766 = arith.constant 3 : i32
        %get3A_767 = arith.index_cast %get3A_766 : i32 to index
        %get3A_768 = arith.index_cast %mul3A_730 : i32 to index
        %get3A_769 = tpu.vector_load %arg11[%get3A_767, %get3A_768] {strides = array<i32>} : memref<15x1024xf32, #tpu.memory_space<vmem>>, vector<16xf32>,
        %mul3A_770 = arith.mulf %gather3A_764, %get3A_769 : vector<16xf32>
        %mul3A_771 = arith.mulf %mul3A_770, %gather3A_765 : vector<16xf32>
        %add3A_772 = arith.addf %add3A_761, %mul3A_771 : vector<16xf32>
        %broadcast_in_dim3A_773 = arith.constant 4 : i32
        %broadcast_in_dim3A_774 = vector.broadcast %broadcast_in_dim3A_773 : i32 to vector<16xi32>
        %gather3A_775 = tpu.vector_load_idx %arg9[%add3A_732, %broadcast_in_dim3A_774] : memref<1024x16xf32, #tpu.memory_space<vmem>>[vector<16xi32>, vector<16xi32>], vector<16xf32>,
        %gather3A_776 = tpu.vector_load_idx %arg10[%add3A_732, %broadcast_in_dim3A_774] : memref<1024x16xf32, #tpu.memory_space<vmem>>[vector<16xi32>, vector<16xi32>], vector<16xf32>,
        %get3A_777 = arith.constant 4 : i32
        %get3A_778 = arith.index_cast %get3A_777 : i32 to index
        %get3A_779 = arith.index_cast %mul3A_730 : i32 to index
        %get3A_780 = tpu.vector_load %arg11[%get3A_778, %get3A_779] {strides = array<i32>} : memref<15x1024xf32, #tpu.memory_space<vmem>>, vector<16xf32>,
        %mul3A_781 = arith.mulf %gather3A_775, %get3A_780 : vector<16xf32>
        %mul3A_782 = arith.mulf %mul3A_781, %gather3A_776 : vector<16xf32>
        %add3A_783 = arith.addf %add3A_772, %mul3A_782 : vector<16xf32>
        %broadcast_in_dim3A_784 = arith.constant 5 : i32
        %broadcast_in_dim3A_785 = vector.broadcast %broadcast_in_dim3A_784 : i32 to vector<16xi32>
        %gather3A_786 = tpu.vector_load_idx %arg9[%add3A_732, %broadcast_in_dim3A_785] : memref<1024x16xf32, #tpu.memory_space<vmem>>[vector<16xi32>, vector<16xi32>], vector<16xf32>,
        %gather3A_787 = tpu.vector_load_idx %arg10[%add3A_732, %broadcast_in_dim3A_785] : memref<1024x16xf32, #tpu.memory_space<vmem>>[vector<16xi32>, vector<16xi32>], vector<16xf32>,
        %get3A_788 = arith.constant 5 : i32
        %get3A_789 = arith.index_cast %get3A_788 : i32 to index
        %get3A_790 = arith.index_cast %mul3A_730 : i32 to index
        %get3A_791 = tpu.vector_load %arg11[%get3A_789, %get3A_790] {strides = array<i32>} : memref<15x1024xf32, #tpu.memory_space<vmem>>, vector<16xf32>,
        %mul3A_792 = arith.mulf %gather3A_786, %get3A_791 : vector<16xf32>
        %mul3A_793 = arith.mulf %mul3A_792, %gather3A_787 : vector<16xf32>
        %add3A_794 = arith.addf %add3A_783, %mul3A_793 : vector<16xf32>
        %broadcast_in_dim3A_795 = arith.constant 6 : i32
        %broadcast_in_dim3A_796 = vector.broadcast %broadcast_in_dim3A_795 : i32 to vector<16xi32>
        %gather3A_797 = tpu.vector_load_idx %arg9[%add3A_732, %broadcast_in_dim3A_796] : memref<1024x16xf32, #tpu.memory_space<vmem>>[vector<16xi32>, vector<16xi32>], vector<16xf32>,
        %gather3A_798 = tpu.vector_load_idx %arg10[%add3A_732, %broadcast_in_dim3A_796] : memref<1024x16xf32, #tpu.memory_space<vmem>>[vector<16xi32>, vector<16xi32>], vector<16xf32>,
        %get3A_799 = arith.constant 6 : i32
        %get3A_800 = arith.index_cast %get3A_799 : i32 to index
        %get3A_801 = arith.index_cast %mul3A_730 : i32 to index
        %get3A_802 = tpu.vector_load %arg11[%get3A_800, %get3A_801] {strides = array<i32>} : memref<15x1024xf32, #tpu.memory_space<vmem>>, vector<16xf32>,
        %mul3A_803 = arith.mulf %gather3A_797, %get3A_802 : vector<16xf32>
        %mul3A_804 = arith.mulf %mul3A_803, %gather3A_798 : vector<16xf32>
        %add3A_805 = arith.addf %add3A_794, %mul3A_804 : vector<16xf32>
        %broadcast_in_dim3A_806 = arith.constant 7 : i32
        %broadcast_in_dim3A_807 = vector.broadcast %broadcast_in_dim3A_806 : i32 to vector<16xi32>
        %gather3A_808 = tpu.vector_load_idx %arg9[%add3A_732, %broadcast_in_dim3A_807] : memref<1024x16xf32, #tpu.memory_space<vmem>>[vector<16xi32>, vector<16xi32>], vector<16xf32>,
        %gather3A_809 = tpu.vector_load_idx %arg10[%add3A_732, %broadcast_in_dim3A_807] : memref<1024x16xf32, #tpu.memory_space<vmem>>[vector<16xi32>, vector<16xi32>], vector<16xf32>,
        %get3A_810 = arith.constant 7 : i32
        %get3A_811 = arith.index_cast %get3A_810 : i32 to index
        %get3A_812 = arith.index_cast %mul3A_730 : i32 to index
        %get3A_813 = tpu.vector_load %arg11[%get3A_811, %get3A_812] {strides = array<i32>} : memref<15x1024xf32, #tpu.memory_space<vmem>>, vector<16xf32>,
        %mul3A_814 = arith.mulf %gather3A_808, %get3A_813 : vector<16xf32>
        %mul3A_815 = arith.mulf %mul3A_814, %gather3A_809 : vector<16xf32>
        %add3A_816 = arith.addf %add3A_805, %mul3A_815 : vector<16xf32>
        %broadcast_in_dim3A_817 = arith.constant 8 : i32
        %broadcast_in_dim3A_818 = vector.broadcast %broadcast_in_dim3A_817 : i32 to vector<16xi32>
        %gather3A_819 = tpu.vector_load_idx %arg9[%add3A_732, %broadcast_in_dim3A_818] : memref<1024x16xf32, #tpu.memory_space<vmem>>[vector<16xi32>, vector<16xi32>], vector<16xf32>,
        %gather3A_820 = tpu.vector_load_idx %arg10[%add3A_732, %broadcast_in_dim3A_818] : memref<1024x16xf32, #tpu.memory_space<vmem>>[vector<16xi32>, vector<16xi32>], vector<16xf32>,
        %get3A_821 = arith.constant 8 : i32
        %get3A_822 = arith.index_cast %get3A_821 : i32 to index
        %get3A_823 = arith.index_cast %mul3A_730 : i32 to index
        %get3A_824 = tpu.vector_load %arg11[%get3A_822, %get3A_823] {strides = array<i32>} : memref<15x1024xf32, #tpu.memory_space<vmem>>, vector<16xf32>,
        %mul3A_825 = arith.mulf %gather3A_819, %get3A_824 : vector<16xf32>
        %mul3A_826 = arith.mulf %mul3A_825, %gather3A_820 : vector<16xf32>
        %add3A_827 = arith.addf %add3A_816, %mul3A_826 : vector<16xf32>
        %broadcast_in_dim3A_828 = arith.constant 9 : i32
        %broadcast_in_dim3A_829 = vector.broadcast %broadcast_in_dim3A_828 : i32 to vector<16xi32>
        %gather3A_830 = tpu.vector_load_idx %arg9[%add3A_732, %broadcast_in_dim3A_829] : memref<1024x16xf32, #tpu.memory_space<vmem>>[vector<16xi32>, vector<16xi32>], vector<16xf32>,
        %gather3A_831 = tpu.vector_load_idx %arg10[%add3A_732, %broadcast_in_dim3A_829] : memref<1024x16xf32, #tpu.memory_space<vmem>>[vector<16xi32>, vector<16xi32>], vector<16xf32>,
        %get3A_832 = arith.constant 9 : i32
        %get3A_833 = arith.index_cast %get3A_832 : i32 to index
        %get3A_834 = arith.index_cast %mul3A_730 : i32 to index
        %get3A_835 = tpu.vector_load %arg11[%get3A_833, %get3A_834] {strides = array<i32>} : memref<15x1024xf32, #tpu.memory_space<vmem>>, vector<16xf32>,
        %mul3A_836 = arith.mulf %gather3A_830, %get3A_835 : vector<16xf32>
        %mul3A_837 = arith.mulf %mul3A_836, %gather3A_831 : vector<16xf32>
        %add3A_838 = arith.addf %add3A_827, %mul3A_837 : vector<16xf32>
        %broadcast_in_dim3A_839 = arith.constant 10 : i32
        %broadcast_in_dim3A_840 = vector.broadcast %broadcast_in_dim3A_839 : i32 to vector<16xi32>
        %gather3A_841 = tpu.vector_load_idx %arg9[%add3A_732, %broadcast_in_dim3A_840] : memref<1024x16xf32, #tpu.memory_space<vmem>>[vector<16xi32>, vector<16xi32>], vector<16xf32>,
        %gather3A_842 = tpu.vector_load_idx %arg10[%add3A_732, %broadcast_in_dim3A_840] : memref<1024x16xf32, #tpu.memory_space<vmem>>[vector<16xi32>, vector<16xi32>], vector<16xf32>,
        %get3A_843 = arith.constant 10 : i32
        %get3A_844 = arith.index_cast %get3A_843 : i32 to index
        %get3A_845 = arith.index_cast %mul3A_730 : i32 to index
        %get3A_846 = tpu.vector_load %arg11[%get3A_844, %get3A_845] {strides = array<i32>} : memref<15x1024xf32, #tpu.memory_space<vmem>>, vector<16xf32>,
        %mul3A_847 = arith.mulf %gather3A_841, %get3A_846 : vector<16xf32>
        %mul3A_848 = arith.mulf %mul3A_847, %gather3A_842 : vector<16xf32>
        %add3A_849 = arith.addf %add3A_838, %mul3A_848 : vector<16xf32>
        %broadcast_in_dim3A_850 = arith.constant 11 : i32
        %broadcast_in_dim3A_851 = vector.broadcast %broadcast_in_dim3A_850 : i32 to vector<16xi32>
        %gather3A_852 = tpu.vector_load_idx %arg9[%add3A_732, %broadcast_in_dim3A_851] : memref<1024x16xf32, #tpu.memory_space<vmem>>[vector<16xi32>, vector<16xi32>], vector<16xf32>,
        %gather3A_853 = tpu.vector_load_idx %arg10[%add3A_732, %broadcast_in_dim3A_851] : memref<1024x16xf32, #tpu.memory_space<vmem>>[vector<16xi32>, vector<16xi32>], vector<16xf32>,
        %get3A_854 = arith.constant 11 : i32
        %get3A_855 = arith.index_cast %get3A_854 : i32 to index
        %get3A_856 = arith.index_cast %mul3A_730 : i32 to index
        %get3A_857 = tpu.vector_load %arg11[%get3A_855, %get3A_856] {strides = array<i32>} : memref<15x1024xf32, #tpu.memory_space<vmem>>, vector<16xf32>,
        %mul3A_858 = arith.mulf %gather3A_852, %get3A_857 : vector<16xf32>
        %mul3A_859 = arith.mulf %mul3A_858, %gather3A_853 : vector<16xf32>
        %add3A_860 = arith.addf %add3A_849, %mul3A_859 : vector<16xf32>
        %broadcast_in_dim3A_861 = arith.constant 12 : i32
        %broadcast_in_dim3A_862 = vector.broadcast %broadcast_in_dim3A_861 : i32 to vector<16xi32>
        %gather3A_863 = tpu.vector_load_idx %arg9[%add3A_732, %broadcast_in_dim3A_862] : memref<1024x16xf32, #tpu.memory_space<vmem>>[vector<16xi32>, vector<16xi32>], vector<16xf32>,
        %gather3A_864 = tpu.vector_load_idx %arg10[%add3A_732, %broadcast_in_dim3A_862] : memref<1024x16xf32, #tpu.memory_space<vmem>>[vector<16xi32>, vector<16xi32>], vector<16xf32>,
        %get3A_865 = arith.constant 12 : i32
        %get3A_866 = arith.index_cast %get3A_865 : i32 to index
        %get3A_867 = arith.index_cast %mul3A_730 : i32 to index
        %get3A_868 = tpu.vector_load %arg11[%get3A_866, %get3A_867] {strides = array<i32>} : memref<15x1024xf32, #tpu.memory_space<vmem>>, vector<16xf32>,
        %mul3A_869 = arith.mulf %gather3A_863, %get3A_868 : vector<16xf32>
        %mul3A_870 = arith.mulf %mul3A_869, %gather3A_864 : vector<16xf32>
        %add3A_871 = arith.addf %add3A_860, %mul3A_870 : vector<16xf32>
        %broadcast_in_dim3A_872 = arith.constant 13 : i32
        %broadcast_in_dim3A_873 = vector.broadcast %broadcast_in_dim3A_872 : i32 to vector<16xi32>
        %gather3A_874 = tpu.vector_load_idx %arg9[%add3A_732, %broadcast_in_dim3A_873] : memref<1024x16xf32, #tpu.memory_space<vmem>>[vector<16xi32>, vector<16xi32>], vector<16xf32>,
        %gather3A_875 = tpu.vector_load_idx %arg10[%add3A_732, %broadcast_in_dim3A_873] : memref<1024x16xf32, #tpu.memory_space<vmem>>[vector<16xi32>, vector<16xi32>], vector<16xf32>,
        %get3A_876 = arith.constant 13 : i32
        %get3A_877 = arith.index_cast %get3A_876 : i32 to index
        %get3A_878 = arith.index_cast %mul3A_730 : i32 to index
        %get3A_879 = tpu.vector_load %arg11[%get3A_877, %get3A_878] {strides = array<i32>} : memref<15x1024xf32, #tpu.memory_space<vmem>>, vector<16xf32>,
        %mul3A_880 = arith.mulf %gather3A_874, %get3A_879 : vector<16xf32>
        %mul3A_881 = arith.mulf %mul3A_880, %gather3A_875 : vector<16xf32>
        %add3A_882 = arith.addf %add3A_871, %mul3A_881 : vector<16xf32>
        %broadcast_in_dim3A_883 = arith.constant 14 : i32
        %broadcast_in_dim3A_884 = vector.broadcast %broadcast_in_dim3A_883 : i32 to vector<16xi32>
        %gather3A_885 = tpu.vector_load_idx %arg9[%add3A_732, %broadcast_in_dim3A_884] : memref<1024x16xf32, #tpu.memory_space<vmem>>[vector<16xi32>, vector<16xi32>], vector<16xf32>,
        %gather3A_886 = tpu.vector_load_idx %arg10[%add3A_732, %broadcast_in_dim3A_884] : memref<1024x16xf32, #tpu.memory_space<vmem>>[vector<16xi32>, vector<16xi32>], vector<16xf32>,
        %get3A_887 = arith.constant 14 : i32
        %get3A_888 = arith.index_cast %get3A_887 : i32 to index
        %get3A_889 = arith.index_cast %mul3A_730 : i32 to index
        %get3A_890 = tpu.vector_load %arg11[%get3A_888, %get3A_889] {strides = array<i32>} : memref<15x1024xf32, #tpu.memory_space<vmem>>, vector<16xf32>,
        %mul3A_891 = arith.mulf %gather3A_885, %get3A_890 : vector<16xf32>
        %mul3A_892 = arith.mulf %mul3A_891, %gather3A_886 : vector<16xf32>
        %add3A_893 = arith.addf %add3A_882, %mul3A_892 : vector<16xf32>
        %neg3A = arith.constant 0.000000e+00 : f32
        %neg3A_894 = vector.broadcast %neg3A : f32 to vector<16xf32>
        %neg3A_895 = arith.subf %neg3A_894, %add3A_893 : vector<16xf32>
        %exp3A = math.exp %neg3A_895 : vector<16xf32>
        %add3A_896 = arith.constant 1.000000e+00 : f32
        %add3A_897 = vector.broadcast %add3A_896 : f32 to vector<16xf32>
        %add3A_898 = arith.addf %add3A_897, %exp3A : vector<16xf32>
        %div3A = arith.constant 1.000000e+00 : f32
        %div3A_899 = vector.broadcast %div3A : f32 to vector<16xf32>
        %div3A_900 = arith.divf %div3A_899, %add3A_898 : vector<16xf32>
        %swap3A = arith.index_cast %mul3A_730 : i32 to index
        %swap3A_901 = tpu.vector_load %arg12[%swap3A] {strides = array<i32>} : memref<1024xf32, #tpu.memory_space<vmem>>, vector<16xf32>,
        tpu.vector_store %arg12[%swap3A], %div3A_900 {strides = array<i32>} : memref<1024xf32, #tpu.memory_space<vmem>>, vector<16xf32>,
      }
      %scan3A_536 = arith.constant 64 : i32
      %mul3A_537 = arith.constant 128 : i32
      %mul3A_538 = arith.muli %add3A_195, %mul3A_537 : i32
      %dma_start3A_539 = tpu.memref_slice %arg6[%mul3A_538] : memref<327680xf32, #tpu.memory_space<hbm>> -> memref<1024xf32, #tpu.memory_space<hbm>>
      %dma_start3A_540 = tpu.memref_slice %arg6[%mul3A_538] : memref<327680xf32, #tpu.memory_space<hbm>> -> memref<1024xf32, #tpu.memory_space<hbm>>
      tpu.enqueue_dma source(%arg12 : memref<1024xf32, #tpu.memory_space<vmem>>) target(%dma_start3A_540 : memref<1024xf32, #tpu.memory_space<hbm>>) target_semaphore(%arg15 : memref<!tpu.dma_semaphore, #tpu.memory_space<semaphore_mem>>)
      %sub3A = arith.constant 1 : i32
      %sub3A_541 = arith.subi %select_n3A_8, %sub3A : i32
      %lt3A = arith.cmpi slt, %while3A_190, %sub3A_541 : i32
      %convert_element_type3A_542 = arith.extui %lt3A : i1 to i32
      %cond3A_543 = arith.constant 0 : i32
      %cond3A_544 = arith.cmpi ne, %convert_element_type3A_542, %cond3A_543 : i32
      scf.if %cond3A_544 {
        %add3A_728 = arith.constant 16 : i32
        %add3A_729 = arith.addi %add3A_195, %add3A_728 : i32
        %mul3A_730 = arith.constant 128 : i32
        %mul3A_731 = arith.muli %add3A_729, %mul3A_730 : i32
        "tpu.region"() ({
          %run_scoped3A = tpu.sem_alloc : memref<!tpu.dma_semaphore, #tpu.memory_space<semaphore_mem>>
          %dma_start3A_896 = arith.constant 0 : i32
          %dma_start3A_897 = tpu.memref_slice %arg3[%add3A_729, %dma_start3A_896] : memref<2560x128xi32, #tpu.memory_space<hbm>> -> memref<8x128xi32, #tpu.memory_space<hbm>>
          %dma_start3A_898 = arith.constant 0 : i32
          %dma_start3A_899 = tpu.memref_slice %arg3[%add3A_729, %dma_start3A_898] : memref<2560x128xi32, #tpu.memory_space<hbm>> -> memref<8x128xi32, #tpu.memory_space<hbm>>
          tpu.enqueue_dma source(%dma_start3A_899 : memref<8x128xi32, #tpu.memory_space<hbm>>) target(%arg7 : memref<8x128xi32, #tpu.memory_space<vmem>>) target_semaphore(%run_scoped3A : memref<!tpu.dma_semaphore, #tpu.memory_space<semaphore_mem>>)
          %dma_wait3A_900 = arith.constant 0 : i32
          %dma_wait3A_901 = tpu.memref_slice %arg3[%add3A_729, %dma_wait3A_900] : memref<2560x128xi32, #tpu.memory_space<hbm>> -> memref<8x128xi32, #tpu.memory_space<hbm>>
          %dma_wait3A_902 = arith.constant 0 : i32
          %dma_wait3A_903 = tpu.memref_slice %arg3[%add3A_729, %dma_wait3A_902] : memref<2560x128xi32, #tpu.memory_space<hbm>> -> memref<8x128xi32, #tpu.memory_space<hbm>>
          tpu.wait_dma2 semaphore(%run_scoped3A : memref<!tpu.dma_semaphore, #tpu.memory_space<semaphore_mem>>) src(%dma_wait3A_903 : memref<8x128xi32, #tpu.memory_space<hbm>>) dst(%arg7 : memref<8x128xi32, #tpu.memory_space<vmem>>)
          tpu.yield
        }) : () -> ()
        "tpu.region"() ({
          %run_scoped3A = tpu.sem_alloc : memref<!tpu.dma_semaphore, #tpu.memory_space<semaphore_mem>>
          %dma_start3A_896 = arith.constant 0 : i32
          %dma_start3A_897 = tpu.memref_slice %arg4[%add3A_729, %dma_start3A_896] : memref<2560x128xi32, #tpu.memory_space<hbm>> -> memref<8x128xi32, #tpu.memory_space<hbm>>
          %dma_start3A_898 = arith.constant 0 : i32
          %dma_start3A_899 = tpu.memref_slice %arg4[%add3A_729, %dma_start3A_898] : memref<2560x128xi32, #tpu.memory_space<hbm>> -> memref<8x128xi32, #tpu.memory_space<hbm>>
          tpu.enqueue_dma source(%dma_start3A_899 : memref<8x128xi32, #tpu.memory_space<hbm>>) target(%arg8 : memref<8x128xi32, #tpu.memory_space<vmem>>) target_semaphore(%run_scoped3A : memref<!tpu.dma_semaphore, #tpu.memory_space<semaphore_mem>>)
          %dma_wait3A_900 = arith.constant 0 : i32
          %dma_wait3A_901 = tpu.memref_slice %arg4[%add3A_729, %dma_wait3A_900] : memref<2560x128xi32, #tpu.memory_space<hbm>> -> memref<8x128xi32, #tpu.memory_space<hbm>>
          %dma_wait3A_902 = arith.constant 0 : i32
          %dma_wait3A_903 = tpu.memref_slice %arg4[%add3A_729, %dma_wait3A_902] : memref<2560x128xi32, #tpu.memory_space<hbm>> -> memref<8x128xi32, #tpu.memory_space<hbm>>
          tpu.wait_dma2 semaphore(%run_scoped3A : memref<!tpu.dma_semaphore, #tpu.memory_space<semaphore_mem>>) src(%dma_wait3A_903 : memref<8x128xi32, #tpu.memory_space<hbm>>) dst(%arg8 : memref<8x128xi32, #tpu.memory_space<vmem>>)
          tpu.yield
        }) : () -> ()
        %dma_start3A_732 = arith.constant 0 : i32
        %dma_start3A_733 = tpu.memref_slice %arg5[%dma_start3A_732, %mul3A_731] : memref<15x327680xf32, #tpu.memory_space<hbm>> -> memref<15x1024xf32, #tpu.memory_space<hbm>>
        %dma_start3A_734 = arith.constant 0 : i32
        %dma_start3A_735 = tpu.memref_slice %arg5[%dma_start3A_734, %mul3A_731] : memref<15x327680xf32, #tpu.memory_space<hbm>> -> memref<15x1024xf32, #tpu.memory_space<hbm>>
        tpu.enqueue_dma source(%dma_start3A_735 : memref<15x1024xf32, #tpu.memory_space<hbm>>) target(%arg11 : memref<15x1024xf32, #tpu.memory_space<vmem>>) target_semaphore(%arg14 : memref<!tpu.dma_semaphore, #tpu.memory_space<semaphore_mem>>)
        %dma_start3A_736 = arith.constant 0 : i32
        %dma_start3A_737 = arith.constant 0 : i32
        %dma_start3A_738 = arith.constant 0 : i32
        %dma_start3A_739 = tpu.memref_slice %arg9[%dma_start3A_737, %dma_start3A_738] : memref<1024x16xf32, #tpu.memory_space<vmem>> -> memref<128x16xf32, #tpu.memory_space<vmem>>
        %dma_start3A_740 = arith.constant 0 : i32
        %dma_start3A_741 = tpu.memref_slice %arg7[%dma_start3A_736, %dma_start3A_740] : memref<8x128xi32, #tpu.memory_space<vmem>> -> memref<1x128xi32, #tpu.memory_space<vmem>>
        %dma_start3A_742 = tpu.memref_squeeze %dma_start3A_741 : memref<1x128xi32, #tpu.memory_space<vmem>> -> memref<128xi32, #tpu.memory_space<vmem>>
        %dma_start3A_743 = arith.constant 0 : i32
        %dma_start3A_744 = arith.constant 0 : i32
        %dma_start3A_745 = tpu.memref_slice %arg2[%dma_start3A_743, %dma_start3A_744] : memref<10112x16xf32, #tpu.memory_space<hbm>> -> memref<10112x16xf32, #tpu.memory_space<hbm>>
        tpu.enqueue_indirect_dma source(%dma_start3A_745 : memref<10112x16xf32, #tpu.memory_space<hbm>>) target(%dma_start3A_739 : memref<128x16xf32, #tpu.memory_space<vmem>>) offsets(%dma_start3A_742 : memref<128xi32, #tpu.memory_space<vmem>>) semaphore(%arg13 : memref<!tpu.dma_semaphore, #tpu.memory_space<semaphore_mem>>)
        %dma_start3A_746 = arith.constant 0 : i32
        %dma_start3A_747 = arith.constant 0 : i32
        %dma_start3A_748 = arith.constant 0 : i32
        %dma_start3A_749 = tpu.memref_slice %arg10[%dma_start3A_747, %dma_start3A_748] : memref<1024x16xf32, #tpu.memory_space<vmem>> -> memref<128x16xf32, #tpu.memory_space<vmem>>
        %dma_start3A_750 = arith.constant 0 : i32
        %dma_start3A_751 = tpu.memref_slice %arg8[%dma_start3A_746, %dma_start3A_750] : memref<8x128xi32, #tpu.memory_space<vmem>> -> memref<1x128xi32, #tpu.memory_space<vmem>>
        %dma_start3A_752 = tpu.memref_squeeze %dma_start3A_751 : memref<1x128xi32, #tpu.memory_space<vmem>> -> memref<128xi32, #tpu.memory_space<vmem>>
        %dma_start3A_753 = arith.constant 0 : i32
        %dma_start3A_754 = arith.constant 0 : i32
        %dma_start3A_755 = tpu.memref_slice %arg2[%dma_start3A_753, %dma_start3A_754] : memref<10112x16xf32, #tpu.memory_space<hbm>> -> memref<10112x16xf32, #tpu.memory_space<hbm>>
        tpu.enqueue_indirect_dma source(%dma_start3A_755 : memref<10112x16xf32, #tpu.memory_space<hbm>>) target(%dma_start3A_749 : memref<128x16xf32, #tpu.memory_space<vmem>>) offsets(%dma_start3A_752 : memref<128xi32, #tpu.memory_space<vmem>>) semaphore(%arg13 : memref<!tpu.dma_semaphore, #tpu.memory_space<semaphore_mem>>)
        %dma_start3A_756 = arith.constant 1 : i32
        %dma_start3A_757 = arith.constant 128 : i32
        %dma_start3A_758 = arith.constant 0 : i32
        %dma_start3A_759 = tpu.memref_slice %arg9[%dma_start3A_757, %dma_start3A_758] : memref<1024x16xf32, #tpu.memory_space<vmem>> -> memref<128x16xf32, #tpu.memory_space<vmem>>
        %dma_start3A_760 = arith.constant 0 : i32
        %dma_start3A_761 = tpu.memref_slice %arg7[%dma_start3A_756, %dma_start3A_760] : memref<8x128xi32, #tpu.memory_space<vmem>> -> memref<1x128xi32, #tpu.memory_space<vmem>>
        %dma_start3A_762 = tpu.memref_squeeze %dma_start3A_761 : memref<1x128xi32, #tpu.memory_space<vmem>> -> memref<128xi32, #tpu.memory_space<vmem>>
        %dma_start3A_763 = arith.constant 0 : i32
        %dma_start3A_764 = arith.constant 0 : i32
        %dma_start3A_765 = tpu.memref_slice %arg2[%dma_start3A_763, %dma_start3A_764] : memref<10112x16xf32, #tpu.memory_space<hbm>> -> memref<10112x16xf32, #tpu.memory_space<hbm>>
        tpu.enqueue_indirect_dma source(%dma_start3A_765 : memref<10112x16xf32, #tpu.memory_space<hbm>>) target(%dma_start3A_759 : memref<128x16xf32, #tpu.memory_space<vmem>>) offsets(%dma_start3A_762 : memref<128xi32, #tpu.memory_space<vmem>>) semaphore(%arg13 : memref<!tpu.dma_semaphore, #tpu.memory_space<semaphore_mem>>)
        %dma_start3A_766 = arith.constant 1 : i32
        %dma_start3A_767 = arith.constant 128 : i32
        %dma_start3A_768 = arith.constant 0 : i32
        %dma_start3A_769 = tpu.memref_slice %arg10[%dma_start3A_767, %dma_start3A_768] : memref<1024x16xf32, #tpu.memory_space<vmem>> -> memref<128x16xf32, #tpu.memory_space<vmem>>
        %dma_start3A_770 = arith.constant 0 : i32
        %dma_start3A_771 = tpu.memref_slice %arg8[%dma_start3A_766, %dma_start3A_770] : memref<8x128xi32, #tpu.memory_space<vmem>> -> memref<1x128xi32, #tpu.memory_space<vmem>>
        %dma_start3A_772 = tpu.memref_squeeze %dma_start3A_771 : memref<1x128xi32, #tpu.memory_space<vmem>> -> memref<128xi32, #tpu.memory_space<vmem>>
        %dma_start3A_773 = arith.constant 0 : i32
        %dma_start3A_774 = arith.constant 0 : i32
        %dma_start3A_775 = tpu.memref_slice %arg2[%dma_start3A_773, %dma_start3A_774] : memref<10112x16xf32, #tpu.memory_space<hbm>> -> memref<10112x16xf32, #tpu.memory_space<hbm>>
        tpu.enqueue_indirect_dma source(%dma_start3A_775 : memref<10112x16xf32, #tpu.memory_space<hbm>>) target(%dma_start3A_769 : memref<128x16xf32, #tpu.memory_space<vmem>>) offsets(%dma_start3A_772 : memref<128xi32, #tpu.memory_space<vmem>>) semaphore(%arg13 : memref<!tpu.dma_semaphore, #tpu.memory_space<semaphore_mem>>)
        %dma_start3A_776 = arith.constant 2 : i32
        %dma_start3A_777 = arith.constant 256 : i32
        %dma_start3A_778 = arith.constant 0 : i32
        %dma_start3A_779 = tpu.memref_slice %arg9[%dma_start3A_777, %dma_start3A_778] : memref<1024x16xf32, #tpu.memory_space<vmem>> -> memref<128x16xf32, #tpu.memory_space<vmem>>
        %dma_start3A_780 = arith.constant 0 : i32
        %dma_start3A_781 = tpu.memref_slice %arg7[%dma_start3A_776, %dma_start3A_780] : memref<8x128xi32, #tpu.memory_space<vmem>> -> memref<1x128xi32, #tpu.memory_space<vmem>>
        %dma_start3A_782 = tpu.memref_squeeze %dma_start3A_781 : memref<1x128xi32, #tpu.memory_space<vmem>> -> memref<128xi32, #tpu.memory_space<vmem>>
        %dma_start3A_783 = arith.constant 0 : i32
        %dma_start3A_784 = arith.constant 0 : i32
        %dma_start3A_785 = tpu.memref_slice %arg2[%dma_start3A_783, %dma_start3A_784] : memref<10112x16xf32, #tpu.memory_space<hbm>> -> memref<10112x16xf32, #tpu.memory_space<hbm>>
        tpu.enqueue_indirect_dma source(%dma_start3A_785 : memref<10112x16xf32, #tpu.memory_space<hbm>>) target(%dma_start3A_779 : memref<128x16xf32, #tpu.memory_space<vmem>>) offsets(%dma_start3A_782 : memref<128xi32, #tpu.memory_space<vmem>>) semaphore(%arg13 : memref<!tpu.dma_semaphore, #tpu.memory_space<semaphore_mem>>)
        %dma_start3A_786 = arith.constant 2 : i32
        %dma_start3A_787 = arith.constant 256 : i32
        %dma_start3A_788 = arith.constant 0 : i32
        %dma_start3A_789 = tpu.memref_slice %arg10[%dma_start3A_787, %dma_start3A_788] : memref<1024x16xf32, #tpu.memory_space<vmem>> -> memref<128x16xf32, #tpu.memory_space<vmem>>
        %dma_start3A_790 = arith.constant 0 : i32
        %dma_start3A_791 = tpu.memref_slice %arg8[%dma_start3A_786, %dma_start3A_790] : memref<8x128xi32, #tpu.memory_space<vmem>> -> memref<1x128xi32, #tpu.memory_space<vmem>>
        %dma_start3A_792 = tpu.memref_squeeze %dma_start3A_791 : memref<1x128xi32, #tpu.memory_space<vmem>> -> memref<128xi32, #tpu.memory_space<vmem>>
        %dma_start3A_793 = arith.constant 0 : i32
        %dma_start3A_794 = arith.constant 0 : i32
        %dma_start3A_795 = tpu.memref_slice %arg2[%dma_start3A_793, %dma_start3A_794] : memref<10112x16xf32, #tpu.memory_space<hbm>> -> memref<10112x16xf32, #tpu.memory_space<hbm>>
        tpu.enqueue_indirect_dma source(%dma_start3A_795 : memref<10112x16xf32, #tpu.memory_space<hbm>>) target(%dma_start3A_789 : memref<128x16xf32, #tpu.memory_space<vmem>>) offsets(%dma_start3A_792 : memref<128xi32, #tpu.memory_space<vmem>>) semaphore(%arg13 : memref<!tpu.dma_semaphore, #tpu.memory_space<semaphore_mem>>)
        %dma_start3A_796 = arith.constant 3 : i32
        %dma_start3A_797 = arith.constant 384 : i32
        %dma_start3A_798 = arith.constant 0 : i32
        %dma_start3A_799 = tpu.memref_slice %arg9[%dma_start3A_797, %dma_start3A_798] : memref<1024x16xf32, #tpu.memory_space<vmem>> -> memref<128x16xf32, #tpu.memory_space<vmem>>
        %dma_start3A_800 = arith.constant 0 : i32
        %dma_start3A_801 = tpu.memref_slice %arg7[%dma_start3A_796, %dma_start3A_800] : memref<8x128xi32, #tpu.memory_space<vmem>> -> memref<1x128xi32, #tpu.memory_space<vmem>>
        %dma_start3A_802 = tpu.memref_squeeze %dma_start3A_801 : memref<1x128xi32, #tpu.memory_space<vmem>> -> memref<128xi32, #tpu.memory_space<vmem>>
        %dma_start3A_803 = arith.constant 0 : i32
        %dma_start3A_804 = arith.constant 0 : i32
        %dma_start3A_805 = tpu.memref_slice %arg2[%dma_start3A_803, %dma_start3A_804] : memref<10112x16xf32, #tpu.memory_space<hbm>> -> memref<10112x16xf32, #tpu.memory_space<hbm>>
        tpu.enqueue_indirect_dma source(%dma_start3A_805 : memref<10112x16xf32, #tpu.memory_space<hbm>>) target(%dma_start3A_799 : memref<128x16xf32, #tpu.memory_space<vmem>>) offsets(%dma_start3A_802 : memref<128xi32, #tpu.memory_space<vmem>>) semaphore(%arg13 : memref<!tpu.dma_semaphore, #tpu.memory_space<semaphore_mem>>)
        %dma_start3A_806 = arith.constant 3 : i32
        %dma_start3A_807 = arith.constant 384 : i32
        %dma_start3A_808 = arith.constant 0 : i32
        %dma_start3A_809 = tpu.memref_slice %arg10[%dma_start3A_807, %dma_start3A_808] : memref<1024x16xf32, #tpu.memory_space<vmem>> -> memref<128x16xf32, #tpu.memory_space<vmem>>
        %dma_start3A_810 = arith.constant 0 : i32
        %dma_start3A_811 = tpu.memref_slice %arg8[%dma_start3A_806, %dma_start3A_810] : memref<8x128xi32, #tpu.memory_space<vmem>> -> memref<1x128xi32, #tpu.memory_space<vmem>>
        %dma_start3A_812 = tpu.memref_squeeze %dma_start3A_811 : memref<1x128xi32, #tpu.memory_space<vmem>> -> memref<128xi32, #tpu.memory_space<vmem>>
        %dma_start3A_813 = arith.constant 0 : i32
        %dma_start3A_814 = arith.constant 0 : i32
        %dma_start3A_815 = tpu.memref_slice %arg2[%dma_start3A_813, %dma_start3A_814] : memref<10112x16xf32, #tpu.memory_space<hbm>> -> memref<10112x16xf32, #tpu.memory_space<hbm>>
        tpu.enqueue_indirect_dma source(%dma_start3A_815 : memref<10112x16xf32, #tpu.memory_space<hbm>>) target(%dma_start3A_809 : memref<128x16xf32, #tpu.memory_space<vmem>>) offsets(%dma_start3A_812 : memref<128xi32, #tpu.memory_space<vmem>>) semaphore(%arg13 : memref<!tpu.dma_semaphore, #tpu.memory_space<semaphore_mem>>)
        %dma_start3A_816 = arith.constant 4 : i32
        %dma_start3A_817 = arith.constant 512 : i32
        %dma_start3A_818 = arith.constant 0 : i32
        %dma_start3A_819 = tpu.memref_slice %arg9[%dma_start3A_817, %dma_start3A_818] : memref<1024x16xf32, #tpu.memory_space<vmem>> -> memref<128x16xf32, #tpu.memory_space<vmem>>
        %dma_start3A_820 = arith.constant 0 : i32
        %dma_start3A_821 = tpu.memref_slice %arg7[%dma_start3A_816, %dma_start3A_820] : memref<8x128xi32, #tpu.memory_space<vmem>> -> memref<1x128xi32, #tpu.memory_space<vmem>>
        %dma_start3A_822 = tpu.memref_squeeze %dma_start3A_821 : memref<1x128xi32, #tpu.memory_space<vmem>> -> memref<128xi32, #tpu.memory_space<vmem>>
        %dma_start3A_823 = arith.constant 0 : i32
        %dma_start3A_824 = arith.constant 0 : i32
        %dma_start3A_825 = tpu.memref_slice %arg2[%dma_start3A_823, %dma_start3A_824] : memref<10112x16xf32, #tpu.memory_space<hbm>> -> memref<10112x16xf32, #tpu.memory_space<hbm>>
        tpu.enqueue_indirect_dma source(%dma_start3A_825 : memref<10112x16xf32, #tpu.memory_space<hbm>>) target(%dma_start3A_819 : memref<128x16xf32, #tpu.memory_space<vmem>>) offsets(%dma_start3A_822 : memref<128xi32, #tpu.memory_space<vmem>>) semaphore(%arg13 : memref<!tpu.dma_semaphore, #tpu.memory_space<semaphore_mem>>)
        %dma_start3A_826 = arith.constant 4 : i32
        %dma_start3A_827 = arith.constant 512 : i32
        %dma_start3A_828 = arith.constant 0 : i32
        %dma_start3A_829 = tpu.memref_slice %arg10[%dma_start3A_827, %dma_start3A_828] : memref<1024x16xf32, #tpu.memory_space<vmem>> -> memref<128x16xf32, #tpu.memory_space<vmem>>
        %dma_start3A_830 = arith.constant 0 : i32
        %dma_start3A_831 = tpu.memref_slice %arg8[%dma_start3A_826, %dma_start3A_830] : memref<8x128xi32, #tpu.memory_space<vmem>> -> memref<1x128xi32, #tpu.memory_space<vmem>>
        %dma_start3A_832 = tpu.memref_squeeze %dma_start3A_831 : memref<1x128xi32, #tpu.memory_space<vmem>> -> memref<128xi32, #tpu.memory_space<vmem>>
        %dma_start3A_833 = arith.constant 0 : i32
        %dma_start3A_834 = arith.constant 0 : i32
        %dma_start3A_835 = tpu.memref_slice %arg2[%dma_start3A_833, %dma_start3A_834] : memref<10112x16xf32, #tpu.memory_space<hbm>> -> memref<10112x16xf32, #tpu.memory_space<hbm>>
        tpu.enqueue_indirect_dma source(%dma_start3A_835 : memref<10112x16xf32, #tpu.memory_space<hbm>>) target(%dma_start3A_829 : memref<128x16xf32, #tpu.memory_space<vmem>>) offsets(%dma_start3A_832 : memref<128xi32, #tpu.memory_space<vmem>>) semaphore(%arg13 : memref<!tpu.dma_semaphore, #tpu.memory_space<semaphore_mem>>)
        %dma_start3A_836 = arith.constant 5 : i32
        %dma_start3A_837 = arith.constant 640 : i32
        %dma_start3A_838 = arith.constant 0 : i32
        %dma_start3A_839 = tpu.memref_slice %arg9[%dma_start3A_837, %dma_start3A_838] : memref<1024x16xf32, #tpu.memory_space<vmem>> -> memref<128x16xf32, #tpu.memory_space<vmem>>
        %dma_start3A_840 = arith.constant 0 : i32
        %dma_start3A_841 = tpu.memref_slice %arg7[%dma_start3A_836, %dma_start3A_840] : memref<8x128xi32, #tpu.memory_space<vmem>> -> memref<1x128xi32, #tpu.memory_space<vmem>>
        %dma_start3A_842 = tpu.memref_squeeze %dma_start3A_841 : memref<1x128xi32, #tpu.memory_space<vmem>> -> memref<128xi32, #tpu.memory_space<vmem>>
        %dma_start3A_843 = arith.constant 0 : i32
        %dma_start3A_844 = arith.constant 0 : i32
        %dma_start3A_845 = tpu.memref_slice %arg2[%dma_start3A_843, %dma_start3A_844] : memref<10112x16xf32, #tpu.memory_space<hbm>> -> memref<10112x16xf32, #tpu.memory_space<hbm>>
        tpu.enqueue_indirect_dma source(%dma_start3A_845 : memref<10112x16xf32, #tpu.memory_space<hbm>>) target(%dma_start3A_839 : memref<128x16xf32, #tpu.memory_space<vmem>>) offsets(%dma_start3A_842 : memref<128xi32, #tpu.memory_space<vmem>>) semaphore(%arg13 : memref<!tpu.dma_semaphore, #tpu.memory_space<semaphore_mem>>)
        %dma_start3A_846 = arith.constant 5 : i32
        %dma_start3A_847 = arith.constant 640 : i32
        %dma_start3A_848 = arith.constant 0 : i32
        %dma_start3A_849 = tpu.memref_slice %arg10[%dma_start3A_847, %dma_start3A_848] : memref<1024x16xf32, #tpu.memory_space<vmem>> -> memref<128x16xf32, #tpu.memory_space<vmem>>
        %dma_start3A_850 = arith.constant 0 : i32
        %dma_start3A_851 = tpu.memref_slice %arg8[%dma_start3A_846, %dma_start3A_850] : memref<8x128xi32, #tpu.memory_space<vmem>> -> memref<1x128xi32, #tpu.memory_space<vmem>>
        %dma_start3A_852 = tpu.memref_squeeze %dma_start3A_851 : memref<1x128xi32, #tpu.memory_space<vmem>> -> memref<128xi32, #tpu.memory_space<vmem>>
        %dma_start3A_853 = arith.constant 0 : i32
        %dma_start3A_854 = arith.constant 0 : i32
        %dma_start3A_855 = tpu.memref_slice %arg2[%dma_start3A_853, %dma_start3A_854] : memref<10112x16xf32, #tpu.memory_space<hbm>> -> memref<10112x16xf32, #tpu.memory_space<hbm>>
        tpu.enqueue_indirect_dma source(%dma_start3A_855 : memref<10112x16xf32, #tpu.memory_space<hbm>>) target(%dma_start3A_849 : memref<128x16xf32, #tpu.memory_space<vmem>>) offsets(%dma_start3A_852 : memref<128xi32, #tpu.memory_space<vmem>>) semaphore(%arg13 : memref<!tpu.dma_semaphore, #tpu.memory_space<semaphore_mem>>)
        %dma_start3A_856 = arith.constant 6 : i32
        %dma_start3A_857 = arith.constant 768 : i32
        %dma_start3A_858 = arith.constant 0 : i32
        %dma_start3A_859 = tpu.memref_slice %arg9[%dma_start3A_857, %dma_start3A_858] : memref<1024x16xf32, #tpu.memory_space<vmem>> -> memref<128x16xf32, #tpu.memory_space<vmem>>
        %dma_start3A_860 = arith.constant 0 : i32
        %dma_start3A_861 = tpu.memref_slice %arg7[%dma_start3A_856, %dma_start3A_860] : memref<8x128xi32, #tpu.memory_space<vmem>> -> memref<1x128xi32, #tpu.memory_space<vmem>>
        %dma_start3A_862 = tpu.memref_squeeze %dma_start3A_861 : memref<1x128xi32, #tpu.memory_space<vmem>> -> memref<128xi32, #tpu.memory_space<vmem>>
        %dma_start3A_863 = arith.constant 0 : i32
        %dma_start3A_864 = arith.constant 0 : i32
        %dma_start3A_865 = tpu.memref_slice %arg2[%dma_start3A_863, %dma_start3A_864] : memref<10112x16xf32, #tpu.memory_space<hbm>> -> memref<10112x16xf32, #tpu.memory_space<hbm>>
        tpu.enqueue_indirect_dma source(%dma_start3A_865 : memref<10112x16xf32, #tpu.memory_space<hbm>>) target(%dma_start3A_859 : memref<128x16xf32, #tpu.memory_space<vmem>>) offsets(%dma_start3A_862 : memref<128xi32, #tpu.memory_space<vmem>>) semaphore(%arg13 : memref<!tpu.dma_semaphore, #tpu.memory_space<semaphore_mem>>)
        %dma_start3A_866 = arith.constant 6 : i32
        %dma_start3A_867 = arith.constant 768 : i32
        %dma_start3A_868 = arith.constant 0 : i32
        %dma_start3A_869 = tpu.memref_slice %arg10[%dma_start3A_867, %dma_start3A_868] : memref<1024x16xf32, #tpu.memory_space<vmem>> -> memref<128x16xf32, #tpu.memory_space<vmem>>
        %dma_start3A_870 = arith.constant 0 : i32
        %dma_start3A_871 = tpu.memref_slice %arg8[%dma_start3A_866, %dma_start3A_870] : memref<8x128xi32, #tpu.memory_space<vmem>> -> memref<1x128xi32, #tpu.memory_space<vmem>>
        %dma_start3A_872 = tpu.memref_squeeze %dma_start3A_871 : memref<1x128xi32, #tpu.memory_space<vmem>> -> memref<128xi32, #tpu.memory_space<vmem>>
        %dma_start3A_873 = arith.constant 0 : i32
        %dma_start3A_874 = arith.constant 0 : i32
        %dma_start3A_875 = tpu.memref_slice %arg2[%dma_start3A_873, %dma_start3A_874] : memref<10112x16xf32, #tpu.memory_space<hbm>> -> memref<10112x16xf32, #tpu.memory_space<hbm>>
        tpu.enqueue_indirect_dma source(%dma_start3A_875 : memref<10112x16xf32, #tpu.memory_space<hbm>>) target(%dma_start3A_869 : memref<128x16xf32, #tpu.memory_space<vmem>>) offsets(%dma_start3A_872 : memref<128xi32, #tpu.memory_space<vmem>>) semaphore(%arg13 : memref<!tpu.dma_semaphore, #tpu.memory_space<semaphore_mem>>)
        %dma_start3A_876 = arith.constant 7 : i32
        %dma_start3A_877 = arith.constant 896 : i32
        %dma_start3A_878 = arith.constant 0 : i32
        %dma_start3A_879 = tpu.memref_slice %arg9[%dma_start3A_877, %dma_start3A_878] : memref<1024x16xf32, #tpu.memory_space<vmem>> -> memref<128x16xf32, #tpu.memory_space<vmem>>
        %dma_start3A_880 = arith.constant 0 : i32
        %dma_start3A_881 = tpu.memref_slice %arg7[%dma_start3A_876, %dma_start3A_880] : memref<8x128xi32, #tpu.memory_space<vmem>> -> memref<1x128xi32, #tpu.memory_space<vmem>>
        %dma_start3A_882 = tpu.memref_squeeze %dma_start3A_881 : memref<1x128xi32, #tpu.memory_space<vmem>> -> memref<128xi32, #tpu.memory_space<vmem>>
        %dma_start3A_883 = arith.constant 0 : i32
        %dma_start3A_884 = arith.constant 0 : i32
        %dma_start3A_885 = tpu.memref_slice %arg2[%dma_start3A_883, %dma_start3A_884] : memref<10112x16xf32, #tpu.memory_space<hbm>> -> memref<10112x16xf32, #tpu.memory_space<hbm>>
        tpu.enqueue_indirect_dma source(%dma_start3A_885 : memref<10112x16xf32, #tpu.memory_space<hbm>>) target(%dma_start3A_879 : memref<128x16xf32, #tpu.memory_space<vmem>>) offsets(%dma_start3A_882 : memref<128xi32, #tpu.memory_space<vmem>>) semaphore(%arg13 : memref<!tpu.dma_semaphore, #tpu.memory_space<semaphore_mem>>)
        %dma_start3A_886 = arith.constant 7 : i32
        %dma_start3A_887 = arith.constant 896 : i32
        %dma_start3A_888 = arith.constant 0 : i32
        %dma_start3A_889 = tpu.memref_slice %arg10[%dma_start3A_887, %dma_start3A_888] : memref<1024x16xf32, #tpu.memory_space<vmem>> -> memref<128x16xf32, #tpu.memory_space<vmem>>
        %dma_start3A_890 = arith.constant 0 : i32
        %dma_start3A_891 = tpu.memref_slice %arg8[%dma_start3A_886, %dma_start3A_890] : memref<8x128xi32, #tpu.memory_space<vmem>> -> memref<1x128xi32, #tpu.memory_space<vmem>>
        %dma_start3A_892 = tpu.memref_squeeze %dma_start3A_891 : memref<1x128xi32, #tpu.memory_space<vmem>> -> memref<128xi32, #tpu.memory_space<vmem>>
        %dma_start3A_893 = arith.constant 0 : i32
        %dma_start3A_894 = arith.constant 0 : i32
        %dma_start3A_895 = tpu.memref_slice %arg2[%dma_start3A_893, %dma_start3A_894] : memref<10112x16xf32, #tpu.memory_space<hbm>> -> memref<10112x16xf32, #tpu.memory_space<hbm>>
        tpu.enqueue_indirect_dma source(%dma_start3A_895 : memref<10112x16xf32, #tpu.memory_space<hbm>>) target(%dma_start3A_889 : memref<128x16xf32, #tpu.memory_space<vmem>>) offsets(%dma_start3A_892 : memref<128xi32, #tpu.memory_space<vmem>>) semaphore(%arg13 : memref<!tpu.dma_semaphore, #tpu.memory_space<semaphore_mem>>)
      } else {
      }
      %dma_wait3A_545 = arith.constant 0 : i32
      %dma_wait3A_546 = arith.constant 0 : i32
      %dma_wait3A_547 = arith.constant 0 : i32
      %dma_wait3A_548 = tpu.memref_slice %arg18[%dma_wait3A_546, %dma_wait3A_547] : memref<1024x16xf32, #tpu.memory_space<vmem>> -> memref<128x16xf32, #tpu.memory_space<vmem>>
      %dma_wait3A_549 = arith.constant 0 : i32
      %dma_wait3A_550 = tpu.memref_slice %arg16[%dma_wait3A_545, %dma_wait3A_549] : memref<8x128xi32, #tpu.memory_space<vmem>> -> memref<1x128xi32, #tpu.memory_space<vmem>>
      %dma_wait3A_551 = tpu.memref_squeeze %dma_wait3A_550 : memref<1x128xi32, #tpu.memory_space<vmem>> -> memref<128xi32, #tpu.memory_space<vmem>>
      %dma_wait3A_552 = arith.constant 0 : i32
      %dma_wait3A_553 = arith.constant 0 : i32
      %dma_wait3A_554 = tpu.memref_slice %arg2[%dma_wait3A_552, %dma_wait3A_553] : memref<10112x16xf32, #tpu.memory_space<hbm>> -> memref<10112x16xf32, #tpu.memory_space<hbm>>
      tpu.wait_indirect_dma semaphore(%arg22 : memref<!tpu.dma_semaphore, #tpu.memory_space<semaphore_mem>>) src(%dma_wait3A_554 : memref<10112x16xf32, #tpu.memory_space<hbm>>) dst(%dma_wait3A_548 : memref<128x16xf32, #tpu.memory_space<vmem>>)
      %dma_wait3A_555 = arith.constant 0 : i32
      %dma_wait3A_556 = arith.constant 0 : i32
      %dma_wait3A_557 = arith.constant 0 : i32
      %dma_wait3A_558 = tpu.memref_slice %arg19[%dma_wait3A_556, %dma_wait3A_557] : memref<1024x16xf32, #tpu.memory_space<vmem>> -> memref<128x16xf32, #tpu.memory_space<vmem>>
      %dma_wait3A_559 = arith.constant 0 : i32
      %dma_wait3A_560 = tpu.memref_slice %arg16[%dma_wait3A_555, %dma_wait3A_559] : memref<8x128xi32, #tpu.memory_space<vmem>> -> memref<1x128xi32, #tpu.memory_space<vmem>>
      %dma_wait3A_561 = tpu.memref_squeeze %dma_wait3A_560 : memref<1x128xi32, #tpu.memory_space<vmem>> -> memref<128xi32, #tpu.memory_space<vmem>>
      %dma_wait3A_562 = arith.constant 0 : i32
      %dma_wait3A_563 = arith.constant 0 : i32
      %dma_wait3A_564 = tpu.memref_slice %arg2[%dma_wait3A_562, %dma_wait3A_563] : memref<10112x16xf32, #tpu.memory_space<hbm>> -> memref<10112x16xf32, #tpu.memory_space<hbm>>
      tpu.wait_indirect_dma semaphore(%arg22 : memref<!tpu.dma_semaphore, #tpu.memory_space<semaphore_mem>>) src(%dma_wait3A_564 : memref<10112x16xf32, #tpu.memory_space<hbm>>) dst(%dma_wait3A_558 : memref<128x16xf32, #tpu.memory_space<vmem>>)
      %dma_wait3A_565 = arith.constant 1 : i32
      %dma_wait3A_566 = arith.constant 128 : i32
      %dma_wait3A_567 = arith.constant 0 : i32
      %dma_wait3A_568 = tpu.memref_slice %arg18[%dma_wait3A_566, %dma_wait3A_567] : memref<1024x16xf32, #tpu.memory_space<vmem>> -> memref<128x16xf32, #tpu.memory_space<vmem>>
      %dma_wait3A_569 = arith.constant 0 : i32
      %dma_wait3A_570 = tpu.memref_slice %arg16[%dma_wait3A_565, %dma_wait3A_569] : memref<8x128xi32, #tpu.memory_space<vmem>> -> memref<1x128xi32, #tpu.memory_space<vmem>>
      %dma_wait3A_571 = tpu.memref_squeeze %dma_wait3A_570 : memref<1x128xi32, #tpu.memory_space<vmem>> -> memref<128xi32, #tpu.memory_space<vmem>>
      %dma_wait3A_572 = arith.constant 0 : i32
      %dma_wait3A_573 = arith.constant 0 : i32
      %dma_wait3A_574 = tpu.memref_slice %arg2[%dma_wait3A_572, %dma_wait3A_573] : memref<10112x16xf32, #tpu.memory_space<hbm>> -> memref<10112x16xf32, #tpu.memory_space<hbm>>
      tpu.wait_indirect_dma semaphore(%arg22 : memref<!tpu.dma_semaphore, #tpu.memory_space<semaphore_mem>>) src(%dma_wait3A_574 : memref<10112x16xf32, #tpu.memory_space<hbm>>) dst(%dma_wait3A_568 : memref<128x16xf32, #tpu.memory_space<vmem>>)
      %dma_wait3A_575 = arith.constant 1 : i32
      %dma_wait3A_576 = arith.constant 128 : i32
      %dma_wait3A_577 = arith.constant 0 : i32
      %dma_wait3A_578 = tpu.memref_slice %arg19[%dma_wait3A_576, %dma_wait3A_577] : memref<1024x16xf32, #tpu.memory_space<vmem>> -> memref<128x16xf32, #tpu.memory_space<vmem>>
      %dma_wait3A_579 = arith.constant 0 : i32
      %dma_wait3A_580 = tpu.memref_slice %arg16[%dma_wait3A_575, %dma_wait3A_579] : memref<8x128xi32, #tpu.memory_space<vmem>> -> memref<1x128xi32, #tpu.memory_space<vmem>>
      %dma_wait3A_581 = tpu.memref_squeeze %dma_wait3A_580 : memref<1x128xi32, #tpu.memory_space<vmem>> -> memref<128xi32, #tpu.memory_space<vmem>>
      %dma_wait3A_582 = arith.constant 0 : i32
      %dma_wait3A_583 = arith.constant 0 : i32
      %dma_wait3A_584 = tpu.memref_slice %arg2[%dma_wait3A_582, %dma_wait3A_583] : memref<10112x16xf32, #tpu.memory_space<hbm>> -> memref<10112x16xf32, #tpu.memory_space<hbm>>
      tpu.wait_indirect_dma semaphore(%arg22 : memref<!tpu.dma_semaphore, #tpu.memory_space<semaphore_mem>>) src(%dma_wait3A_584 : memref<10112x16xf32, #tpu.memory_space<hbm>>) dst(%dma_wait3A_578 : memref<128x16xf32, #tpu.memory_space<vmem>>)
      %dma_wait3A_585 = arith.constant 2 : i32
      %dma_wait3A_586 = arith.constant 256 : i32
      %dma_wait3A_587 = arith.constant 0 : i32
      %dma_wait3A_588 = tpu.memref_slice %arg18[%dma_wait3A_586, %dma_wait3A_587] : memref<1024x16xf32, #tpu.memory_space<vmem>> -> memref<128x16xf32, #tpu.memory_space<vmem>>
      %dma_wait3A_589 = arith.constant 0 : i32
      %dma_wait3A_590 = tpu.memref_slice %arg16[%dma_wait3A_585, %dma_wait3A_589] : memref<8x128xi32, #tpu.memory_space<vmem>> -> memref<1x128xi32, #tpu.memory_space<vmem>>
      %dma_wait3A_591 = tpu.memref_squeeze %dma_wait3A_590 : memref<1x128xi32, #tpu.memory_space<vmem>> -> memref<128xi32, #tpu.memory_space<vmem>>
      %dma_wait3A_592 = arith.constant 0 : i32
      %dma_wait3A_593 = arith.constant 0 : i32
      %dma_wait3A_594 = tpu.memref_slice %arg2[%dma_wait3A_592, %dma_wait3A_593] : memref<10112x16xf32, #tpu.memory_space<hbm>> -> memref<10112x16xf32, #tpu.memory_space<hbm>>
      tpu.wait_indirect_dma semaphore(%arg22 : memref<!tpu.dma_semaphore, #tpu.memory_space<semaphore_mem>>) src(%dma_wait3A_594 : memref<10112x16xf32, #tpu.memory_space<hbm>>) dst(%dma_wait3A_588 : memref<128x16xf32, #tpu.memory_space<vmem>>)
      %dma_wait3A_595 = arith.constant 2 : i32
      %dma_wait3A_596 = arith.constant 256 : i32
      %dma_wait3A_597 = arith.constant 0 : i32
      %dma_wait3A_598 = tpu.memref_slice %arg19[%dma_wait3A_596, %dma_wait3A_597] : memref<1024x16xf32, #tpu.memory_space<vmem>> -> memref<128x16xf32, #tpu.memory_space<vmem>>
      %dma_wait3A_599 = arith.constant 0 : i32
      %dma_wait3A_600 = tpu.memref_slice %arg16[%dma_wait3A_595, %dma_wait3A_599] : memref<8x128xi32, #tpu.memory_space<vmem>> -> memref<1x128xi32, #tpu.memory_space<vmem>>
      %dma_wait3A_601 = tpu.memref_squeeze %dma_wait3A_600 : memref<1x128xi32, #tpu.memory_space<vmem>> -> memref<128xi32, #tpu.memory_space<vmem>>
      %dma_wait3A_602 = arith.constant 0 : i32
      %dma_wait3A_603 = arith.constant 0 : i32
      %dma_wait3A_604 = tpu.memref_slice %arg2[%dma_wait3A_602, %dma_wait3A_603] : memref<10112x16xf32, #tpu.memory_space<hbm>> -> memref<10112x16xf32, #tpu.memory_space<hbm>>
      tpu.wait_indirect_dma semaphore(%arg22 : memref<!tpu.dma_semaphore, #tpu.memory_space<semaphore_mem>>) src(%dma_wait3A_604 : memref<10112x16xf32, #tpu.memory_space<hbm>>) dst(%dma_wait3A_598 : memref<128x16xf32, #tpu.memory_space<vmem>>)
      %dma_wait3A_605 = arith.constant 3 : i32
      %dma_wait3A_606 = arith.constant 384 : i32
      %dma_wait3A_607 = arith.constant 0 : i32
      %dma_wait3A_608 = tpu.memref_slice %arg18[%dma_wait3A_606, %dma_wait3A_607] : memref<1024x16xf32, #tpu.memory_space<vmem>> -> memref<128x16xf32, #tpu.memory_space<vmem>>
      %dma_wait3A_609 = arith.constant 0 : i32
      %dma_wait3A_610 = tpu.memref_slice %arg16[%dma_wait3A_605, %dma_wait3A_609] : memref<8x128xi32, #tpu.memory_space<vmem>> -> memref<1x128xi32, #tpu.memory_space<vmem>>
      %dma_wait3A_611 = tpu.memref_squeeze %dma_wait3A_610 : memref<1x128xi32, #tpu.memory_space<vmem>> -> memref<128xi32, #tpu.memory_space<vmem>>
      %dma_wait3A_612 = arith.constant 0 : i32
      %dma_wait3A_613 = arith.constant 0 : i32
      %dma_wait3A_614 = tpu.memref_slice %arg2[%dma_wait3A_612, %dma_wait3A_613] : memref<10112x16xf32, #tpu.memory_space<hbm>> -> memref<10112x16xf32, #tpu.memory_space<hbm>>
      tpu.wait_indirect_dma semaphore(%arg22 : memref<!tpu.dma_semaphore, #tpu.memory_space<semaphore_mem>>) src(%dma_wait3A_614 : memref<10112x16xf32, #tpu.memory_space<hbm>>) dst(%dma_wait3A_608 : memref<128x16xf32, #tpu.memory_space<vmem>>)
      %dma_wait3A_615 = arith.constant 3 : i32
      %dma_wait3A_616 = arith.constant 384 : i32
      %dma_wait3A_617 = arith.constant 0 : i32
      %dma_wait3A_618 = tpu.memref_slice %arg19[%dma_wait3A_616, %dma_wait3A_617] : memref<1024x16xf32, #tpu.memory_space<vmem>> -> memref<128x16xf32, #tpu.memory_space<vmem>>
      %dma_wait3A_619 = arith.constant 0 : i32
      %dma_wait3A_620 = tpu.memref_slice %arg16[%dma_wait3A_615, %dma_wait3A_619] : memref<8x128xi32, #tpu.memory_space<vmem>> -> memref<1x128xi32, #tpu.memory_space<vmem>>
      %dma_wait3A_621 = tpu.memref_squeeze %dma_wait3A_620 : memref<1x128xi32, #tpu.memory_space<vmem>> -> memref<128xi32, #tpu.memory_space<vmem>>
      %dma_wait3A_622 = arith.constant 0 : i32
      %dma_wait3A_623 = arith.constant 0 : i32
      %dma_wait3A_624 = tpu.memref_slice %arg2[%dma_wait3A_622, %dma_wait3A_623] : memref<10112x16xf32, #tpu.memory_space<hbm>> -> memref<10112x16xf32, #tpu.memory_space<hbm>>
      tpu.wait_indirect_dma semaphore(%arg22 : memref<!tpu.dma_semaphore, #tpu.memory_space<semaphore_mem>>) src(%dma_wait3A_624 : memref<10112x16xf32, #tpu.memory_space<hbm>>) dst(%dma_wait3A_618 : memref<128x16xf32, #tpu.memory_space<vmem>>)
      %dma_wait3A_625 = arith.constant 4 : i32
      %dma_wait3A_626 = arith.constant 512 : i32
      %dma_wait3A_627 = arith.constant 0 : i32
      %dma_wait3A_628 = tpu.memref_slice %arg18[%dma_wait3A_626, %dma_wait3A_627] : memref<1024x16xf32, #tpu.memory_space<vmem>> -> memref<128x16xf32, #tpu.memory_space<vmem>>
      %dma_wait3A_629 = arith.constant 0 : i32
      %dma_wait3A_630 = tpu.memref_slice %arg16[%dma_wait3A_625, %dma_wait3A_629] : memref<8x128xi32, #tpu.memory_space<vmem>> -> memref<1x128xi32, #tpu.memory_space<vmem>>
      %dma_wait3A_631 = tpu.memref_squeeze %dma_wait3A_630 : memref<1x128xi32, #tpu.memory_space<vmem>> -> memref<128xi32, #tpu.memory_space<vmem>>
      %dma_wait3A_632 = arith.constant 0 : i32
      %dma_wait3A_633 = arith.constant 0 : i32
      %dma_wait3A_634 = tpu.memref_slice %arg2[%dma_wait3A_632, %dma_wait3A_633] : memref<10112x16xf32, #tpu.memory_space<hbm>> -> memref<10112x16xf32, #tpu.memory_space<hbm>>
      tpu.wait_indirect_dma semaphore(%arg22 : memref<!tpu.dma_semaphore, #tpu.memory_space<semaphore_mem>>) src(%dma_wait3A_634 : memref<10112x16xf32, #tpu.memory_space<hbm>>) dst(%dma_wait3A_628 : memref<128x16xf32, #tpu.memory_space<vmem>>)
      %dma_wait3A_635 = arith.constant 4 : i32
      %dma_wait3A_636 = arith.constant 512 : i32
      %dma_wait3A_637 = arith.constant 0 : i32
      %dma_wait3A_638 = tpu.memref_slice %arg19[%dma_wait3A_636, %dma_wait3A_637] : memref<1024x16xf32, #tpu.memory_space<vmem>> -> memref<128x16xf32, #tpu.memory_space<vmem>>
      %dma_wait3A_639 = arith.constant 0 : i32
      %dma_wait3A_640 = tpu.memref_slice %arg16[%dma_wait3A_635, %dma_wait3A_639] : memref<8x128xi32, #tpu.memory_space<vmem>> -> memref<1x128xi32, #tpu.memory_space<vmem>>
      %dma_wait3A_641 = tpu.memref_squeeze %dma_wait3A_640 : memref<1x128xi32, #tpu.memory_space<vmem>> -> memref<128xi32, #tpu.memory_space<vmem>>
      %dma_wait3A_642 = arith.constant 0 : i32
      %dma_wait3A_643 = arith.constant 0 : i32
      %dma_wait3A_644 = tpu.memref_slice %arg2[%dma_wait3A_642, %dma_wait3A_643] : memref<10112x16xf32, #tpu.memory_space<hbm>> -> memref<10112x16xf32, #tpu.memory_space<hbm>>
      tpu.wait_indirect_dma semaphore(%arg22 : memref<!tpu.dma_semaphore, #tpu.memory_space<semaphore_mem>>) src(%dma_wait3A_644 : memref<10112x16xf32, #tpu.memory_space<hbm>>) dst(%dma_wait3A_638 : memref<128x16xf32, #tpu.memory_space<vmem>>)
      %dma_wait3A_645 = arith.constant 5 : i32
      %dma_wait3A_646 = arith.constant 640 : i32
      %dma_wait3A_647 = arith.constant 0 : i32
      %dma_wait3A_648 = tpu.memref_slice %arg18[%dma_wait3A_646, %dma_wait3A_647] : memref<1024x16xf32, #tpu.memory_space<vmem>> -> memref<128x16xf32, #tpu.memory_space<vmem>>
      %dma_wait3A_649 = arith.constant 0 : i32
      %dma_wait3A_650 = tpu.memref_slice %arg16[%dma_wait3A_645, %dma_wait3A_649] : memref<8x128xi32, #tpu.memory_space<vmem>> -> memref<1x128xi32, #tpu.memory_space<vmem>>
      %dma_wait3A_651 = tpu.memref_squeeze %dma_wait3A_650 : memref<1x128xi32, #tpu.memory_space<vmem>> -> memref<128xi32, #tpu.memory_space<vmem>>
      %dma_wait3A_652 = arith.constant 0 : i32
      %dma_wait3A_653 = arith.constant 0 : i32
      %dma_wait3A_654 = tpu.memref_slice %arg2[%dma_wait3A_652, %dma_wait3A_653] : memref<10112x16xf32, #tpu.memory_space<hbm>> -> memref<10112x16xf32, #tpu.memory_space<hbm>>
      tpu.wait_indirect_dma semaphore(%arg22 : memref<!tpu.dma_semaphore, #tpu.memory_space<semaphore_mem>>) src(%dma_wait3A_654 : memref<10112x16xf32, #tpu.memory_space<hbm>>) dst(%dma_wait3A_648 : memref<128x16xf32, #tpu.memory_space<vmem>>)
      %dma_wait3A_655 = arith.constant 5 : i32
      %dma_wait3A_656 = arith.constant 640 : i32
      %dma_wait3A_657 = arith.constant 0 : i32
      %dma_wait3A_658 = tpu.memref_slice %arg19[%dma_wait3A_656, %dma_wait3A_657] : memref<1024x16xf32, #tpu.memory_space<vmem>> -> memref<128x16xf32, #tpu.memory_space<vmem>>
      %dma_wait3A_659 = arith.constant 0 : i32
      %dma_wait3A_660 = tpu.memref_slice %arg16[%dma_wait3A_655, %dma_wait3A_659] : memref<8x128xi32, #tpu.memory_space<vmem>> -> memref<1x128xi32, #tpu.memory_space<vmem>>
      %dma_wait3A_661 = tpu.memref_squeeze %dma_wait3A_660 : memref<1x128xi32, #tpu.memory_space<vmem>> -> memref<128xi32, #tpu.memory_space<vmem>>
      %dma_wait3A_662 = arith.constant 0 : i32
      %dma_wait3A_663 = arith.constant 0 : i32
      %dma_wait3A_664 = tpu.memref_slice %arg2[%dma_wait3A_662, %dma_wait3A_663] : memref<10112x16xf32, #tpu.memory_space<hbm>> -> memref<10112x16xf32, #tpu.memory_space<hbm>>
      tpu.wait_indirect_dma semaphore(%arg22 : memref<!tpu.dma_semaphore, #tpu.memory_space<semaphore_mem>>) src(%dma_wait3A_664 : memref<10112x16xf32, #tpu.memory_space<hbm>>) dst(%dma_wait3A_658 : memref<128x16xf32, #tpu.memory_space<vmem>>)
      %dma_wait3A_665 = arith.constant 6 : i32
      %dma_wait3A_666 = arith.constant 768 : i32
      %dma_wait3A_667 = arith.constant 0 : i32
      %dma_wait3A_668 = tpu.memref_slice %arg18[%dma_wait3A_666, %dma_wait3A_667] : memref<1024x16xf32, #tpu.memory_space<vmem>> -> memref<128x16xf32, #tpu.memory_space<vmem>>
      %dma_wait3A_669 = arith.constant 0 : i32
      %dma_wait3A_670 = tpu.memref_slice %arg16[%dma_wait3A_665, %dma_wait3A_669] : memref<8x128xi32, #tpu.memory_space<vmem>> -> memref<1x128xi32, #tpu.memory_space<vmem>>
      %dma_wait3A_671 = tpu.memref_squeeze %dma_wait3A_670 : memref<1x128xi32, #tpu.memory_space<vmem>> -> memref<128xi32, #tpu.memory_space<vmem>>
      %dma_wait3A_672 = arith.constant 0 : i32
      %dma_wait3A_673 = arith.constant 0 : i32
      %dma_wait3A_674 = tpu.memref_slice %arg2[%dma_wait3A_672, %dma_wait3A_673] : memref<10112x16xf32, #tpu.memory_space<hbm>> -> memref<10112x16xf32, #tpu.memory_space<hbm>>
      tpu.wait_indirect_dma semaphore(%arg22 : memref<!tpu.dma_semaphore, #tpu.memory_space<semaphore_mem>>) src(%dma_wait3A_674 : memref<10112x16xf32, #tpu.memory_space<hbm>>) dst(%dma_wait3A_668 : memref<128x16xf32, #tpu.memory_space<vmem>>)
      %dma_wait3A_675 = arith.constant 6 : i32
      %dma_wait3A_676 = arith.constant 768 : i32
      %dma_wait3A_677 = arith.constant 0 : i32
      %dma_wait3A_678 = tpu.memref_slice %arg19[%dma_wait3A_676, %dma_wait3A_677] : memref<1024x16xf32, #tpu.memory_space<vmem>> -> memref<128x16xf32, #tpu.memory_space<vmem>>
      %dma_wait3A_679 = arith.constant 0 : i32
      %dma_wait3A_680 = tpu.memref_slice %arg16[%dma_wait3A_675, %dma_wait3A_679] : memref<8x128xi32, #tpu.memory_space<vmem>> -> memref<1x128xi32, #tpu.memory_space<vmem>>
      %dma_wait3A_681 = tpu.memref_squeeze %dma_wait3A_680 : memref<1x128xi32, #tpu.memory_space<vmem>> -> memref<128xi32, #tpu.memory_space<vmem>>
      %dma_wait3A_682 = arith.constant 0 : i32
      %dma_wait3A_683 = arith.constant 0 : i32
      %dma_wait3A_684 = tpu.memref_slice %arg2[%dma_wait3A_682, %dma_wait3A_683] : memref<10112x16xf32, #tpu.memory_space<hbm>> -> memref<10112x16xf32, #tpu.memory_space<hbm>>
      tpu.wait_indirect_dma semaphore(%arg22 : memref<!tpu.dma_semaphore, #tpu.memory_space<semaphore_mem>>) src(%dma_wait3A_684 : memref<10112x16xf32, #tpu.memory_space<hbm>>) dst(%dma_wait3A_678 : memref<128x16xf32, #tpu.memory_space<vmem>>)
      %dma_wait3A_685 = arith.constant 7 : i32
      %dma_wait3A_686 = arith.constant 896 : i32
      %dma_wait3A_687 = arith.constant 0 : i32
      %dma_wait3A_688 = tpu.memref_slice %arg18[%dma_wait3A_686, %dma_wait3A_687] : memref<1024x16xf32, #tpu.memory_space<vmem>> -> memref<128x16xf32, #tpu.memory_space<vmem>>
      %dma_wait3A_689 = arith.constant 0 : i32
      %dma_wait3A_690 = tpu.memref_slice %arg16[%dma_wait3A_685, %dma_wait3A_689] : memref<8x128xi32, #tpu.memory_space<vmem>> -> memref<1x128xi32, #tpu.memory_space<vmem>>
      %dma_wait3A_691 = tpu.memref_squeeze %dma_wait3A_690 : memref<1x128xi32, #tpu.memory_space<vmem>> -> memref<128xi32, #tpu.memory_space<vmem>>
      %dma_wait3A_692 = arith.constant 0 : i32
      %dma_wait3A_693 = arith.constant 0 : i32
      %dma_wait3A_694 = tpu.memref_slice %arg2[%dma_wait3A_692, %dma_wait3A_693] : memref<10112x16xf32, #tpu.memory_space<hbm>> -> memref<10112x16xf32, #tpu.memory_space<hbm>>
      tpu.wait_indirect_dma semaphore(%arg22 : memref<!tpu.dma_semaphore, #tpu.memory_space<semaphore_mem>>) src(%dma_wait3A_694 : memref<10112x16xf32, #tpu.memory_space<hbm>>) dst(%dma_wait3A_688 : memref<128x16xf32, #tpu.memory_space<vmem>>)
      %dma_wait3A_695 = arith.constant 7 : i32
      %dma_wait3A_696 = arith.constant 896 : i32
      %dma_wait3A_697 = arith.constant 0 : i32
      %dma_wait3A_698 = tpu.memref_slice %arg19[%dma_wait3A_696, %dma_wait3A_697] : memref<1024x16xf32, #tpu.memory_space<vmem>> -> memref<128x16xf32, #tpu.memory_space<vmem>>
      %dma_wait3A_699 = arith.constant 0 : i32
      %dma_wait3A_700 = tpu.memref_slice %arg16[%dma_wait3A_695, %dma_wait3A_699] : memref<8x128xi32, #tpu.memory_space<vmem>> -> memref<1x128xi32, #tpu.memory_space<vmem>>
      %dma_wait3A_701 = tpu.memref_squeeze %dma_wait3A_700 : memref<1x128xi32, #tpu.memory_space<vmem>> -> memref<128xi32, #tpu.memory_space<vmem>>
      %dma_wait3A_702 = arith.constant 0 : i32
      %dma_wait3A_703 = arith.constant 0 : i32
      %dma_wait3A_704 = tpu.memref_slice %arg2[%dma_wait3A_702, %dma_wait3A_703] : memref<10112x16xf32, #tpu.memory_space<hbm>> -> memref<10112x16xf32, #tpu.memory_space<hbm>>
      tpu.wait_indirect_dma semaphore(%arg22 : memref<!tpu.dma_semaphore, #tpu.memory_space<semaphore_mem>>) src(%dma_wait3A_704 : memref<10112x16xf32, #tpu.memory_space<hbm>>) dst(%dma_wait3A_698 : memref<128x16xf32, #tpu.memory_space<vmem>>)
      %dma_wait3A_705 = arith.constant 0 : i32
      %dma_wait3A_706 = arith.constant 0 : i32
      %dma_wait3A_707 = tpu.memref_slice %arg5[%dma_wait3A_705, %dma_wait3A_706] : memref<15x327680xf32, #tpu.memory_space<hbm>> -> memref<15x1024xf32, #tpu.memory_space<hbm>>
      %dma_wait3A_708 = arith.constant 0 : i32
      %dma_wait3A_709 = arith.constant 0 : i32
      %dma_wait3A_710 = tpu.memref_slice %arg5[%dma_wait3A_708, %dma_wait3A_709] : memref<15x327680xf32, #tpu.memory_space<hbm>> -> memref<15x1024xf32, #tpu.memory_space<hbm>>
      tpu.wait_dma2 semaphore(%arg23 : memref<!tpu.dma_semaphore, #tpu.memory_space<semaphore_mem>>) src(%dma_wait3A_710 : memref<15x1024xf32, #tpu.memory_space<hbm>>) dst(%arg20 : memref<15x1024xf32, #tpu.memory_space<vmem>>)
      %gt3A_711 = arith.constant 0 : i32
      %gt3A_712 = arith.cmpi sgt, %while3A_190, %gt3A_711 : i32
      %convert_element_type3A_713 = arith.extui %gt3A_712 : i1 to i32
      %cond3A_714 = arith.constant 0 : i32
      %cond3A_715 = arith.cmpi ne, %convert_element_type3A_713, %cond3A_714 : i32
      scf.if %cond3A_715 {
        %dma_wait3A_728 = arith.constant 0 : i32
        %dma_wait3A_729 = tpu.memref_slice %arg6[%dma_wait3A_728] : memref<327680xf32, #tpu.memory_space<hbm>> -> memref<1024xf32, #tpu.memory_space<hbm>>
        %dma_wait3A_730 = arith.constant 0 : i32
        %dma_wait3A_731 = tpu.memref_slice %arg6[%dma_wait3A_730] : memref<327680xf32, #tpu.memory_space<hbm>> -> memref<1024xf32, #tpu.memory_space<hbm>>
        tpu.wait_dma2 semaphore(%arg24 : memref<!tpu.dma_semaphore, #tpu.memory_space<semaphore_mem>>) src(%arg21 : memref<1024xf32, #tpu.memory_space<vmem>>) dst(%dma_wait3A_731 : memref<1024xf32, #tpu.memory_space<hbm>>)
      } else {
      }
      %scan3A_716 = arith.constant 0 : i32
      %scan3A_717 = arith.constant 0 : i32
      %scan3A_718 = arith.constant 64 : i32
      %scan3A_719 = arith.addi %scan3A_717, %scan3A_718 : i32
      %scan3A_720 = arith.constant 1 : i32
      scf.for %scan3A_728 = %scan3A_717 to %scan3A_719 step %scan3A_720  : i32 {
        %mul3A_729 = arith.constant 16 : i32
        %mul3A_730 = arith.muli %scan3A_728, %mul3A_729 : i32
        %add3A_731 = vector.broadcast %mul3A_730 : i32 to vector<16xi32>
        %add3A_732 = arith.addi %add3A_731, %iota3A : vector<16xi32>
        %broadcast_in_dim3A = arith.constant 0 : i32
        %broadcast_in_dim3A_733 = vector.broadcast %broadcast_in_dim3A : i32 to vector<16xi32>
        %gather3A = tpu.vector_load_idx %arg18[%add3A_732, %broadcast_in_dim3A_733] : memref<1024x16xf32, #tpu.memory_space<vmem>>[vector<16xi32>, vector<16xi32>], vector<16xf32>,
        %gather3A_734 = tpu.vector_load_idx %arg19[%add3A_732, %broadcast_in_dim3A_733] : memref<1024x16xf32, #tpu.memory_space<vmem>>[vector<16xi32>, vector<16xi32>], vector<16xf32>,
        %get3A = arith.constant 0 : i32
        %get3A_735 = arith.index_cast %get3A : i32 to index
        %get3A_736 = arith.index_cast %mul3A_730 : i32 to index
        %get3A_737 = tpu.vector_load %arg20[%get3A_735, %get3A_736] {strides = array<i32>} : memref<15x1024xf32, #tpu.memory_space<vmem>>, vector<16xf32>,
        %mul3A_738 = arith.mulf %gather3A, %get3A_737 : vector<16xf32>
        %mul3A_739 = arith.mulf %mul3A_738, %gather3A_734 : vector<16xf32>
        %broadcast_in_dim3A_740 = arith.constant 1 : i32
        %broadcast_in_dim3A_741 = vector.broadcast %broadcast_in_dim3A_740 : i32 to vector<16xi32>
        %gather3A_742 = tpu.vector_load_idx %arg18[%add3A_732, %broadcast_in_dim3A_741] : memref<1024x16xf32, #tpu.memory_space<vmem>>[vector<16xi32>, vector<16xi32>], vector<16xf32>,
        %gather3A_743 = tpu.vector_load_idx %arg19[%add3A_732, %broadcast_in_dim3A_741] : memref<1024x16xf32, #tpu.memory_space<vmem>>[vector<16xi32>, vector<16xi32>], vector<16xf32>,
        %get3A_744 = arith.constant 1 : i32
        %get3A_745 = arith.index_cast %get3A_744 : i32 to index
        %get3A_746 = arith.index_cast %mul3A_730 : i32 to index
        %get3A_747 = tpu.vector_load %arg20[%get3A_745, %get3A_746] {strides = array<i32>} : memref<15x1024xf32, #tpu.memory_space<vmem>>, vector<16xf32>,
        %mul3A_748 = arith.mulf %gather3A_742, %get3A_747 : vector<16xf32>
        %mul3A_749 = arith.mulf %mul3A_748, %gather3A_743 : vector<16xf32>
        %add3A_750 = arith.addf %mul3A_739, %mul3A_749 : vector<16xf32>
        %broadcast_in_dim3A_751 = arith.constant 2 : i32
        %broadcast_in_dim3A_752 = vector.broadcast %broadcast_in_dim3A_751 : i32 to vector<16xi32>
        %gather3A_753 = tpu.vector_load_idx %arg18[%add3A_732, %broadcast_in_dim3A_752] : memref<1024x16xf32, #tpu.memory_space<vmem>>[vector<16xi32>, vector<16xi32>], vector<16xf32>,
        %gather3A_754 = tpu.vector_load_idx %arg19[%add3A_732, %broadcast_in_dim3A_752] : memref<1024x16xf32, #tpu.memory_space<vmem>>[vector<16xi32>, vector<16xi32>], vector<16xf32>,
        %get3A_755 = arith.constant 2 : i32
        %get3A_756 = arith.index_cast %get3A_755 : i32 to index
        %get3A_757 = arith.index_cast %mul3A_730 : i32 to index
        %get3A_758 = tpu.vector_load %arg20[%get3A_756, %get3A_757] {strides = array<i32>} : memref<15x1024xf32, #tpu.memory_space<vmem>>, vector<16xf32>,
        %mul3A_759 = arith.mulf %gather3A_753, %get3A_758 : vector<16xf32>
        %mul3A_760 = arith.mulf %mul3A_759, %gather3A_754 : vector<16xf32>
        %add3A_761 = arith.addf %add3A_750, %mul3A_760 : vector<16xf32>
        %broadcast_in_dim3A_762 = arith.constant 3 : i32
        %broadcast_in_dim3A_763 = vector.broadcast %broadcast_in_dim3A_762 : i32 to vector<16xi32>
        %gather3A_764 = tpu.vector_load_idx %arg18[%add3A_732, %broadcast_in_dim3A_763] : memref<1024x16xf32, #tpu.memory_space<vmem>>[vector<16xi32>, vector<16xi32>], vector<16xf32>,
        %gather3A_765 = tpu.vector_load_idx %arg19[%add3A_732, %broadcast_in_dim3A_763] : memref<1024x16xf32, #tpu.memory_space<vmem>>[vector<16xi32>, vector<16xi32>], vector<16xf32>,
        %get3A_766 = arith.constant 3 : i32
        %get3A_767 = arith.index_cast %get3A_766 : i32 to index
        %get3A_768 = arith.index_cast %mul3A_730 : i32 to index
        %get3A_769 = tpu.vector_load %arg20[%get3A_767, %get3A_768] {strides = array<i32>} : memref<15x1024xf32, #tpu.memory_space<vmem>>, vector<16xf32>,
        %mul3A_770 = arith.mulf %gather3A_764, %get3A_769 : vector<16xf32>
        %mul3A_771 = arith.mulf %mul3A_770, %gather3A_765 : vector<16xf32>
        %add3A_772 = arith.addf %add3A_761, %mul3A_771 : vector<16xf32>
        %broadcast_in_dim3A_773 = arith.constant 4 : i32
        %broadcast_in_dim3A_774 = vector.broadcast %broadcast_in_dim3A_773 : i32 to vector<16xi32>
        %gather3A_775 = tpu.vector_load_idx %arg18[%add3A_732, %broadcast_in_dim3A_774] : memref<1024x16xf32, #tpu.memory_space<vmem>>[vector<16xi32>, vector<16xi32>], vector<16xf32>,
        %gather3A_776 = tpu.vector_load_idx %arg19[%add3A_732, %broadcast_in_dim3A_774] : memref<1024x16xf32, #tpu.memory_space<vmem>>[vector<16xi32>, vector<16xi32>], vector<16xf32>,
        %get3A_777 = arith.constant 4 : i32
        %get3A_778 = arith.index_cast %get3A_777 : i32 to index
        %get3A_779 = arith.index_cast %mul3A_730 : i32 to index
        %get3A_780 = tpu.vector_load %arg20[%get3A_778, %get3A_779] {strides = array<i32>} : memref<15x1024xf32, #tpu.memory_space<vmem>>, vector<16xf32>,
        %mul3A_781 = arith.mulf %gather3A_775, %get3A_780 : vector<16xf32>
        %mul3A_782 = arith.mulf %mul3A_781, %gather3A_776 : vector<16xf32>
        %add3A_783 = arith.addf %add3A_772, %mul3A_782 : vector<16xf32>
        %broadcast_in_dim3A_784 = arith.constant 5 : i32
        %broadcast_in_dim3A_785 = vector.broadcast %broadcast_in_dim3A_784 : i32 to vector<16xi32>
        %gather3A_786 = tpu.vector_load_idx %arg18[%add3A_732, %broadcast_in_dim3A_785] : memref<1024x16xf32, #tpu.memory_space<vmem>>[vector<16xi32>, vector<16xi32>], vector<16xf32>,
        %gather3A_787 = tpu.vector_load_idx %arg19[%add3A_732, %broadcast_in_dim3A_785] : memref<1024x16xf32, #tpu.memory_space<vmem>>[vector<16xi32>, vector<16xi32>], vector<16xf32>,
        %get3A_788 = arith.constant 5 : i32
        %get3A_789 = arith.index_cast %get3A_788 : i32 to index
        %get3A_790 = arith.index_cast %mul3A_730 : i32 to index
        %get3A_791 = tpu.vector_load %arg20[%get3A_789, %get3A_790] {strides = array<i32>} : memref<15x1024xf32, #tpu.memory_space<vmem>>, vector<16xf32>,
        %mul3A_792 = arith.mulf %gather3A_786, %get3A_791 : vector<16xf32>
        %mul3A_793 = arith.mulf %mul3A_792, %gather3A_787 : vector<16xf32>
        %add3A_794 = arith.addf %add3A_783, %mul3A_793 : vector<16xf32>
        %broadcast_in_dim3A_795 = arith.constant 6 : i32
        %broadcast_in_dim3A_796 = vector.broadcast %broadcast_in_dim3A_795 : i32 to vector<16xi32>
        %gather3A_797 = tpu.vector_load_idx %arg18[%add3A_732, %broadcast_in_dim3A_796] : memref<1024x16xf32, #tpu.memory_space<vmem>>[vector<16xi32>, vector<16xi32>], vector<16xf32>,
        %gather3A_798 = tpu.vector_load_idx %arg19[%add3A_732, %broadcast_in_dim3A_796] : memref<1024x16xf32, #tpu.memory_space<vmem>>[vector<16xi32>, vector<16xi32>], vector<16xf32>,
        %get3A_799 = arith.constant 6 : i32
        %get3A_800 = arith.index_cast %get3A_799 : i32 to index
        %get3A_801 = arith.index_cast %mul3A_730 : i32 to index
        %get3A_802 = tpu.vector_load %arg20[%get3A_800, %get3A_801] {strides = array<i32>} : memref<15x1024xf32, #tpu.memory_space<vmem>>, vector<16xf32>,
        %mul3A_803 = arith.mulf %gather3A_797, %get3A_802 : vector<16xf32>
        %mul3A_804 = arith.mulf %mul3A_803, %gather3A_798 : vector<16xf32>
        %add3A_805 = arith.addf %add3A_794, %mul3A_804 : vector<16xf32>
        %broadcast_in_dim3A_806 = arith.constant 7 : i32
        %broadcast_in_dim3A_807 = vector.broadcast %broadcast_in_dim3A_806 : i32 to vector<16xi32>
        %gather3A_808 = tpu.vector_load_idx %arg18[%add3A_732, %broadcast_in_dim3A_807] : memref<1024x16xf32, #tpu.memory_space<vmem>>[vector<16xi32>, vector<16xi32>], vector<16xf32>,
        %gather3A_809 = tpu.vector_load_idx %arg19[%add3A_732, %broadcast_in_dim3A_807] : memref<1024x16xf32, #tpu.memory_space<vmem>>[vector<16xi32>, vector<16xi32>], vector<16xf32>,
        %get3A_810 = arith.constant 7 : i32
        %get3A_811 = arith.index_cast %get3A_810 : i32 to index
        %get3A_812 = arith.index_cast %mul3A_730 : i32 to index
        %get3A_813 = tpu.vector_load %arg20[%get3A_811, %get3A_812] {strides = array<i32>} : memref<15x1024xf32, #tpu.memory_space<vmem>>, vector<16xf32>,
        %mul3A_814 = arith.mulf %gather3A_808, %get3A_813 : vector<16xf32>
        %mul3A_815 = arith.mulf %mul3A_814, %gather3A_809 : vector<16xf32>
        %add3A_816 = arith.addf %add3A_805, %mul3A_815 : vector<16xf32>
        %broadcast_in_dim3A_817 = arith.constant 8 : i32
        %broadcast_in_dim3A_818 = vector.broadcast %broadcast_in_dim3A_817 : i32 to vector<16xi32>
        %gather3A_819 = tpu.vector_load_idx %arg18[%add3A_732, %broadcast_in_dim3A_818] : memref<1024x16xf32, #tpu.memory_space<vmem>>[vector<16xi32>, vector<16xi32>], vector<16xf32>,
        %gather3A_820 = tpu.vector_load_idx %arg19[%add3A_732, %broadcast_in_dim3A_818] : memref<1024x16xf32, #tpu.memory_space<vmem>>[vector<16xi32>, vector<16xi32>], vector<16xf32>,
        %get3A_821 = arith.constant 8 : i32
        %get3A_822 = arith.index_cast %get3A_821 : i32 to index
        %get3A_823 = arith.index_cast %mul3A_730 : i32 to index
        %get3A_824 = tpu.vector_load %arg20[%get3A_822, %get3A_823] {strides = array<i32>} : memref<15x1024xf32, #tpu.memory_space<vmem>>, vector<16xf32>,
        %mul3A_825 = arith.mulf %gather3A_819, %get3A_824 : vector<16xf32>
        %mul3A_826 = arith.mulf %mul3A_825, %gather3A_820 : vector<16xf32>
        %add3A_827 = arith.addf %add3A_816, %mul3A_826 : vector<16xf32>
        %broadcast_in_dim3A_828 = arith.constant 9 : i32
        %broadcast_in_dim3A_829 = vector.broadcast %broadcast_in_dim3A_828 : i32 to vector<16xi32>
        %gather3A_830 = tpu.vector_load_idx %arg18[%add3A_732, %broadcast_in_dim3A_829] : memref<1024x16xf32, #tpu.memory_space<vmem>>[vector<16xi32>, vector<16xi32>], vector<16xf32>,
        %gather3A_831 = tpu.vector_load_idx %arg19[%add3A_732, %broadcast_in_dim3A_829] : memref<1024x16xf32, #tpu.memory_space<vmem>>[vector<16xi32>, vector<16xi32>], vector<16xf32>,
        %get3A_832 = arith.constant 9 : i32
        %get3A_833 = arith.index_cast %get3A_832 : i32 to index
        %get3A_834 = arith.index_cast %mul3A_730 : i32 to index
        %get3A_835 = tpu.vector_load %arg20[%get3A_833, %get3A_834] {strides = array<i32>} : memref<15x1024xf32, #tpu.memory_space<vmem>>, vector<16xf32>,
        %mul3A_836 = arith.mulf %gather3A_830, %get3A_835 : vector<16xf32>
        %mul3A_837 = arith.mulf %mul3A_836, %gather3A_831 : vector<16xf32>
        %add3A_838 = arith.addf %add3A_827, %mul3A_837 : vector<16xf32>
        %broadcast_in_dim3A_839 = arith.constant 10 : i32
        %broadcast_in_dim3A_840 = vector.broadcast %broadcast_in_dim3A_839 : i32 to vector<16xi32>
        %gather3A_841 = tpu.vector_load_idx %arg18[%add3A_732, %broadcast_in_dim3A_840] : memref<1024x16xf32, #tpu.memory_space<vmem>>[vector<16xi32>, vector<16xi32>], vector<16xf32>,
        %gather3A_842 = tpu.vector_load_idx %arg19[%add3A_732, %broadcast_in_dim3A_840] : memref<1024x16xf32, #tpu.memory_space<vmem>>[vector<16xi32>, vector<16xi32>], vector<16xf32>,
        %get3A_843 = arith.constant 10 : i32
        %get3A_844 = arith.index_cast %get3A_843 : i32 to index
        %get3A_845 = arith.index_cast %mul3A_730 : i32 to index
        %get3A_846 = tpu.vector_load %arg20[%get3A_844, %get3A_845] {strides = array<i32>} : memref<15x1024xf32, #tpu.memory_space<vmem>>, vector<16xf32>,
        %mul3A_847 = arith.mulf %gather3A_841, %get3A_846 : vector<16xf32>
        %mul3A_848 = arith.mulf %mul3A_847, %gather3A_842 : vector<16xf32>
        %add3A_849 = arith.addf %add3A_838, %mul3A_848 : vector<16xf32>
        %broadcast_in_dim3A_850 = arith.constant 11 : i32
        %broadcast_in_dim3A_851 = vector.broadcast %broadcast_in_dim3A_850 : i32 to vector<16xi32>
        %gather3A_852 = tpu.vector_load_idx %arg18[%add3A_732, %broadcast_in_dim3A_851] : memref<1024x16xf32, #tpu.memory_space<vmem>>[vector<16xi32>, vector<16xi32>], vector<16xf32>,
        %gather3A_853 = tpu.vector_load_idx %arg19[%add3A_732, %broadcast_in_dim3A_851] : memref<1024x16xf32, #tpu.memory_space<vmem>>[vector<16xi32>, vector<16xi32>], vector<16xf32>,
        %get3A_854 = arith.constant 11 : i32
        %get3A_855 = arith.index_cast %get3A_854 : i32 to index
        %get3A_856 = arith.index_cast %mul3A_730 : i32 to index
        %get3A_857 = tpu.vector_load %arg20[%get3A_855, %get3A_856] {strides = array<i32>} : memref<15x1024xf32, #tpu.memory_space<vmem>>, vector<16xf32>,
        %mul3A_858 = arith.mulf %gather3A_852, %get3A_857 : vector<16xf32>
        %mul3A_859 = arith.mulf %mul3A_858, %gather3A_853 : vector<16xf32>
        %add3A_860 = arith.addf %add3A_849, %mul3A_859 : vector<16xf32>
        %broadcast_in_dim3A_861 = arith.constant 12 : i32
        %broadcast_in_dim3A_862 = vector.broadcast %broadcast_in_dim3A_861 : i32 to vector<16xi32>
        %gather3A_863 = tpu.vector_load_idx %arg18[%add3A_732, %broadcast_in_dim3A_862] : memref<1024x16xf32, #tpu.memory_space<vmem>>[vector<16xi32>, vector<16xi32>], vector<16xf32>,
        %gather3A_864 = tpu.vector_load_idx %arg19[%add3A_732, %broadcast_in_dim3A_862] : memref<1024x16xf32, #tpu.memory_space<vmem>>[vector<16xi32>, vector<16xi32>], vector<16xf32>,
        %get3A_865 = arith.constant 12 : i32
        %get3A_866 = arith.index_cast %get3A_865 : i32 to index
        %get3A_867 = arith.index_cast %mul3A_730 : i32 to index
        %get3A_868 = tpu.vector_load %arg20[%get3A_866, %get3A_867] {strides = array<i32>} : memref<15x1024xf32, #tpu.memory_space<vmem>>, vector<16xf32>,
        %mul3A_869 = arith.mulf %gather3A_863, %get3A_868 : vector<16xf32>
        %mul3A_870 = arith.mulf %mul3A_869, %gather3A_864 : vector<16xf32>
        %add3A_871 = arith.addf %add3A_860, %mul3A_870 : vector<16xf32>
        %broadcast_in_dim3A_872 = arith.constant 13 : i32
        %broadcast_in_dim3A_873 = vector.broadcast %broadcast_in_dim3A_872 : i32 to vector<16xi32>
        %gather3A_874 = tpu.vector_load_idx %arg18[%add3A_732, %broadcast_in_dim3A_873] : memref<1024x16xf32, #tpu.memory_space<vmem>>[vector<16xi32>, vector<16xi32>], vector<16xf32>,
        %gather3A_875 = tpu.vector_load_idx %arg19[%add3A_732, %broadcast_in_dim3A_873] : memref<1024x16xf32, #tpu.memory_space<vmem>>[vector<16xi32>, vector<16xi32>], vector<16xf32>,
        %get3A_876 = arith.constant 13 : i32
        %get3A_877 = arith.index_cast %get3A_876 : i32 to index
        %get3A_878 = arith.index_cast %mul3A_730 : i32 to index
        %get3A_879 = tpu.vector_load %arg20[%get3A_877, %get3A_878] {strides = array<i32>} : memref<15x1024xf32, #tpu.memory_space<vmem>>, vector<16xf32>,
        %mul3A_880 = arith.mulf %gather3A_874, %get3A_879 : vector<16xf32>
        %mul3A_881 = arith.mulf %mul3A_880, %gather3A_875 : vector<16xf32>
        %add3A_882 = arith.addf %add3A_871, %mul3A_881 : vector<16xf32>
        %broadcast_in_dim3A_883 = arith.constant 14 : i32
        %broadcast_in_dim3A_884 = vector.broadcast %broadcast_in_dim3A_883 : i32 to vector<16xi32>
        %gather3A_885 = tpu.vector_load_idx %arg18[%add3A_732, %broadcast_in_dim3A_884] : memref<1024x16xf32, #tpu.memory_space<vmem>>[vector<16xi32>, vector<16xi32>], vector<16xf32>,
        %gather3A_886 = tpu.vector_load_idx %arg19[%add3A_732, %broadcast_in_dim3A_884] : memref<1024x16xf32, #tpu.memory_space<vmem>>[vector<16xi32>, vector<16xi32>], vector<16xf32>,
        %get3A_887 = arith.constant 14 : i32
        %get3A_888 = arith.index_cast %get3A_887 : i32 to index
        %get3A_889 = arith.index_cast %mul3A_730 : i32 to index
        %get3A_890 = tpu.vector_load %arg20[%get3A_888, %get3A_889] {strides = array<i32>} : memref<15x1024xf32, #tpu.memory_space<vmem>>, vector<16xf32>,
        %mul3A_891 = arith.mulf %gather3A_885, %get3A_890 : vector<16xf32>
        %mul3A_892 = arith.mulf %mul3A_891, %gather3A_886 : vector<16xf32>
        %add3A_893 = arith.addf %add3A_882, %mul3A_892 : vector<16xf32>
        %neg3A = arith.constant 0.000000e+00 : f32
        %neg3A_894 = vector.broadcast %neg3A : f32 to vector<16xf32>
        %neg3A_895 = arith.subf %neg3A_894, %add3A_893 : vector<16xf32>
        %exp3A = math.exp %neg3A_895 : vector<16xf32>
        %add3A_896 = arith.constant 1.000000e+00 : f32
        %add3A_897 = vector.broadcast %add3A_896 : f32 to vector<16xf32>
        %add3A_898 = arith.addf %add3A_897, %exp3A : vector<16xf32>
        %div3A = arith.constant 1.000000e+00 : f32
        %div3A_899 = vector.broadcast %div3A : f32 to vector<16xf32>
        %div3A_900 = arith.divf %div3A_899, %add3A_898 : vector<16xf32>
        %swap3A = arith.index_cast %mul3A_730 : i32 to index
        %swap3A_901 = tpu.vector_load %arg21[%swap3A] {strides = array<i32>} : memref<1024xf32, #tpu.memory_space<vmem>>, vector<16xf32>,
        tpu.vector_store %arg21[%swap3A], %div3A_900 {strides = array<i32>} : memref<1024xf32, #tpu.memory_space<vmem>>, vector<16xf32>,
      }
      %scan3A_721 = arith.constant 64 : i32
      %add3A_722 = arith.constant 8 : i32
      %add3A_723 = arith.addi %add3A_195, %add3A_722 : i32
      %mul3A_724 = arith.constant 128 : i32
      %mul3A_725 = arith.muli %add3A_723, %mul3A_724 : i32
      %dma_start3A_726 = tpu.memref_slice %arg6[%mul3A_725] : memref<327680xf32, #tpu.memory_space<hbm>> -> memref<1024xf32, #tpu.memory_space<hbm>>
      %dma_start3A_727 = tpu.memref_slice %arg6[%mul3A_725] : memref<327680xf32, #tpu.memory_space<hbm>> -> memref<1024xf32, #tpu.memory_space<hbm>>
      tpu.enqueue_dma source(%arg21 : memref<1024xf32, #tpu.memory_space<vmem>>) target(%dma_start3A_727 : memref<1024xf32, #tpu.memory_space<hbm>>) target_semaphore(%arg24 : memref<!tpu.dma_semaphore, #tpu.memory_space<semaphore_mem>>)
    }
    %while3A_182 = arith.constant 1 : i32
    scf.for %while3A_190 = %while3A_180 to %while3A_176 step %while3A_182  : i32 {
      %mul3A_191 = arith.constant 2 : i32
      %mul3A_192 = arith.muli %mul3A_191, %while3A_190 : i32
      %mul3A_193 = arith.constant 8 : i32
      %mul3A_194 = arith.muli %mul3A_192, %mul3A_193 : i32
      %add3A_195 = arith.addi %select_n3A, %mul3A_194 : i32
      %add3A_196 = arith.constant 8 : i32
      %add3A_197 = arith.addi %add3A_195, %add3A_196 : i32
      %mul3A_198 = arith.constant 128 : i32
      %mul3A_199 = arith.muli %add3A_197, %mul3A_198 : i32
      "tpu.region"() ({
        %run_scoped3A = tpu.sem_alloc : memref<!tpu.dma_semaphore, #tpu.memory_space<semaphore_mem>>
        %dma_start3A_728 = arith.constant 0 : i32
        %dma_start3A_729 = tpu.memref_slice %arg3[%add3A_197, %dma_start3A_728] : memref<2560x128xi32, #tpu.memory_space<hbm>> -> memref<8x128xi32, #tpu.memory_space<hbm>>
        %dma_start3A_730 = arith.constant 0 : i32
        %dma_start3A_731 = tpu.memref_slice %arg3[%add3A_197, %dma_start3A_730] : memref<2560x128xi32, #tpu.memory_space<hbm>> -> memref<8x128xi32, #tpu.memory_space<hbm>>
        tpu.enqueue_dma source(%dma_start3A_731 : memref<8x128xi32, #tpu.memory_space<hbm>>) target(%arg16 : memref<8x128xi32, #tpu.memory_space<vmem>>) target_semaphore(%run_scoped3A : memref<!tpu.dma_semaphore, #tpu.memory_space<semaphore_mem>>)
        %dma_wait3A_732 = arith.constant 0 : i32
        %dma_wait3A_733 = tpu.memref_slice %arg3[%add3A_197, %dma_wait3A_732] : memref<2560x128xi32, #tpu.memory_space<hbm>> -> memref<8x128xi32, #tpu.memory_space<hbm>>
        %dma_wait3A_734 = arith.constant 0 : i32
        %dma_wait3A_735 = tpu.memref_slice %arg3[%add3A_197, %dma_wait3A_734] : memref<2560x128xi32, #tpu.memory_space<hbm>> -> memref<8x128xi32, #tpu.memory_space<hbm>>
        tpu.wait_dma2 semaphore(%run_scoped3A : memref<!tpu.dma_semaphore, #tpu.memory_space<semaphore_mem>>) src(%dma_wait3A_735 : memref<8x128xi32, #tpu.memory_space<hbm>>) dst(%arg16 : memref<8x128xi32, #tpu.memory_space<vmem>>)
        tpu.yield
      }) : () -> ()
      "tpu.region"() ({
        %run_scoped3A = tpu.sem_alloc : memref<!tpu.dma_semaphore, #tpu.memory_space<semaphore_mem>>
        %dma_start3A_728 = arith.constant 0 : i32
        %dma_start3A_729 = tpu.memref_slice %arg4[%add3A_197, %dma_start3A_728] : memref<2560x128xi32, #tpu.memory_space<hbm>> -> memref<8x128xi32, #tpu.memory_space<hbm>>
        %dma_start3A_730 = arith.constant 0 : i32
        %dma_start3A_731 = tpu.memref_slice %arg4[%add3A_197, %dma_start3A_730] : memref<2560x128xi32, #tpu.memory_space<hbm>> -> memref<8x128xi32, #tpu.memory_space<hbm>>
        tpu.enqueue_dma source(%dma_start3A_731 : memref<8x128xi32, #tpu.memory_space<hbm>>) target(%arg17 : memref<8x128xi32, #tpu.memory_space<vmem>>) target_semaphore(%run_scoped3A : memref<!tpu.dma_semaphore, #tpu.memory_space<semaphore_mem>>)
        %dma_wait3A_732 = arith.constant 0 : i32
        %dma_wait3A_733 = tpu.memref_slice %arg4[%add3A_197, %dma_wait3A_732] : memref<2560x128xi32, #tpu.memory_space<hbm>> -> memref<8x128xi32, #tpu.memory_space<hbm>>
        %dma_wait3A_734 = arith.constant 0 : i32
        %dma_wait3A_735 = tpu.memref_slice %arg4[%add3A_197, %dma_wait3A_734] : memref<2560x128xi32, #tpu.memory_space<hbm>> -> memref<8x128xi32, #tpu.memory_space<hbm>>
        tpu.wait_dma2 semaphore(%run_scoped3A : memref<!tpu.dma_semaphore, #tpu.memory_space<semaphore_mem>>) src(%dma_wait3A_735 : memref<8x128xi32, #tpu.memory_space<hbm>>) dst(%arg17 : memref<8x128xi32, #tpu.memory_space<vmem>>)
        tpu.yield
      }) : () -> ()
      %dma_start3A_200 = arith.constant 0 : i32
      %dma_start3A_201 = tpu.memref_slice %arg5[%dma_start3A_200, %mul3A_199] : memref<15x327680xf32, #tpu.memory_space<hbm>> -> memref<15x1024xf32, #tpu.memory_space<hbm>>
      %dma_start3A_202 = arith.constant 0 : i32
      %dma_start3A_203 = tpu.memref_slice %arg5[%dma_start3A_202, %mul3A_199] : memref<15x327680xf32, #tpu.memory_space<hbm>> -> memref<15x1024xf32, #tpu.memory_space<hbm>>
      tpu.enqueue_dma source(%dma_start3A_203 : memref<15x1024xf32, #tpu.memory_space<hbm>>) target(%arg20 : memref<15x1024xf32, #tpu.memory_space<vmem>>) target_semaphore(%arg23 : memref<!tpu.dma_semaphore, #tpu.memory_space<semaphore_mem>>)
      %dma_start3A_204 = arith.constant 0 : i32
      %dma_start3A_205 = arith.constant 0 : i32
      %dma_start3A_206 = arith.constant 0 : i32
      %dma_start3A_207 = tpu.memref_slice %arg18[%dma_start3A_205, %dma_start3A_206] : memref<1024x16xf32, #tpu.memory_space<vmem>> -> memref<128x16xf32, #tpu.memory_space<vmem>>
      %dma_start3A_208 = arith.constant 0 : i32
      %dma_start3A_209 = tpu.memref_slice %arg16[%dma_start3A_204, %dma_start3A_208] : memref<8x128xi32, #tpu.memory_space<vmem>> -> memref<1x128xi32, #tpu.memory_space<vmem>>
      %dma_start3A_210 = tpu.memref_squeeze %dma_start3A_209 : memref<1x128xi32, #tpu.memory_space<vmem>> -> memref<128xi32, #tpu.memory_space<vmem>>
      %dma_start3A_211 = arith.constant 0 : i32
      %dma_start3A_212 = arith.constant 0 : i32
      %dma_start3A_213 = tpu.memref_slice %arg2[%dma_start3A_211, %dma_start3A_212] : memref<10112x16xf32, #tpu.memory_space<hbm>> -> memref<10112x16xf32, #tpu.memory_space<hbm>>
      tpu.enqueue_indirect_dma source(%dma_start3A_213 : memref<10112x16xf32, #tpu.memory_space<hbm>>) target(%dma_start3A_207 : memref<128x16xf32, #tpu.memory_space<vmem>>) offsets(%dma_start3A_210 : memref<128xi32, #tpu.memory_space<vmem>>) semaphore(%arg22 : memref<!tpu.dma_semaphore, #tpu.memory_space<semaphore_mem>>)
      %dma_start3A_214 = arith.constant 0 : i32
      %dma_start3A_215 = arith.constant 0 : i32
      %dma_start3A_216 = arith.constant 0 : i32
      %dma_start3A_217 = tpu.memref_slice %arg19[%dma_start3A_215, %dma_start3A_216] : memref<1024x16xf32, #tpu.memory_space<vmem>> -> memref<128x16xf32, #tpu.memory_space<vmem>>
      %dma_start3A_218 = arith.constant 0 : i32
      %dma_start3A_219 = tpu.memref_slice %arg17[%dma_start3A_214, %dma_start3A_218] : memref<8x128xi32, #tpu.memory_space<vmem>> -> memref<1x128xi32, #tpu.memory_space<vmem>>
      %dma_start3A_220 = tpu.memref_squeeze %dma_start3A_219 : memref<1x128xi32, #tpu.memory_space<vmem>> -> memref<128xi32, #tpu.memory_space<vmem>>
      %dma_start3A_221 = arith.constant 0 : i32
      %dma_start3A_222 = arith.constant 0 : i32
      %dma_start3A_223 = tpu.memref_slice %arg2[%dma_start3A_221, %dma_start3A_222] : memref<10112x16xf32, #tpu.memory_space<hbm>> -> memref<10112x16xf32, #tpu.memory_space<hbm>>
      tpu.enqueue_indirect_dma source(%dma_start3A_223 : memref<10112x16xf32, #tpu.memory_space<hbm>>) target(%dma_start3A_217 : memref<128x16xf32, #tpu.memory_space<vmem>>) offsets(%dma_start3A_220 : memref<128xi32, #tpu.memory_space<vmem>>) semaphore(%arg22 : memref<!tpu.dma_semaphore, #tpu.memory_space<semaphore_mem>>)
      %dma_start3A_224 = arith.constant 1 : i32
      %dma_start3A_225 = arith.constant 128 : i32
      %dma_start3A_226 = arith.constant 0 : i32
      %dma_start3A_227 = tpu.memref_slice %arg18[%dma_start3A_225, %dma_start3A_226] : memref<1024x16xf32, #tpu.memory_space<vmem>> -> memref<128x16xf32, #tpu.memory_space<vmem>>
      %dma_start3A_228 = arith.constant 0 : i32
      %dma_start3A_229 = tpu.memref_slice %arg16[%dma_start3A_224, %dma_start3A_228] : memref<8x128xi32, #tpu.memory_space<vmem>> -> memref<1x128xi32, #tpu.memory_space<vmem>>
      %dma_start3A_230 = tpu.memref_squeeze %dma_start3A_229 : memref<1x128xi32, #tpu.memory_space<vmem>> -> memref<128xi32, #tpu.memory_space<vmem>>
      %dma_start3A_231 = arith.constant 0 : i32
      %dma_start3A_232 = arith.constant 0 : i32
      %dma_start3A_233 = tpu.memref_slice %arg2[%dma_start3A_231, %dma_start3A_232] : memref<10112x16xf32, #tpu.memory_space<hbm>> -> memref<10112x16xf32, #tpu.memory_space<hbm>>
      tpu.enqueue_indirect_dma source(%dma_start3A_233 : memref<10112x16xf32, #tpu.memory_space<hbm>>) target(%dma_start3A_227 : memref<128x16xf32, #tpu.memory_space<vmem>>) offsets(%dma_start3A_230 : memref<128xi32, #tpu.memory_space<vmem>>) semaphore(%arg22 : memref<!tpu.dma_semaphore, #tpu.memory_space<semaphore_mem>>)
      %dma_start3A_234 = arith.constant 1 : i32
      %dma_start3A_235 = arith.constant 128 : i32
      %dma_start3A_236 = arith.constant 0 : i32
      %dma_start3A_237 = tpu.memref_slice %arg19[%dma_start3A_235, %dma_start3A_236] : memref<1024x16xf32, #tpu.memory_space<vmem>> -> memref<128x16xf32, #tpu.memory_space<vmem>>
      %dma_start3A_238 = arith.constant 0 : i32
      %dma_start3A_239 = tpu.memref_slice %arg17[%dma_start3A_234, %dma_start3A_238] : memref<8x128xi32, #tpu.memory_space<vmem>> -> memref<1x128xi32, #tpu.memory_space<vmem>>
      %dma_start3A_240 = tpu.memref_squeeze %dma_start3A_239 : memref<1x128xi32, #tpu.memory_space<vmem>> -> memref<128xi32, #tpu.memory_space<vmem>>
      %dma_start3A_241 = arith.constant 0 : i32
      %dma_start3A_242 = arith.constant 0 : i32
      %dma_start3A_243 = tpu.memref_slice %arg2[%dma_start3A_241, %dma_start3A_242] : memref<10112x16xf32, #tpu.memory_space<hbm>> -> memref<10112x16xf32, #tpu.memory_space<hbm>>
      tpu.enqueue_indirect_dma source(%dma_start3A_243 : memref<10112x16xf32, #tpu.memory_space<hbm>>) target(%dma_start3A_237 : memref<128x16xf32, #tpu.memory_space<vmem>>) offsets(%dma_start3A_240 : memref<128xi32, #tpu.memory_space<vmem>>) semaphore(%arg22 : memref<!tpu.dma_semaphore, #tpu.memory_space<semaphore_mem>>)
      %dma_start3A_244 = arith.constant 2 : i32
      %dma_start3A_245 = arith.constant 256 : i32
      %dma_start3A_246 = arith.constant 0 : i32
      %dma_start3A_247 = tpu.memref_slice %arg18[%dma_start3A_245, %dma_start3A_246] : memref<1024x16xf32, #tpu.memory_space<vmem>> -> memref<128x16xf32, #tpu.memory_space<vmem>>
      %dma_start3A_248 = arith.constant 0 : i32
      %dma_start3A_249 = tpu.memref_slice %arg16[%dma_start3A_244, %dma_start3A_248] : memref<8x128xi32, #tpu.memory_space<vmem>> -> memref<1x128xi32, #tpu.memory_space<vmem>>
      %dma_start3A_250 = tpu.memref_squeeze %dma_start3A_249 : memref<1x128xi32, #tpu.memory_space<vmem>> -> memref<128xi32, #tpu.memory_space<vmem>>
      %dma_start3A_251 = arith.constant 0 : i32
      %dma_start3A_252 = arith.constant 0 : i32
      %dma_start3A_253 = tpu.memref_slice %arg2[%dma_start3A_251, %dma_start3A_252] : memref<10112x16xf32, #tpu.memory_space<hbm>> -> memref<10112x16xf32, #tpu.memory_space<hbm>>
      tpu.enqueue_indirect_dma source(%dma_start3A_253 : memref<10112x16xf32, #tpu.memory_space<hbm>>) target(%dma_start3A_247 : memref<128x16xf32, #tpu.memory_space<vmem>>) offsets(%dma_start3A_250 : memref<128xi32, #tpu.memory_space<vmem>>) semaphore(%arg22 : memref<!tpu.dma_semaphore, #tpu.memory_space<semaphore_mem>>)
      %dma_start3A_254 = arith.constant 2 : i32
      %dma_start3A_255 = arith.constant 256 : i32
      %dma_start3A_256 = arith.constant 0 : i32
      %dma_start3A_257 = tpu.memref_slice %arg19[%dma_start3A_255, %dma_start3A_256] : memref<1024x16xf32, #tpu.memory_space<vmem>> -> memref<128x16xf32, #tpu.memory_space<vmem>>
      %dma_start3A_258 = arith.constant 0 : i32
      %dma_start3A_259 = tpu.memref_slice %arg17[%dma_start3A_254, %dma_start3A_258] : memref<8x128xi32, #tpu.memory_space<vmem>> -> memref<1x128xi32, #tpu.memory_space<vmem>>
      %dma_start3A_260 = tpu.memref_squeeze %dma_start3A_259 : memref<1x128xi32, #tpu.memory_space<vmem>> -> memref<128xi32, #tpu.memory_space<vmem>>
      %dma_start3A_261 = arith.constant 0 : i32
      %dma_start3A_262 = arith.constant 0 : i32
      %dma_start3A_263 = tpu.memref_slice %arg2[%dma_start3A_261, %dma_start3A_262] : memref<10112x16xf32, #tpu.memory_space<hbm>> -> memref<10112x16xf32, #tpu.memory_space<hbm>>
      tpu.enqueue_indirect_dma source(%dma_start3A_263 : memref<10112x16xf32, #tpu.memory_space<hbm>>) target(%dma_start3A_257 : memref<128x16xf32, #tpu.memory_space<vmem>>) offsets(%dma_start3A_260 : memref<128xi32, #tpu.memory_space<vmem>>) semaphore(%arg22 : memref<!tpu.dma_semaphore, #tpu.memory_space<semaphore_mem>>)
      %dma_start3A_264 = arith.constant 3 : i32
      %dma_start3A_265 = arith.constant 384 : i32
      %dma_start3A_266 = arith.constant 0 : i32
      %dma_start3A_267 = tpu.memref_slice %arg18[%dma_start3A_265, %dma_start3A_266] : memref<1024x16xf32, #tpu.memory_space<vmem>> -> memref<128x16xf32, #tpu.memory_space<vmem>>
      %dma_start3A_268 = arith.constant 0 : i32
      %dma_start3A_269 = tpu.memref_slice %arg16[%dma_start3A_264, %dma_start3A_268] : memref<8x128xi32, #tpu.memory_space<vmem>> -> memref<1x128xi32, #tpu.memory_space<vmem>>
      %dma_start3A_270 = tpu.memref_squeeze %dma_start3A_269 : memref<1x128xi32, #tpu.memory_space<vmem>> -> memref<128xi32, #tpu.memory_space<vmem>>
      %dma_start3A_271 = arith.constant 0 : i32
      %dma_start3A_272 = arith.constant 0 : i32
      %dma_start3A_273 = tpu.memref_slice %arg2[%dma_start3A_271, %dma_start3A_272] : memref<10112x16xf32, #tpu.memory_space<hbm>> -> memref<10112x16xf32, #tpu.memory_space<hbm>>
      tpu.enqueue_indirect_dma source(%dma_start3A_273 : memref<10112x16xf32, #tpu.memory_space<hbm>>) target(%dma_start3A_267 : memref<128x16xf32, #tpu.memory_space<vmem>>) offsets(%dma_start3A_270 : memref<128xi32, #tpu.memory_space<vmem>>) semaphore(%arg22 : memref<!tpu.dma_semaphore, #tpu.memory_space<semaphore_mem>>)
      %dma_start3A_274 = arith.constant 3 : i32
      %dma_start3A_275 = arith.constant 384 : i32
      %dma_start3A_276 = arith.constant 0 : i32
      %dma_start3A_277 = tpu.memref_slice %arg19[%dma_start3A_275, %dma_start3A_276] : memref<1024x16xf32, #tpu.memory_space<vmem>> -> memref<128x16xf32, #tpu.memory_space<vmem>>
      %dma_start3A_278 = arith.constant 0 : i32
      %dma_start3A_279 = tpu.memref_slice %arg17[%dma_start3A_274, %dma_start3A_278] : memref<8x128xi32, #tpu.memory_space<vmem>> -> memref<1x128xi32, #tpu.memory_space<vmem>>
      %dma_start3A_280 = tpu.memref_squeeze %dma_start3A_279 : memref<1x128xi32, #tpu.memory_space<vmem>> -> memref<128xi32, #tpu.memory_space<vmem>>
      %dma_start3A_281 = arith.constant 0 : i32
      %dma_start3A_282 = arith.constant 0 : i32
      %dma_start3A_283 = tpu.memref_slice %arg2[%dma_start3A_281, %dma_start3A_282] : memref<10112x16xf32, #tpu.memory_space<hbm>> -> memref<10112x16xf32, #tpu.memory_space<hbm>>
      tpu.enqueue_indirect_dma source(%dma_start3A_283 : memref<10112x16xf32, #tpu.memory_space<hbm>>) target(%dma_start3A_277 : memref<128x16xf32, #tpu.memory_space<vmem>>) offsets(%dma_start3A_280 : memref<128xi32, #tpu.memory_space<vmem>>) semaphore(%arg22 : memref<!tpu.dma_semaphore, #tpu.memory_space<semaphore_mem>>)
      %dma_start3A_284 = arith.constant 4 : i32
      %dma_start3A_285 = arith.constant 512 : i32
      %dma_start3A_286 = arith.constant 0 : i32
      %dma_start3A_287 = tpu.memref_slice %arg18[%dma_start3A_285, %dma_start3A_286] : memref<1024x16xf32, #tpu.memory_space<vmem>> -> memref<128x16xf32, #tpu.memory_space<vmem>>
      %dma_start3A_288 = arith.constant 0 : i32
      %dma_start3A_289 = tpu.memref_slice %arg16[%dma_start3A_284, %dma_start3A_288] : memref<8x128xi32, #tpu.memory_space<vmem>> -> memref<1x128xi32, #tpu.memory_space<vmem>>
      %dma_start3A_290 = tpu.memref_squeeze %dma_start3A_289 : memref<1x128xi32, #tpu.memory_space<vmem>> -> memref<128xi32, #tpu.memory_space<vmem>>
      %dma_start3A_291 = arith.constant 0 : i32
      %dma_start3A_292 = arith.constant 0 : i32
      %dma_start3A_293 = tpu.memref_slice %arg2[%dma_start3A_291, %dma_start3A_292] : memref<10112x16xf32, #tpu.memory_space<hbm>> -> memref<10112x16xf32, #tpu.memory_space<hbm>>
      tpu.enqueue_indirect_dma source(%dma_start3A_293 : memref<10112x16xf32, #tpu.memory_space<hbm>>) target(%dma_start3A_287 : memref<128x16xf32, #tpu.memory_space<vmem>>) offsets(%dma_start3A_290 : memref<128xi32, #tpu.memory_space<vmem>>) semaphore(%arg22 : memref<!tpu.dma_semaphore, #tpu.memory_space<semaphore_mem>>)
      %dma_start3A_294 = arith.constant 4 : i32
      %dma_start3A_295 = arith.constant 512 : i32
      %dma_start3A_296 = arith.constant 0 : i32
      %dma_start3A_297 = tpu.memref_slice %arg19[%dma_start3A_295, %dma_start3A_296] : memref<1024x16xf32, #tpu.memory_space<vmem>> -> memref<128x16xf32, #tpu.memory_space<vmem>>
      %dma_start3A_298 = arith.constant 0 : i32
      %dma_start3A_299 = tpu.memref_slice %arg17[%dma_start3A_294, %dma_start3A_298] : memref<8x128xi32, #tpu.memory_space<vmem>> -> memref<1x128xi32, #tpu.memory_space<vmem>>
      %dma_start3A_300 = tpu.memref_squeeze %dma_start3A_299 : memref<1x128xi32, #tpu.memory_space<vmem>> -> memref<128xi32, #tpu.memory_space<vmem>>
      %dma_start3A_301 = arith.constant 0 : i32
      %dma_start3A_302 = arith.constant 0 : i32
      %dma_start3A_303 = tpu.memref_slice %arg2[%dma_start3A_301, %dma_start3A_302] : memref<10112x16xf32, #tpu.memory_space<hbm>> -> memref<10112x16xf32, #tpu.memory_space<hbm>>
      tpu.enqueue_indirect_dma source(%dma_start3A_303 : memref<10112x16xf32, #tpu.memory_space<hbm>>) target(%dma_start3A_297 : memref<128x16xf32, #tpu.memory_space<vmem>>) offsets(%dma_start3A_300 : memref<128xi32, #tpu.memory_space<vmem>>) semaphore(%arg22 : memref<!tpu.dma_semaphore, #tpu.memory_space<semaphore_mem>>)
      %dma_start3A_304 = arith.constant 5 : i32
      %dma_start3A_305 = arith.constant 640 : i32
      %dma_start3A_306 = arith.constant 0 : i32
      %dma_start3A_307 = tpu.memref_slice %arg18[%dma_start3A_305, %dma_start3A_306] : memref<1024x16xf32, #tpu.memory_space<vmem>> -> memref<128x16xf32, #tpu.memory_space<vmem>>
      %dma_start3A_308 = arith.constant 0 : i32
      %dma_start3A_309 = tpu.memref_slice %arg16[%dma_start3A_304, %dma_start3A_308] : memref<8x128xi32, #tpu.memory_space<vmem>> -> memref<1x128xi32, #tpu.memory_space<vmem>>
      %dma_start3A_310 = tpu.memref_squeeze %dma_start3A_309 : memref<1x128xi32, #tpu.memory_space<vmem>> -> memref<128xi32, #tpu.memory_space<vmem>>
      %dma_start3A_311 = arith.constant 0 : i32
      %dma_start3A_312 = arith.constant 0 : i32
      %dma_start3A_313 = tpu.memref_slice %arg2[%dma_start3A_311, %dma_start3A_312] : memref<10112x16xf32, #tpu.memory_space<hbm>> -> memref<10112x16xf32, #tpu.memory_space<hbm>>
      tpu.enqueue_indirect_dma source(%dma_start3A_313 : memref<10112x16xf32, #tpu.memory_space<hbm>>) target(%dma_start3A_307 : memref<128x16xf32, #tpu.memory_space<vmem>>) offsets(%dma_start3A_310 : memref<128xi32, #tpu.memory_space<vmem>>) semaphore(%arg22 : memref<!tpu.dma_semaphore, #tpu.memory_space<semaphore_mem>>)
      %dma_start3A_314 = arith.constant 5 : i32
      %dma_start3A_315 = arith.constant 640 : i32
      %dma_start3A_316 = arith.constant 0 : i32
      %dma_start3A_317 = tpu.memref_slice %arg19[%dma_start3A_315, %dma_start3A_316] : memref<1024x16xf32, #tpu.memory_space<vmem>> -> memref<128x16xf32, #tpu.memory_space<vmem>>
      %dma_start3A_318 = arith.constant 0 : i32
      %dma_start3A_319 = tpu.memref_slice %arg17[%dma_start3A_314, %dma_start3A_318] : memref<8x128xi32, #tpu.memory_space<vmem>> -> memref<1x128xi32, #tpu.memory_space<vmem>>
      %dma_start3A_320 = tpu.memref_squeeze %dma_start3A_319 : memref<1x128xi32, #tpu.memory_space<vmem>> -> memref<128xi32, #tpu.memory_space<vmem>>
      %dma_start3A_321 = arith.constant 0 : i32
      %dma_start3A_322 = arith.constant 0 : i32
      %dma_start3A_323 = tpu.memref_slice %arg2[%dma_start3A_321, %dma_start3A_322] : memref<10112x16xf32, #tpu.memory_space<hbm>> -> memref<10112x16xf32, #tpu.memory_space<hbm>>
      tpu.enqueue_indirect_dma source(%dma_start3A_323 : memref<10112x16xf32, #tpu.memory_space<hbm>>) target(%dma_start3A_317 : memref<128x16xf32, #tpu.memory_space<vmem>>) offsets(%dma_start3A_320 : memref<128xi32, #tpu.memory_space<vmem>>) semaphore(%arg22 : memref<!tpu.dma_semaphore, #tpu.memory_space<semaphore_mem>>)
      %dma_start3A_324 = arith.constant 6 : i32
      %dma_start3A_325 = arith.constant 768 : i32
      %dma_start3A_326 = arith.constant 0 : i32
      %dma_start3A_327 = tpu.memref_slice %arg18[%dma_start3A_325, %dma_start3A_326] : memref<1024x16xf32, #tpu.memory_space<vmem>> -> memref<128x16xf32, #tpu.memory_space<vmem>>
      %dma_start3A_328 = arith.constant 0 : i32
      %dma_start3A_329 = tpu.memref_slice %arg16[%dma_start3A_324, %dma_start3A_328] : memref<8x128xi32, #tpu.memory_space<vmem>> -> memref<1x128xi32, #tpu.memory_space<vmem>>
      %dma_start3A_330 = tpu.memref_squeeze %dma_start3A_329 : memref<1x128xi32, #tpu.memory_space<vmem>> -> memref<128xi32, #tpu.memory_space<vmem>>
      %dma_start3A_331 = arith.constant 0 : i32
      %dma_start3A_332 = arith.constant 0 : i32
      %dma_start3A_333 = tpu.memref_slice %arg2[%dma_start3A_331, %dma_start3A_332] : memref<10112x16xf32, #tpu.memory_space<hbm>> -> memref<10112x16xf32, #tpu.memory_space<hbm>>
      tpu.enqueue_indirect_dma source(%dma_start3A_333 : memref<10112x16xf32, #tpu.memory_space<hbm>>) target(%dma_start3A_327 : memref<128x16xf32, #tpu.memory_space<vmem>>) offsets(%dma_start3A_330 : memref<128xi32, #tpu.memory_space<vmem>>) semaphore(%arg22 : memref<!tpu.dma_semaphore, #tpu.memory_space<semaphore_mem>>)
      %dma_start3A_334 = arith.constant 6 : i32
      %dma_start3A_335 = arith.constant 768 : i32
      %dma_start3A_336 = arith.constant 0 : i32
      %dma_start3A_337 = tpu.memref_slice %arg19[%dma_start3A_335, %dma_start3A_336] : memref<1024x16xf32, #tpu.memory_space<vmem>> -> memref<128x16xf32, #tpu.memory_space<vmem>>
      %dma_start3A_338 = arith.constant 0 : i32
      %dma_start3A_339 = tpu.memref_slice %arg17[%dma_start3A_334, %dma_start3A_338] : memref<8x128xi32, #tpu.memory_space<vmem>> -> memref<1x128xi32, #tpu.memory_space<vmem>>
      %dma_start3A_340 = tpu.memref_squeeze %dma_start3A_339 : memref<1x128xi32, #tpu.memory_space<vmem>> -> memref<128xi32, #tpu.memory_space<vmem>>
      %dma_start3A_341 = arith.constant 0 : i32
      %dma_start3A_342 = arith.constant 0 : i32
      %dma_start3A_343 = tpu.memref_slice %arg2[%dma_start3A_341, %dma_start3A_342] : memref<10112x16xf32, #tpu.memory_space<hbm>> -> memref<10112x16xf32, #tpu.memory_space<hbm>>
      tpu.enqueue_indirect_dma source(%dma_start3A_343 : memref<10112x16xf32, #tpu.memory_space<hbm>>) target(%dma_start3A_337 : memref<128x16xf32, #tpu.memory_space<vmem>>) offsets(%dma_start3A_340 : memref<128xi32, #tpu.memory_space<vmem>>) semaphore(%arg22 : memref<!tpu.dma_semaphore, #tpu.memory_space<semaphore_mem>>)
      %dma_start3A_344 = arith.constant 7 : i32
      %dma_start3A_345 = arith.constant 896 : i32
      %dma_start3A_346 = arith.constant 0 : i32
      %dma_start3A_347 = tpu.memref_slice %arg18[%dma_start3A_345, %dma_start3A_346] : memref<1024x16xf32, #tpu.memory_space<vmem>> -> memref<128x16xf32, #tpu.memory_space<vmem>>
      %dma_start3A_348 = arith.constant 0 : i32
      %dma_start3A_349 = tpu.memref_slice %arg16[%dma_start3A_344, %dma_start3A_348] : memref<8x128xi32, #tpu.memory_space<vmem>> -> memref<1x128xi32, #tpu.memory_space<vmem>>
      %dma_start3A_350 = tpu.memref_squeeze %dma_start3A_349 : memref<1x128xi32, #tpu.memory_space<vmem>> -> memref<128xi32, #tpu.memory_space<vmem>>
      %dma_start3A_351 = arith.constant 0 : i32
      %dma_start3A_352 = arith.constant 0 : i32
      %dma_start3A_353 = tpu.memref_slice %arg2[%dma_start3A_351, %dma_start3A_352] : memref<10112x16xf32, #tpu.memory_space<hbm>> -> memref<10112x16xf32, #tpu.memory_space<hbm>>
      tpu.enqueue_indirect_dma source(%dma_start3A_353 : memref<10112x16xf32, #tpu.memory_space<hbm>>) target(%dma_start3A_347 : memref<128x16xf32, #tpu.memory_space<vmem>>) offsets(%dma_start3A_350 : memref<128xi32, #tpu.memory_space<vmem>>) semaphore(%arg22 : memref<!tpu.dma_semaphore, #tpu.memory_space<semaphore_mem>>)
      %dma_start3A_354 = arith.constant 7 : i32
      %dma_start3A_355 = arith.constant 896 : i32
      %dma_start3A_356 = arith.constant 0 : i32
      %dma_start3A_357 = tpu.memref_slice %arg19[%dma_start3A_355, %dma_start3A_356] : memref<1024x16xf32, #tpu.memory_space<vmem>> -> memref<128x16xf32, #tpu.memory_space<vmem>>
      %dma_start3A_358 = arith.constant 0 : i32
      %dma_start3A_359 = tpu.memref_slice %arg17[%dma_start3A_354, %dma_start3A_358] : memref<8x128xi32, #tpu.memory_space<vmem>> -> memref<1x128xi32, #tpu.memory_space<vmem>>
      %dma_start3A_360 = tpu.memref_squeeze %dma_start3A_359 : memref<1x128xi32, #tpu.memory_space<vmem>> -> memref<128xi32, #tpu.memory_space<vmem>>
      %dma_start3A_361 = arith.constant 0 : i32
      %dma_start3A_362 = arith.constant 0 : i32
      %dma_start3A_363 = tpu.memref_slice %arg2[%dma_start3A_361, %dma_start3A_362] : memref<10112x16xf32, #tpu.memory_space<hbm>> -> memref<10112x16xf32, #tpu.memory_space<hbm>>
      tpu.enqueue_indirect_dma source(%dma_start3A_363 : memref<10112x16xf32, #tpu.memory_space<hbm>>) target(%dma_start3A_357 : memref<128x16xf32, #tpu.memory_space<vmem>>) offsets(%dma_start3A_360 : memref<128xi32, #tpu.memory_space<vmem>>) semaphore(%arg22 : memref<!tpu.dma_semaphore, #tpu.memory_space<semaphore_mem>>)
      %dma_wait3A_364 = arith.constant 0 : i32
      %dma_wait3A_365 = arith.constant 0 : i32
      %dma_wait3A_366 = arith.constant 0 : i32
      %dma_wait3A_367 = tpu.memref_slice %arg9[%dma_wait3A_365, %dma_wait3A_366] : memref<1024x16xf32, #tpu.memory_space<vmem>> -> memref<128x16xf32, #tpu.memory_space<vmem>>
      %dma_wait3A_368 = arith.constant 0 : i32
      %dma_wait3A_369 = tpu.memref_slice %arg7[%dma_wait3A_364, %dma_wait3A_368] : memref<8x128xi32, #tpu.memory_space<vmem>> -> memref<1x128xi32, #tpu.memory_space<vmem>>
      %dma_wait3A_370 = tpu.memref_squeeze %dma_wait3A_369 : memref<1x128xi32, #tpu.memory_space<vmem>> -> memref<128xi32, #tpu.memory_space<vmem>>
      %dma_wait3A_371 = arith.constant 0 : i32
      %dma_wait3A_372 = arith.constant 0 : i32
      %dma_wait3A_373 = tpu.memref_slice %arg2[%dma_wait3A_371, %dma_wait3A_372] : memref<10112x16xf32, #tpu.memory_space<hbm>> -> memref<10112x16xf32, #tpu.memory_space<hbm>>
      tpu.wait_indirect_dma semaphore(%arg13 : memref<!tpu.dma_semaphore, #tpu.memory_space<semaphore_mem>>) src(%dma_wait3A_373 : memref<10112x16xf32, #tpu.memory_space<hbm>>) dst(%dma_wait3A_367 : memref<128x16xf32, #tpu.memory_space<vmem>>)
      %dma_wait3A_374 = arith.constant 0 : i32
      %dma_wait3A_375 = arith.constant 0 : i32
      %dma_wait3A_376 = arith.constant 0 : i32
      %dma_wait3A_377 = tpu.memref_slice %arg10[%dma_wait3A_375, %dma_wait3A_376] : memref<1024x16xf32, #tpu.memory_space<vmem>> -> memref<128x16xf32, #tpu.memory_space<vmem>>
      %dma_wait3A_378 = arith.constant 0 : i32
      %dma_wait3A_379 = tpu.memref_slice %arg7[%dma_wait3A_374, %dma_wait3A_378] : memref<8x128xi32, #tpu.memory_space<vmem>> -> memref<1x128xi32, #tpu.memory_space<vmem>>
      %dma_wait3A_380 = tpu.memref_squeeze %dma_wait3A_379 : memref<1x128xi32, #tpu.memory_space<vmem>> -> memref<128xi32, #tpu.memory_space<vmem>>
      %dma_wait3A_381 = arith.constant 0 : i32
      %dma_wait3A_382 = arith.constant 0 : i32
      %dma_wait3A_383 = tpu.memref_slice %arg2[%dma_wait3A_381, %dma_wait3A_382] : memref<10112x16xf32, #tpu.memory_space<hbm>> -> memref<10112x16xf32, #tpu.memory_space<hbm>>
      tpu.wait_indirect_dma semaphore(%arg13 : memref<!tpu.dma_semaphore, #tpu.memory_space<semaphore_mem>>) src(%dma_wait3A_383 : memref<10112x16xf32, #tpu.memory_space<hbm>>) dst(%dma_wait3A_377 : memref<128x16xf32, #tpu.memory_space<vmem>>)
      %dma_wait3A_384 = arith.constant 1 : i32
      %dma_wait3A_385 = arith.constant 128 : i32
      %dma_wait3A_386 = arith.constant 0 : i32
      %dma_wait3A_387 = tpu.memref_slice %arg9[%dma_wait3A_385, %dma_wait3A_386] : memref<1024x16xf32, #tpu.memory_space<vmem>> -> memref<128x16xf32, #tpu.memory_space<vmem>>
      %dma_wait3A_388 = arith.constant 0 : i32
      %dma_wait3A_389 = tpu.memref_slice %arg7[%dma_wait3A_384, %dma_wait3A_388] : memref<8x128xi32, #tpu.memory_space<vmem>> -> memref<1x128xi32, #tpu.memory_space<vmem>>
      %dma_wait3A_390 = tpu.memref_squeeze %dma_wait3A_389 : memref<1x128xi32, #tpu.memory_space<vmem>> -> memref<128xi32, #tpu.memory_space<vmem>>
      %dma_wait3A_391 = arith.constant 0 : i32
      %dma_wait3A_392 = arith.constant 0 : i32
      %dma_wait3A_393 = tpu.memref_slice %arg2[%dma_wait3A_391, %dma_wait3A_392] : memref<10112x16xf32, #tpu.memory_space<hbm>> -> memref<10112x16xf32, #tpu.memory_space<hbm>>
      tpu.wait_indirect_dma semaphore(%arg13 : memref<!tpu.dma_semaphore, #tpu.memory_space<semaphore_mem>>) src(%dma_wait3A_393 : memref<10112x16xf32, #tpu.memory_space<hbm>>) dst(%dma_wait3A_387 : memref<128x16xf32, #tpu.memory_space<vmem>>)
      %dma_wait3A_394 = arith.constant 1 : i32
      %dma_wait3A_395 = arith.constant 128 : i32
      %dma_wait3A_396 = arith.constant 0 : i32
      %dma_wait3A_397 = tpu.memref_slice %arg10[%dma_wait3A_395, %dma_wait3A_396] : memref<1024x16xf32, #tpu.memory_space<vmem>> -> memref<128x16xf32, #tpu.memory_space<vmem>>
      %dma_wait3A_398 = arith.constant 0 : i32
      %dma_wait3A_399 = tpu.memref_slice %arg7[%dma_wait3A_394, %dma_wait3A_398] : memref<8x128xi32, #tpu.memory_space<vmem>> -> memref<1x128xi32, #tpu.memory_space<vmem>>
      %dma_wait3A_400 = tpu.memref_squeeze %dma_wait3A_399 : memref<1x128xi32, #tpu.memory_space<vmem>> -> memref<128xi32, #tpu.memory_space<vmem>>
      %dma_wait3A_401 = arith.constant 0 : i32
      %dma_wait3A_402 = arith.constant 0 : i32
      %dma_wait3A_403 = tpu.memref_slice %arg2[%dma_wait3A_401, %dma_wait3A_402] : memref<10112x16xf32, #tpu.memory_space<hbm>> -> memref<10112x16xf32, #tpu.memory_space<hbm>>
      tpu.wait_indirect_dma semaphore(%arg13 : memref<!tpu.dma_semaphore, #tpu.memory_space<semaphore_mem>>) src(%dma_wait3A_403 : memref<10112x16xf32, #tpu.memory_space<hbm>>) dst(%dma_wait3A_397 : memref<128x16xf32, #tpu.memory_space<vmem>>)
      %dma_wait3A_404 = arith.constant 2 : i32
      %dma_wait3A_405 = arith.constant 256 : i32
      %dma_wait3A_406 = arith.constant 0 : i32
      %dma_wait3A_407 = tpu.memref_slice %arg9[%dma_wait3A_405, %dma_wait3A_406] : memref<1024x16xf32, #tpu.memory_space<vmem>> -> memref<128x16xf32, #tpu.memory_space<vmem>>
      %dma_wait3A_408 = arith.constant 0 : i32
      %dma_wait3A_409 = tpu.memref_slice %arg7[%dma_wait3A_404, %dma_wait3A_408] : memref<8x128xi32, #tpu.memory_space<vmem>> -> memref<1x128xi32, #tpu.memory_space<vmem>>
      %dma_wait3A_410 = tpu.memref_squeeze %dma_wait3A_409 : memref<1x128xi32, #tpu.memory_space<vmem>> -> memref<128xi32, #tpu.memory_space<vmem>>
      %dma_wait3A_411 = arith.constant 0 : i32
      %dma_wait3A_412 = arith.constant 0 : i32
      %dma_wait3A_413 = tpu.memref_slice %arg2[%dma_wait3A_411, %dma_wait3A_412] : memref<10112x16xf32, #tpu.memory_space<hbm>> -> memref<10112x16xf32, #tpu.memory_space<hbm>>
      tpu.wait_indirect_dma semaphore(%arg13 : memref<!tpu.dma_semaphore, #tpu.memory_space<semaphore_mem>>) src(%dma_wait3A_413 : memref<10112x16xf32, #tpu.memory_space<hbm>>) dst(%dma_wait3A_407 : memref<128x16xf32, #tpu.memory_space<vmem>>)
      %dma_wait3A_414 = arith.constant 2 : i32
      %dma_wait3A_415 = arith.constant 256 : i32
      %dma_wait3A_416 = arith.constant 0 : i32
      %dma_wait3A_417 = tpu.memref_slice %arg10[%dma_wait3A_415, %dma_wait3A_416] : memref<1024x16xf32, #tpu.memory_space<vmem>> -> memref<128x16xf32, #tpu.memory_space<vmem>>
      %dma_wait3A_418 = arith.constant 0 : i32
      %dma_wait3A_419 = tpu.memref_slice %arg7[%dma_wait3A_414, %dma_wait3A_418] : memref<8x128xi32, #tpu.memory_space<vmem>> -> memref<1x128xi32, #tpu.memory_space<vmem>>
      %dma_wait3A_420 = tpu.memref_squeeze %dma_wait3A_419 : memref<1x128xi32, #tpu.memory_space<vmem>> -> memref<128xi32, #tpu.memory_space<vmem>>
      %dma_wait3A_421 = arith.constant 0 : i32
      %dma_wait3A_422 = arith.constant 0 : i32
      %dma_wait3A_423 = tpu.memref_slice %arg2[%dma_wait3A_421, %dma_wait3A_422] : memref<10112x16xf32, #tpu.memory_space<hbm>> -> memref<10112x16xf32, #tpu.memory_space<hbm>>
      tpu.wait_indirect_dma semaphore(%arg13 : memref<!tpu.dma_semaphore, #tpu.memory_space<semaphore_mem>>) src(%dma_wait3A_423 : memref<10112x16xf32, #tpu.memory_space<hbm>>) dst(%dma_wait3A_417 : memref<128x16xf32, #tpu.memory_space<vmem>>)
      %dma_wait3A_424 = arith.constant 3 : i32
      %dma_wait3A_425 = arith.constant 384 : i32
      %dma_wait3A_426 = arith.constant 0 : i32
      %dma_wait3A_427 = tpu.memref_slice %arg9[%dma_wait3A_425, %dma_wait3A_426] : memref<1024x16xf32, #tpu.memory_space<vmem>> -> memref<128x16xf32, #tpu.memory_space<vmem>>
      %dma_wait3A_428 = arith.constant 0 : i32
      %dma_wait3A_429 = tpu.memref_slice %arg7[%dma_wait3A_424, %dma_wait3A_428] : memref<8x128xi32, #tpu.memory_space<vmem>> -> memref<1x128xi32, #tpu.memory_space<vmem>>
      %dma_wait3A_430 = tpu.memref_squeeze %dma_wait3A_429 : memref<1x128xi32, #tpu.memory_space<vmem>> -> memref<128xi32, #tpu.memory_space<vmem>>
      %dma_wait3A_431 = arith.constant 0 : i32
      %dma_wait3A_432 = arith.constant 0 : i32
      %dma_wait3A_433 = tpu.memref_slice %arg2[%dma_wait3A_431, %dma_wait3A_432] : memref<10112x16xf32, #tpu.memory_space<hbm>> -> memref<10112x16xf32, #tpu.memory_space<hbm>>
      tpu.wait_indirect_dma semaphore(%arg13 : memref<!tpu.dma_semaphore, #tpu.memory_space<semaphore_mem>>) src(%dma_wait3A_433 : memref<10112x16xf32, #tpu.memory_space<hbm>>) dst(%dma_wait3A_427 : memref<128x16xf32, #tpu.memory_space<vmem>>)
      %dma_wait3A_434 = arith.constant 3 : i32
      %dma_wait3A_435 = arith.constant 384 : i32
      %dma_wait3A_436 = arith.constant 0 : i32
      %dma_wait3A_437 = tpu.memref_slice %arg10[%dma_wait3A_435, %dma_wait3A_436] : memref<1024x16xf32, #tpu.memory_space<vmem>> -> memref<128x16xf32, #tpu.memory_space<vmem>>
      %dma_wait3A_438 = arith.constant 0 : i32
      %dma_wait3A_439 = tpu.memref_slice %arg7[%dma_wait3A_434, %dma_wait3A_438] : memref<8x128xi32, #tpu.memory_space<vmem>> -> memref<1x128xi32, #tpu.memory_space<vmem>>
      %dma_wait3A_440 = tpu.memref_squeeze %dma_wait3A_439 : memref<1x128xi32, #tpu.memory_space<vmem>> -> memref<128xi32, #tpu.memory_space<vmem>>
      %dma_wait3A_441 = arith.constant 0 : i32
      %dma_wait3A_442 = arith.constant 0 : i32
      %dma_wait3A_443 = tpu.memref_slice %arg2[%dma_wait3A_441, %dma_wait3A_442] : memref<10112x16xf32, #tpu.memory_space<hbm>> -> memref<10112x16xf32, #tpu.memory_space<hbm>>
      tpu.wait_indirect_dma semaphore(%arg13 : memref<!tpu.dma_semaphore, #tpu.memory_space<semaphore_mem>>) src(%dma_wait3A_443 : memref<10112x16xf32, #tpu.memory_space<hbm>>) dst(%dma_wait3A_437 : memref<128x16xf32, #tpu.memory_space<vmem>>)
      %dma_wait3A_444 = arith.constant 4 : i32
      %dma_wait3A_445 = arith.constant 512 : i32
      %dma_wait3A_446 = arith.constant 0 : i32
      %dma_wait3A_447 = tpu.memref_slice %arg9[%dma_wait3A_445, %dma_wait3A_446] : memref<1024x16xf32, #tpu.memory_space<vmem>> -> memref<128x16xf32, #tpu.memory_space<vmem>>
      %dma_wait3A_448 = arith.constant 0 : i32
      %dma_wait3A_449 = tpu.memref_slice %arg7[%dma_wait3A_444, %dma_wait3A_448] : memref<8x128xi32, #tpu.memory_space<vmem>> -> memref<1x128xi32, #tpu.memory_space<vmem>>
      %dma_wait3A_450 = tpu.memref_squeeze %dma_wait3A_449 : memref<1x128xi32, #tpu.memory_space<vmem>> -> memref<128xi32, #tpu.memory_space<vmem>>
      %dma_wait3A_451 = arith.constant 0 : i32
      %dma_wait3A_452 = arith.constant 0 : i32
      %dma_wait3A_453 = tpu.memref_slice %arg2[%dma_wait3A_451, %dma_wait3A_452] : memref<10112x16xf32, #tpu.memory_space<hbm>> -> memref<10112x16xf32, #tpu.memory_space<hbm>>
      tpu.wait_indirect_dma semaphore(%arg13 : memref<!tpu.dma_semaphore, #tpu.memory_space<semaphore_mem>>) src(%dma_wait3A_453 : memref<10112x16xf32, #tpu.memory_space<hbm>>) dst(%dma_wait3A_447 : memref<128x16xf32, #tpu.memory_space<vmem>>)
      %dma_wait3A_454 = arith.constant 4 : i32
      %dma_wait3A_455 = arith.constant 512 : i32
      %dma_wait3A_456 = arith.constant 0 : i32
      %dma_wait3A_457 = tpu.memref_slice %arg10[%dma_wait3A_455, %dma_wait3A_456] : memref<1024x16xf32, #tpu.memory_space<vmem>> -> memref<128x16xf32, #tpu.memory_space<vmem>>
      %dma_wait3A_458 = arith.constant 0 : i32
      %dma_wait3A_459 = tpu.memref_slice %arg7[%dma_wait3A_454, %dma_wait3A_458] : memref<8x128xi32, #tpu.memory_space<vmem>> -> memref<1x128xi32, #tpu.memory_space<vmem>>
      %dma_wait3A_460 = tpu.memref_squeeze %dma_wait3A_459 : memref<1x128xi32, #tpu.memory_space<vmem>> -> memref<128xi32, #tpu.memory_space<vmem>>
      %dma_wait3A_461 = arith.constant 0 : i32
      %dma_wait3A_462 = arith.constant 0 : i32
      %dma_wait3A_463 = tpu.memref_slice %arg2[%dma_wait3A_461, %dma_wait3A_462] : memref<10112x16xf32, #tpu.memory_space<hbm>> -> memref<10112x16xf32, #tpu.memory_space<hbm>>
      tpu.wait_indirect_dma semaphore(%arg13 : memref<!tpu.dma_semaphore, #tpu.memory_space<semaphore_mem>>) src(%dma_wait3A_463 : memref<10112x16xf32, #tpu.memory_space<hbm>>) dst(%dma_wait3A_457 : memref<128x16xf32, #tpu.memory_space<vmem>>)
      %dma_wait3A_464 = arith.constant 5 : i32
      %dma_wait3A_465 = arith.constant 640 : i32
      %dma_wait3A_466 = arith.constant 0 : i32
      %dma_wait3A_467 = tpu.memref_slice %arg9[%dma_wait3A_465, %dma_wait3A_466] : memref<1024x16xf32, #tpu.memory_space<vmem>> -> memref<128x16xf32, #tpu.memory_space<vmem>>
      %dma_wait3A_468 = arith.constant 0 : i32
      %dma_wait3A_469 = tpu.memref_slice %arg7[%dma_wait3A_464, %dma_wait3A_468] : memref<8x128xi32, #tpu.memory_space<vmem>> -> memref<1x128xi32, #tpu.memory_space<vmem>>
      %dma_wait3A_470 = tpu.memref_squeeze %dma_wait3A_469 : memref<1x128xi32, #tpu.memory_space<vmem>> -> memref<128xi32, #tpu.memory_space<vmem>>
      %dma_wait3A_471 = arith.constant 0 : i32
      %dma_wait3A_472 = arith.constant 0 : i32
      %dma_wait3A_473 = tpu.memref_slice %arg2[%dma_wait3A_471, %dma_wait3A_472] : memref<10112x16xf32, #tpu.memory_space<hbm>> -> memref<10112x16xf32, #tpu.memory_space<hbm>>
      tpu.wait_indirect_dma semaphore(%arg13 : memref<!tpu.dma_semaphore, #tpu.memory_space<semaphore_mem>>) src(%dma_wait3A_473 : memref<10112x16xf32, #tpu.memory_space<hbm>>) dst(%dma_wait3A_467 : memref<128x16xf32, #tpu.memory_space<vmem>>)
      %dma_wait3A_474 = arith.constant 5 : i32
      %dma_wait3A_475 = arith.constant 640 : i32
      %dma_wait3A_476 = arith.constant 0 : i32
      %dma_wait3A_477 = tpu.memref_slice %arg10[%dma_wait3A_475, %dma_wait3A_476] : memref<1024x16xf32, #tpu.memory_space<vmem>> -> memref<128x16xf32, #tpu.memory_space<vmem>>
      %dma_wait3A_478 = arith.constant 0 : i32
      %dma_wait3A_479 = tpu.memref_slice %arg7[%dma_wait3A_474, %dma_wait3A_478] : memref<8x128xi32, #tpu.memory_space<vmem>> -> memref<1x128xi32, #tpu.memory_space<vmem>>
      %dma_wait3A_480 = tpu.memref_squeeze %dma_wait3A_479 : memref<1x128xi32, #tpu.memory_space<vmem>> -> memref<128xi32, #tpu.memory_space<vmem>>
      %dma_wait3A_481 = arith.constant 0 : i32
      %dma_wait3A_482 = arith.constant 0 : i32
      %dma_wait3A_483 = tpu.memref_slice %arg2[%dma_wait3A_481, %dma_wait3A_482] : memref<10112x16xf32, #tpu.memory_space<hbm>> -> memref<10112x16xf32, #tpu.memory_space<hbm>>
      tpu.wait_indirect_dma semaphore(%arg13 : memref<!tpu.dma_semaphore, #tpu.memory_space<semaphore_mem>>) src(%dma_wait3A_483 : memref<10112x16xf32, #tpu.memory_space<hbm>>) dst(%dma_wait3A_477 : memref<128x16xf32, #tpu.memory_space<vmem>>)
      %dma_wait3A_484 = arith.constant 6 : i32
      %dma_wait3A_485 = arith.constant 768 : i32
      %dma_wait3A_486 = arith.constant 0 : i32
      %dma_wait3A_487 = tpu.memref_slice %arg9[%dma_wait3A_485, %dma_wait3A_486] : memref<1024x16xf32, #tpu.memory_space<vmem>> -> memref<128x16xf32, #tpu.memory_space<vmem>>
      %dma_wait3A_488 = arith.constant 0 : i32
      %dma_wait3A_489 = tpu.memref_slice %arg7[%dma_wait3A_484, %dma_wait3A_488] : memref<8x128xi32, #tpu.memory_space<vmem>> -> memref<1x128xi32, #tpu.memory_space<vmem>>
      %dma_wait3A_490 = tpu.memref_squeeze %dma_wait3A_489 : memref<1x128xi32, #tpu.memory_space<vmem>> -> memref<128xi32, #tpu.memory_space<vmem>>
      %dma_wait3A_491 = arith.constant 0 : i32
      %dma_wait3A_492 = arith.constant 0 : i32
      %dma_wait3A_493 = tpu.memref_slice %arg2[%dma_wait3A_491, %dma_wait3A_492] : memref<10112x16xf32, #tpu.memory_space<hbm>> -> memref<10112x16xf32, #tpu.memory_space<hbm>>
      tpu.wait_indirect_dma semaphore(%arg13 : memref<!tpu.dma_semaphore, #tpu.memory_space<semaphore_mem>>) src(%dma_wait3A_493 : memref<10112x16xf32, #tpu.memory_space<hbm>>) dst(%dma_wait3A_487 : memref<128x16xf32, #tpu.memory_space<vmem>>)
      %dma_wait3A_494 = arith.constant 6 : i32
      %dma_wait3A_495 = arith.constant 768 : i32
      %dma_wait3A_496 = arith.constant 0 : i32
      %dma_wait3A_497 = tpu.memref_slice %arg10[%dma_wait3A_495, %dma_wait3A_496] : memref<1024x16xf32, #tpu.memory_space<vmem>> -> memref<128x16xf32, #tpu.memory_space<vmem>>
      %dma_wait3A_498 = arith.constant 0 : i32
      %dma_wait3A_499 = tpu.memref_slice %arg7[%dma_wait3A_494, %dma_wait3A_498] : memref<8x128xi32, #tpu.memory_space<vmem>> -> memref<1x128xi32, #tpu.memory_space<vmem>>
      %dma_wait3A_500 = tpu.memref_squeeze %dma_wait3A_499 : memref<1x128xi32, #tpu.memory_space<vmem>> -> memref<128xi32, #tpu.memory_space<vmem>>
      %dma_wait3A_501 = arith.constant 0 : i32
      %dma_wait3A_502 = arith.constant 0 : i32
      %dma_wait3A_503 = tpu.memref_slice %arg2[%dma_wait3A_501, %dma_wait3A_502] : memref<10112x16xf32, #tpu.memory_space<hbm>> -> memref<10112x16xf32, #tpu.memory_space<hbm>>
      tpu.wait_indirect_dma semaphore(%arg13 : memref<!tpu.dma_semaphore, #tpu.memory_space<semaphore_mem>>) src(%dma_wait3A_503 : memref<10112x16xf32, #tpu.memory_space<hbm>>) dst(%dma_wait3A_497 : memref<128x16xf32, #tpu.memory_space<vmem>>)
      %dma_wait3A_504 = arith.constant 7 : i32
      %dma_wait3A_505 = arith.constant 896 : i32
      %dma_wait3A_506 = arith.constant 0 : i32
      %dma_wait3A_507 = tpu.memref_slice %arg9[%dma_wait3A_505, %dma_wait3A_506] : memref<1024x16xf32, #tpu.memory_space<vmem>> -> memref<128x16xf32, #tpu.memory_space<vmem>>
      %dma_wait3A_508 = arith.constant 0 : i32
      %dma_wait3A_509 = tpu.memref_slice %arg7[%dma_wait3A_504, %dma_wait3A_508] : memref<8x128xi32, #tpu.memory_space<vmem>> -> memref<1x128xi32, #tpu.memory_space<vmem>>
      %dma_wait3A_510 = tpu.memref_squeeze %dma_wait3A_509 : memref<1x128xi32, #tpu.memory_space<vmem>> -> memref<128xi32, #tpu.memory_space<vmem>>
      %dma_wait3A_511 = arith.constant 0 : i32
      %dma_wait3A_512 = arith.constant 0 : i32
      %dma_wait3A_513 = tpu.memref_slice %arg2[%dma_wait3A_511, %dma_wait3A_512] : memref<10112x16xf32, #tpu.memory_space<hbm>> -> memref<10112x16xf32, #tpu.memory_space<hbm>>
      tpu.wait_indirect_dma semaphore(%arg13 : memref<!tpu.dma_semaphore, #tpu.memory_space<semaphore_mem>>) src(%dma_wait3A_513 : memref<10112x16xf32, #tpu.memory_space<hbm>>) dst(%dma_wait3A_507 : memref<128x16xf32, #tpu.memory_space<vmem>>)
      %dma_wait3A_514 = arith.constant 7 : i32
      %dma_wait3A_515 = arith.constant 896 : i32
      %dma_wait3A_516 = arith.constant 0 : i32
      %dma_wait3A_517 = tpu.memref_slice %arg10[%dma_wait3A_515, %dma_wait3A_516] : memref<1024x16xf32, #tpu.memory_space<vmem>> -> memref<128x16xf32, #tpu.memory_space<vmem>>
      %dma_wait3A_518 = arith.constant 0 : i32
      %dma_wait3A_519 = tpu.memref_slice %arg7[%dma_wait3A_514, %dma_wait3A_518] : memref<8x128xi32, #tpu.memory_space<vmem>> -> memref<1x128xi32, #tpu.memory_space<vmem>>
      %dma_wait3A_520 = tpu.memref_squeeze %dma_wait3A_519 : memref<1x128xi32, #tpu.memory_space<vmem>> -> memref<128xi32, #tpu.memory_space<vmem>>
      %dma_wait3A_521 = arith.constant 0 : i32
      %dma_wait3A_522 = arith.constant 0 : i32
      %dma_wait3A_523 = tpu.memref_slice %arg2[%dma_wait3A_521, %dma_wait3A_522] : memref<10112x16xf32, #tpu.memory_space<hbm>> -> memref<10112x16xf32, #tpu.memory_space<hbm>>
      tpu.wait_indirect_dma semaphore(%arg13 : memref<!tpu.dma_semaphore, #tpu.memory_space<semaphore_mem>>) src(%dma_wait3A_523 : memref<10112x16xf32, #tpu.memory_space<hbm>>) dst(%dma_wait3A_517 : memref<128x16xf32, #tpu.memory_space<vmem>>)
      %dma_wait3A_524 = arith.constant 0 : i32
      %dma_wait3A_525 = arith.constant 0 : i32
      %dma_wait3A_526 = tpu.memref_slice %arg5[%dma_wait3A_524, %dma_wait3A_525] : memref<15x327680xf32, #tpu.memory_space<hbm>> -> memref<15x1024xf32, #tpu.memory_space<hbm>>
      %dma_wait3A_527 = arith.constant 0 : i32
      %dma_wait3A_528 = arith.constant 0 : i32
      %dma_wait3A_529 = tpu.memref_slice %arg5[%dma_wait3A_527, %dma_wait3A_528] : memref<15x327680xf32, #tpu.memory_space<hbm>> -> memref<15x1024xf32, #tpu.memory_space<hbm>>
      tpu.wait_dma2 semaphore(%arg14 : memref<!tpu.dma_semaphore, #tpu.memory_space<semaphore_mem>>) src(%dma_wait3A_529 : memref<15x1024xf32, #tpu.memory_space<hbm>>) dst(%arg11 : memref<15x1024xf32, #tpu.memory_space<vmem>>)
      %gt3A = arith.constant 0 : i32
      %gt3A_530 = arith.cmpi sgt, %while3A_190, %gt3A : i32
      %convert_element_type3A = arith.extui %gt3A_530 : i1 to i32
      %cond3A = arith.constant 0 : i32
      %cond3A_531 = arith.cmpi ne, %convert_element_type3A, %cond3A : i32
      scf.if %cond3A_531 {
        %dma_wait3A_728 = arith.constant 0 : i32
        %dma_wait3A_729 = tpu.memref_slice %arg6[%dma_wait3A_728] : memref<327680xf32, #tpu.memory_space<hbm>> -> memref<1024xf32, #tpu.memory_space<hbm>>
        %dma_wait3A_730 = arith.constant 0 : i32
        %dma_wait3A_731 = tpu.memref_slice %arg6[%dma_wait3A_730] : memref<327680xf32, #tpu.memory_space<hbm>> -> memref<1024xf32, #tpu.memory_space<hbm>>
        tpu.wait_dma2 semaphore(%arg15 : memref<!tpu.dma_semaphore, #tpu.memory_space<semaphore_mem>>) src(%arg12 : memref<1024xf32, #tpu.memory_space<vmem>>) dst(%dma_wait3A_731 : memref<1024xf32, #tpu.memory_space<hbm>>)
      } else {
      }
      %scan3A = arith.constant 0 : i32
      %scan3A_532 = arith.constant 0 : i32
      %scan3A_533 = arith.constant 64 : i32
      %scan3A_534 = arith.addi %scan3A_532, %scan3A_533 : i32
      %scan3A_535 = arith.constant 1 : i32
      scf.for %scan3A_728 = %scan3A_532 to %scan3A_534 step %scan3A_535  : i32 {
        %mul3A_729 = arith.constant 16 : i32
        %mul3A_730 = arith.muli %scan3A_728, %mul3A_729 : i32
        %add3A_731 = vector.broadcast %mul3A_730 : i32 to vector<16xi32>
        %add3A_732 = arith.addi %add3A_731, %iota3A : vector<16xi32>
        %broadcast_in_dim3A = arith.constant 0 : i32
        %broadcast_in_dim3A_733 = vector.broadcast %broadcast_in_dim3A : i32 to vector<16xi32>
        %gather3A = tpu.vector_load_idx %arg9[%add3A_732, %broadcast_in_dim3A_733] : memref<1024x16xf32, #tpu.memory_space<vmem>>[vector<16xi32>, vector<16xi32>], vector<16xf32>,
        %gather3A_734 = tpu.vector_load_idx %arg10[%add3A_732, %broadcast_in_dim3A_733] : memref<1024x16xf32, #tpu.memory_space<vmem>>[vector<16xi32>, vector<16xi32>], vector<16xf32>,
        %get3A = arith.constant 0 : i32
        %get3A_735 = arith.index_cast %get3A : i32 to index
        %get3A_736 = arith.index_cast %mul3A_730 : i32 to index
        %get3A_737 = tpu.vector_load %arg11[%get3A_735, %get3A_736] {strides = array<i32>} : memref<15x1024xf32, #tpu.memory_space<vmem>>, vector<16xf32>,
        %mul3A_738 = arith.mulf %gather3A, %get3A_737 : vector<16xf32>
        %mul3A_739 = arith.mulf %mul3A_738, %gather3A_734 : vector<16xf32>
        %broadcast_in_dim3A_740 = arith.constant 1 : i32
        %broadcast_in_dim3A_741 = vector.broadcast %broadcast_in_dim3A_740 : i32 to vector<16xi32>
        %gather3A_742 = tpu.vector_load_idx %arg9[%add3A_732, %broadcast_in_dim3A_741] : memref<1024x16xf32, #tpu.memory_space<vmem>>[vector<16xi32>, vector<16xi32>], vector<16xf32>,
        %gather3A_743 = tpu.vector_load_idx %arg10[%add3A_732, %broadcast_in_dim3A_741] : memref<1024x16xf32, #tpu.memory_space<vmem>>[vector<16xi32>, vector<16xi32>], vector<16xf32>,
        %get3A_744 = arith.constant 1 : i32
        %get3A_745 = arith.index_cast %get3A_744 : i32 to index
        %get3A_746 = arith.index_cast %mul3A_730 : i32 to index
        %get3A_747 = tpu.vector_load %arg11[%get3A_745, %get3A_746] {strides = array<i32>} : memref<15x1024xf32, #tpu.memory_space<vmem>>, vector<16xf32>,
        %mul3A_748 = arith.mulf %gather3A_742, %get3A_747 : vector<16xf32>
        %mul3A_749 = arith.mulf %mul3A_748, %gather3A_743 : vector<16xf32>
        %add3A_750 = arith.addf %mul3A_739, %mul3A_749 : vector<16xf32>
        %broadcast_in_dim3A_751 = arith.constant 2 : i32
        %broadcast_in_dim3A_752 = vector.broadcast %broadcast_in_dim3A_751 : i32 to vector<16xi32>
        %gather3A_753 = tpu.vector_load_idx %arg9[%add3A_732, %broadcast_in_dim3A_752] : memref<1024x16xf32, #tpu.memory_space<vmem>>[vector<16xi32>, vector<16xi32>], vector<16xf32>,
        %gather3A_754 = tpu.vector_load_idx %arg10[%add3A_732, %broadcast_in_dim3A_752] : memref<1024x16xf32, #tpu.memory_space<vmem>>[vector<16xi32>, vector<16xi32>], vector<16xf32>,
        %get3A_755 = arith.constant 2 : i32
        %get3A_756 = arith.index_cast %get3A_755 : i32 to index
        %get3A_757 = arith.index_cast %mul3A_730 : i32 to index
        %get3A_758 = tpu.vector_load %arg11[%get3A_756, %get3A_757] {strides = array<i32>} : memref<15x1024xf32, #tpu.memory_space<vmem>>, vector<16xf32>,
        %mul3A_759 = arith.mulf %gather3A_753, %get3A_758 : vector<16xf32>
        %mul3A_760 = arith.mulf %mul3A_759, %gather3A_754 : vector<16xf32>
        %add3A_761 = arith.addf %add3A_750, %mul3A_760 : vector<16xf32>
        %broadcast_in_dim3A_762 = arith.constant 3 : i32
        %broadcast_in_dim3A_763 = vector.broadcast %broadcast_in_dim3A_762 : i32 to vector<16xi32>
        %gather3A_764 = tpu.vector_load_idx %arg9[%add3A_732, %broadcast_in_dim3A_763] : memref<1024x16xf32, #tpu.memory_space<vmem>>[vector<16xi32>, vector<16xi32>], vector<16xf32>,
        %gather3A_765 = tpu.vector_load_idx %arg10[%add3A_732, %broadcast_in_dim3A_763] : memref<1024x16xf32, #tpu.memory_space<vmem>>[vector<16xi32>, vector<16xi32>], vector<16xf32>,
        %get3A_766 = arith.constant 3 : i32
        %get3A_767 = arith.index_cast %get3A_766 : i32 to index
        %get3A_768 = arith.index_cast %mul3A_730 : i32 to index
        %get3A_769 = tpu.vector_load %arg11[%get3A_767, %get3A_768] {strides = array<i32>} : memref<15x1024xf32, #tpu.memory_space<vmem>>, vector<16xf32>,
        %mul3A_770 = arith.mulf %gather3A_764, %get3A_769 : vector<16xf32>
        %mul3A_771 = arith.mulf %mul3A_770, %gather3A_765 : vector<16xf32>
        %add3A_772 = arith.addf %add3A_761, %mul3A_771 : vector<16xf32>
        %broadcast_in_dim3A_773 = arith.constant 4 : i32
        %broadcast_in_dim3A_774 = vector.broadcast %broadcast_in_dim3A_773 : i32 to vector<16xi32>
        %gather3A_775 = tpu.vector_load_idx %arg9[%add3A_732, %broadcast_in_dim3A_774] : memref<1024x16xf32, #tpu.memory_space<vmem>>[vector<16xi32>, vector<16xi32>], vector<16xf32>,
        %gather3A_776 = tpu.vector_load_idx %arg10[%add3A_732, %broadcast_in_dim3A_774] : memref<1024x16xf32, #tpu.memory_space<vmem>>[vector<16xi32>, vector<16xi32>], vector<16xf32>,
        %get3A_777 = arith.constant 4 : i32
        %get3A_778 = arith.index_cast %get3A_777 : i32 to index
        %get3A_779 = arith.index_cast %mul3A_730 : i32 to index
        %get3A_780 = tpu.vector_load %arg11[%get3A_778, %get3A_779] {strides = array<i32>} : memref<15x1024xf32, #tpu.memory_space<vmem>>, vector<16xf32>,
        %mul3A_781 = arith.mulf %gather3A_775, %get3A_780 : vector<16xf32>
        %mul3A_782 = arith.mulf %mul3A_781, %gather3A_776 : vector<16xf32>
        %add3A_783 = arith.addf %add3A_772, %mul3A_782 : vector<16xf32>
        %broadcast_in_dim3A_784 = arith.constant 5 : i32
        %broadcast_in_dim3A_785 = vector.broadcast %broadcast_in_dim3A_784 : i32 to vector<16xi32>
        %gather3A_786 = tpu.vector_load_idx %arg9[%add3A_732, %broadcast_in_dim3A_785] : memref<1024x16xf32, #tpu.memory_space<vmem>>[vector<16xi32>, vector<16xi32>], vector<16xf32>,
        %gather3A_787 = tpu.vector_load_idx %arg10[%add3A_732, %broadcast_in_dim3A_785] : memref<1024x16xf32, #tpu.memory_space<vmem>>[vector<16xi32>, vector<16xi32>], vector<16xf32>,
        %get3A_788 = arith.constant 5 : i32
        %get3A_789 = arith.index_cast %get3A_788 : i32 to index
        %get3A_790 = arith.index_cast %mul3A_730 : i32 to index
        %get3A_791 = tpu.vector_load %arg11[%get3A_789, %get3A_790] {strides = array<i32>} : memref<15x1024xf32, #tpu.memory_space<vmem>>, vector<16xf32>,
        %mul3A_792 = arith.mulf %gather3A_786, %get3A_791 : vector<16xf32>
        %mul3A_793 = arith.mulf %mul3A_792, %gather3A_787 : vector<16xf32>
        %add3A_794 = arith.addf %add3A_783, %mul3A_793 : vector<16xf32>
        %broadcast_in_dim3A_795 = arith.constant 6 : i32
        %broadcast_in_dim3A_796 = vector.broadcast %broadcast_in_dim3A_795 : i32 to vector<16xi32>
        %gather3A_797 = tpu.vector_load_idx %arg9[%add3A_732, %broadcast_in_dim3A_796] : memref<1024x16xf32, #tpu.memory_space<vmem>>[vector<16xi32>, vector<16xi32>], vector<16xf32>,
        %gather3A_798 = tpu.vector_load_idx %arg10[%add3A_732, %broadcast_in_dim3A_796] : memref<1024x16xf32, #tpu.memory_space<vmem>>[vector<16xi32>, vector<16xi32>], vector<16xf32>,
        %get3A_799 = arith.constant 6 : i32
        %get3A_800 = arith.index_cast %get3A_799 : i32 to index
        %get3A_801 = arith.index_cast %mul3A_730 : i32 to index
        %get3A_802 = tpu.vector_load %arg11[%get3A_800, %get3A_801] {strides = array<i32>} : memref<15x1024xf32, #tpu.memory_space<vmem>>, vector<16xf32>,
        %mul3A_803 = arith.mulf %gather3A_797, %get3A_802 : vector<16xf32>
        %mul3A_804 = arith.mulf %mul3A_803, %gather3A_798 : vector<16xf32>
        %add3A_805 = arith.addf %add3A_794, %mul3A_804 : vector<16xf32>
        %broadcast_in_dim3A_806 = arith.constant 7 : i32
        %broadcast_in_dim3A_807 = vector.broadcast %broadcast_in_dim3A_806 : i32 to vector<16xi32>
        %gather3A_808 = tpu.vector_load_idx %arg9[%add3A_732, %broadcast_in_dim3A_807] : memref<1024x16xf32, #tpu.memory_space<vmem>>[vector<16xi32>, vector<16xi32>], vector<16xf32>,
        %gather3A_809 = tpu.vector_load_idx %arg10[%add3A_732, %broadcast_in_dim3A_807] : memref<1024x16xf32, #tpu.memory_space<vmem>>[vector<16xi32>, vector<16xi32>], vector<16xf32>,
        %get3A_810 = arith.constant 7 : i32
        %get3A_811 = arith.index_cast %get3A_810 : i32 to index
        %get3A_812 = arith.index_cast %mul3A_730 : i32 to index
        %get3A_813 = tpu.vector_load %arg11[%get3A_811, %get3A_812] {strides = array<i32>} : memref<15x1024xf32, #tpu.memory_space<vmem>>, vector<16xf32>,
        %mul3A_814 = arith.mulf %gather3A_808, %get3A_813 : vector<16xf32>
        %mul3A_815 = arith.mulf %mul3A_814, %gather3A_809 : vector<16xf32>
        %add3A_816 = arith.addf %add3A_805, %mul3A_815 : vector<16xf32>
        %broadcast_in_dim3A_817 = arith.constant 8 : i32
        %broadcast_in_dim3A_818 = vector.broadcast %broadcast_in_dim3A_817 : i32 to vector<16xi32>
        %gather3A_819 = tpu.vector_load_idx %arg9[%add3A_732, %broadcast_in_dim3A_818] : memref<1024x16xf32, #tpu.memory_space<vmem>>[vector<16xi32>, vector<16xi32>], vector<16xf32>,
        %gather3A_820 = tpu.vector_load_idx %arg10[%add3A_732, %broadcast_in_dim3A_818] : memref<1024x16xf32, #tpu.memory_space<vmem>>[vector<16xi32>, vector<16xi32>], vector<16xf32>,
        %get3A_821 = arith.constant 8 : i32
        %get3A_822 = arith.index_cast %get3A_821 : i32 to index
        %get3A_823 = arith.index_cast %mul3A_730 : i32 to index
        %get3A_824 = tpu.vector_load %arg11[%get3A_822, %get3A_823] {strides = array<i32>} : memref<15x1024xf32, #tpu.memory_space<vmem>>, vector<16xf32>,
        %mul3A_825 = arith.mulf %gather3A_819, %get3A_824 : vector<16xf32>
        %mul3A_826 = arith.mulf %mul3A_825, %gather3A_820 : vector<16xf32>
        %add3A_827 = arith.addf %add3A_816, %mul3A_826 : vector<16xf32>
        %broadcast_in_dim3A_828 = arith.constant 9 : i32
        %broadcast_in_dim3A_829 = vector.broadcast %broadcast_in_dim3A_828 : i32 to vector<16xi32>
        %gather3A_830 = tpu.vector_load_idx %arg9[%add3A_732, %broadcast_in_dim3A_829] : memref<1024x16xf32, #tpu.memory_space<vmem>>[vector<16xi32>, vector<16xi32>], vector<16xf32>,
        %gather3A_831 = tpu.vector_load_idx %arg10[%add3A_732, %broadcast_in_dim3A_829] : memref<1024x16xf32, #tpu.memory_space<vmem>>[vector<16xi32>, vector<16xi32>], vector<16xf32>,
        %get3A_832 = arith.constant 9 : i32
        %get3A_833 = arith.index_cast %get3A_832 : i32 to index
        %get3A_834 = arith.index_cast %mul3A_730 : i32 to index
        %get3A_835 = tpu.vector_load %arg11[%get3A_833, %get3A_834] {strides = array<i32>} : memref<15x1024xf32, #tpu.memory_space<vmem>>, vector<16xf32>,
        %mul3A_836 = arith.mulf %gather3A_830, %get3A_835 : vector<16xf32>
        %mul3A_837 = arith.mulf %mul3A_836, %gather3A_831 : vector<16xf32>
        %add3A_838 = arith.addf %add3A_827, %mul3A_837 : vector<16xf32>
        %broadcast_in_dim3A_839 = arith.constant 10 : i32
        %broadcast_in_dim3A_840 = vector.broadcast %broadcast_in_dim3A_839 : i32 to vector<16xi32>
        %gather3A_841 = tpu.vector_load_idx %arg9[%add3A_732, %broadcast_in_dim3A_840] : memref<1024x16xf32, #tpu.memory_space<vmem>>[vector<16xi32>, vector<16xi32>], vector<16xf32>,
        %gather3A_842 = tpu.vector_load_idx %arg10[%add3A_732, %broadcast_in_dim3A_840] : memref<1024x16xf32, #tpu.memory_space<vmem>>[vector<16xi32>, vector<16xi32>], vector<16xf32>,
        %get3A_843 = arith.constant 10 : i32
        %get3A_844 = arith.index_cast %get3A_843 : i32 to index
        %get3A_845 = arith.index_cast %mul3A_730 : i32 to index
        %get3A_846 = tpu.vector_load %arg11[%get3A_844, %get3A_845] {strides = array<i32>} : memref<15x1024xf32, #tpu.memory_space<vmem>>, vector<16xf32>,
        %mul3A_847 = arith.mulf %gather3A_841, %get3A_846 : vector<16xf32>
        %mul3A_848 = arith.mulf %mul3A_847, %gather3A_842 : vector<16xf32>
        %add3A_849 = arith.addf %add3A_838, %mul3A_848 : vector<16xf32>
        %broadcast_in_dim3A_850 = arith.constant 11 : i32
        %broadcast_in_dim3A_851 = vector.broadcast %broadcast_in_dim3A_850 : i32 to vector<16xi32>
        %gather3A_852 = tpu.vector_load_idx %arg9[%add3A_732, %broadcast_in_dim3A_851] : memref<1024x16xf32, #tpu.memory_space<vmem>>[vector<16xi32>, vector<16xi32>], vector<16xf32>,
        %gather3A_853 = tpu.vector_load_idx %arg10[%add3A_732, %broadcast_in_dim3A_851] : memref<1024x16xf32, #tpu.memory_space<vmem>>[vector<16xi32>, vector<16xi32>], vector<16xf32>,
        %get3A_854 = arith.constant 11 : i32
        %get3A_855 = arith.index_cast %get3A_854 : i32 to index
        %get3A_856 = arith.index_cast %mul3A_730 : i32 to index
        %get3A_857 = tpu.vector_load %arg11[%get3A_855, %get3A_856] {strides = array<i32>} : memref<15x1024xf32, #tpu.memory_space<vmem>>, vector<16xf32>,
        %mul3A_858 = arith.mulf %gather3A_852, %get3A_857 : vector<16xf32>
        %mul3A_859 = arith.mulf %mul3A_858, %gather3A_853 : vector<16xf32>
        %add3A_860 = arith.addf %add3A_849, %mul3A_859 : vector<16xf32>
        %broadcast_in_dim3A_861 = arith.constant 12 : i32
        %broadcast_in_dim3A_862 = vector.broadcast %broadcast_in_dim3A_861 : i32 to vector<16xi32>
        %gather3A_863 = tpu.vector_load_idx %arg9[%add3A_732, %broadcast_in_dim3A_862] : memref<1024x16xf32, #tpu.memory_space<vmem>>[vector<16xi32>, vector<16xi32>], vector<16xf32>,
        %gather3A_864 = tpu.vector_load_idx %arg10[%add3A_732, %broadcast_in_dim3A_862] : memref<1024x16xf32, #tpu.memory_space<vmem>>[vector<16xi32>, vector<16xi32>], vector<16xf32>,
        %get3A_865 = arith.constant 12 : i32
        %get3A_866 = arith.index_cast %get3A_865 : i32 to index
        %get3A_867 = arith.index_cast %mul3A_730 : i32 to index
        %get3A_868 = tpu.vector_load %arg11[%get3A_866, %get3A_867] {strides = array<i32>} : memref<15x1024xf32, #tpu.memory_space<vmem>>, vector<16xf32>,
        %mul3A_869 = arith.mulf %gather3A_863, %get3A_868 : vector<16xf32>
        %mul3A_870 = arith.mulf %mul3A_869, %gather3A_864 : vector<16xf32>
        %add3A_871 = arith.addf %add3A_860, %mul3A_870 : vector<16xf32>
        %broadcast_in_dim3A_872 = arith.constant 13 : i32
        %broadcast_in_dim3A_873 = vector.broadcast %broadcast_in_dim3A_872 : i32 to vector<16xi32>
        %gather3A_874 = tpu.vector_load_idx %arg9[%add3A_732, %broadcast_in_dim3A_873] : memref<1024x16xf32, #tpu.memory_space<vmem>>[vector<16xi32>, vector<16xi32>], vector<16xf32>,
        %gather3A_875 = tpu.vector_load_idx %arg10[%add3A_732, %broadcast_in_dim3A_873] : memref<1024x16xf32, #tpu.memory_space<vmem>>[vector<16xi32>, vector<16xi32>], vector<16xf32>,
        %get3A_876 = arith.constant 13 : i32
        %get3A_877 = arith.index_cast %get3A_876 : i32 to index
        %get3A_878 = arith.index_cast %mul3A_730 : i32 to index
        %get3A_879 = tpu.vector_load %arg11[%get3A_877, %get3A_878] {strides = array<i32>} : memref<15x1024xf32, #tpu.memory_space<vmem>>, vector<16xf32>,
        %mul3A_880 = arith.mulf %gather3A_874, %get3A_879 : vector<16xf32>
        %mul3A_881 = arith.mulf %mul3A_880, %gather3A_875 : vector<16xf32>
        %add3A_882 = arith.addf %add3A_871, %mul3A_881 : vector<16xf32>
        %broadcast_in_dim3A_883 = arith.constant 14 : i32
        %broadcast_in_dim3A_884 = vector.broadcast %broadcast_in_dim3A_883 : i32 to vector<16xi32>
        %gather3A_885 = tpu.vector_load_idx %arg9[%add3A_732, %broadcast_in_dim3A_884] : memref<1024x16xf32, #tpu.memory_space<vmem>>[vector<16xi32>, vector<16xi32>], vector<16xf32>,
        %gather3A_886 = tpu.vector_load_idx %arg10[%add3A_732, %broadcast_in_dim3A_884] : memref<1024x16xf32, #tpu.memory_space<vmem>>[vector<16xi32>, vector<16xi32>], vector<16xf32>,
        %get3A_887 = arith.constant 14 : i32
        %get3A_888 = arith.index_cast %get3A_887 : i32 to index
        %get3A_889 = arith.index_cast %mul3A_730 : i32 to index
        %get3A_890 = tpu.vector_load %arg11[%get3A_888, %get3A_889] {strides = array<i32>} : memref<15x1024xf32, #tpu.memory_space<vmem>>, vector<16xf32>,
        %mul3A_891 = arith.mulf %gather3A_885, %get3A_890 : vector<16xf32>
        %mul3A_892 = arith.mulf %mul3A_891, %gather3A_886 : vector<16xf32>
        %add3A_893 = arith.addf %add3A_882, %mul3A_892 : vector<16xf32>
        %neg3A = arith.constant 0.000000e+00 : f32
        %neg3A_894 = vector.broadcast %neg3A : f32 to vector<16xf32>
        %neg3A_895 = arith.subf %neg3A_894, %add3A_893 : vector<16xf32>
        %exp3A = math.exp %neg3A_895 : vector<16xf32>
        %add3A_896 = arith.constant 1.000000e+00 : f32
        %add3A_897 = vector.broadcast %add3A_896 : f32 to vector<16xf32>
        %add3A_898 = arith.addf %add3A_897, %exp3A : vector<16xf32>
        %div3A = arith.constant 1.000000e+00 : f32
        %div3A_899 = vector.broadcast %div3A : f32 to vector<16xf32>
        %div3A_900 = arith.divf %div3A_899, %add3A_898 : vector<16xf32>
        %swap3A = arith.index_cast %mul3A_730 : i32 to index
        %swap3A_901 = tpu.vector_load %arg12[%swap3A] {strides = array<i32>} : memref<1024xf32, #tpu.memory_space<vmem>>, vector<16xf32>,
        tpu.vector_store %arg12[%swap3A], %div3A_900 {strides = array<i32>} : memref<1024xf32, #tpu.memory_space<vmem>>, vector<16xf32>,
      }
      %scan3A_536 = arith.constant 64 : i32
      %mul3A_537 = arith.constant 128 : i32
      %mul3A_538 = arith.muli %add3A_195, %mul3A_537 : i32
      %dma_start3A_539 = tpu.memref_slice %arg6[%mul3A_538] : memref<327680xf32, #tpu.memory_space<hbm>> -> memref<1024xf32, #tpu.memory_space<hbm>>
      %dma_start3A_540 = tpu.memref_slice %arg6[%mul3A_538] : memref<327680xf32, #tpu.memory_space<hbm>> -> memref<1024xf32, #tpu.memory_space<hbm>>
      tpu.enqueue_dma source(%arg12 : memref<1024xf32, #tpu.memory_space<vmem>>) target(%dma_start3A_540 : memref<1024xf32, #tpu.memory_space<hbm>>) target_semaphore(%arg15 : memref<!tpu.dma_semaphore, #tpu.memory_space<semaphore_mem>>)
      %sub3A = arith.constant 1 : i32
      %sub3A_541 = arith.subi %select_n3A_8, %sub3A : i32
      %lt3A = arith.cmpi slt, %while3A_190, %sub3A_541 : i32
      %convert_element_type3A_542 = arith.extui %lt3A : i1 to i32
      %cond3A_543 = arith.constant 0 : i32
      %cond3A_544 = arith.cmpi ne, %convert_element_type3A_542, %cond3A_543 : i32
      scf.if %cond3A_544 {
        %add3A_728 = arith.constant 16 : i32
        %add3A_729 = arith.addi %add3A_195, %add3A_728 : i32
        %mul3A_730 = arith.constant 128 : i32
        %mul3A_731 = arith.muli %add3A_729, %mul3A_730 : i32
        "tpu.region"() ({
          %run_scoped3A = tpu.sem_alloc : memref<!tpu.dma_semaphore, #tpu.memory_space<semaphore_mem>>
          %dma_start3A_896 = arith.constant 0 : i32
          %dma_start3A_897 = tpu.memref_slice %arg3[%add3A_729, %dma_start3A_896] : memref<2560x128xi32, #tpu.memory_space<hbm>> -> memref<8x128xi32, #tpu.memory_space<hbm>>
          %dma_start3A_898 = arith.constant 0 : i32
          %dma_start3A_899 = tpu.memref_slice %arg3[%add3A_729, %dma_start3A_898] : memref<2560x128xi32, #tpu.memory_space<hbm>> -> memref<8x128xi32, #tpu.memory_space<hbm>>
          tpu.enqueue_dma source(%dma_start3A_899 : memref<8x128xi32, #tpu.memory_space<hbm>>) target(%arg7 : memref<8x128xi32, #tpu.memory_space<vmem>>) target_semaphore(%run_scoped3A : memref<!tpu.dma_semaphore, #tpu.memory_space<semaphore_mem>>)
          %dma_wait3A_900 = arith.constant 0 : i32
          %dma_wait3A_901 = tpu.memref_slice %arg3[%add3A_729, %dma_wait3A_900] : memref<2560x128xi32, #tpu.memory_space<hbm>> -> memref<8x128xi32, #tpu.memory_space<hbm>>
          %dma_wait3A_902 = arith.constant 0 : i32
          %dma_wait3A_903 = tpu.memref_slice %arg3[%add3A_729, %dma_wait3A_902] : memref<2560x128xi32, #tpu.memory_space<hbm>> -> memref<8x128xi32, #tpu.memory_space<hbm>>
          tpu.wait_dma2 semaphore(%run_scoped3A : memref<!tpu.dma_semaphore, #tpu.memory_space<semaphore_mem>>) src(%dma_wait3A_903 : memref<8x128xi32, #tpu.memory_space<hbm>>) dst(%arg7 : memref<8x128xi32, #tpu.memory_space<vmem>>)
          tpu.yield
        }) : () -> ()
        "tpu.region"() ({
          %run_scoped3A = tpu.sem_alloc : memref<!tpu.dma_semaphore, #tpu.memory_space<semaphore_mem>>
          %dma_start3A_896 = arith.constant 0 : i32
          %dma_start3A_897 = tpu.memref_slice %arg4[%add3A_729, %dma_start3A_896] : memref<2560x128xi32, #tpu.memory_space<hbm>> -> memref<8x128xi32, #tpu.memory_space<hbm>>
          %dma_start3A_898 = arith.constant 0 : i32
          %dma_start3A_899 = tpu.memref_slice %arg4[%add3A_729, %dma_start3A_898] : memref<2560x128xi32, #tpu.memory_space<hbm>> -> memref<8x128xi32, #tpu.memory_space<hbm>>
          tpu.enqueue_dma source(%dma_start3A_899 : memref<8x128xi32, #tpu.memory_space<hbm>>) target(%arg8 : memref<8x128xi32, #tpu.memory_space<vmem>>) target_semaphore(%run_scoped3A : memref<!tpu.dma_semaphore, #tpu.memory_space<semaphore_mem>>)
          %dma_wait3A_900 = arith.constant 0 : i32
          %dma_wait3A_901 = tpu.memref_slice %arg4[%add3A_729, %dma_wait3A_900] : memref<2560x128xi32, #tpu.memory_space<hbm>> -> memref<8x128xi32, #tpu.memory_space<hbm>>
          %dma_wait3A_902 = arith.constant 0 : i32
          %dma_wait3A_903 = tpu.memref_slice %arg4[%add3A_729, %dma_wait3A_902] : memref<2560x128xi32, #tpu.memory_space<hbm>> -> memref<8x128xi32, #tpu.memory_space<hbm>>
          tpu.wait_dma2 semaphore(%run_scoped3A : memref<!tpu.dma_semaphore, #tpu.memory_space<semaphore_mem>>) src(%dma_wait3A_903 : memref<8x128xi32, #tpu.memory_space<hbm>>) dst(%arg8 : memref<8x128xi32, #tpu.memory_space<vmem>>)
          tpu.yield
        }) : () -> ()
        %dma_start3A_732 = arith.constant 0 : i32
        %dma_start3A_733 = tpu.memref_slice %arg5[%dma_start3A_732, %mul3A_731] : memref<15x327680xf32, #tpu.memory_space<hbm>> -> memref<15x1024xf32, #tpu.memory_space<hbm>>
        %dma_start3A_734 = arith.constant 0 : i32
        %dma_start3A_735 = tpu.memref_slice %arg5[%dma_start3A_734, %mul3A_731] : memref<15x327680xf32, #tpu.memory_space<hbm>> -> memref<15x1024xf32, #tpu.memory_space<hbm>>
        tpu.enqueue_dma source(%dma_start3A_735 : memref<15x1024xf32, #tpu.memory_space<hbm>>) target(%arg11 : memref<15x1024xf32, #tpu.memory_space<vmem>>) target_semaphore(%arg14 : memref<!tpu.dma_semaphore, #tpu.memory_space<semaphore_mem>>)
        %dma_start3A_736 = arith.constant 0 : i32
        %dma_start3A_737 = arith.constant 0 : i32
        %dma_start3A_738 = arith.constant 0 : i32
        %dma_start3A_739 = tpu.memref_slice %arg9[%dma_start3A_737, %dma_start3A_738] : memref<1024x16xf32, #tpu.memory_space<vmem>> -> memref<128x16xf32, #tpu.memory_space<vmem>>
        %dma_start3A_740 = arith.constant 0 : i32
        %dma_start3A_741 = tpu.memref_slice %arg7[%dma_start3A_736, %dma_start3A_740] : memref<8x128xi32, #tpu.memory_space<vmem>> -> memref<1x128xi32, #tpu.memory_space<vmem>>
        %dma_start3A_742 = tpu.memref_squeeze %dma_start3A_741 : memref<1x128xi32, #tpu.memory_space<vmem>> -> memref<128xi32, #tpu.memory_space<vmem>>
        %dma_start3A_743 = arith.constant 0 : i32
        %dma_start3A_744 = arith.constant 0 : i32
        %dma_start3A_745 = tpu.memref_slice %arg2[%dma_start3A_743, %dma_start3A_744] : memref<10112x16xf32, #tpu.memory_space<hbm>> -> memref<10112x16xf32, #tpu.memory_space<hbm>>
        tpu.enqueue_indirect_dma source(%dma_start3A_745 : memref<10112x16xf32, #tpu.memory_space<hbm>>) target(%dma_start3A_739 : memref<128x16xf32, #tpu.memory_space<vmem>>) offsets(%dma_start3A_742 : memref<128xi32, #tpu.memory_space<vmem>>) semaphore(%arg13 : memref<!tpu.dma_semaphore, #tpu.memory_space<semaphore_mem>>)
        %dma_start3A_746 = arith.constant 0 : i32
        %dma_start3A_747 = arith.constant 0 : i32
        %dma_start3A_748 = arith.constant 0 : i32
        %dma_start3A_749 = tpu.memref_slice %arg10[%dma_start3A_747, %dma_start3A_748] : memref<1024x16xf32, #tpu.memory_space<vmem>> -> memref<128x16xf32, #tpu.memory_space<vmem>>
        %dma_start3A_750 = arith.constant 0 : i32
        %dma_start3A_751 = tpu.memref_slice %arg8[%dma_start3A_746, %dma_start3A_750] : memref<8x128xi32, #tpu.memory_space<vmem>> -> memref<1x128xi32, #tpu.memory_space<vmem>>
        %dma_start3A_752 = tpu.memref_squeeze %dma_start3A_751 : memref<1x128xi32, #tpu.memory_space<vmem>> -> memref<128xi32, #tpu.memory_space<vmem>>
        %dma_start3A_753 = arith.constant 0 : i32
        %dma_start3A_754 = arith.constant 0 : i32
        %dma_start3A_755 = tpu.memref_slice %arg2[%dma_start3A_753, %dma_start3A_754] : memref<10112x16xf32, #tpu.memory_space<hbm>> -> memref<10112x16xf32, #tpu.memory_space<hbm>>
        tpu.enqueue_indirect_dma source(%dma_start3A_755 : memref<10112x16xf32, #tpu.memory_space<hbm>>) target(%dma_start3A_749 : memref<128x16xf32, #tpu.memory_space<vmem>>) offsets(%dma_start3A_752 : memref<128xi32, #tpu.memory_space<vmem>>) semaphore(%arg13 : memref<!tpu.dma_semaphore, #tpu.memory_space<semaphore_mem>>)
        %dma_start3A_756 = arith.constant 1 : i32
        %dma_start3A_757 = arith.constant 128 : i32
        %dma_start3A_758 = arith.constant 0 : i32
        %dma_start3A_759 = tpu.memref_slice %arg9[%dma_start3A_757, %dma_start3A_758] : memref<1024x16xf32, #tpu.memory_space<vmem>> -> memref<128x16xf32, #tpu.memory_space<vmem>>
        %dma_start3A_760 = arith.constant 0 : i32
        %dma_start3A_761 = tpu.memref_slice %arg7[%dma_start3A_756, %dma_start3A_760] : memref<8x128xi32, #tpu.memory_space<vmem>> -> memref<1x128xi32, #tpu.memory_space<vmem>>
        %dma_start3A_762 = tpu.memref_squeeze %dma_start3A_761 : memref<1x128xi32, #tpu.memory_space<vmem>> -> memref<128xi32, #tpu.memory_space<vmem>>
        %dma_start3A_763 = arith.constant 0 : i32
        %dma_start3A_764 = arith.constant 0 : i32
        %dma_start3A_765 = tpu.memref_slice %arg2[%dma_start3A_763, %dma_start3A_764] : memref<10112x16xf32, #tpu.memory_space<hbm>> -> memref<10112x16xf32, #tpu.memory_space<hbm>>
        tpu.enqueue_indirect_dma source(%dma_start3A_765 : memref<10112x16xf32, #tpu.memory_space<hbm>>) target(%dma_start3A_759 : memref<128x16xf32, #tpu.memory_space<vmem>>) offsets(%dma_start3A_762 : memref<128xi32, #tpu.memory_space<vmem>>) semaphore(%arg13 : memref<!tpu.dma_semaphore, #tpu.memory_space<semaphore_mem>>)
        %dma_start3A_766 = arith.constant 1 : i32
        %dma_start3A_767 = arith.constant 128 : i32
        %dma_start3A_768 = arith.constant 0 : i32
        %dma_start3A_769 = tpu.memref_slice %arg10[%dma_start3A_767, %dma_start3A_768] : memref<1024x16xf32, #tpu.memory_space<vmem>> -> memref<128x16xf32, #tpu.memory_space<vmem>>
        %dma_start3A_770 = arith.constant 0 : i32
        %dma_start3A_771 = tpu.memref_slice %arg8[%dma_start3A_766, %dma_start3A_770] : memref<8x128xi32, #tpu.memory_space<vmem>> -> memref<1x128xi32, #tpu.memory_space<vmem>>
        %dma_start3A_772 = tpu.memref_squeeze %dma_start3A_771 : memref<1x128xi32, #tpu.memory_space<vmem>> -> memref<128xi32, #tpu.memory_space<vmem>>
        %dma_start3A_773 = arith.constant 0 : i32
        %dma_start3A_774 = arith.constant 0 : i32
        %dma_start3A_775 = tpu.memref_slice %arg2[%dma_start3A_773, %dma_start3A_774] : memref<10112x16xf32, #tpu.memory_space<hbm>> -> memref<10112x16xf32, #tpu.memory_space<hbm>>
        tpu.enqueue_indirect_dma source(%dma_start3A_775 : memref<10112x16xf32, #tpu.memory_space<hbm>>) target(%dma_start3A_769 : memref<128x16xf32, #tpu.memory_space<vmem>>) offsets(%dma_start3A_772 : memref<128xi32, #tpu.memory_space<vmem>>) semaphore(%arg13 : memref<!tpu.dma_semaphore, #tpu.memory_space<semaphore_mem>>)
        %dma_start3A_776 = arith.constant 2 : i32
        %dma_start3A_777 = arith.constant 256 : i32
        %dma_start3A_778 = arith.constant 0 : i32
        %dma_start3A_779 = tpu.memref_slice %arg9[%dma_start3A_777, %dma_start3A_778] : memref<1024x16xf32, #tpu.memory_space<vmem>> -> memref<128x16xf32, #tpu.memory_space<vmem>>
        %dma_start3A_780 = arith.constant 0 : i32
        %dma_start3A_781 = tpu.memref_slice %arg7[%dma_start3A_776, %dma_start3A_780] : memref<8x128xi32, #tpu.memory_space<vmem>> -> memref<1x128xi32, #tpu.memory_space<vmem>>
        %dma_start3A_782 = tpu.memref_squeeze %dma_start3A_781 : memref<1x128xi32, #tpu.memory_space<vmem>> -> memref<128xi32, #tpu.memory_space<vmem>>
        %dma_start3A_783 = arith.constant 0 : i32
        %dma_start3A_784 = arith.constant 0 : i32
        %dma_start3A_785 = tpu.memref_slice %arg2[%dma_start3A_783, %dma_start3A_784] : memref<10112x16xf32, #tpu.memory_space<hbm>> -> memref<10112x16xf32, #tpu.memory_space<hbm>>
        tpu.enqueue_indirect_dma source(%dma_start3A_785 : memref<10112x16xf32, #tpu.memory_space<hbm>>) target(%dma_start3A_779 : memref<128x16xf32, #tpu.memory_space<vmem>>) offsets(%dma_start3A_782 : memref<128xi32, #tpu.memory_space<vmem>>) semaphore(%arg13 : memref<!tpu.dma_semaphore, #tpu.memory_space<semaphore_mem>>)
        %dma_start3A_786 = arith.constant 2 : i32
        %dma_start3A_787 = arith.constant 256 : i32
        %dma_start3A_788 = arith.constant 0 : i32
        %dma_start3A_789 = tpu.memref_slice %arg10[%dma_start3A_787, %dma_start3A_788] : memref<1024x16xf32, #tpu.memory_space<vmem>> -> memref<128x16xf32, #tpu.memory_space<vmem>>
        %dma_start3A_790 = arith.constant 0 : i32
        %dma_start3A_791 = tpu.memref_slice %arg8[%dma_start3A_786, %dma_start3A_790] : memref<8x128xi32, #tpu.memory_space<vmem>> -> memref<1x128xi32, #tpu.memory_space<vmem>>
        %dma_start3A_792 = tpu.memref_squeeze %dma_start3A_791 : memref<1x128xi32, #tpu.memory_space<vmem>> -> memref<128xi32, #tpu.memory_space<vmem>>
        %dma_start3A_793 = arith.constant 0 : i32
        %dma_start3A_794 = arith.constant 0 : i32
        %dma_start3A_795 = tpu.memref_slice %arg2[%dma_start3A_793, %dma_start3A_794] : memref<10112x16xf32, #tpu.memory_space<hbm>> -> memref<10112x16xf32, #tpu.memory_space<hbm>>
        tpu.enqueue_indirect_dma source(%dma_start3A_795 : memref<10112x16xf32, #tpu.memory_space<hbm>>) target(%dma_start3A_789 : memref<128x16xf32, #tpu.memory_space<vmem>>) offsets(%dma_start3A_792 : memref<128xi32, #tpu.memory_space<vmem>>) semaphore(%arg13 : memref<!tpu.dma_semaphore, #tpu.memory_space<semaphore_mem>>)
        %dma_start3A_796 = arith.constant 3 : i32
        %dma_start3A_797 = arith.constant 384 : i32
        %dma_start3A_798 = arith.constant 0 : i32
        %dma_start3A_799 = tpu.memref_slice %arg9[%dma_start3A_797, %dma_start3A_798] : memref<1024x16xf32, #tpu.memory_space<vmem>> -> memref<128x16xf32, #tpu.memory_space<vmem>>
        %dma_start3A_800 = arith.constant 0 : i32
        %dma_start3A_801 = tpu.memref_slice %arg7[%dma_start3A_796, %dma_start3A_800] : memref<8x128xi32, #tpu.memory_space<vmem>> -> memref<1x128xi32, #tpu.memory_space<vmem>>
        %dma_start3A_802 = tpu.memref_squeeze %dma_start3A_801 : memref<1x128xi32, #tpu.memory_space<vmem>> -> memref<128xi32, #tpu.memory_space<vmem>>
        %dma_start3A_803 = arith.constant 0 : i32
        %dma_start3A_804 = arith.constant 0 : i32
        %dma_start3A_805 = tpu.memref_slice %arg2[%dma_start3A_803, %dma_start3A_804] : memref<10112x16xf32, #tpu.memory_space<hbm>> -> memref<10112x16xf32, #tpu.memory_space<hbm>>
        tpu.enqueue_indirect_dma source(%dma_start3A_805 : memref<10112x16xf32, #tpu.memory_space<hbm>>) target(%dma_start3A_799 : memref<128x16xf32, #tpu.memory_space<vmem>>) offsets(%dma_start3A_802 : memref<128xi32, #tpu.memory_space<vmem>>) semaphore(%arg13 : memref<!tpu.dma_semaphore, #tpu.memory_space<semaphore_mem>>)
        %dma_start3A_806 = arith.constant 3 : i32
        %dma_start3A_807 = arith.constant 384 : i32
        %dma_start3A_808 = arith.constant 0 : i32
        %dma_start3A_809 = tpu.memref_slice %arg10[%dma_start3A_807, %dma_start3A_808] : memref<1024x16xf32, #tpu.memory_space<vmem>> -> memref<128x16xf32, #tpu.memory_space<vmem>>
        %dma_start3A_810 = arith.constant 0 : i32
        %dma_start3A_811 = tpu.memref_slice %arg8[%dma_start3A_806, %dma_start3A_810] : memref<8x128xi32, #tpu.memory_space<vmem>> -> memref<1x128xi32, #tpu.memory_space<vmem>>
        %dma_start3A_812 = tpu.memref_squeeze %dma_start3A_811 : memref<1x128xi32, #tpu.memory_space<vmem>> -> memref<128xi32, #tpu.memory_space<vmem>>
        %dma_start3A_813 = arith.constant 0 : i32
        %dma_start3A_814 = arith.constant 0 : i32
        %dma_start3A_815 = tpu.memref_slice %arg2[%dma_start3A_813, %dma_start3A_814] : memref<10112x16xf32, #tpu.memory_space<hbm>> -> memref<10112x16xf32, #tpu.memory_space<hbm>>
        tpu.enqueue_indirect_dma source(%dma_start3A_815 : memref<10112x16xf32, #tpu.memory_space<hbm>>) target(%dma_start3A_809 : memref<128x16xf32, #tpu.memory_space<vmem>>) offsets(%dma_start3A_812 : memref<128xi32, #tpu.memory_space<vmem>>) semaphore(%arg13 : memref<!tpu.dma_semaphore, #tpu.memory_space<semaphore_mem>>)
        %dma_start3A_816 = arith.constant 4 : i32
        %dma_start3A_817 = arith.constant 512 : i32
        %dma_start3A_818 = arith.constant 0 : i32
        %dma_start3A_819 = tpu.memref_slice %arg9[%dma_start3A_817, %dma_start3A_818] : memref<1024x16xf32, #tpu.memory_space<vmem>> -> memref<128x16xf32, #tpu.memory_space<vmem>>
        %dma_start3A_820 = arith.constant 0 : i32
        %dma_start3A_821 = tpu.memref_slice %arg7[%dma_start3A_816, %dma_start3A_820] : memref<8x128xi32, #tpu.memory_space<vmem>> -> memref<1x128xi32, #tpu.memory_space<vmem>>
        %dma_start3A_822 = tpu.memref_squeeze %dma_start3A_821 : memref<1x128xi32, #tpu.memory_space<vmem>> -> memref<128xi32, #tpu.memory_space<vmem>>
        %dma_start3A_823 = arith.constant 0 : i32
        %dma_start3A_824 = arith.constant 0 : i32
        %dma_start3A_825 = tpu.memref_slice %arg2[%dma_start3A_823, %dma_start3A_824] : memref<10112x16xf32, #tpu.memory_space<hbm>> -> memref<10112x16xf32, #tpu.memory_space<hbm>>
        tpu.enqueue_indirect_dma source(%dma_start3A_825 : memref<10112x16xf32, #tpu.memory_space<hbm>>) target(%dma_start3A_819 : memref<128x16xf32, #tpu.memory_space<vmem>>) offsets(%dma_start3A_822 : memref<128xi32, #tpu.memory_space<vmem>>) semaphore(%arg13 : memref<!tpu.dma_semaphore, #tpu.memory_space<semaphore_mem>>)
        %dma_start3A_826 = arith.constant 4 : i32
        %dma_start3A_827 = arith.constant 512 : i32
        %dma_start3A_828 = arith.constant 0 : i32
        %dma_start3A_829 = tpu.memref_slice %arg10[%dma_start3A_827, %dma_start3A_828] : memref<1024x16xf32, #tpu.memory_space<vmem>> -> memref<128x16xf32, #tpu.memory_space<vmem>>
        %dma_start3A_830 = arith.constant 0 : i32
        %dma_start3A_831 = tpu.memref_slice %arg8[%dma_start3A_826, %dma_start3A_830] : memref<8x128xi32, #tpu.memory_space<vmem>> -> memref<1x128xi32, #tpu.memory_space<vmem>>
        %dma_start3A_832 = tpu.memref_squeeze %dma_start3A_831 : memref<1x128xi32, #tpu.memory_space<vmem>> -> memref<128xi32, #tpu.memory_space<vmem>>
        %dma_start3A_833 = arith.constant 0 : i32
        %dma_start3A_834 = arith.constant 0 : i32
        %dma_start3A_835 = tpu.memref_slice %arg2[%dma_start3A_833, %dma_start3A_834] : memref<10112x16xf32, #tpu.memory_space<hbm>> -> memref<10112x16xf32, #tpu.memory_space<hbm>>
        tpu.enqueue_indirect_dma source(%dma_start3A_835 : memref<10112x16xf32, #tpu.memory_space<hbm>>) target(%dma_start3A_829 : memref<128x16xf32, #tpu.memory_space<vmem>>) offsets(%dma_start3A_832 : memref<128xi32, #tpu.memory_space<vmem>>) semaphore(%arg13 : memref<!tpu.dma_semaphore, #tpu.memory_space<semaphore_mem>>)
        %dma_start3A_836 = arith.constant 5 : i32
        %dma_start3A_837 = arith.constant 640 : i32
        %dma_start3A_838 = arith.constant 0 : i32
        %dma_start3A_839 = tpu.memref_slice %arg9[%dma_start3A_837, %dma_start3A_838] : memref<1024x16xf32, #tpu.memory_space<vmem>> -> memref<128x16xf32, #tpu.memory_space<vmem>>
        %dma_start3A_840 = arith.constant 0 : i32
        %dma_start3A_841 = tpu.memref_slice %arg7[%dma_start3A_836, %dma_start3A_840] : memref<8x128xi32, #tpu.memory_space<vmem>> -> memref<1x128xi32, #tpu.memory_space<vmem>>
        %dma_start3A_842 = tpu.memref_squeeze %dma_start3A_841 : memref<1x128xi32, #tpu.memory_space<vmem>> -> memref<128xi32, #tpu.memory_space<vmem>>
        %dma_start3A_843 = arith.constant 0 : i32
        %dma_start3A_844 = arith.constant 0 : i32
        %dma_start3A_845 = tpu.memref_slice %arg2[%dma_start3A_843, %dma_start3A_844] : memref<10112x16xf32, #tpu.memory_space<hbm>> -> memref<10112x16xf32, #tpu.memory_space<hbm>>
        tpu.enqueue_indirect_dma source(%dma_start3A_845 : memref<10112x16xf32, #tpu.memory_space<hbm>>) target(%dma_start3A_839 : memref<128x16xf32, #tpu.memory_space<vmem>>) offsets(%dma_start3A_842 : memref<128xi32, #tpu.memory_space<vmem>>) semaphore(%arg13 : memref<!tpu.dma_semaphore, #tpu.memory_space<semaphore_mem>>)
        %dma_start3A_846 = arith.constant 5 : i32
        %dma_start3A_847 = arith.constant 640 : i32
        %dma_start3A_848 = arith.constant 0 : i32
        %dma_start3A_849 = tpu.memref_slice %arg10[%dma_start3A_847, %dma_start3A_848] : memref<1024x16xf32, #tpu.memory_space<vmem>> -> memref<128x16xf32, #tpu.memory_space<vmem>>
        %dma_start3A_850 = arith.constant 0 : i32
        %dma_start3A_851 = tpu.memref_slice %arg8[%dma_start3A_846, %dma_start3A_850] : memref<8x128xi32, #tpu.memory_space<vmem>> -> memref<1x128xi32, #tpu.memory_space<vmem>>
        %dma_start3A_852 = tpu.memref_squeeze %dma_start3A_851 : memref<1x128xi32, #tpu.memory_space<vmem>> -> memref<128xi32, #tpu.memory_space<vmem>>
        %dma_start3A_853 = arith.constant 0 : i32
        %dma_start3A_854 = arith.constant 0 : i32
        %dma_start3A_855 = tpu.memref_slice %arg2[%dma_start3A_853, %dma_start3A_854] : memref<10112x16xf32, #tpu.memory_space<hbm>> -> memref<10112x16xf32, #tpu.memory_space<hbm>>
        tpu.enqueue_indirect_dma source(%dma_start3A_855 : memref<10112x16xf32, #tpu.memory_space<hbm>>) target(%dma_start3A_849 : memref<128x16xf32, #tpu.memory_space<vmem>>) offsets(%dma_start3A_852 : memref<128xi32, #tpu.memory_space<vmem>>) semaphore(%arg13 : memref<!tpu.dma_semaphore, #tpu.memory_space<semaphore_mem>>)
        %dma_start3A_856 = arith.constant 6 : i32
        %dma_start3A_857 = arith.constant 768 : i32
        %dma_start3A_858 = arith.constant 0 : i32
        %dma_start3A_859 = tpu.memref_slice %arg9[%dma_start3A_857, %dma_start3A_858] : memref<1024x16xf32, #tpu.memory_space<vmem>> -> memref<128x16xf32, #tpu.memory_space<vmem>>
        %dma_start3A_860 = arith.constant 0 : i32
        %dma_start3A_861 = tpu.memref_slice %arg7[%dma_start3A_856, %dma_start3A_860] : memref<8x128xi32, #tpu.memory_space<vmem>> -> memref<1x128xi32, #tpu.memory_space<vmem>>
        %dma_start3A_862 = tpu.memref_squeeze %dma_start3A_861 : memref<1x128xi32, #tpu.memory_space<vmem>> -> memref<128xi32, #tpu.memory_space<vmem>>
        %dma_start3A_863 = arith.constant 0 : i32
        %dma_start3A_864 = arith.constant 0 : i32
        %dma_start3A_865 = tpu.memref_slice %arg2[%dma_start3A_863, %dma_start3A_864] : memref<10112x16xf32, #tpu.memory_space<hbm>> -> memref<10112x16xf32, #tpu.memory_space<hbm>>
        tpu.enqueue_indirect_dma source(%dma_start3A_865 : memref<10112x16xf32, #tpu.memory_space<hbm>>) target(%dma_start3A_859 : memref<128x16xf32, #tpu.memory_space<vmem>>) offsets(%dma_start3A_862 : memref<128xi32, #tpu.memory_space<vmem>>) semaphore(%arg13 : memref<!tpu.dma_semaphore, #tpu.memory_space<semaphore_mem>>)
        %dma_start3A_866 = arith.constant 6 : i32
        %dma_start3A_867 = arith.constant 768 : i32
        %dma_start3A_868 = arith.constant 0 : i32
        %dma_start3A_869 = tpu.memref_slice %arg10[%dma_start3A_867, %dma_start3A_868] : memref<1024x16xf32, #tpu.memory_space<vmem>> -> memref<128x16xf32, #tpu.memory_space<vmem>>
        %dma_start3A_870 = arith.constant 0 : i32
        %dma_start3A_871 = tpu.memref_slice %arg8[%dma_start3A_866, %dma_start3A_870] : memref<8x128xi32, #tpu.memory_space<vmem>> -> memref<1x128xi32, #tpu.memory_space<vmem>>
        %dma_start3A_872 = tpu.memref_squeeze %dma_start3A_871 : memref<1x128xi32, #tpu.memory_space<vmem>> -> memref<128xi32, #tpu.memory_space<vmem>>
        %dma_start3A_873 = arith.constant 0 : i32
        %dma_start3A_874 = arith.constant 0 : i32
        %dma_start3A_875 = tpu.memref_slice %arg2[%dma_start3A_873, %dma_start3A_874] : memref<10112x16xf32, #tpu.memory_space<hbm>> -> memref<10112x16xf32, #tpu.memory_space<hbm>>
        tpu.enqueue_indirect_dma source(%dma_start3A_875 : memref<10112x16xf32, #tpu.memory_space<hbm>>) target(%dma_start3A_869 : memref<128x16xf32, #tpu.memory_space<vmem>>) offsets(%dma_start3A_872 : memref<128xi32, #tpu.memory_space<vmem>>) semaphore(%arg13 : memref<!tpu.dma_semaphore, #tpu.memory_space<semaphore_mem>>)
        %dma_start3A_876 = arith.constant 7 : i32
        %dma_start3A_877 = arith.constant 896 : i32
        %dma_start3A_878 = arith.constant 0 : i32
        %dma_start3A_879 = tpu.memref_slice %arg9[%dma_start3A_877, %dma_start3A_878] : memref<1024x16xf32, #tpu.memory_space<vmem>> -> memref<128x16xf32, #tpu.memory_space<vmem>>
        %dma_start3A_880 = arith.constant 0 : i32
        %dma_start3A_881 = tpu.memref_slice %arg7[%dma_start3A_876, %dma_start3A_880] : memref<8x128xi32, #tpu.memory_space<vmem>> -> memref<1x128xi32, #tpu.memory_space<vmem>>
        %dma_start3A_882 = tpu.memref_squeeze %dma_start3A_881 : memref<1x128xi32, #tpu.memory_space<vmem>> -> memref<128xi32, #tpu.memory_space<vmem>>
        %dma_start3A_883 = arith.constant 0 : i32
        %dma_start3A_884 = arith.constant 0 : i32
        %dma_start3A_885 = tpu.memref_slice %arg2[%dma_start3A_883, %dma_start3A_884] : memref<10112x16xf32, #tpu.memory_space<hbm>> -> memref<10112x16xf32, #tpu.memory_space<hbm>>
        tpu.enqueue_indirect_dma source(%dma_start3A_885 : memref<10112x16xf32, #tpu.memory_space<hbm>>) target(%dma_start3A_879 : memref<128x16xf32, #tpu.memory_space<vmem>>) offsets(%dma_start3A_882 : memref<128xi32, #tpu.memory_space<vmem>>) semaphore(%arg13 : memref<!tpu.dma_semaphore, #tpu.memory_space<semaphore_mem>>)
        %dma_start3A_886 = arith.constant 7 : i32
        %dma_start3A_887 = arith.constant 896 : i32
        %dma_start3A_888 = arith.constant 0 : i32
        %dma_start3A_889 = tpu.memref_slice %arg10[%dma_start3A_887, %dma_start3A_888] : memref<1024x16xf32, #tpu.memory_space<vmem>> -> memref<128x16xf32, #tpu.memory_space<vmem>>
        %dma_start3A_890 = arith.constant 0 : i32
        %dma_start3A_891 = tpu.memref_slice %arg8[%dma_start3A_886, %dma_start3A_890] : memref<8x128xi32, #tpu.memory_space<vmem>> -> memref<1x128xi32, #tpu.memory_space<vmem>>
        %dma_start3A_892 = tpu.memref_squeeze %dma_start3A_891 : memref<1x128xi32, #tpu.memory_space<vmem>> -> memref<128xi32, #tpu.memory_space<vmem>>
        %dma_start3A_893 = arith.constant 0 : i32
        %dma_start3A_894 = arith.constant 0 : i32
        %dma_start3A_895 = tpu.memref_slice %arg2[%dma_start3A_893, %dma_start3A_894] : memref<10112x16xf32, #tpu.memory_space<hbm>> -> memref<10112x16xf32, #tpu.memory_space<hbm>>
        tpu.enqueue_indirect_dma source(%dma_start3A_895 : memref<10112x16xf32, #tpu.memory_space<hbm>>) target(%dma_start3A_889 : memref<128x16xf32, #tpu.memory_space<vmem>>) offsets(%dma_start3A_892 : memref<128xi32, #tpu.memory_space<vmem>>) semaphore(%arg13 : memref<!tpu.dma_semaphore, #tpu.memory_space<semaphore_mem>>)
      } else {
      }
      %dma_wait3A_545 = arith.constant 0 : i32
      %dma_wait3A_546 = arith.constant 0 : i32
      %dma_wait3A_547 = arith.constant 0 : i32
      %dma_wait3A_548 = tpu.memref_slice %arg18[%dma_wait3A_546, %dma_wait3A_547] : memref<1024x16xf32, #tpu.memory_space<vmem>> -> memref<128x16xf32, #tpu.memory_space<vmem>>
      %dma_wait3A_549 = arith.constant 0 : i32
      %dma_wait3A_550 = tpu.memref_slice %arg16[%dma_wait3A_545, %dma_wait3A_549] : memref<8x128xi32, #tpu.memory_space<vmem>> -> memref<1x128xi32, #tpu.memory_space<vmem>>
      %dma_wait3A_551 = tpu.memref_squeeze %dma_wait3A_550 : memref<1x128xi32, #tpu.memory_space<vmem>> -> memref<128xi32, #tpu.memory_space<vmem>>
      %dma_wait3A_552 = arith.constant 0 : i32
      %dma_wait3A_553 = arith.constant 0 : i32
      %dma_wait3A_554 = tpu.memref_slice %arg2[%dma_wait3A_552, %dma_wait3A_553] : memref<10112x16xf32, #tpu.memory_space<hbm>> -> memref<10112x16xf32, #tpu.memory_space<hbm>>
      tpu.wait_indirect_dma semaphore(%arg22 : memref<!tpu.dma_semaphore, #tpu.memory_space<semaphore_mem>>) src(%dma_wait3A_554 : memref<10112x16xf32, #tpu.memory_space<hbm>>) dst(%dma_wait3A_548 : memref<128x16xf32, #tpu.memory_space<vmem>>)
      %dma_wait3A_555 = arith.constant 0 : i32
      %dma_wait3A_556 = arith.constant 0 : i32
      %dma_wait3A_557 = arith.constant 0 : i32
      %dma_wait3A_558 = tpu.memref_slice %arg19[%dma_wait3A_556, %dma_wait3A_557] : memref<1024x16xf32, #tpu.memory_space<vmem>> -> memref<128x16xf32, #tpu.memory_space<vmem>>
      %dma_wait3A_559 = arith.constant 0 : i32
      %dma_wait3A_560 = tpu.memref_slice %arg16[%dma_wait3A_555, %dma_wait3A_559] : memref<8x128xi32, #tpu.memory_space<vmem>> -> memref<1x128xi32, #tpu.memory_space<vmem>>
      %dma_wait3A_561 = tpu.memref_squeeze %dma_wait3A_560 : memref<1x128xi32, #tpu.memory_space<vmem>> -> memref<128xi32, #tpu.memory_space<vmem>>
      %dma_wait3A_562 = arith.constant 0 : i32
      %dma_wait3A_563 = arith.constant 0 : i32
      %dma_wait3A_564 = tpu.memref_slice %arg2[%dma_wait3A_562, %dma_wait3A_563] : memref<10112x16xf32, #tpu.memory_space<hbm>> -> memref<10112x16xf32, #tpu.memory_space<hbm>>
      tpu.wait_indirect_dma semaphore(%arg22 : memref<!tpu.dma_semaphore, #tpu.memory_space<semaphore_mem>>) src(%dma_wait3A_564 : memref<10112x16xf32, #tpu.memory_space<hbm>>) dst(%dma_wait3A_558 : memref<128x16xf32, #tpu.memory_space<vmem>>)
      %dma_wait3A_565 = arith.constant 1 : i32
      %dma_wait3A_566 = arith.constant 128 : i32
      %dma_wait3A_567 = arith.constant 0 : i32
      %dma_wait3A_568 = tpu.memref_slice %arg18[%dma_wait3A_566, %dma_wait3A_567] : memref<1024x16xf32, #tpu.memory_space<vmem>> -> memref<128x16xf32, #tpu.memory_space<vmem>>
      %dma_wait3A_569 = arith.constant 0 : i32
      %dma_wait3A_570 = tpu.memref_slice %arg16[%dma_wait3A_565, %dma_wait3A_569] : memref<8x128xi32, #tpu.memory_space<vmem>> -> memref<1x128xi32, #tpu.memory_space<vmem>>
      %dma_wait3A_571 = tpu.memref_squeeze %dma_wait3A_570 : memref<1x128xi32, #tpu.memory_space<vmem>> -> memref<128xi32, #tpu.memory_space<vmem>>
      %dma_wait3A_572 = arith.constant 0 : i32
      %dma_wait3A_573 = arith.constant 0 : i32
      %dma_wait3A_574 = tpu.memref_slice %arg2[%dma_wait3A_572, %dma_wait3A_573] : memref<10112x16xf32, #tpu.memory_space<hbm>> -> memref<10112x16xf32, #tpu.memory_space<hbm>>
      tpu.wait_indirect_dma semaphore(%arg22 : memref<!tpu.dma_semaphore, #tpu.memory_space<semaphore_mem>>) src(%dma_wait3A_574 : memref<10112x16xf32, #tpu.memory_space<hbm>>) dst(%dma_wait3A_568 : memref<128x16xf32, #tpu.memory_space<vmem>>)
      %dma_wait3A_575 = arith.constant 1 : i32
      %dma_wait3A_576 = arith.constant 128 : i32
      %dma_wait3A_577 = arith.constant 0 : i32
      %dma_wait3A_578 = tpu.memref_slice %arg19[%dma_wait3A_576, %dma_wait3A_577] : memref<1024x16xf32, #tpu.memory_space<vmem>> -> memref<128x16xf32, #tpu.memory_space<vmem>>
      %dma_wait3A_579 = arith.constant 0 : i32
      %dma_wait3A_580 = tpu.memref_slice %arg16[%dma_wait3A_575, %dma_wait3A_579] : memref<8x128xi32, #tpu.memory_space<vmem>> -> memref<1x128xi32, #tpu.memory_space<vmem>>
      %dma_wait3A_581 = tpu.memref_squeeze %dma_wait3A_580 : memref<1x128xi32, #tpu.memory_space<vmem>> -> memref<128xi32, #tpu.memory_space<vmem>>
      %dma_wait3A_582 = arith.constant 0 : i32
      %dma_wait3A_583 = arith.constant 0 : i32
      %dma_wait3A_584 = tpu.memref_slice %arg2[%dma_wait3A_582, %dma_wait3A_583] : memref<10112x16xf32, #tpu.memory_space<hbm>> -> memref<10112x16xf32, #tpu.memory_space<hbm>>
      tpu.wait_indirect_dma semaphore(%arg22 : memref<!tpu.dma_semaphore, #tpu.memory_space<semaphore_mem>>) src(%dma_wait3A_584 : memref<10112x16xf32, #tpu.memory_space<hbm>>) dst(%dma_wait3A_578 : memref<128x16xf32, #tpu.memory_space<vmem>>)
      %dma_wait3A_585 = arith.constant 2 : i32
      %dma_wait3A_586 = arith.constant 256 : i32
      %dma_wait3A_587 = arith.constant 0 : i32
      %dma_wait3A_588 = tpu.memref_slice %arg18[%dma_wait3A_586, %dma_wait3A_587] : memref<1024x16xf32, #tpu.memory_space<vmem>> -> memref<128x16xf32, #tpu.memory_space<vmem>>
      %dma_wait3A_589 = arith.constant 0 : i32
      %dma_wait3A_590 = tpu.memref_slice %arg16[%dma_wait3A_585, %dma_wait3A_589] : memref<8x128xi32, #tpu.memory_space<vmem>> -> memref<1x128xi32, #tpu.memory_space<vmem>>
      %dma_wait3A_591 = tpu.memref_squeeze %dma_wait3A_590 : memref<1x128xi32, #tpu.memory_space<vmem>> -> memref<128xi32, #tpu.memory_space<vmem>>
      %dma_wait3A_592 = arith.constant 0 : i32
      %dma_wait3A_593 = arith.constant 0 : i32
      %dma_wait3A_594 = tpu.memref_slice %arg2[%dma_wait3A_592, %dma_wait3A_593] : memref<10112x16xf32, #tpu.memory_space<hbm>> -> memref<10112x16xf32, #tpu.memory_space<hbm>>
      tpu.wait_indirect_dma semaphore(%arg22 : memref<!tpu.dma_semaphore, #tpu.memory_space<semaphore_mem>>) src(%dma_wait3A_594 : memref<10112x16xf32, #tpu.memory_space<hbm>>) dst(%dma_wait3A_588 : memref<128x16xf32, #tpu.memory_space<vmem>>)
      %dma_wait3A_595 = arith.constant 2 : i32
      %dma_wait3A_596 = arith.constant 256 : i32
      %dma_wait3A_597 = arith.constant 0 : i32
      %dma_wait3A_598 = tpu.memref_slice %arg19[%dma_wait3A_596, %dma_wait3A_597] : memref<1024x16xf32, #tpu.memory_space<vmem>> -> memref<128x16xf32, #tpu.memory_space<vmem>>
      %dma_wait3A_599 = arith.constant 0 : i32
      %dma_wait3A_600 = tpu.memref_slice %arg16[%dma_wait3A_595, %dma_wait3A_599] : memref<8x128xi32, #tpu.memory_space<vmem>> -> memref<1x128xi32, #tpu.memory_space<vmem>>
      %dma_wait3A_601 = tpu.memref_squeeze %dma_wait3A_600 : memref<1x128xi32, #tpu.memory_space<vmem>> -> memref<128xi32, #tpu.memory_space<vmem>>
      %dma_wait3A_602 = arith.constant 0 : i32
      %dma_wait3A_603 = arith.constant 0 : i32
      %dma_wait3A_604 = tpu.memref_slice %arg2[%dma_wait3A_602, %dma_wait3A_603] : memref<10112x16xf32, #tpu.memory_space<hbm>> -> memref<10112x16xf32, #tpu.memory_space<hbm>>
      tpu.wait_indirect_dma semaphore(%arg22 : memref<!tpu.dma_semaphore, #tpu.memory_space<semaphore_mem>>) src(%dma_wait3A_604 : memref<10112x16xf32, #tpu.memory_space<hbm>>) dst(%dma_wait3A_598 : memref<128x16xf32, #tpu.memory_space<vmem>>)
      %dma_wait3A_605 = arith.constant 3 : i32
      %dma_wait3A_606 = arith.constant 384 : i32
      %dma_wait3A_607 = arith.constant 0 : i32
      %dma_wait3A_608 = tpu.memref_slice %arg18[%dma_wait3A_606, %dma_wait3A_607] : memref<1024x16xf32, #tpu.memory_space<vmem>> -> memref<128x16xf32, #tpu.memory_space<vmem>>
      %dma_wait3A_609 = arith.constant 0 : i32
      %dma_wait3A_610 = tpu.memref_slice %arg16[%dma_wait3A_605, %dma_wait3A_609] : memref<8x128xi32, #tpu.memory_space<vmem>> -> memref<1x128xi32, #tpu.memory_space<vmem>>
      %dma_wait3A_611 = tpu.memref_squeeze %dma_wait3A_610 : memref<1x128xi32, #tpu.memory_space<vmem>> -> memref<128xi32, #tpu.memory_space<vmem>>
      %dma_wait3A_612 = arith.constant 0 : i32
      %dma_wait3A_613 = arith.constant 0 : i32
      %dma_wait3A_614 = tpu.memref_slice %arg2[%dma_wait3A_612, %dma_wait3A_613] : memref<10112x16xf32, #tpu.memory_space<hbm>> -> memref<10112x16xf32, #tpu.memory_space<hbm>>
      tpu.wait_indirect_dma semaphore(%arg22 : memref<!tpu.dma_semaphore, #tpu.memory_space<semaphore_mem>>) src(%dma_wait3A_614 : memref<10112x16xf32, #tpu.memory_space<hbm>>) dst(%dma_wait3A_608 : memref<128x16xf32, #tpu.memory_space<vmem>>)
      %dma_wait3A_615 = arith.constant 3 : i32
      %dma_wait3A_616 = arith.constant 384 : i32
      %dma_wait3A_617 = arith.constant 0 : i32
      %dma_wait3A_618 = tpu.memref_slice %arg19[%dma_wait3A_616, %dma_wait3A_617] : memref<1024x16xf32, #tpu.memory_space<vmem>> -> memref<128x16xf32, #tpu.memory_space<vmem>>
      %dma_wait3A_619 = arith.constant 0 : i32
      %dma_wait3A_620 = tpu.memref_slice %arg16[%dma_wait3A_615, %dma_wait3A_619] : memref<8x128xi32, #tpu.memory_space<vmem>> -> memref<1x128xi32, #tpu.memory_space<vmem>>
      %dma_wait3A_621 = tpu.memref_squeeze %dma_wait3A_620 : memref<1x128xi32, #tpu.memory_space<vmem>> -> memref<128xi32, #tpu.memory_space<vmem>>
      %dma_wait3A_622 = arith.constant 0 : i32
      %dma_wait3A_623 = arith.constant 0 : i32
      %dma_wait3A_624 = tpu.memref_slice %arg2[%dma_wait3A_622, %dma_wait3A_623] : memref<10112x16xf32, #tpu.memory_space<hbm>> -> memref<10112x16xf32, #tpu.memory_space<hbm>>
      tpu.wait_indirect_dma semaphore(%arg22 : memref<!tpu.dma_semaphore, #tpu.memory_space<semaphore_mem>>) src(%dma_wait3A_624 : memref<10112x16xf32, #tpu.memory_space<hbm>>) dst(%dma_wait3A_618 : memref<128x16xf32, #tpu.memory_space<vmem>>)
      %dma_wait3A_625 = arith.constant 4 : i32
      %dma_wait3A_626 = arith.constant 512 : i32
      %dma_wait3A_627 = arith.constant 0 : i32
      %dma_wait3A_628 = tpu.memref_slice %arg18[%dma_wait3A_626, %dma_wait3A_627] : memref<1024x16xf32, #tpu.memory_space<vmem>> -> memref<128x16xf32, #tpu.memory_space<vmem>>
      %dma_wait3A_629 = arith.constant 0 : i32
      %dma_wait3A_630 = tpu.memref_slice %arg16[%dma_wait3A_625, %dma_wait3A_629] : memref<8x128xi32, #tpu.memory_space<vmem>> -> memref<1x128xi32, #tpu.memory_space<vmem>>
      %dma_wait3A_631 = tpu.memref_squeeze %dma_wait3A_630 : memref<1x128xi32, #tpu.memory_space<vmem>> -> memref<128xi32, #tpu.memory_space<vmem>>
      %dma_wait3A_632 = arith.constant 0 : i32
      %dma_wait3A_633 = arith.constant 0 : i32
      %dma_wait3A_634 = tpu.memref_slice %arg2[%dma_wait3A_632, %dma_wait3A_633] : memref<10112x16xf32, #tpu.memory_space<hbm>> -> memref<10112x16xf32, #tpu.memory_space<hbm>>
      tpu.wait_indirect_dma semaphore(%arg22 : memref<!tpu.dma_semaphore, #tpu.memory_space<semaphore_mem>>) src(%dma_wait3A_634 : memref<10112x16xf32, #tpu.memory_space<hbm>>) dst(%dma_wait3A_628 : memref<128x16xf32, #tpu.memory_space<vmem>>)
      %dma_wait3A_635 = arith.constant 4 : i32
      %dma_wait3A_636 = arith.constant 512 : i32
      %dma_wait3A_637 = arith.constant 0 : i32
      %dma_wait3A_638 = tpu.memref_slice %arg19[%dma_wait3A_636, %dma_wait3A_637] : memref<1024x16xf32, #tpu.memory_space<vmem>> -> memref<128x16xf32, #tpu.memory_space<vmem>>
      %dma_wait3A_639 = arith.constant 0 : i32
      %dma_wait3A_640 = tpu.memref_slice %arg16[%dma_wait3A_635, %dma_wait3A_639] : memref<8x128xi32, #tpu.memory_space<vmem>> -> memref<1x128xi32, #tpu.memory_space<vmem>>
      %dma_wait3A_641 = tpu.memref_squeeze %dma_wait3A_640 : memref<1x128xi32, #tpu.memory_space<vmem>> -> memref<128xi32, #tpu.memory_space<vmem>>
      %dma_wait3A_642 = arith.constant 0 : i32
      %dma_wait3A_643 = arith.constant 0 : i32
      %dma_wait3A_644 = tpu.memref_slice %arg2[%dma_wait3A_642, %dma_wait3A_643] : memref<10112x16xf32, #tpu.memory_space<hbm>> -> memref<10112x16xf32, #tpu.memory_space<hbm>>
      tpu.wait_indirect_dma semaphore(%arg22 : memref<!tpu.dma_semaphore, #tpu.memory_space<semaphore_mem>>) src(%dma_wait3A_644 : memref<10112x16xf32, #tpu.memory_space<hbm>>) dst(%dma_wait3A_638 : memref<128x16xf32, #tpu.memory_space<vmem>>)
      %dma_wait3A_645 = arith.constant 5 : i32
      %dma_wait3A_646 = arith.constant 640 : i32
      %dma_wait3A_647 = arith.constant 0 : i32
      %dma_wait3A_648 = tpu.memref_slice %arg18[%dma_wait3A_646, %dma_wait3A_647] : memref<1024x16xf32, #tpu.memory_space<vmem>> -> memref<128x16xf32, #tpu.memory_space<vmem>>
      %dma_wait3A_649 = arith.constant 0 : i32
      %dma_wait3A_650 = tpu.memref_slice %arg16[%dma_wait3A_645, %dma_wait3A_649] : memref<8x128xi32, #tpu.memory_space<vmem>> -> memref<1x128xi32, #tpu.memory_space<vmem>>
      %dma_wait3A_651 = tpu.memref_squeeze %dma_wait3A_650 : memref<1x128xi32, #tpu.memory_space<vmem>> -> memref<128xi32, #tpu.memory_space<vmem>>
      %dma_wait3A_652 = arith.constant 0 : i32
      %dma_wait3A_653 = arith.constant 0 : i32
      %dma_wait3A_654 = tpu.memref_slice %arg2[%dma_wait3A_652, %dma_wait3A_653] : memref<10112x16xf32, #tpu.memory_space<hbm>> -> memref<10112x16xf32, #tpu.memory_space<hbm>>
      tpu.wait_indirect_dma semaphore(%arg22 : memref<!tpu.dma_semaphore, #tpu.memory_space<semaphore_mem>>) src(%dma_wait3A_654 : memref<10112x16xf32, #tpu.memory_space<hbm>>) dst(%dma_wait3A_648 : memref<128x16xf32, #tpu.memory_space<vmem>>)
      %dma_wait3A_655 = arith.constant 5 : i32
      %dma_wait3A_656 = arith.constant 640 : i32
      %dma_wait3A_657 = arith.constant 0 : i32
      %dma_wait3A_658 = tpu.memref_slice %arg19[%dma_wait3A_656, %dma_wait3A_657] : memref<1024x16xf32, #tpu.memory_space<vmem>> -> memref<128x16xf32, #tpu.memory_space<vmem>>
      %dma_wait3A_659 = arith.constant 0 : i32
      %dma_wait3A_660 = tpu.memref_slice %arg16[%dma_wait3A_655, %dma_wait3A_659] : memref<8x128xi32, #tpu.memory_space<vmem>> -> memref<1x128xi32, #tpu.memory_space<vmem>>
      %dma_wait3A_661 = tpu.memref_squeeze %dma_wait3A_660 : memref<1x128xi32, #tpu.memory_space<vmem>> -> memref<128xi32, #tpu.memory_space<vmem>>
      %dma_wait3A_662 = arith.constant 0 : i32
      %dma_wait3A_663 = arith.constant 0 : i32
      %dma_wait3A_664 = tpu.memref_slice %arg2[%dma_wait3A_662, %dma_wait3A_663] : memref<10112x16xf32, #tpu.memory_space<hbm>> -> memref<10112x16xf32, #tpu.memory_space<hbm>>
      tpu.wait_indirect_dma semaphore(%arg22 : memref<!tpu.dma_semaphore, #tpu.memory_space<semaphore_mem>>) src(%dma_wait3A_664 : memref<10112x16xf32, #tpu.memory_space<hbm>>) dst(%dma_wait3A_658 : memref<128x16xf32, #tpu.memory_space<vmem>>)
      %dma_wait3A_665 = arith.constant 6 : i32
      %dma_wait3A_666 = arith.constant 768 : i32
      %dma_wait3A_667 = arith.constant 0 : i32
      %dma_wait3A_668 = tpu.memref_slice %arg18[%dma_wait3A_666, %dma_wait3A_667] : memref<1024x16xf32, #tpu.memory_space<vmem>> -> memref<128x16xf32, #tpu.memory_space<vmem>>
      %dma_wait3A_669 = arith.constant 0 : i32
      %dma_wait3A_670 = tpu.memref_slice %arg16[%dma_wait3A_665, %dma_wait3A_669] : memref<8x128xi32, #tpu.memory_space<vmem>> -> memref<1x128xi32, #tpu.memory_space<vmem>>
      %dma_wait3A_671 = tpu.memref_squeeze %dma_wait3A_670 : memref<1x128xi32, #tpu.memory_space<vmem>> -> memref<128xi32, #tpu.memory_space<vmem>>
      %dma_wait3A_672 = arith.constant 0 : i32
      %dma_wait3A_673 = arith.constant 0 : i32
      %dma_wait3A_674 = tpu.memref_slice %arg2[%dma_wait3A_672, %dma_wait3A_673] : memref<10112x16xf32, #tpu.memory_space<hbm>> -> memref<10112x16xf32, #tpu.memory_space<hbm>>
      tpu.wait_indirect_dma semaphore(%arg22 : memref<!tpu.dma_semaphore, #tpu.memory_space<semaphore_mem>>) src(%dma_wait3A_674 : memref<10112x16xf32, #tpu.memory_space<hbm>>) dst(%dma_wait3A_668 : memref<128x16xf32, #tpu.memory_space<vmem>>)
      %dma_wait3A_675 = arith.constant 6 : i32
      %dma_wait3A_676 = arith.constant 768 : i32
      %dma_wait3A_677 = arith.constant 0 : i32
      %dma_wait3A_678 = tpu.memref_slice %arg19[%dma_wait3A_676, %dma_wait3A_677] : memref<1024x16xf32, #tpu.memory_space<vmem>> -> memref<128x16xf32, #tpu.memory_space<vmem>>
      %dma_wait3A_679 = arith.constant 0 : i32
      %dma_wait3A_680 = tpu.memref_slice %arg16[%dma_wait3A_675, %dma_wait3A_679] : memref<8x128xi32, #tpu.memory_space<vmem>> -> memref<1x128xi32, #tpu.memory_space<vmem>>
      %dma_wait3A_681 = tpu.memref_squeeze %dma_wait3A_680 : memref<1x128xi32, #tpu.memory_space<vmem>> -> memref<128xi32, #tpu.memory_space<vmem>>
      %dma_wait3A_682 = arith.constant 0 : i32
      %dma_wait3A_683 = arith.constant 0 : i32
      %dma_wait3A_684 = tpu.memref_slice %arg2[%dma_wait3A_682, %dma_wait3A_683] : memref<10112x16xf32, #tpu.memory_space<hbm>> -> memref<10112x16xf32, #tpu.memory_space<hbm>>
      tpu.wait_indirect_dma semaphore(%arg22 : memref<!tpu.dma_semaphore, #tpu.memory_space<semaphore_mem>>) src(%dma_wait3A_684 : memref<10112x16xf32, #tpu.memory_space<hbm>>) dst(%dma_wait3A_678 : memref<128x16xf32, #tpu.memory_space<vmem>>)
      %dma_wait3A_685 = arith.constant 7 : i32
      %dma_wait3A_686 = arith.constant 896 : i32
      %dma_wait3A_687 = arith.constant 0 : i32
      %dma_wait3A_688 = tpu.memref_slice %arg18[%dma_wait3A_686, %dma_wait3A_687] : memref<1024x16xf32, #tpu.memory_space<vmem>> -> memref<128x16xf32, #tpu.memory_space<vmem>>
      %dma_wait3A_689 = arith.constant 0 : i32
      %dma_wait3A_690 = tpu.memref_slice %arg16[%dma_wait3A_685, %dma_wait3A_689] : memref<8x128xi32, #tpu.memory_space<vmem>> -> memref<1x128xi32, #tpu.memory_space<vmem>>
      %dma_wait3A_691 = tpu.memref_squeeze %dma_wait3A_690 : memref<1x128xi32, #tpu.memory_space<vmem>> -> memref<128xi32, #tpu.memory_space<vmem>>
      %dma_wait3A_692 = arith.constant 0 : i32
      %dma_wait3A_693 = arith.constant 0 : i32
      %dma_wait3A_694 = tpu.memref_slice %arg2[%dma_wait3A_692, %dma_wait3A_693] : memref<10112x16xf32, #tpu.memory_space<hbm>> -> memref<10112x16xf32, #tpu.memory_space<hbm>>
      tpu.wait_indirect_dma semaphore(%arg22 : memref<!tpu.dma_semaphore, #tpu.memory_space<semaphore_mem>>) src(%dma_wait3A_694 : memref<10112x16xf32, #tpu.memory_space<hbm>>) dst(%dma_wait3A_688 : memref<128x16xf32, #tpu.memory_space<vmem>>)
      %dma_wait3A_695 = arith.constant 7 : i32
      %dma_wait3A_696 = arith.constant 896 : i32
      %dma_wait3A_697 = arith.constant 0 : i32
      %dma_wait3A_698 = tpu.memref_slice %arg19[%dma_wait3A_696, %dma_wait3A_697] : memref<1024x16xf32, #tpu.memory_space<vmem>> -> memref<128x16xf32, #tpu.memory_space<vmem>>
      %dma_wait3A_699 = arith.constant 0 : i32
      %dma_wait3A_700 = tpu.memref_slice %arg16[%dma_wait3A_695, %dma_wait3A_699] : memref<8x128xi32, #tpu.memory_space<vmem>> -> memref<1x128xi32, #tpu.memory_space<vmem>>
      %dma_wait3A_701 = tpu.memref_squeeze %dma_wait3A_700 : memref<1x128xi32, #tpu.memory_space<vmem>> -> memref<128xi32, #tpu.memory_space<vmem>>
      %dma_wait3A_702 = arith.constant 0 : i32
      %dma_wait3A_703 = arith.constant 0 : i32
      %dma_wait3A_704 = tpu.memref_slice %arg2[%dma_wait3A_702, %dma_wait3A_703] : memref<10112x16xf32, #tpu.memory_space<hbm>> -> memref<10112x16xf32, #tpu.memory_space<hbm>>
      tpu.wait_indirect_dma semaphore(%arg22 : memref<!tpu.dma_semaphore, #tpu.memory_space<semaphore_mem>>) src(%dma_wait3A_704 : memref<10112x16xf32, #tpu.memory_space<hbm>>) dst(%dma_wait3A_698 : memref<128x16xf32, #tpu.memory_space<vmem>>)
      %dma_wait3A_705 = arith.constant 0 : i32
      %dma_wait3A_706 = arith.constant 0 : i32
      %dma_wait3A_707 = tpu.memref_slice %arg5[%dma_wait3A_705, %dma_wait3A_706] : memref<15x327680xf32, #tpu.memory_space<hbm>> -> memref<15x1024xf32, #tpu.memory_space<hbm>>
      %dma_wait3A_708 = arith.constant 0 : i32
      %dma_wait3A_709 = arith.constant 0 : i32
      %dma_wait3A_710 = tpu.memref_slice %arg5[%dma_wait3A_708, %dma_wait3A_709] : memref<15x327680xf32, #tpu.memory_space<hbm>> -> memref<15x1024xf32, #tpu.memory_space<hbm>>
      tpu.wait_dma2 semaphore(%arg23 : memref<!tpu.dma_semaphore, #tpu.memory_space<semaphore_mem>>) src(%dma_wait3A_710 : memref<15x1024xf32, #tpu.memory_space<hbm>>) dst(%arg20 : memref<15x1024xf32, #tpu.memory_space<vmem>>)
      %gt3A_711 = arith.constant 0 : i32
      %gt3A_712 = arith.cmpi sgt, %while3A_190, %gt3A_711 : i32
      %convert_element_type3A_713 = arith.extui %gt3A_712 : i1 to i32
      %cond3A_714 = arith.constant 0 : i32
      %cond3A_715 = arith.cmpi ne, %convert_element_type3A_713, %cond3A_714 : i32
      scf.if %cond3A_715 {
        %dma_wait3A_728 = arith.constant 0 : i32
        %dma_wait3A_729 = tpu.memref_slice %arg6[%dma_wait3A_728] : memref<327680xf32, #tpu.memory_space<hbm>> -> memref<1024xf32, #tpu.memory_space<hbm>>
        %dma_wait3A_730 = arith.constant 0 : i32
        %dma_wait3A_731 = tpu.memref_slice %arg6[%dma_wait3A_730] : memref<327680xf32, #tpu.memory_space<hbm>> -> memref<1024xf32, #tpu.memory_space<hbm>>
        tpu.wait_dma2 semaphore(%arg24 : memref<!tpu.dma_semaphore, #tpu.memory_space<semaphore_mem>>) src(%arg21 : memref<1024xf32, #tpu.memory_space<vmem>>) dst(%dma_wait3A_731 : memref<1024xf32, #tpu.memory_space<hbm>>)
      } else {
      }
      %scan3A_716 = arith.constant 0 : i32
      %scan3A_717 = arith.constant 0 : i32
      %scan3A_718 = arith.constant 64 : i32
      %scan3A_719 = arith.addi %scan3A_717, %scan3A_718 : i32
      %scan3A_720 = arith.constant 1 : i32
      scf.for %scan3A_728 = %scan3A_717 to %scan3A_719 step %scan3A_720  : i32 {
        %mul3A_729 = arith.constant 16 : i32
        %mul3A_730 = arith.muli %scan3A_728, %mul3A_729 : i32
        %add3A_731 = vector.broadcast %mul3A_730 : i32 to vector<16xi32>
        %add3A_732 = arith.addi %add3A_731, %iota3A : vector<16xi32>
        %broadcast_in_dim3A = arith.constant 0 : i32
        %broadcast_in_dim3A_733 = vector.broadcast %broadcast_in_dim3A : i32 to vector<16xi32>
        %gather3A = tpu.vector_load_idx %arg18[%add3A_732, %broadcast_in_dim3A_733] : memref<1024x16xf32, #tpu.memory_space<vmem>>[vector<16xi32>, vector<16xi32>], vector<16xf32>,
        %gather3A_734 = tpu.vector_load_idx %arg19[%add3A_732, %broadcast_in_dim3A_733] : memref<1024x16xf32, #tpu.memory_space<vmem>>[vector<16xi32>, vector<16xi32>], vector<16xf32>,
        %get3A = arith.constant 0 : i32
        %get3A_735 = arith.index_cast %get3A : i32 to index
        %get3A_736 = arith.index_cast %mul3A_730 : i32 to index
        %get3A_737 = tpu.vector_load %arg20[%get3A_735, %get3A_736] {strides = array<i32>} : memref<15x1024xf32, #tpu.memory_space<vmem>>, vector<16xf32>,
        %mul3A_738 = arith.mulf %gather3A, %get3A_737 : vector<16xf32>
        %mul3A_739 = arith.mulf %mul3A_738, %gather3A_734 : vector<16xf32>
        %broadcast_in_dim3A_740 = arith.constant 1 : i32
        %broadcast_in_dim3A_741 = vector.broadcast %broadcast_in_dim3A_740 : i32 to vector<16xi32>
        %gather3A_742 = tpu.vector_load_idx %arg18[%add3A_732, %broadcast_in_dim3A_741] : memref<1024x16xf32, #tpu.memory_space<vmem>>[vector<16xi32>, vector<16xi32>], vector<16xf32>,
        %gather3A_743 = tpu.vector_load_idx %arg19[%add3A_732, %broadcast_in_dim3A_741] : memref<1024x16xf32, #tpu.memory_space<vmem>>[vector<16xi32>, vector<16xi32>], vector<16xf32>,
        %get3A_744 = arith.constant 1 : i32
        %get3A_745 = arith.index_cast %get3A_744 : i32 to index
        %get3A_746 = arith.index_cast %mul3A_730 : i32 to index
        %get3A_747 = tpu.vector_load %arg20[%get3A_745, %get3A_746] {strides = array<i32>} : memref<15x1024xf32, #tpu.memory_space<vmem>>, vector<16xf32>,
        %mul3A_748 = arith.mulf %gather3A_742, %get3A_747 : vector<16xf32>
        %mul3A_749 = arith.mulf %mul3A_748, %gather3A_743 : vector<16xf32>
        %add3A_750 = arith.addf %mul3A_739, %mul3A_749 : vector<16xf32>
        %broadcast_in_dim3A_751 = arith.constant 2 : i32
        %broadcast_in_dim3A_752 = vector.broadcast %broadcast_in_dim3A_751 : i32 to vector<16xi32>
        %gather3A_753 = tpu.vector_load_idx %arg18[%add3A_732, %broadcast_in_dim3A_752] : memref<1024x16xf32, #tpu.memory_space<vmem>>[vector<16xi32>, vector<16xi32>], vector<16xf32>,
        %gather3A_754 = tpu.vector_load_idx %arg19[%add3A_732, %broadcast_in_dim3A_752] : memref<1024x16xf32, #tpu.memory_space<vmem>>[vector<16xi32>, vector<16xi32>], vector<16xf32>,
        %get3A_755 = arith.constant 2 : i32
        %get3A_756 = arith.index_cast %get3A_755 : i32 to index
        %get3A_757 = arith.index_cast %mul3A_730 : i32 to index
        %get3A_758 = tpu.vector_load %arg20[%get3A_756, %get3A_757] {strides = array<i32>} : memref<15x1024xf32, #tpu.memory_space<vmem>>, vector<16xf32>,
        %mul3A_759 = arith.mulf %gather3A_753, %get3A_758 : vector<16xf32>
        %mul3A_760 = arith.mulf %mul3A_759, %gather3A_754 : vector<16xf32>
        %add3A_761 = arith.addf %add3A_750, %mul3A_760 : vector<16xf32>
        %broadcast_in_dim3A_762 = arith.constant 3 : i32
        %broadcast_in_dim3A_763 = vector.broadcast %broadcast_in_dim3A_762 : i32 to vector<16xi32>
        %gather3A_764 = tpu.vector_load_idx %arg18[%add3A_732, %broadcast_in_dim3A_763] : memref<1024x16xf32, #tpu.memory_space<vmem>>[vector<16xi32>, vector<16xi32>], vector<16xf32>,
        %gather3A_765 = tpu.vector_load_idx %arg19[%add3A_732, %broadcast_in_dim3A_763] : memref<1024x16xf32, #tpu.memory_space<vmem>>[vector<16xi32>, vector<16xi32>], vector<16xf32>,
        %get3A_766 = arith.constant 3 : i32
        %get3A_767 = arith.index_cast %get3A_766 : i32 to index
        %get3A_768 = arith.index_cast %mul3A_730 : i32 to index
        %get3A_769 = tpu.vector_load %arg20[%get3A_767, %get3A_768] {strides = array<i32>} : memref<15x1024xf32, #tpu.memory_space<vmem>>, vector<16xf32>,
        %mul3A_770 = arith.mulf %gather3A_764, %get3A_769 : vector<16xf32>
        %mul3A_771 = arith.mulf %mul3A_770, %gather3A_765 : vector<16xf32>
        %add3A_772 = arith.addf %add3A_761, %mul3A_771 : vector<16xf32>
        %broadcast_in_dim3A_773 = arith.constant 4 : i32
        %broadcast_in_dim3A_774 = vector.broadcast %broadcast_in_dim3A_773 : i32 to vector<16xi32>
        %gather3A_775 = tpu.vector_load_idx %arg18[%add3A_732, %broadcast_in_dim3A_774] : memref<1024x16xf32, #tpu.memory_space<vmem>>[vector<16xi32>, vector<16xi32>], vector<16xf32>,
        %gather3A_776 = tpu.vector_load_idx %arg19[%add3A_732, %broadcast_in_dim3A_774] : memref<1024x16xf32, #tpu.memory_space<vmem>>[vector<16xi32>, vector<16xi32>], vector<16xf32>,
        %get3A_777 = arith.constant 4 : i32
        %get3A_778 = arith.index_cast %get3A_777 : i32 to index
        %get3A_779 = arith.index_cast %mul3A_730 : i32 to index
        %get3A_780 = tpu.vector_load %arg20[%get3A_778, %get3A_779] {strides = array<i32>} : memref<15x1024xf32, #tpu.memory_space<vmem>>, vector<16xf32>,
        %mul3A_781 = arith.mulf %gather3A_775, %get3A_780 : vector<16xf32>
        %mul3A_782 = arith.mulf %mul3A_781, %gather3A_776 : vector<16xf32>
        %add3A_783 = arith.addf %add3A_772, %mul3A_782 : vector<16xf32>
        %broadcast_in_dim3A_784 = arith.constant 5 : i32
        %broadcast_in_dim3A_785 = vector.broadcast %broadcast_in_dim3A_784 : i32 to vector<16xi32>
        %gather3A_786 = tpu.vector_load_idx %arg18[%add3A_732, %broadcast_in_dim3A_785] : memref<1024x16xf32, #tpu.memory_space<vmem>>[vector<16xi32>, vector<16xi32>], vector<16xf32>,
        %gather3A_787 = tpu.vector_load_idx %arg19[%add3A_732, %broadcast_in_dim3A_785] : memref<1024x16xf32, #tpu.memory_space<vmem>>[vector<16xi32>, vector<16xi32>], vector<16xf32>,
        %get3A_788 = arith.constant 5 : i32
        %get3A_789 = arith.index_cast %get3A_788 : i32 to index
        %get3A_790 = arith.index_cast %mul3A_730 : i32 to index
        %get3A_791 = tpu.vector_load %arg20[%get3A_789, %get3A_790] {strides = array<i32>} : memref<15x1024xf32, #tpu.memory_space<vmem>>, vector<16xf32>,
        %mul3A_792 = arith.mulf %gather3A_786, %get3A_791 : vector<16xf32>
        %mul3A_793 = arith.mulf %mul3A_792, %gather3A_787 : vector<16xf32>
        %add3A_794 = arith.addf %add3A_783, %mul3A_793 : vector<16xf32>
        %broadcast_in_dim3A_795 = arith.constant 6 : i32
        %broadcast_in_dim3A_796 = vector.broadcast %broadcast_in_dim3A_795 : i32 to vector<16xi32>
        %gather3A_797 = tpu.vector_load_idx %arg18[%add3A_732, %broadcast_in_dim3A_796] : memref<1024x16xf32, #tpu.memory_space<vmem>>[vector<16xi32>, vector<16xi32>], vector<16xf32>,
        %gather3A_798 = tpu.vector_load_idx %arg19[%add3A_732, %broadcast_in_dim3A_796] : memref<1024x16xf32, #tpu.memory_space<vmem>>[vector<16xi32>, vector<16xi32>], vector<16xf32>,
        %get3A_799 = arith.constant 6 : i32
        %get3A_800 = arith.index_cast %get3A_799 : i32 to index
        %get3A_801 = arith.index_cast %mul3A_730 : i32 to index
        %get3A_802 = tpu.vector_load %arg20[%get3A_800, %get3A_801] {strides = array<i32>} : memref<15x1024xf32, #tpu.memory_space<vmem>>, vector<16xf32>,
        %mul3A_803 = arith.mulf %gather3A_797, %get3A_802 : vector<16xf32>
        %mul3A_804 = arith.mulf %mul3A_803, %gather3A_798 : vector<16xf32>
        %add3A_805 = arith.addf %add3A_794, %mul3A_804 : vector<16xf32>
        %broadcast_in_dim3A_806 = arith.constant 7 : i32
        %broadcast_in_dim3A_807 = vector.broadcast %broadcast_in_dim3A_806 : i32 to vector<16xi32>
        %gather3A_808 = tpu.vector_load_idx %arg18[%add3A_732, %broadcast_in_dim3A_807] : memref<1024x16xf32, #tpu.memory_space<vmem>>[vector<16xi32>, vector<16xi32>], vector<16xf32>,
        %gather3A_809 = tpu.vector_load_idx %arg19[%add3A_732, %broadcast_in_dim3A_807] : memref<1024x16xf32, #tpu.memory_space<vmem>>[vector<16xi32>, vector<16xi32>], vector<16xf32>,
        %get3A_810 = arith.constant 7 : i32
        %get3A_811 = arith.index_cast %get3A_810 : i32 to index
        %get3A_812 = arith.index_cast %mul3A_730 : i32 to index
        %get3A_813 = tpu.vector_load %arg20[%get3A_811, %get3A_812] {strides = array<i32>} : memref<15x1024xf32, #tpu.memory_space<vmem>>, vector<16xf32>,
        %mul3A_814 = arith.mulf %gather3A_808, %get3A_813 : vector<16xf32>
        %mul3A_815 = arith.mulf %mul3A_814, %gather3A_809 : vector<16xf32>
        %add3A_816 = arith.addf %add3A_805, %mul3A_815 : vector<16xf32>
        %broadcast_in_dim3A_817 = arith.constant 8 : i32
        %broadcast_in_dim3A_818 = vector.broadcast %broadcast_in_dim3A_817 : i32 to vector<16xi32>
        %gather3A_819 = tpu.vector_load_idx %arg18[%add3A_732, %broadcast_in_dim3A_818] : memref<1024x16xf32, #tpu.memory_space<vmem>>[vector<16xi32>, vector<16xi32>], vector<16xf32>,
        %gather3A_820 = tpu.vector_load_idx %arg19[%add3A_732, %broadcast_in_dim3A_818] : memref<1024x16xf32, #tpu.memory_space<vmem>>[vector<16xi32>, vector<16xi32>], vector<16xf32>,
        %get3A_821 = arith.constant 8 : i32
        %get3A_822 = arith.index_cast %get3A_821 : i32 to index
        %get3A_823 = arith.index_cast %mul3A_730 : i32 to index
        %get3A_824 = tpu.vector_load %arg20[%get3A_822, %get3A_823] {strides = array<i32>} : memref<15x1024xf32, #tpu.memory_space<vmem>>, vector<16xf32>,
        %mul3A_825 = arith.mulf %gather3A_819, %get3A_824 : vector<16xf32>
        %mul3A_826 = arith.mulf %mul3A_825, %gather3A_820 : vector<16xf32>
        %add3A_827 = arith.addf %add3A_816, %mul3A_826 : vector<16xf32>
        %broadcast_in_dim3A_828 = arith.constant 9 : i32
        %broadcast_in_dim3A_829 = vector.broadcast %broadcast_in_dim3A_828 : i32 to vector<16xi32>
        %gather3A_830 = tpu.vector_load_idx %arg18[%add3A_732, %broadcast_in_dim3A_829] : memref<1024x16xf32, #tpu.memory_space<vmem>>[vector<16xi32>, vector<16xi32>], vector<16xf32>,
        %gather3A_831 = tpu.vector_load_idx %arg19[%add3A_732, %broadcast_in_dim3A_829] : memref<1024x16xf32, #tpu.memory_space<vmem>>[vector<16xi32>, vector<16xi32>], vector<16xf32>,
        %get3A_832 = arith.constant 9 : i32
        %get3A_833 = arith.index_cast %get3A_832 : i32 to index
        %get3A_834 = arith.index_cast %mul3A_730 : i32 to index
        %get3A_835 = tpu.vector_load %arg20[%get3A_833, %get3A_834] {strides = array<i32>} : memref<15x1024xf32, #tpu.memory_space<vmem>>, vector<16xf32>,
        %mul3A_836 = arith.mulf %gather3A_830, %get3A_835 : vector<16xf32>
        %mul3A_837 = arith.mulf %mul3A_836, %gather3A_831 : vector<16xf32>
        %add3A_838 = arith.addf %add3A_827, %mul3A_837 : vector<16xf32>
        %broadcast_in_dim3A_839 = arith.constant 10 : i32
        %broadcast_in_dim3A_840 = vector.broadcast %broadcast_in_dim3A_839 : i32 to vector<16xi32>
        %gather3A_841 = tpu.vector_load_idx %arg18[%add3A_732, %broadcast_in_dim3A_840] : memref<1024x16xf32, #tpu.memory_space<vmem>>[vector<16xi32>, vector<16xi32>], vector<16xf32>,
        %gather3A_842 = tpu.vector_load_idx %arg19[%add3A_732, %broadcast_in_dim3A_840] : memref<1024x16xf32, #tpu.memory_space<vmem>>[vector<16xi32>, vector<16xi32>], vector<16xf32>,
        %get3A_843 = arith.constant 10 : i32
        %get3A_844 = arith.index_cast %get3A_843 : i32 to index
        %get3A_845 = arith.index_cast %mul3A_730 : i32 to index
        %get3A_846 = tpu.vector_load %arg20[%get3A_844, %get3A_845] {strides = array<i32>} : memref<15x1024xf32, #tpu.memory_space<vmem>>, vector<16xf32>,
        %mul3A_847 = arith.mulf %gather3A_841, %get3A_846 : vector<16xf32>
        %mul3A_848 = arith.mulf %mul3A_847, %gather3A_842 : vector<16xf32>
        %add3A_849 = arith.addf %add3A_838, %mul3A_848 : vector<16xf32>
        %broadcast_in_dim3A_850 = arith.constant 11 : i32
        %broadcast_in_dim3A_851 = vector.broadcast %broadcast_in_dim3A_850 : i32 to vector<16xi32>
        %gather3A_852 = tpu.vector_load_idx %arg18[%add3A_732, %broadcast_in_dim3A_851] : memref<1024x16xf32, #tpu.memory_space<vmem>>[vector<16xi32>, vector<16xi32>], vector<16xf32>,
        %gather3A_853 = tpu.vector_load_idx %arg19[%add3A_732, %broadcast_in_dim3A_851] : memref<1024x16xf32, #tpu.memory_space<vmem>>[vector<16xi32>, vector<16xi32>], vector<16xf32>,
        %get3A_854 = arith.constant 11 : i32
        %get3A_855 = arith.index_cast %get3A_854 : i32 to index
        %get3A_856 = arith.index_cast %mul3A_730 : i32 to index
        %get3A_857 = tpu.vector_load %arg20[%get3A_855, %get3A_856] {strides = array<i32>} : memref<15x1024xf32, #tpu.memory_space<vmem>>, vector<16xf32>,
        %mul3A_858 = arith.mulf %gather3A_852, %get3A_857 : vector<16xf32>
        %mul3A_859 = arith.mulf %mul3A_858, %gather3A_853 : vector<16xf32>
        %add3A_860 = arith.addf %add3A_849, %mul3A_859 : vector<16xf32>
        %broadcast_in_dim3A_861 = arith.constant 12 : i32
        %broadcast_in_dim3A_862 = vector.broadcast %broadcast_in_dim3A_861 : i32 to vector<16xi32>
        %gather3A_863 = tpu.vector_load_idx %arg18[%add3A_732, %broadcast_in_dim3A_862] : memref<1024x16xf32, #tpu.memory_space<vmem>>[vector<16xi32>, vector<16xi32>], vector<16xf32>,
        %gather3A_864 = tpu.vector_load_idx %arg19[%add3A_732, %broadcast_in_dim3A_862] : memref<1024x16xf32, #tpu.memory_space<vmem>>[vector<16xi32>, vector<16xi32>], vector<16xf32>,
        %get3A_865 = arith.constant 12 : i32
        %get3A_866 = arith.index_cast %get3A_865 : i32 to index
        %get3A_867 = arith.index_cast %mul3A_730 : i32 to index
        %get3A_868 = tpu.vector_load %arg20[%get3A_866, %get3A_867] {strides = array<i32>} : memref<15x1024xf32, #tpu.memory_space<vmem>>, vector<16xf32>,
        %mul3A_869 = arith.mulf %gather3A_863, %get3A_868 : vector<16xf32>
        %mul3A_870 = arith.mulf %mul3A_869, %gather3A_864 : vector<16xf32>
        %add3A_871 = arith.addf %add3A_860, %mul3A_870 : vector<16xf32>
        %broadcast_in_dim3A_872 = arith.constant 13 : i32
        %broadcast_in_dim3A_873 = vector.broadcast %broadcast_in_dim3A_872 : i32 to vector<16xi32>
        %gather3A_874 = tpu.vector_load_idx %arg18[%add3A_732, %broadcast_in_dim3A_873] : memref<1024x16xf32, #tpu.memory_space<vmem>>[vector<16xi32>, vector<16xi32>], vector<16xf32>,
        %gather3A_875 = tpu.vector_load_idx %arg19[%add3A_732, %broadcast_in_dim3A_873] : memref<1024x16xf32, #tpu.memory_space<vmem>>[vector<16xi32>, vector<16xi32>], vector<16xf32>,
        %get3A_876 = arith.constant 13 : i32
        %get3A_877 = arith.index_cast %get3A_876 : i32 to index
        %get3A_878 = arith.index_cast %mul3A_730 : i32 to index
        %get3A_879 = tpu.vector_load %arg20[%get3A_877, %get3A_878] {strides = array<i32>} : memref<15x1024xf32, #tpu.memory_space<vmem>>, vector<16xf32>,
        %mul3A_880 = arith.mulf %gather3A_874, %get3A_879 : vector<16xf32>
        %mul3A_881 = arith.mulf %mul3A_880, %gather3A_875 : vector<16xf32>
        %add3A_882 = arith.addf %add3A_871, %mul3A_881 : vector<16xf32>
        %broadcast_in_dim3A_883 = arith.constant 14 : i32
        %broadcast_in_dim3A_884 = vector.broadcast %broadcast_in_dim3A_883 : i32 to vector<16xi32>
        %gather3A_885 = tpu.vector_load_idx %arg18[%add3A_732, %broadcast_in_dim3A_884] : memref<1024x16xf32, #tpu.memory_space<vmem>>[vector<16xi32>, vector<16xi32>], vector<16xf32>,
        %gather3A_886 = tpu.vector_load_idx %arg19[%add3A_732, %broadcast_in_dim3A_884] : memref<1024x16xf32, #tpu.memory_space<vmem>>[vector<16xi32>, vector<16xi32>], vector<16xf32>,
        %get3A_887 = arith.constant 14 : i32
        %get3A_888 = arith.index_cast %get3A_887 : i32 to index
        %get3A_889 = arith.index_cast %mul3A_730 : i32 to index
        %get3A_890 = tpu.vector_load %arg20[%get3A_888, %get3A_889] {strides = array<i32>} : memref<15x1024xf32, #tpu.memory_space<vmem>>, vector<16xf32>,
        %mul3A_891 = arith.mulf %gather3A_885, %get3A_890 : vector<16xf32>
        %mul3A_892 = arith.mulf %mul3A_891, %gather3A_886 : vector<16xf32>
        %add3A_893 = arith.addf %add3A_882, %mul3A_892 : vector<16xf32>
        %neg3A = arith.constant 0.000000e+00 : f32
        %neg3A_894 = vector.broadcast %neg3A : f32 to vector<16xf32>
        %neg3A_895 = arith.subf %neg3A_894, %add3A_893 : vector<16xf32>
        %exp3A = math.exp %neg3A_895 : vector<16xf32>
        %add3A_896 = arith.constant 1.000000e+00 : f32
        %add3A_897 = vector.broadcast %add3A_896 : f32 to vector<16xf32>
        %add3A_898 = arith.addf %add3A_897, %exp3A : vector<16xf32>
        %div3A = arith.constant 1.000000e+00 : f32
        %div3A_899 = vector.broadcast %div3A : f32 to vector<16xf32>
        %div3A_900 = arith.divf %div3A_899, %add3A_898 : vector<16xf32>
        %swap3A = arith.index_cast %mul3A_730 : i32 to index
        %swap3A_901 = tpu.vector_load %arg21[%swap3A] {strides = array<i32>} : memref<1024xf32, #tpu.memory_space<vmem>>, vector<16xf32>,
        tpu.vector_store %arg21[%swap3A], %div3A_900 {strides = array<i32>} : memref<1024xf32, #tpu.memory_space<vmem>>, vector<16xf32>,
      }
      %scan3A_721 = arith.constant 64 : i32
      %add3A_722 = arith.constant 8 : i32
      %add3A_723 = arith.addi %add3A_195, %add3A_722 : i32
      %mul3A_724 = arith.constant 128 : i32
      %mul3A_725 = arith.muli %add3A_723, %mul3A_724 : i32
      %dma_start3A_726 = tpu.memref_slice %arg6[%mul3A_725] : memref<327680xf32, #tpu.memory_space<hbm>> -> memref<1024xf32, #tpu.memory_space<hbm>>
      %dma_start3A_727 = tpu.memref_slice %arg6[%mul3A_725] : memref<327680xf32, #tpu.memory_space<hbm>> -> memref<1024xf32, #tpu.memory_space<hbm>>
      tpu.enqueue_dma source(%arg21 : memref<1024xf32, #tpu.memory_space<vmem>>) target(%dma_start3A_727 : memref<1024xf32, #tpu.memory_space<hbm>>) target_semaphore(%arg24 : memref<!tpu.dma_semaphore, #tpu.memory_space<semaphore_mem>>)
    }
    %dma_wait3A = arith.constant 0 : i32
    %dma_wait3A_183 = tpu.memref_slice %arg6[%dma_wait3A] : memref<327680xf32, #tpu.memory_space<hbm>> -> memref<1024xf32, #tpu.memory_space<hbm>>
    %dma_wait3A_184 = arith.constant 0 : i32
    %dma_wait3A_185 = tpu.memref_slice %arg6[%dma_wait3A_184] : memref<327680xf32, #tpu.memory_space<hbm>> -> memref<1024xf32, #tpu.memory_space<hbm>>
    tpu.wait_dma2 semaphore(%arg15 : memref<!tpu.dma_semaphore, #tpu.memory_space<semaphore_mem>>) src(%arg12 : memref<1024xf32, #tpu.memory_space<vmem>>) dst(%dma_wait3A_185 : memref<1024xf32, #tpu.memory_space<hbm>>)
    %dma_wait3A_186 = arith.constant 0 : i32
    %dma_wait3A_187 = tpu.memref_slice %arg6[%dma_wait3A_186] : memref<327680xf32, #tpu.memory_space<hbm>> -> memref<1024xf32, #tpu.memory_space<hbm>>
    %dma_wait3A_188 = arith.constant 0 : i32
    %dma_wait3A_189 = tpu.memref_slice %arg6[%dma_wait3A_188] : memref<327680xf32, #tpu.memory_space<hbm>> -> memref<1024xf32, #tpu.memory_space<hbm>>
    tpu.wait_dma2 semaphore(%arg24 : memref<!tpu.dma_semaphore, #tpu.memory_space<semaphore_mem>>) src(%arg21 : memref<1024xf32, #tpu.memory_space<vmem>>) dst(%dma_wait3A_189 : memref<1024xf32, #tpu.memory_space<hbm>>)
    return
  }
}

#map = affine_map<(d0, d1) -> (0, 0)>
#map1 = affine_map<(d0, d1) -> (0, 0, 0)>
module attributes {stable_mosaic.version = 14 : i64} {
  func.func @k2(%arg0: i32, %arg1: i32, %arg2: memref<10000x128xf32, #tpu.memory_space<hbm>>, %arg3: memref<2560x128xi32, #tpu.memory_space<hbm>>, %arg4: memref<2560x128xi32, #tpu.memory_space<hbm>>, %arg5: memref<632x128xf32, #tpu.memory_space<hbm>>, %arg6: memref<2x10112x128xf32, #tpu.memory_space<hbm>>, %arg7: memref<1x128xi32, #tpu.memory_space<vmem>>, %arg8: memref<1x128xi32, #tpu.memory_space<vmem>>, %arg9: memref<1x128xi32, #tpu.memory_space<vmem>>, %arg10: memref<1x128xi32, #tpu.memory_space<vmem>>, %arg11: memref<128x128xf32, #tpu.memory_space<vmem>>, %arg12: memref<128x128xf32, #tpu.memory_space<vmem>>, %arg13: memref<10112x128xf32, #tpu.memory_space<vmem_shared>>, %arg14: memref<!tpu.dma_semaphore, #tpu.memory_space<semaphore_mem>>, %arg15: memref<!tpu.dma_semaphore, #tpu.memory_space<semaphore_mem>>, %arg16: memref<!tpu.dma_semaphore, #tpu.memory_space<semaphore_mem>>, %arg17: memref<!tpu.dma_semaphore, #tpu.memory_space<semaphore_mem>>) attributes {dimension_semantics = [#tpu.dimension_semantics<core_parallel>, #tpu.dimension_semantics<subcore_parallel>], iteration_bounds = array<i64: 2, 16>, scalar_prefetch = 0 : i64, scratch_operands = 11 : i64, tpu.core_type = #tpu.core_type<sc_vector_subcore>, window_params = [{transform_indices = #map}, {transform_indices = #map}, {transform_indices = #map}, {transform_indices = #map}, {transform_indices = #map1}]} {
    %eq3A = arith.constant 0 : i32
    %eq3A_0 = arith.cmpi eq, %arg0, %eq3A : i32
    %mul3A = arith.constant 96 : i32
    %mul3A_1 = arith.muli %arg1, %mul3A : i32
    %mul3A_2 = arith.constant 64 : i32
    %mul3A_3 = arith.muli %arg1, %mul3A_2 : i32
    %add3A = arith.constant 1536 : i32
    %add3A_4 = arith.addi %add3A, %mul3A_3 : i32
    %select_n3A = arith.select %eq3A_0, %mul3A_1, %add3A_4 : i32
    %eq3A_5 = arith.constant 0 : i32
    %eq3A_6 = arith.cmpi eq, %arg0, %eq3A_5 : i32
    %jit3A = arith.constant 48 : i32
    %jit3A_7 = arith.constant 32 : i32
    %select_n3A_8 = arith.select %eq3A_6, %jit3A, %jit3A_7 : i32
    %mul3A_9 = arith.constant 632 : i32
    %mul3A_10 = arith.muli %arg1, %mul3A_9 : i32
    "tpu.region"() ({
      %run_scoped3A = tpu.sem_alloc : memref<!tpu.dma_semaphore, #tpu.memory_space<semaphore_mem>>
      %dma_start3A_67 = arith.constant 0 : i32
      %dma_start3A_68 = tpu.memref_slice %arg13[%mul3A_10, %dma_start3A_67] : memref<10112x128xf32, #tpu.memory_space<vmem_shared>> -> memref<632x128xf32, #tpu.memory_space<vmem_shared>>
      tpu.enqueue_dma source(%arg5 : memref<632x128xf32, #tpu.memory_space<hbm>>) target(%dma_start3A_68 : memref<632x128xf32, #tpu.memory_space<vmem_shared>>) target_semaphore(%run_scoped3A : memref<!tpu.dma_semaphore, #tpu.memory_space<semaphore_mem>>)
      %dma_wait3A_69 = arith.constant 0 : i32
      %dma_wait3A_70 = tpu.memref_slice %arg13[%mul3A_10, %dma_wait3A_69] : memref<10112x128xf32, #tpu.memory_space<vmem_shared>> -> memref<632x128xf32, #tpu.memory_space<vmem_shared>>
      tpu.wait_dma2 semaphore(%run_scoped3A : memref<!tpu.dma_semaphore, #tpu.memory_space<semaphore_mem>>) src(%arg5 : memref<632x128xf32, #tpu.memory_space<hbm>>) dst(%dma_wait3A_70 : memref<632x128xf32, #tpu.memory_space<vmem_shared>>)
      tpu.yield
    }) : () -> ()
    %barrier3A = arith.constant 0 : index
    tpu.barrier barrier_id(%barrier3A)
    "tpu.region"() ({
      %run_scoped3A = tpu.sem_alloc : memref<!tpu.dma_semaphore, #tpu.memory_space<semaphore_mem>>
      %dma_start3A_67 = arith.constant 0 : i32
      %dma_start3A_68 = tpu.memref_slice %arg3[%select_n3A, %dma_start3A_67] : memref<2560x128xi32, #tpu.memory_space<hbm>> -> memref<1x128xi32, #tpu.memory_space<hbm>>
      %dma_start3A_69 = arith.constant 0 : i32
      %dma_start3A_70 = tpu.memref_slice %arg3[%select_n3A, %dma_start3A_69] : memref<2560x128xi32, #tpu.memory_space<hbm>> -> memref<1x128xi32, #tpu.memory_space<hbm>>
      tpu.enqueue_dma source(%dma_start3A_70 : memref<1x128xi32, #tpu.memory_space<hbm>>) target(%arg7 : memref<1x128xi32, #tpu.memory_space<vmem>>) target_semaphore(%run_scoped3A : memref<!tpu.dma_semaphore, #tpu.memory_space<semaphore_mem>>)
      %dma_wait3A_71 = arith.constant 0 : i32
      %dma_wait3A_72 = tpu.memref_slice %arg3[%select_n3A, %dma_wait3A_71] : memref<2560x128xi32, #tpu.memory_space<hbm>> -> memref<1x128xi32, #tpu.memory_space<hbm>>
      %dma_wait3A_73 = arith.constant 0 : i32
      %dma_wait3A_74 = tpu.memref_slice %arg3[%select_n3A, %dma_wait3A_73] : memref<2560x128xi32, #tpu.memory_space<hbm>> -> memref<1x128xi32, #tpu.memory_space<hbm>>
      tpu.wait_dma2 semaphore(%run_scoped3A : memref<!tpu.dma_semaphore, #tpu.memory_space<semaphore_mem>>) src(%dma_wait3A_74 : memref<1x128xi32, #tpu.memory_space<hbm>>) dst(%arg7 : memref<1x128xi32, #tpu.memory_space<vmem>>)
      tpu.yield
    }) : () -> ()
    "tpu.region"() ({
      %run_scoped3A = tpu.sem_alloc : memref<!tpu.dma_semaphore, #tpu.memory_space<semaphore_mem>>
      %dma_start3A_67 = arith.constant 0 : i32
      %dma_start3A_68 = tpu.memref_slice %arg4[%select_n3A, %dma_start3A_67] : memref<2560x128xi32, #tpu.memory_space<hbm>> -> memref<1x128xi32, #tpu.memory_space<hbm>>
      %dma_start3A_69 = arith.constant 0 : i32
      %dma_start3A_70 = tpu.memref_slice %arg4[%select_n3A, %dma_start3A_69] : memref<2560x128xi32, #tpu.memory_space<hbm>> -> memref<1x128xi32, #tpu.memory_space<hbm>>
      tpu.enqueue_dma source(%dma_start3A_70 : memref<1x128xi32, #tpu.memory_space<hbm>>) target(%arg8 : memref<1x128xi32, #tpu.memory_space<vmem>>) target_semaphore(%run_scoped3A : memref<!tpu.dma_semaphore, #tpu.memory_space<semaphore_mem>>)
      %dma_wait3A_71 = arith.constant 0 : i32
      %dma_wait3A_72 = tpu.memref_slice %arg4[%select_n3A, %dma_wait3A_71] : memref<2560x128xi32, #tpu.memory_space<hbm>> -> memref<1x128xi32, #tpu.memory_space<hbm>>
      %dma_wait3A_73 = arith.constant 0 : i32
      %dma_wait3A_74 = tpu.memref_slice %arg4[%select_n3A, %dma_wait3A_73] : memref<2560x128xi32, #tpu.memory_space<hbm>> -> memref<1x128xi32, #tpu.memory_space<hbm>>
      tpu.wait_dma2 semaphore(%run_scoped3A : memref<!tpu.dma_semaphore, #tpu.memory_space<semaphore_mem>>) src(%dma_wait3A_74 : memref<1x128xi32, #tpu.memory_space<hbm>>) dst(%arg8 : memref<1x128xi32, #tpu.memory_space<vmem>>)
      tpu.yield
    }) : () -> ()
    %dma_start3A = arith.constant 0 : i32
    %dma_start3A_11 = arith.constant 0 : i32
    %dma_start3A_12 = arith.constant 0 : i32
    %dma_start3A_13 = tpu.memref_slice %arg11[%dma_start3A_11, %dma_start3A_12] : memref<128x128xf32, #tpu.memory_space<vmem>> -> memref<64x128xf32, #tpu.memory_space<vmem>>
    %dma_start3A_14 = arith.constant 0 : i32
    %dma_start3A_15 = tpu.memref_slice %arg7[%dma_start3A, %dma_start3A_14] : memref<1x128xi32, #tpu.memory_space<vmem>> -> memref<1x64xi32, #tpu.memory_space<vmem>>
    %dma_start3A_16 = tpu.memref_squeeze %dma_start3A_15 : memref<1x64xi32, #tpu.memory_space<vmem>> -> memref<64xi32, #tpu.memory_space<vmem>>
    %dma_start3A_17 = arith.constant 0 : i32
    %dma_start3A_18 = arith.constant 0 : i32
    %dma_start3A_19 = tpu.memref_slice %arg2[%dma_start3A_17, %dma_start3A_18] : memref<10000x128xf32, #tpu.memory_space<hbm>> -> memref<10000x128xf32, #tpu.memory_space<hbm>>
    tpu.enqueue_indirect_dma source(%dma_start3A_19 : memref<10000x128xf32, #tpu.memory_space<hbm>>) target(%dma_start3A_13 : memref<64x128xf32, #tpu.memory_space<vmem>>) offsets(%dma_start3A_16 : memref<64xi32, #tpu.memory_space<vmem>>) semaphore(%arg14 : memref<!tpu.dma_semaphore, #tpu.memory_space<semaphore_mem>>)
    %dma_start3A_20 = arith.constant 0 : i32
    %dma_start3A_21 = arith.constant 64 : i32
    %dma_start3A_22 = arith.constant 0 : i32
    %dma_start3A_23 = tpu.memref_slice %arg11[%dma_start3A_21, %dma_start3A_22] : memref<128x128xf32, #tpu.memory_space<vmem>> -> memref<64x128xf32, #tpu.memory_space<vmem>>
    %dma_start3A_24 = arith.constant 64 : i32
    %dma_start3A_25 = tpu.memref_slice %arg7[%dma_start3A_20, %dma_start3A_24] : memref<1x128xi32, #tpu.memory_space<vmem>> -> memref<1x64xi32, #tpu.memory_space<vmem>>
    %dma_start3A_26 = tpu.memref_squeeze %dma_start3A_25 : memref<1x64xi32, #tpu.memory_space<vmem>> -> memref<64xi32, #tpu.memory_space<vmem>>
    %dma_start3A_27 = arith.constant 0 : i32
    %dma_start3A_28 = arith.constant 0 : i32
    %dma_start3A_29 = tpu.memref_slice %arg2[%dma_start3A_27, %dma_start3A_28] : memref<10000x128xf32, #tpu.memory_space<hbm>> -> memref<10000x128xf32, #tpu.memory_space<hbm>>
    tpu.enqueue_indirect_dma source(%dma_start3A_29 : memref<10000x128xf32, #tpu.memory_space<hbm>>) target(%dma_start3A_23 : memref<64x128xf32, #tpu.memory_space<vmem>>) offsets(%dma_start3A_26 : memref<64xi32, #tpu.memory_space<vmem>>) semaphore(%arg14 : memref<!tpu.dma_semaphore, #tpu.memory_space<semaphore_mem>>)
    %dma_wait3A = arith.constant 0 : i32
    %dma_wait3A_30 = arith.constant 0 : i32
    %dma_wait3A_31 = tpu.memref_slice %arg11[%dma_wait3A, %dma_wait3A_30] : memref<128x128xf32, #tpu.memory_space<vmem>> -> memref<64x128xf32, #tpu.memory_space<vmem>>
    %dma_wait3A_32 = arith.constant 0 : i32
    %dma_wait3A_33 = arith.constant 0 : i32
    %dma_wait3A_34 = tpu.memref_slice %arg2[%dma_wait3A_32, %dma_wait3A_33] : memref<10000x128xf32, #tpu.memory_space<hbm>> -> memref<64x128xf32, #tpu.memory_space<hbm>>
    %dma_wait3A_35 = arith.constant 0 : i32
    %dma_wait3A_36 = arith.constant 0 : i32
    %dma_wait3A_37 = tpu.memref_slice %arg11[%dma_wait3A_35, %dma_wait3A_36] : memref<128x128xf32, #tpu.memory_space<vmem>> -> memref<64x128xf32, #tpu.memory_space<vmem>>
    %dma_wait3A_38 = arith.constant 0 : i32
    %dma_wait3A_39 = arith.constant 0 : i32
    %dma_wait3A_40 = tpu.memref_slice %arg2[%dma_wait3A_38, %dma_wait3A_39] : memref<10000x128xf32, #tpu.memory_space<hbm>> -> memref<64x128xf32, #tpu.memory_space<hbm>>
    tpu.wait_dma2 semaphore(%arg14 : memref<!tpu.dma_semaphore, #tpu.memory_space<semaphore_mem>>) src(%dma_wait3A_40 : memref<64x128xf32, #tpu.memory_space<hbm>>) dst(%dma_wait3A_37 : memref<64x128xf32, #tpu.memory_space<vmem>>)
    %dma_wait3A_41 = arith.constant 64 : i32
    %dma_wait3A_42 = arith.constant 0 : i32
    %dma_wait3A_43 = tpu.memref_slice %arg11[%dma_wait3A_41, %dma_wait3A_42] : memref<128x128xf32, #tpu.memory_space<vmem>> -> memref<64x128xf32, #tpu.memory_space<vmem>>
    %dma_wait3A_44 = arith.constant 0 : i32
    %dma_wait3A_45 = arith.constant 0 : i32
    %dma_wait3A_46 = tpu.memref_slice %arg2[%dma_wait3A_44, %dma_wait3A_45] : memref<10000x128xf32, #tpu.memory_space<hbm>> -> memref<64x128xf32, #tpu.memory_space<hbm>>
    %dma_wait3A_47 = arith.constant 64 : i32
    %dma_wait3A_48 = arith.constant 0 : i32
    %dma_wait3A_49 = tpu.memref_slice %arg11[%dma_wait3A_47, %dma_wait3A_48] : memref<128x128xf32, #tpu.memory_space<vmem>> -> memref<64x128xf32, #tpu.memory_space<vmem>>
    %dma_wait3A_50 = arith.constant 0 : i32
    %dma_wait3A_51 = arith.constant 0 : i32
    %dma_wait3A_52 = tpu.memref_slice %arg2[%dma_wait3A_50, %dma_wait3A_51] : memref<10000x128xf32, #tpu.memory_space<hbm>> -> memref<64x128xf32, #tpu.memory_space<hbm>>
    tpu.wait_dma2 semaphore(%arg14 : memref<!tpu.dma_semaphore, #tpu.memory_space<semaphore_mem>>) src(%dma_wait3A_52 : memref<64x128xf32, #tpu.memory_space<hbm>>) dst(%dma_wait3A_49 : memref<64x128xf32, #tpu.memory_space<vmem>>)
    %while3A = arith.constant 0 : i32
    %while3A_53 = arith.constant 0 : i32
    %while3A_54 = arith.subi %select_n3A_8, %while3A_53 : i32
    %while3A_55 = arith.addi %while3A_53, %while3A_54 : i32
    %while3A_56 = arith.constant 1 : i32
    %while3A_57 = arith.divsi %while3A_54, %while3A_56 : i32
    %while3A_58 = arith.muli %while3A_57, %while3A_56 : i32
    %while3A_59 = arith.addi %while3A_53, %while3A_58 : i32
    %while3A_60 = arith.constant 1 : i32
    scf.for %while3A_67 = %while3A_53 to %while3A_59 step %while3A_60  : i32 {
      %mul3A_68 = arith.constant 2 : i32
      %mul3A_69 = arith.muli %mul3A_68, %while3A_67 : i32
      %add3A_70 = arith.addi %select_n3A, %mul3A_69 : i32
      %add3A_71 = arith.constant 1 : i32
      %add3A_72 = arith.addi %add3A_70, %add3A_71 : i32
      "tpu.region"() ({
        %run_scoped3A = tpu.sem_alloc : memref<!tpu.dma_semaphore, #tpu.memory_space<semaphore_mem>>
        %dma_start3A_153 = arith.constant 0 : i32
        %dma_start3A_154 = tpu.memref_slice %arg3[%add3A_72, %dma_start3A_153] : memref<2560x128xi32, #tpu.memory_space<hbm>> -> memref<1x128xi32, #tpu.memory_space<hbm>>
        %dma_start3A_155 = arith.constant 0 : i32
        %dma_start3A_156 = tpu.memref_slice %arg3[%add3A_72, %dma_start3A_155] : memref<2560x128xi32, #tpu.memory_space<hbm>> -> memref<1x128xi32, #tpu.memory_space<hbm>>
        tpu.enqueue_dma source(%dma_start3A_156 : memref<1x128xi32, #tpu.memory_space<hbm>>) target(%arg9 : memref<1x128xi32, #tpu.memory_space<vmem>>) target_semaphore(%run_scoped3A : memref<!tpu.dma_semaphore, #tpu.memory_space<semaphore_mem>>)
        %dma_wait3A_157 = arith.constant 0 : i32
        %dma_wait3A_158 = tpu.memref_slice %arg3[%add3A_72, %dma_wait3A_157] : memref<2560x128xi32, #tpu.memory_space<hbm>> -> memref<1x128xi32, #tpu.memory_space<hbm>>
        %dma_wait3A_159 = arith.constant 0 : i32
        %dma_wait3A_160 = tpu.memref_slice %arg3[%add3A_72, %dma_wait3A_159] : memref<2560x128xi32, #tpu.memory_space<hbm>> -> memref<1x128xi32, #tpu.memory_space<hbm>>
        tpu.wait_dma2 semaphore(%run_scoped3A : memref<!tpu.dma_semaphore, #tpu.memory_space<semaphore_mem>>) src(%dma_wait3A_160 : memref<1x128xi32, #tpu.memory_space<hbm>>) dst(%arg9 : memref<1x128xi32, #tpu.memory_space<vmem>>)
        tpu.yield
      }) : () -> ()
      "tpu.region"() ({
        %run_scoped3A = tpu.sem_alloc : memref<!tpu.dma_semaphore, #tpu.memory_space<semaphore_mem>>
        %dma_start3A_153 = arith.constant 0 : i32
        %dma_start3A_154 = tpu.memref_slice %arg4[%add3A_72, %dma_start3A_153] : memref<2560x128xi32, #tpu.memory_space<hbm>> -> memref<1x128xi32, #tpu.memory_space<hbm>>
        %dma_start3A_155 = arith.constant 0 : i32
        %dma_start3A_156 = tpu.memref_slice %arg4[%add3A_72, %dma_start3A_155] : memref<2560x128xi32, #tpu.memory_space<hbm>> -> memref<1x128xi32, #tpu.memory_space<hbm>>
        tpu.enqueue_dma source(%dma_start3A_156 : memref<1x128xi32, #tpu.memory_space<hbm>>) target(%arg10 : memref<1x128xi32, #tpu.memory_space<vmem>>) target_semaphore(%run_scoped3A : memref<!tpu.dma_semaphore, #tpu.memory_space<semaphore_mem>>)
        %dma_wait3A_157 = arith.constant 0 : i32
        %dma_wait3A_158 = tpu.memref_slice %arg4[%add3A_72, %dma_wait3A_157] : memref<2560x128xi32, #tpu.memory_space<hbm>> -> memref<1x128xi32, #tpu.memory_space<hbm>>
        %dma_wait3A_159 = arith.constant 0 : i32
        %dma_wait3A_160 = tpu.memref_slice %arg4[%add3A_72, %dma_wait3A_159] : memref<2560x128xi32, #tpu.memory_space<hbm>> -> memref<1x128xi32, #tpu.memory_space<hbm>>
        tpu.wait_dma2 semaphore(%run_scoped3A : memref<!tpu.dma_semaphore, #tpu.memory_space<semaphore_mem>>) src(%dma_wait3A_160 : memref<1x128xi32, #tpu.memory_space<hbm>>) dst(%arg10 : memref<1x128xi32, #tpu.memory_space<vmem>>)
        tpu.yield
      }) : () -> ()
      %dma_start3A_73 = arith.constant 0 : i32
      %dma_start3A_74 = arith.constant 0 : i32
      %dma_start3A_75 = arith.constant 0 : i32
      %dma_start3A_76 = tpu.memref_slice %arg12[%dma_start3A_74, %dma_start3A_75] : memref<128x128xf32, #tpu.memory_space<vmem>> -> memref<64x128xf32, #tpu.memory_space<vmem>>
      %dma_start3A_77 = arith.constant 0 : i32
      %dma_start3A_78 = tpu.memref_slice %arg9[%dma_start3A_73, %dma_start3A_77] : memref<1x128xi32, #tpu.memory_space<vmem>> -> memref<1x64xi32, #tpu.memory_space<vmem>>
      %dma_start3A_79 = tpu.memref_squeeze %dma_start3A_78 : memref<1x64xi32, #tpu.memory_space<vmem>> -> memref<64xi32, #tpu.memory_space<vmem>>
      %dma_start3A_80 = arith.constant 0 : i32
      %dma_start3A_81 = arith.constant 0 : i32
      %dma_start3A_82 = tpu.memref_slice %arg2[%dma_start3A_80, %dma_start3A_81] : memref<10000x128xf32, #tpu.memory_space<hbm>> -> memref<10000x128xf32, #tpu.memory_space<hbm>>
      tpu.enqueue_indirect_dma source(%dma_start3A_82 : memref<10000x128xf32, #tpu.memory_space<hbm>>) target(%dma_start3A_76 : memref<64x128xf32, #tpu.memory_space<vmem>>) offsets(%dma_start3A_79 : memref<64xi32, #tpu.memory_space<vmem>>) semaphore(%arg15 : memref<!tpu.dma_semaphore, #tpu.memory_space<semaphore_mem>>)
      %dma_start3A_83 = arith.constant 0 : i32
      %dma_start3A_84 = arith.constant 64 : i32
      %dma_start3A_85 = arith.constant 0 : i32
      %dma_start3A_86 = tpu.memref_slice %arg12[%dma_start3A_84, %dma_start3A_85] : memref<128x128xf32, #tpu.memory_space<vmem>> -> memref<64x128xf32, #tpu.memory_space<vmem>>
      %dma_start3A_87 = arith.constant 64 : i32
      %dma_start3A_88 = tpu.memref_slice %arg9[%dma_start3A_83, %dma_start3A_87] : memref<1x128xi32, #tpu.memory_space<vmem>> -> memref<1x64xi32, #tpu.memory_space<vmem>>
      %dma_start3A_89 = tpu.memref_squeeze %dma_start3A_88 : memref<1x64xi32, #tpu.memory_space<vmem>> -> memref<64xi32, #tpu.memory_space<vmem>>
      %dma_start3A_90 = arith.constant 0 : i32
      %dma_start3A_91 = arith.constant 0 : i32
      %dma_start3A_92 = tpu.memref_slice %arg2[%dma_start3A_90, %dma_start3A_91] : memref<10000x128xf32, #tpu.memory_space<hbm>> -> memref<10000x128xf32, #tpu.memory_space<hbm>>
      tpu.enqueue_indirect_dma source(%dma_start3A_92 : memref<10000x128xf32, #tpu.memory_space<hbm>>) target(%dma_start3A_86 : memref<64x128xf32, #tpu.memory_space<vmem>>) offsets(%dma_start3A_89 : memref<64xi32, #tpu.memory_space<vmem>>) semaphore(%arg15 : memref<!tpu.dma_semaphore, #tpu.memory_space<semaphore_mem>>)
      %dma_start3A_93 = arith.constant 0 : i32
      %dma_start3A_94 = arith.constant 0 : i32
      %dma_start3A_95 = tpu.memref_slice %arg8[%dma_start3A_93, %dma_start3A_94] : memref<1x128xi32, #tpu.memory_space<vmem>> -> memref<1x128xi32, #tpu.memory_space<vmem>>
      %dma_start3A_96 = tpu.memref_squeeze %dma_start3A_95 : memref<1x128xi32, #tpu.memory_space<vmem>> -> memref<128xi32, #tpu.memory_space<vmem>>
      %dma_start3A_97 = arith.constant 0 : i32
      %dma_start3A_98 = arith.constant 0 : i32
      %dma_start3A_99 = tpu.memref_slice %arg13[%dma_start3A_97, %dma_start3A_98] : memref<10112x128xf32, #tpu.memory_space<vmem_shared>> -> memref<10112x128xf32, #tpu.memory_space<vmem_shared>>
      tpu.enqueue_indirect_dma source(%arg11 : memref<128x128xf32, #tpu.memory_space<vmem>>) target(%dma_start3A_99 : memref<10112x128xf32, #tpu.memory_space<vmem_shared>>) offsets(%dma_start3A_96 : memref<128xi32, #tpu.memory_space<vmem>>) semaphore(%arg16 : memref<!tpu.dma_semaphore, #tpu.memory_space<semaphore_mem>>) {add = true}
      %dma_wait3A_100 = arith.constant 0 : i32
      %dma_wait3A_101 = arith.constant 0 : i32
      %dma_wait3A_102 = tpu.memref_slice %arg8[%dma_wait3A_100, %dma_wait3A_101] : memref<1x128xi32, #tpu.memory_space<vmem>> -> memref<1x128xi32, #tpu.memory_space<vmem>>
      %dma_wait3A_103 = tpu.memref_squeeze %dma_wait3A_102 : memref<1x128xi32, #tpu.memory_space<vmem>> -> memref<128xi32, #tpu.memory_space<vmem>>
      %dma_wait3A_104 = arith.constant 0 : i32
      %dma_wait3A_105 = arith.constant 0 : i32
      %dma_wait3A_106 = tpu.memref_slice %arg13[%dma_wait3A_104, %dma_wait3A_105] : memref<10112x128xf32, #tpu.memory_space<vmem_shared>> -> memref<10112x128xf32, #tpu.memory_space<vmem_shared>>
      tpu.wait_indirect_dma semaphore(%arg16 : memref<!tpu.dma_semaphore, #tpu.memory_space<semaphore_mem>>) src(%arg11 : memref<128x128xf32, #tpu.memory_space<vmem>>) dst(%dma_wait3A_106 : memref<10112x128xf32, #tpu.memory_space<vmem_shared>>)
      %sub3A = arith.constant 1 : i32
      %sub3A_107 = arith.subi %select_n3A_8, %sub3A : i32
      %lt3A = arith.cmpi slt, %while3A_67, %sub3A_107 : i32
      %convert_element_type3A = arith.extui %lt3A : i1 to i32
      %cond3A = arith.constant 0 : i32
      %cond3A_108 = arith.cmpi ne, %convert_element_type3A, %cond3A : i32
      scf.if %cond3A_108 {
        %add3A_153 = arith.constant 2 : i32
        %add3A_154 = arith.addi %add3A_70, %add3A_153 : i32
        "tpu.region"() ({
          %run_scoped3A = tpu.sem_alloc : memref<!tpu.dma_semaphore, #tpu.memory_space<semaphore_mem>>
          %dma_start3A_175 = arith.constant 0 : i32
          %dma_start3A_176 = tpu.memref_slice %arg3[%add3A_154, %dma_start3A_175] : memref<2560x128xi32, #tpu.memory_space<hbm>> -> memref<1x128xi32, #tpu.memory_space<hbm>>
          %dma_start3A_177 = arith.constant 0 : i32
          %dma_start3A_178 = tpu.memref_slice %arg3[%add3A_154, %dma_start3A_177] : memref<2560x128xi32, #tpu.memory_space<hbm>> -> memref<1x128xi32, #tpu.memory_space<hbm>>
          tpu.enqueue_dma source(%dma_start3A_178 : memref<1x128xi32, #tpu.memory_space<hbm>>) target(%arg7 : memref<1x128xi32, #tpu.memory_space<vmem>>) target_semaphore(%run_scoped3A : memref<!tpu.dma_semaphore, #tpu.memory_space<semaphore_mem>>)
          %dma_wait3A_179 = arith.constant 0 : i32
          %dma_wait3A_180 = tpu.memref_slice %arg3[%add3A_154, %dma_wait3A_179] : memref<2560x128xi32, #tpu.memory_space<hbm>> -> memref<1x128xi32, #tpu.memory_space<hbm>>
          %dma_wait3A_181 = arith.constant 0 : i32
          %dma_wait3A_182 = tpu.memref_slice %arg3[%add3A_154, %dma_wait3A_181] : memref<2560x128xi32, #tpu.memory_space<hbm>> -> memref<1x128xi32, #tpu.memory_space<hbm>>
          tpu.wait_dma2 semaphore(%run_scoped3A : memref<!tpu.dma_semaphore, #tpu.memory_space<semaphore_mem>>) src(%dma_wait3A_182 : memref<1x128xi32, #tpu.memory_space<hbm>>) dst(%arg7 : memref<1x128xi32, #tpu.memory_space<vmem>>)
          tpu.yield
        }) : () -> ()
        "tpu.region"() ({
          %run_scoped3A = tpu.sem_alloc : memref<!tpu.dma_semaphore, #tpu.memory_space<semaphore_mem>>
          %dma_start3A_175 = arith.constant 0 : i32
          %dma_start3A_176 = tpu.memref_slice %arg4[%add3A_154, %dma_start3A_175] : memref<2560x128xi32, #tpu.memory_space<hbm>> -> memref<1x128xi32, #tpu.memory_space<hbm>>
          %dma_start3A_177 = arith.constant 0 : i32
          %dma_start3A_178 = tpu.memref_slice %arg4[%add3A_154, %dma_start3A_177] : memref<2560x128xi32, #tpu.memory_space<hbm>> -> memref<1x128xi32, #tpu.memory_space<hbm>>
          tpu.enqueue_dma source(%dma_start3A_178 : memref<1x128xi32, #tpu.memory_space<hbm>>) target(%arg8 : memref<1x128xi32, #tpu.memory_space<vmem>>) target_semaphore(%run_scoped3A : memref<!tpu.dma_semaphore, #tpu.memory_space<semaphore_mem>>)
          %dma_wait3A_179 = arith.constant 0 : i32
          %dma_wait3A_180 = tpu.memref_slice %arg4[%add3A_154, %dma_wait3A_179] : memref<2560x128xi32, #tpu.memory_space<hbm>> -> memref<1x128xi32, #tpu.memory_space<hbm>>
          %dma_wait3A_181 = arith.constant 0 : i32
          %dma_wait3A_182 = tpu.memref_slice %arg4[%add3A_154, %dma_wait3A_181] : memref<2560x128xi32, #tpu.memory_space<hbm>> -> memref<1x128xi32, #tpu.memory_space<hbm>>
          tpu.wait_dma2 semaphore(%run_scoped3A : memref<!tpu.dma_semaphore, #tpu.memory_space<semaphore_mem>>) src(%dma_wait3A_182 : memref<1x128xi32, #tpu.memory_space<hbm>>) dst(%arg8 : memref<1x128xi32, #tpu.memory_space<vmem>>)
          tpu.yield
        }) : () -> ()
        %dma_start3A_155 = arith.constant 0 : i32
        %dma_start3A_156 = arith.constant 0 : i32
        %dma_start3A_157 = arith.constant 0 : i32
        %dma_start3A_158 = tpu.memref_slice %arg11[%dma_start3A_156, %dma_start3A_157] : memref<128x128xf32, #tpu.memory_space<vmem>> -> memref<64x128xf32, #tpu.memory_space<vmem>>
        %dma_start3A_159 = arith.constant 0 : i32
        %dma_start3A_160 = tpu.memref_slice %arg7[%dma_start3A_155, %dma_start3A_159] : memref<1x128xi32, #tpu.memory_space<vmem>> -> memref<1x64xi32, #tpu.memory_space<vmem>>
        %dma_start3A_161 = tpu.memref_squeeze %dma_start3A_160 : memref<1x64xi32, #tpu.memory_space<vmem>> -> memref<64xi32, #tpu.memory_space<vmem>>
        %dma_start3A_162 = arith.constant 0 : i32
        %dma_start3A_163 = arith.constant 0 : i32
        %dma_start3A_164 = tpu.memref_slice %arg2[%dma_start3A_162, %dma_start3A_163] : memref<10000x128xf32, #tpu.memory_space<hbm>> -> memref<10000x128xf32, #tpu.memory_space<hbm>>
        tpu.enqueue_indirect_dma source(%dma_start3A_164 : memref<10000x128xf32, #tpu.memory_space<hbm>>) target(%dma_start3A_158 : memref<64x128xf32, #tpu.memory_space<vmem>>) offsets(%dma_start3A_161 : memref<64xi32, #tpu.memory_space<vmem>>) semaphore(%arg14 : memref<!tpu.dma_semaphore, #tpu.memory_space<semaphore_mem>>)
        %dma_start3A_165 = arith.constant 0 : i32
        %dma_start3A_166 = arith.constant 64 : i32
        %dma_start3A_167 = arith.constant 0 : i32
        %dma_start3A_168 = tpu.memref_slice %arg11[%dma_start3A_166, %dma_start3A_167] : memref<128x128xf32, #tpu.memory_space<vmem>> -> memref<64x128xf32, #tpu.memory_space<vmem>>
        %dma_start3A_169 = arith.constant 64 : i32
        %dma_start3A_170 = tpu.memref_slice %arg7[%dma_start3A_165, %dma_start3A_169] : memref<1x128xi32, #tpu.memory_space<vmem>> -> memref<1x64xi32, #tpu.memory_space<vmem>>
        %dma_start3A_171 = tpu.memref_squeeze %dma_start3A_170 : memref<1x64xi32, #tpu.memory_space<vmem>> -> memref<64xi32, #tpu.memory_space<vmem>>
        %dma_start3A_172 = arith.constant 0 : i32
        %dma_start3A_173 = arith.constant 0 : i32
        %dma_start3A_174 = tpu.memref_slice %arg2[%dma_start3A_172, %dma_start3A_173] : memref<10000x128xf32, #tpu.memory_space<hbm>> -> memref<10000x128xf32, #tpu.memory_space<hbm>>
        tpu.enqueue_indirect_dma source(%dma_start3A_174 : memref<10000x128xf32, #tpu.memory_space<hbm>>) target(%dma_start3A_168 : memref<64x128xf32, #tpu.memory_space<vmem>>) offsets(%dma_start3A_171 : memref<64xi32, #tpu.memory_space<vmem>>) semaphore(%arg14 : memref<!tpu.dma_semaphore, #tpu.memory_space<semaphore_mem>>)
      } else {
      }
      %dma_wait3A_109 = arith.constant 0 : i32
      %dma_wait3A_110 = arith.constant 0 : i32
      %dma_wait3A_111 = tpu.memref_slice %arg12[%dma_wait3A_109, %dma_wait3A_110] : memref<128x128xf32, #tpu.memory_space<vmem>> -> memref<64x128xf32, #tpu.memory_space<vmem>>
      %dma_wait3A_112 = arith.constant 0 : i32
      %dma_wait3A_113 = arith.constant 0 : i32
      %dma_wait3A_114 = tpu.memref_slice %arg2[%dma_wait3A_112, %dma_wait3A_113] : memref<10000x128xf32, #tpu.memory_space<hbm>> -> memref<64x128xf32, #tpu.memory_space<hbm>>
      %dma_wait3A_115 = arith.constant 0 : i32
      %dma_wait3A_116 = arith.constant 0 : i32
      %dma_wait3A_117 = tpu.memref_slice %arg12[%dma_wait3A_115, %dma_wait3A_116] : memref<128x128xf32, #tpu.memory_space<vmem>> -> memref<64x128xf32, #tpu.memory_space<vmem>>
      %dma_wait3A_118 = arith.constant 0 : i32
      %dma_wait3A_119 = arith.constant 0 : i32
      %dma_wait3A_120 = tpu.memref_slice %arg2[%dma_wait3A_118, %dma_wait3A_119] : memref<10000x128xf32, #tpu.memory_space<hbm>> -> memref<64x128xf32, #tpu.memory_space<hbm>>
      tpu.wait_dma2 semaphore(%arg15 : memref<!tpu.dma_semaphore, #tpu.memory_space<semaphore_mem>>) src(%dma_wait3A_120 : memref<64x128xf32, #tpu.memory_space<hbm>>) dst(%dma_wait3A_117 : memref<64x128xf32, #tpu.memory_space<vmem>>)
      %dma_wait3A_121 = arith.constant 64 : i32
      %dma_wait3A_122 = arith.constant 0 : i32
      %dma_wait3A_123 = tpu.memref_slice %arg12[%dma_wait3A_121, %dma_wait3A_122] : memref<128x128xf32, #tpu.memory_space<vmem>> -> memref<64x128xf32, #tpu.memory_space<vmem>>
      %dma_wait3A_124 = arith.constant 0 : i32
      %dma_wait3A_125 = arith.constant 0 : i32
      %dma_wait3A_126 = tpu.memref_slice %arg2[%dma_wait3A_124, %dma_wait3A_125] : memref<10000x128xf32, #tpu.memory_space<hbm>> -> memref<64x128xf32, #tpu.memory_space<hbm>>
      %dma_wait3A_127 = arith.constant 64 : i32
      %dma_wait3A_128 = arith.constant 0 : i32
      %dma_wait3A_129 = tpu.memref_slice %arg12[%dma_wait3A_127, %dma_wait3A_128] : memref<128x128xf32, #tpu.memory_space<vmem>> -> memref<64x128xf32, #tpu.memory_space<vmem>>
      %dma_wait3A_130 = arith.constant 0 : i32
      %dma_wait3A_131 = arith.constant 0 : i32
      %dma_wait3A_132 = tpu.memref_slice %arg2[%dma_wait3A_130, %dma_wait3A_131] : memref<10000x128xf32, #tpu.memory_space<hbm>> -> memref<64x128xf32, #tpu.memory_space<hbm>>
      tpu.wait_dma2 semaphore(%arg15 : memref<!tpu.dma_semaphore, #tpu.memory_space<semaphore_mem>>) src(%dma_wait3A_132 : memref<64x128xf32, #tpu.memory_space<hbm>>) dst(%dma_wait3A_129 : memref<64x128xf32, #tpu.memory_space<vmem>>)
      %dma_start3A_133 = arith.constant 0 : i32
      %dma_start3A_134 = arith.constant 0 : i32
      %dma_start3A_135 = tpu.memref_slice %arg10[%dma_start3A_133, %dma_start3A_134] : memref<1x128xi32, #tpu.memory_space<vmem>> -> memref<1x128xi32, #tpu.memory_space<vmem>>
      %dma_start3A_136 = tpu.memref_squeeze %dma_start3A_135 : memref<1x128xi32, #tpu.memory_space<vmem>> -> memref<128xi32, #tpu.memory_space<vmem>>
      %dma_start3A_137 = arith.constant 0 : i32
      %dma_start3A_138 = arith.constant 0 : i32
      %dma_start3A_139 = tpu.memref_slice %arg13[%dma_start3A_137, %dma_start3A_138] : memref<10112x128xf32, #tpu.memory_space<vmem_shared>> -> memref<10112x128xf32, #tpu.memory_space<vmem_shared>>
      tpu.enqueue_indirect_dma source(%arg12 : memref<128x128xf32, #tpu.memory_space<vmem>>) target(%dma_start3A_139 : memref<10112x128xf32, #tpu.memory_space<vmem_shared>>) offsets(%dma_start3A_136 : memref<128xi32, #tpu.memory_space<vmem>>) semaphore(%arg17 : memref<!tpu.dma_semaphore, #tpu.memory_space<semaphore_mem>>) {add = true}
      %dma_wait3A_140 = arith.constant 0 : i32
      %dma_wait3A_141 = arith.constant 0 : i32
      %dma_wait3A_142 = tpu.memref_slice %arg10[%dma_wait3A_140, %dma_wait3A_141] : memref<1x128xi32, #tpu.memory_space<vmem>> -> memref<1x128xi32, #tpu.memory_space<vmem>>
      %dma_wait3A_143 = tpu.memref_squeeze %dma_wait3A_142 : memref<1x128xi32, #tpu.memory_space<vmem>> -> memref<128xi32, #tpu.memory_space<vmem>>
      %dma_wait3A_144 = arith.constant 0 : i32
      %dma_wait3A_145 = arith.constant 0 : i32
      %dma_wait3A_146 = tpu.memref_slice %arg13[%dma_wait3A_144, %dma_wait3A_145] : memref<10112x128xf32, #tpu.memory_space<vmem_shared>> -> memref<10112x128xf32, #tpu.memory_space<vmem_shared>>
      tpu.wait_indirect_dma semaphore(%arg17 : memref<!tpu.dma_semaphore, #tpu.memory_space<semaphore_mem>>) src(%arg12 : memref<128x128xf32, #tpu.memory_space<vmem>>) dst(%dma_wait3A_146 : memref<10112x128xf32, #tpu.memory_space<vmem_shared>>)
      %sub3A_147 = arith.constant 1 : i32
      %sub3A_148 = arith.subi %select_n3A_8, %sub3A_147 : i32
      %lt3A_149 = arith.cmpi slt, %while3A_67, %sub3A_148 : i32
      %convert_element_type3A_150 = arith.extui %lt3A_149 : i1 to i32
      %cond3A_151 = arith.constant 0 : i32
      %cond3A_152 = arith.cmpi ne, %convert_element_type3A_150, %cond3A_151 : i32
      scf.if %cond3A_152 {
        %dma_wait3A_153 = arith.constant 0 : i32
        %dma_wait3A_154 = arith.constant 0 : i32
        %dma_wait3A_155 = tpu.memref_slice %arg11[%dma_wait3A_153, %dma_wait3A_154] : memref<128x128xf32, #tpu.memory_space<vmem>> -> memref<64x128xf32, #tpu.memory_space<vmem>>
        %dma_wait3A_156 = arith.constant 0 : i32
        %dma_wait3A_157 = arith.constant 0 : i32
        %dma_wait3A_158 = tpu.memref_slice %arg2[%dma_wait3A_156, %dma_wait3A_157] : memref<10000x128xf32, #tpu.memory_space<hbm>> -> memref<64x128xf32, #tpu.memory_space<hbm>>
        %dma_wait3A_159 = arith.constant 0 : i32
        %dma_wait3A_160 = arith.constant 0 : i32
        %dma_wait3A_161 = tpu.memref_slice %arg11[%dma_wait3A_159, %dma_wait3A_160] : memref<128x128xf32, #tpu.memory_space<vmem>> -> memref<64x128xf32, #tpu.memory_space<vmem>>
        %dma_wait3A_162 = arith.constant 0 : i32
        %dma_wait3A_163 = arith.constant 0 : i32
        %dma_wait3A_164 = tpu.memref_slice %arg2[%dma_wait3A_162, %dma_wait3A_163] : memref<10000x128xf32, #tpu.memory_space<hbm>> -> memref<64x128xf32, #tpu.memory_space<hbm>>
        tpu.wait_dma2 semaphore(%arg14 : memref<!tpu.dma_semaphore, #tpu.memory_space<semaphore_mem>>) src(%dma_wait3A_164 : memref<64x128xf32, #tpu.memory_space<hbm>>) dst(%dma_wait3A_161 : memref<64x128xf32, #tpu.memory_space<vmem>>)
        %dma_wait3A_165 = arith.constant 64 : i32
        %dma_wait3A_166 = arith.constant 0 : i32
        %dma_wait3A_167 = tpu.memref_slice %arg11[%dma_wait3A_165, %dma_wait3A_166] : memref<128x128xf32, #tpu.memory_space<vmem>> -> memref<64x128xf32, #tpu.memory_space<vmem>>
        %dma_wait3A_168 = arith.constant 0 : i32
        %dma_wait3A_169 = arith.constant 0 : i32
        %dma_wait3A_170 = tpu.memref_slice %arg2[%dma_wait3A_168, %dma_wait3A_169] : memref<10000x128xf32, #tpu.memory_space<hbm>> -> memref<64x128xf32, #tpu.memory_space<hbm>>
        %dma_wait3A_171 = arith.constant 64 : i32
        %dma_wait3A_172 = arith.constant 0 : i32
        %dma_wait3A_173 = tpu.memref_slice %arg11[%dma_wait3A_171, %dma_wait3A_172] : memref<128x128xf32, #tpu.memory_space<vmem>> -> memref<64x128xf32, #tpu.memory_space<vmem>>
        %dma_wait3A_174 = arith.constant 0 : i32
        %dma_wait3A_175 = arith.constant 0 : i32
        %dma_wait3A_176 = tpu.memref_slice %arg2[%dma_wait3A_174, %dma_wait3A_175] : memref<10000x128xf32, #tpu.memory_space<hbm>> -> memref<64x128xf32, #tpu.memory_space<hbm>>
        tpu.wait_dma2 semaphore(%arg14 : memref<!tpu.dma_semaphore, #tpu.memory_space<semaphore_mem>>) src(%dma_wait3A_176 : memref<64x128xf32, #tpu.memory_space<hbm>>) dst(%dma_wait3A_173 : memref<64x128xf32, #tpu.memory_space<vmem>>)
      } else {
      }
    }
    %while3A_61 = arith.constant 1 : i32
    scf.for %while3A_67 = %while3A_59 to %while3A_55 step %while3A_61  : i32 {
      %mul3A_68 = arith.constant 2 : i32
      %mul3A_69 = arith.muli %mul3A_68, %while3A_67 : i32
      %add3A_70 = arith.addi %select_n3A, %mul3A_69 : i32
      %add3A_71 = arith.constant 1 : i32
      %add3A_72 = arith.addi %add3A_70, %add3A_71 : i32
      "tpu.region"() ({
        %run_scoped3A = tpu.sem_alloc : memref<!tpu.dma_semaphore, #tpu.memory_space<semaphore_mem>>
        %dma_start3A_153 = arith.constant 0 : i32
        %dma_start3A_154 = tpu.memref_slice %arg3[%add3A_72, %dma_start3A_153] : memref<2560x128xi32, #tpu.memory_space<hbm>> -> memref<1x128xi32, #tpu.memory_space<hbm>>
        %dma_start3A_155 = arith.constant 0 : i32
        %dma_start3A_156 = tpu.memref_slice %arg3[%add3A_72, %dma_start3A_155] : memref<2560x128xi32, #tpu.memory_space<hbm>> -> memref<1x128xi32, #tpu.memory_space<hbm>>
        tpu.enqueue_dma source(%dma_start3A_156 : memref<1x128xi32, #tpu.memory_space<hbm>>) target(%arg9 : memref<1x128xi32, #tpu.memory_space<vmem>>) target_semaphore(%run_scoped3A : memref<!tpu.dma_semaphore, #tpu.memory_space<semaphore_mem>>)
        %dma_wait3A_157 = arith.constant 0 : i32
        %dma_wait3A_158 = tpu.memref_slice %arg3[%add3A_72, %dma_wait3A_157] : memref<2560x128xi32, #tpu.memory_space<hbm>> -> memref<1x128xi32, #tpu.memory_space<hbm>>
        %dma_wait3A_159 = arith.constant 0 : i32
        %dma_wait3A_160 = tpu.memref_slice %arg3[%add3A_72, %dma_wait3A_159] : memref<2560x128xi32, #tpu.memory_space<hbm>> -> memref<1x128xi32, #tpu.memory_space<hbm>>
        tpu.wait_dma2 semaphore(%run_scoped3A : memref<!tpu.dma_semaphore, #tpu.memory_space<semaphore_mem>>) src(%dma_wait3A_160 : memref<1x128xi32, #tpu.memory_space<hbm>>) dst(%arg9 : memref<1x128xi32, #tpu.memory_space<vmem>>)
        tpu.yield
      }) : () -> ()
      "tpu.region"() ({
        %run_scoped3A = tpu.sem_alloc : memref<!tpu.dma_semaphore, #tpu.memory_space<semaphore_mem>>
        %dma_start3A_153 = arith.constant 0 : i32
        %dma_start3A_154 = tpu.memref_slice %arg4[%add3A_72, %dma_start3A_153] : memref<2560x128xi32, #tpu.memory_space<hbm>> -> memref<1x128xi32, #tpu.memory_space<hbm>>
        %dma_start3A_155 = arith.constant 0 : i32
        %dma_start3A_156 = tpu.memref_slice %arg4[%add3A_72, %dma_start3A_155] : memref<2560x128xi32, #tpu.memory_space<hbm>> -> memref<1x128xi32, #tpu.memory_space<hbm>>
        tpu.enqueue_dma source(%dma_start3A_156 : memref<1x128xi32, #tpu.memory_space<hbm>>) target(%arg10 : memref<1x128xi32, #tpu.memory_space<vmem>>) target_semaphore(%run_scoped3A : memref<!tpu.dma_semaphore, #tpu.memory_space<semaphore_mem>>)
        %dma_wait3A_157 = arith.constant 0 : i32
        %dma_wait3A_158 = tpu.memref_slice %arg4[%add3A_72, %dma_wait3A_157] : memref<2560x128xi32, #tpu.memory_space<hbm>> -> memref<1x128xi32, #tpu.memory_space<hbm>>
        %dma_wait3A_159 = arith.constant 0 : i32
        %dma_wait3A_160 = tpu.memref_slice %arg4[%add3A_72, %dma_wait3A_159] : memref<2560x128xi32, #tpu.memory_space<hbm>> -> memref<1x128xi32, #tpu.memory_space<hbm>>
        tpu.wait_dma2 semaphore(%run_scoped3A : memref<!tpu.dma_semaphore, #tpu.memory_space<semaphore_mem>>) src(%dma_wait3A_160 : memref<1x128xi32, #tpu.memory_space<hbm>>) dst(%arg10 : memref<1x128xi32, #tpu.memory_space<vmem>>)
        tpu.yield
      }) : () -> ()
      %dma_start3A_73 = arith.constant 0 : i32
      %dma_start3A_74 = arith.constant 0 : i32
      %dma_start3A_75 = arith.constant 0 : i32
      %dma_start3A_76 = tpu.memref_slice %arg12[%dma_start3A_74, %dma_start3A_75] : memref<128x128xf32, #tpu.memory_space<vmem>> -> memref<64x128xf32, #tpu.memory_space<vmem>>
      %dma_start3A_77 = arith.constant 0 : i32
      %dma_start3A_78 = tpu.memref_slice %arg9[%dma_start3A_73, %dma_start3A_77] : memref<1x128xi32, #tpu.memory_space<vmem>> -> memref<1x64xi32, #tpu.memory_space<vmem>>
      %dma_start3A_79 = tpu.memref_squeeze %dma_start3A_78 : memref<1x64xi32, #tpu.memory_space<vmem>> -> memref<64xi32, #tpu.memory_space<vmem>>
      %dma_start3A_80 = arith.constant 0 : i32
      %dma_start3A_81 = arith.constant 0 : i32
      %dma_start3A_82 = tpu.memref_slice %arg2[%dma_start3A_80, %dma_start3A_81] : memref<10000x128xf32, #tpu.memory_space<hbm>> -> memref<10000x128xf32, #tpu.memory_space<hbm>>
      tpu.enqueue_indirect_dma source(%dma_start3A_82 : memref<10000x128xf32, #tpu.memory_space<hbm>>) target(%dma_start3A_76 : memref<64x128xf32, #tpu.memory_space<vmem>>) offsets(%dma_start3A_79 : memref<64xi32, #tpu.memory_space<vmem>>) semaphore(%arg15 : memref<!tpu.dma_semaphore, #tpu.memory_space<semaphore_mem>>)
      %dma_start3A_83 = arith.constant 0 : i32
      %dma_start3A_84 = arith.constant 64 : i32
      %dma_start3A_85 = arith.constant 0 : i32
      %dma_start3A_86 = tpu.memref_slice %arg12[%dma_start3A_84, %dma_start3A_85] : memref<128x128xf32, #tpu.memory_space<vmem>> -> memref<64x128xf32, #tpu.memory_space<vmem>>
      %dma_start3A_87 = arith.constant 64 : i32
      %dma_start3A_88 = tpu.memref_slice %arg9[%dma_start3A_83, %dma_start3A_87] : memref<1x128xi32, #tpu.memory_space<vmem>> -> memref<1x64xi32, #tpu.memory_space<vmem>>
      %dma_start3A_89 = tpu.memref_squeeze %dma_start3A_88 : memref<1x64xi32, #tpu.memory_space<vmem>> -> memref<64xi32, #tpu.memory_space<vmem>>
      %dma_start3A_90 = arith.constant 0 : i32
      %dma_start3A_91 = arith.constant 0 : i32
      %dma_start3A_92 = tpu.memref_slice %arg2[%dma_start3A_90, %dma_start3A_91] : memref<10000x128xf32, #tpu.memory_space<hbm>> -> memref<10000x128xf32, #tpu.memory_space<hbm>>
      tpu.enqueue_indirect_dma source(%dma_start3A_92 : memref<10000x128xf32, #tpu.memory_space<hbm>>) target(%dma_start3A_86 : memref<64x128xf32, #tpu.memory_space<vmem>>) offsets(%dma_start3A_89 : memref<64xi32, #tpu.memory_space<vmem>>) semaphore(%arg15 : memref<!tpu.dma_semaphore, #tpu.memory_space<semaphore_mem>>)
      %dma_start3A_93 = arith.constant 0 : i32
      %dma_start3A_94 = arith.constant 0 : i32
      %dma_start3A_95 = tpu.memref_slice %arg8[%dma_start3A_93, %dma_start3A_94] : memref<1x128xi32, #tpu.memory_space<vmem>> -> memref<1x128xi32, #tpu.memory_space<vmem>>
      %dma_start3A_96 = tpu.memref_squeeze %dma_start3A_95 : memref<1x128xi32, #tpu.memory_space<vmem>> -> memref<128xi32, #tpu.memory_space<vmem>>
      %dma_start3A_97 = arith.constant 0 : i32
      %dma_start3A_98 = arith.constant 0 : i32
      %dma_start3A_99 = tpu.memref_slice %arg13[%dma_start3A_97, %dma_start3A_98] : memref<10112x128xf32, #tpu.memory_space<vmem_shared>> -> memref<10112x128xf32, #tpu.memory_space<vmem_shared>>
      tpu.enqueue_indirect_dma source(%arg11 : memref<128x128xf32, #tpu.memory_space<vmem>>) target(%dma_start3A_99 : memref<10112x128xf32, #tpu.memory_space<vmem_shared>>) offsets(%dma_start3A_96 : memref<128xi32, #tpu.memory_space<vmem>>) semaphore(%arg16 : memref<!tpu.dma_semaphore, #tpu.memory_space<semaphore_mem>>) {add = true}
      %dma_wait3A_100 = arith.constant 0 : i32
      %dma_wait3A_101 = arith.constant 0 : i32
      %dma_wait3A_102 = tpu.memref_slice %arg8[%dma_wait3A_100, %dma_wait3A_101] : memref<1x128xi32, #tpu.memory_space<vmem>> -> memref<1x128xi32, #tpu.memory_space<vmem>>
      %dma_wait3A_103 = tpu.memref_squeeze %dma_wait3A_102 : memref<1x128xi32, #tpu.memory_space<vmem>> -> memref<128xi32, #tpu.memory_space<vmem>>
      %dma_wait3A_104 = arith.constant 0 : i32
      %dma_wait3A_105 = arith.constant 0 : i32
      %dma_wait3A_106 = tpu.memref_slice %arg13[%dma_wait3A_104, %dma_wait3A_105] : memref<10112x128xf32, #tpu.memory_space<vmem_shared>> -> memref<10112x128xf32, #tpu.memory_space<vmem_shared>>
      tpu.wait_indirect_dma semaphore(%arg16 : memref<!tpu.dma_semaphore, #tpu.memory_space<semaphore_mem>>) src(%arg11 : memref<128x128xf32, #tpu.memory_space<vmem>>) dst(%dma_wait3A_106 : memref<10112x128xf32, #tpu.memory_space<vmem_shared>>)
      %sub3A = arith.constant 1 : i32
      %sub3A_107 = arith.subi %select_n3A_8, %sub3A : i32
      %lt3A = arith.cmpi slt, %while3A_67, %sub3A_107 : i32
      %convert_element_type3A = arith.extui %lt3A : i1 to i32
      %cond3A = arith.constant 0 : i32
      %cond3A_108 = arith.cmpi ne, %convert_element_type3A, %cond3A : i32
      scf.if %cond3A_108 {
        %add3A_153 = arith.constant 2 : i32
        %add3A_154 = arith.addi %add3A_70, %add3A_153 : i32
        "tpu.region"() ({
          %run_scoped3A = tpu.sem_alloc : memref<!tpu.dma_semaphore, #tpu.memory_space<semaphore_mem>>
          %dma_start3A_175 = arith.constant 0 : i32
          %dma_start3A_176 = tpu.memref_slice %arg3[%add3A_154, %dma_start3A_175] : memref<2560x128xi32, #tpu.memory_space<hbm>> -> memref<1x128xi32, #tpu.memory_space<hbm>>
          %dma_start3A_177 = arith.constant 0 : i32
          %dma_start3A_178 = tpu.memref_slice %arg3[%add3A_154, %dma_start3A_177] : memref<2560x128xi32, #tpu.memory_space<hbm>> -> memref<1x128xi32, #tpu.memory_space<hbm>>
          tpu.enqueue_dma source(%dma_start3A_178 : memref<1x128xi32, #tpu.memory_space<hbm>>) target(%arg7 : memref<1x128xi32, #tpu.memory_space<vmem>>) target_semaphore(%run_scoped3A : memref<!tpu.dma_semaphore, #tpu.memory_space<semaphore_mem>>)
          %dma_wait3A_179 = arith.constant 0 : i32
          %dma_wait3A_180 = tpu.memref_slice %arg3[%add3A_154, %dma_wait3A_179] : memref<2560x128xi32, #tpu.memory_space<hbm>> -> memref<1x128xi32, #tpu.memory_space<hbm>>
          %dma_wait3A_181 = arith.constant 0 : i32
          %dma_wait3A_182 = tpu.memref_slice %arg3[%add3A_154, %dma_wait3A_181] : memref<2560x128xi32, #tpu.memory_space<hbm>> -> memref<1x128xi32, #tpu.memory_space<hbm>>
          tpu.wait_dma2 semaphore(%run_scoped3A : memref<!tpu.dma_semaphore, #tpu.memory_space<semaphore_mem>>) src(%dma_wait3A_182 : memref<1x128xi32, #tpu.memory_space<hbm>>) dst(%arg7 : memref<1x128xi32, #tpu.memory_space<vmem>>)
          tpu.yield
        }) : () -> ()
        "tpu.region"() ({
          %run_scoped3A = tpu.sem_alloc : memref<!tpu.dma_semaphore, #tpu.memory_space<semaphore_mem>>
          %dma_start3A_175 = arith.constant 0 : i32
          %dma_start3A_176 = tpu.memref_slice %arg4[%add3A_154, %dma_start3A_175] : memref<2560x128xi32, #tpu.memory_space<hbm>> -> memref<1x128xi32, #tpu.memory_space<hbm>>
          %dma_start3A_177 = arith.constant 0 : i32
          %dma_start3A_178 = tpu.memref_slice %arg4[%add3A_154, %dma_start3A_177] : memref<2560x128xi32, #tpu.memory_space<hbm>> -> memref<1x128xi32, #tpu.memory_space<hbm>>
          tpu.enqueue_dma source(%dma_start3A_178 : memref<1x128xi32, #tpu.memory_space<hbm>>) target(%arg8 : memref<1x128xi32, #tpu.memory_space<vmem>>) target_semaphore(%run_scoped3A : memref<!tpu.dma_semaphore, #tpu.memory_space<semaphore_mem>>)
          %dma_wait3A_179 = arith.constant 0 : i32
          %dma_wait3A_180 = tpu.memref_slice %arg4[%add3A_154, %dma_wait3A_179] : memref<2560x128xi32, #tpu.memory_space<hbm>> -> memref<1x128xi32, #tpu.memory_space<hbm>>
          %dma_wait3A_181 = arith.constant 0 : i32
          %dma_wait3A_182 = tpu.memref_slice %arg4[%add3A_154, %dma_wait3A_181] : memref<2560x128xi32, #tpu.memory_space<hbm>> -> memref<1x128xi32, #tpu.memory_space<hbm>>
          tpu.wait_dma2 semaphore(%run_scoped3A : memref<!tpu.dma_semaphore, #tpu.memory_space<semaphore_mem>>) src(%dma_wait3A_182 : memref<1x128xi32, #tpu.memory_space<hbm>>) dst(%arg8 : memref<1x128xi32, #tpu.memory_space<vmem>>)
          tpu.yield
        }) : () -> ()
        %dma_start3A_155 = arith.constant 0 : i32
        %dma_start3A_156 = arith.constant 0 : i32
        %dma_start3A_157 = arith.constant 0 : i32
        %dma_start3A_158 = tpu.memref_slice %arg11[%dma_start3A_156, %dma_start3A_157] : memref<128x128xf32, #tpu.memory_space<vmem>> -> memref<64x128xf32, #tpu.memory_space<vmem>>
        %dma_start3A_159 = arith.constant 0 : i32
        %dma_start3A_160 = tpu.memref_slice %arg7[%dma_start3A_155, %dma_start3A_159] : memref<1x128xi32, #tpu.memory_space<vmem>> -> memref<1x64xi32, #tpu.memory_space<vmem>>
        %dma_start3A_161 = tpu.memref_squeeze %dma_start3A_160 : memref<1x64xi32, #tpu.memory_space<vmem>> -> memref<64xi32, #tpu.memory_space<vmem>>
        %dma_start3A_162 = arith.constant 0 : i32
        %dma_start3A_163 = arith.constant 0 : i32
        %dma_start3A_164 = tpu.memref_slice %arg2[%dma_start3A_162, %dma_start3A_163] : memref<10000x128xf32, #tpu.memory_space<hbm>> -> memref<10000x128xf32, #tpu.memory_space<hbm>>
        tpu.enqueue_indirect_dma source(%dma_start3A_164 : memref<10000x128xf32, #tpu.memory_space<hbm>>) target(%dma_start3A_158 : memref<64x128xf32, #tpu.memory_space<vmem>>) offsets(%dma_start3A_161 : memref<64xi32, #tpu.memory_space<vmem>>) semaphore(%arg14 : memref<!tpu.dma_semaphore, #tpu.memory_space<semaphore_mem>>)
        %dma_start3A_165 = arith.constant 0 : i32
        %dma_start3A_166 = arith.constant 64 : i32
        %dma_start3A_167 = arith.constant 0 : i32
        %dma_start3A_168 = tpu.memref_slice %arg11[%dma_start3A_166, %dma_start3A_167] : memref<128x128xf32, #tpu.memory_space<vmem>> -> memref<64x128xf32, #tpu.memory_space<vmem>>
        %dma_start3A_169 = arith.constant 64 : i32
        %dma_start3A_170 = tpu.memref_slice %arg7[%dma_start3A_165, %dma_start3A_169] : memref<1x128xi32, #tpu.memory_space<vmem>> -> memref<1x64xi32, #tpu.memory_space<vmem>>
        %dma_start3A_171 = tpu.memref_squeeze %dma_start3A_170 : memref<1x64xi32, #tpu.memory_space<vmem>> -> memref<64xi32, #tpu.memory_space<vmem>>
        %dma_start3A_172 = arith.constant 0 : i32
        %dma_start3A_173 = arith.constant 0 : i32
        %dma_start3A_174 = tpu.memref_slice %arg2[%dma_start3A_172, %dma_start3A_173] : memref<10000x128xf32, #tpu.memory_space<hbm>> -> memref<10000x128xf32, #tpu.memory_space<hbm>>
        tpu.enqueue_indirect_dma source(%dma_start3A_174 : memref<10000x128xf32, #tpu.memory_space<hbm>>) target(%dma_start3A_168 : memref<64x128xf32, #tpu.memory_space<vmem>>) offsets(%dma_start3A_171 : memref<64xi32, #tpu.memory_space<vmem>>) semaphore(%arg14 : memref<!tpu.dma_semaphore, #tpu.memory_space<semaphore_mem>>)
      } else {
      }
      %dma_wait3A_109 = arith.constant 0 : i32
      %dma_wait3A_110 = arith.constant 0 : i32
      %dma_wait3A_111 = tpu.memref_slice %arg12[%dma_wait3A_109, %dma_wait3A_110] : memref<128x128xf32, #tpu.memory_space<vmem>> -> memref<64x128xf32, #tpu.memory_space<vmem>>
      %dma_wait3A_112 = arith.constant 0 : i32
      %dma_wait3A_113 = arith.constant 0 : i32
      %dma_wait3A_114 = tpu.memref_slice %arg2[%dma_wait3A_112, %dma_wait3A_113] : memref<10000x128xf32, #tpu.memory_space<hbm>> -> memref<64x128xf32, #tpu.memory_space<hbm>>
      %dma_wait3A_115 = arith.constant 0 : i32
      %dma_wait3A_116 = arith.constant 0 : i32
      %dma_wait3A_117 = tpu.memref_slice %arg12[%dma_wait3A_115, %dma_wait3A_116] : memref<128x128xf32, #tpu.memory_space<vmem>> -> memref<64x128xf32, #tpu.memory_space<vmem>>
      %dma_wait3A_118 = arith.constant 0 : i32
      %dma_wait3A_119 = arith.constant 0 : i32
      %dma_wait3A_120 = tpu.memref_slice %arg2[%dma_wait3A_118, %dma_wait3A_119] : memref<10000x128xf32, #tpu.memory_space<hbm>> -> memref<64x128xf32, #tpu.memory_space<hbm>>
      tpu.wait_dma2 semaphore(%arg15 : memref<!tpu.dma_semaphore, #tpu.memory_space<semaphore_mem>>) src(%dma_wait3A_120 : memref<64x128xf32, #tpu.memory_space<hbm>>) dst(%dma_wait3A_117 : memref<64x128xf32, #tpu.memory_space<vmem>>)
      %dma_wait3A_121 = arith.constant 64 : i32
      %dma_wait3A_122 = arith.constant 0 : i32
      %dma_wait3A_123 = tpu.memref_slice %arg12[%dma_wait3A_121, %dma_wait3A_122] : memref<128x128xf32, #tpu.memory_space<vmem>> -> memref<64x128xf32, #tpu.memory_space<vmem>>
      %dma_wait3A_124 = arith.constant 0 : i32
      %dma_wait3A_125 = arith.constant 0 : i32
      %dma_wait3A_126 = tpu.memref_slice %arg2[%dma_wait3A_124, %dma_wait3A_125] : memref<10000x128xf32, #tpu.memory_space<hbm>> -> memref<64x128xf32, #tpu.memory_space<hbm>>
      %dma_wait3A_127 = arith.constant 64 : i32
      %dma_wait3A_128 = arith.constant 0 : i32
      %dma_wait3A_129 = tpu.memref_slice %arg12[%dma_wait3A_127, %dma_wait3A_128] : memref<128x128xf32, #tpu.memory_space<vmem>> -> memref<64x128xf32, #tpu.memory_space<vmem>>
      %dma_wait3A_130 = arith.constant 0 : i32
      %dma_wait3A_131 = arith.constant 0 : i32
      %dma_wait3A_132 = tpu.memref_slice %arg2[%dma_wait3A_130, %dma_wait3A_131] : memref<10000x128xf32, #tpu.memory_space<hbm>> -> memref<64x128xf32, #tpu.memory_space<hbm>>
      tpu.wait_dma2 semaphore(%arg15 : memref<!tpu.dma_semaphore, #tpu.memory_space<semaphore_mem>>) src(%dma_wait3A_132 : memref<64x128xf32, #tpu.memory_space<hbm>>) dst(%dma_wait3A_129 : memref<64x128xf32, #tpu.memory_space<vmem>>)
      %dma_start3A_133 = arith.constant 0 : i32
      %dma_start3A_134 = arith.constant 0 : i32
      %dma_start3A_135 = tpu.memref_slice %arg10[%dma_start3A_133, %dma_start3A_134] : memref<1x128xi32, #tpu.memory_space<vmem>> -> memref<1x128xi32, #tpu.memory_space<vmem>>
      %dma_start3A_136 = tpu.memref_squeeze %dma_start3A_135 : memref<1x128xi32, #tpu.memory_space<vmem>> -> memref<128xi32, #tpu.memory_space<vmem>>
      %dma_start3A_137 = arith.constant 0 : i32
      %dma_start3A_138 = arith.constant 0 : i32
      %dma_start3A_139 = tpu.memref_slice %arg13[%dma_start3A_137, %dma_start3A_138] : memref<10112x128xf32, #tpu.memory_space<vmem_shared>> -> memref<10112x128xf32, #tpu.memory_space<vmem_shared>>
      tpu.enqueue_indirect_dma source(%arg12 : memref<128x128xf32, #tpu.memory_space<vmem>>) target(%dma_start3A_139 : memref<10112x128xf32, #tpu.memory_space<vmem_shared>>) offsets(%dma_start3A_136 : memref<128xi32, #tpu.memory_space<vmem>>) semaphore(%arg17 : memref<!tpu.dma_semaphore, #tpu.memory_space<semaphore_mem>>) {add = true}
      %dma_wait3A_140 = arith.constant 0 : i32
      %dma_wait3A_141 = arith.constant 0 : i32
      %dma_wait3A_142 = tpu.memref_slice %arg10[%dma_wait3A_140, %dma_wait3A_141] : memref<1x128xi32, #tpu.memory_space<vmem>> -> memref<1x128xi32, #tpu.memory_space<vmem>>
      %dma_wait3A_143 = tpu.memref_squeeze %dma_wait3A_142 : memref<1x128xi32, #tpu.memory_space<vmem>> -> memref<128xi32, #tpu.memory_space<vmem>>
      %dma_wait3A_144 = arith.constant 0 : i32
      %dma_wait3A_145 = arith.constant 0 : i32
      %dma_wait3A_146 = tpu.memref_slice %arg13[%dma_wait3A_144, %dma_wait3A_145] : memref<10112x128xf32, #tpu.memory_space<vmem_shared>> -> memref<10112x128xf32, #tpu.memory_space<vmem_shared>>
      tpu.wait_indirect_dma semaphore(%arg17 : memref<!tpu.dma_semaphore, #tpu.memory_space<semaphore_mem>>) src(%arg12 : memref<128x128xf32, #tpu.memory_space<vmem>>) dst(%dma_wait3A_146 : memref<10112x128xf32, #tpu.memory_space<vmem_shared>>)
      %sub3A_147 = arith.constant 1 : i32
      %sub3A_148 = arith.subi %select_n3A_8, %sub3A_147 : i32
      %lt3A_149 = arith.cmpi slt, %while3A_67, %sub3A_148 : i32
      %convert_element_type3A_150 = arith.extui %lt3A_149 : i1 to i32
      %cond3A_151 = arith.constant 0 : i32
      %cond3A_152 = arith.cmpi ne, %convert_element_type3A_150, %cond3A_151 : i32
      scf.if %cond3A_152 {
        %dma_wait3A_153 = arith.constant 0 : i32
        %dma_wait3A_154 = arith.constant 0 : i32
        %dma_wait3A_155 = tpu.memref_slice %arg11[%dma_wait3A_153, %dma_wait3A_154] : memref<128x128xf32, #tpu.memory_space<vmem>> -> memref<64x128xf32, #tpu.memory_space<vmem>>
        %dma_wait3A_156 = arith.constant 0 : i32
        %dma_wait3A_157 = arith.constant 0 : i32
        %dma_wait3A_158 = tpu.memref_slice %arg2[%dma_wait3A_156, %dma_wait3A_157] : memref<10000x128xf32, #tpu.memory_space<hbm>> -> memref<64x128xf32, #tpu.memory_space<hbm>>
        %dma_wait3A_159 = arith.constant 0 : i32
        %dma_wait3A_160 = arith.constant 0 : i32
        %dma_wait3A_161 = tpu.memref_slice %arg11[%dma_wait3A_159, %dma_wait3A_160] : memref<128x128xf32, #tpu.memory_space<vmem>> -> memref<64x128xf32, #tpu.memory_space<vmem>>
        %dma_wait3A_162 = arith.constant 0 : i32
        %dma_wait3A_163 = arith.constant 0 : i32
        %dma_wait3A_164 = tpu.memref_slice %arg2[%dma_wait3A_162, %dma_wait3A_163] : memref<10000x128xf32, #tpu.memory_space<hbm>> -> memref<64x128xf32, #tpu.memory_space<hbm>>
        tpu.wait_dma2 semaphore(%arg14 : memref<!tpu.dma_semaphore, #tpu.memory_space<semaphore_mem>>) src(%dma_wait3A_164 : memref<64x128xf32, #tpu.memory_space<hbm>>) dst(%dma_wait3A_161 : memref<64x128xf32, #tpu.memory_space<vmem>>)
        %dma_wait3A_165 = arith.constant 64 : i32
        %dma_wait3A_166 = arith.constant 0 : i32
        %dma_wait3A_167 = tpu.memref_slice %arg11[%dma_wait3A_165, %dma_wait3A_166] : memref<128x128xf32, #tpu.memory_space<vmem>> -> memref<64x128xf32, #tpu.memory_space<vmem>>
        %dma_wait3A_168 = arith.constant 0 : i32
        %dma_wait3A_169 = arith.constant 0 : i32
        %dma_wait3A_170 = tpu.memref_slice %arg2[%dma_wait3A_168, %dma_wait3A_169] : memref<10000x128xf32, #tpu.memory_space<hbm>> -> memref<64x128xf32, #tpu.memory_space<hbm>>
        %dma_wait3A_171 = arith.constant 64 : i32
        %dma_wait3A_172 = arith.constant 0 : i32
        %dma_wait3A_173 = tpu.memref_slice %arg11[%dma_wait3A_171, %dma_wait3A_172] : memref<128x128xf32, #tpu.memory_space<vmem>> -> memref<64x128xf32, #tpu.memory_space<vmem>>
        %dma_wait3A_174 = arith.constant 0 : i32
        %dma_wait3A_175 = arith.constant 0 : i32
        %dma_wait3A_176 = tpu.memref_slice %arg2[%dma_wait3A_174, %dma_wait3A_175] : memref<10000x128xf32, #tpu.memory_space<hbm>> -> memref<64x128xf32, #tpu.memory_space<hbm>>
        tpu.wait_dma2 semaphore(%arg14 : memref<!tpu.dma_semaphore, #tpu.memory_space<semaphore_mem>>) src(%dma_wait3A_176 : memref<64x128xf32, #tpu.memory_space<hbm>>) dst(%dma_wait3A_173 : memref<64x128xf32, #tpu.memory_space<vmem>>)
      } else {
      }
    }
    %barrier3A_62 = arith.constant 0 : index
    tpu.barrier barrier_id(%barrier3A_62)
    %mul3A_63 = arith.constant 632 : i32
    %mul3A_64 = arith.muli %arg1, %mul3A_63 : i32
    %mul3A_65 = arith.constant 632 : i32
    %mul3A_66 = arith.muli %arg1, %mul3A_65 : i32
    "tpu.region"() ({
      %run_scoped3A = tpu.sem_alloc : memref<!tpu.dma_semaphore, #tpu.memory_space<semaphore_mem>>
      %dma_start3A_67 = arith.constant 0 : i32
      %dma_start3A_68 = tpu.memref_slice %arg6[%arg0, %mul3A_66, %dma_start3A_67] : memref<2x10112x128xf32, #tpu.memory_space<hbm>> -> memref<1x632x128xf32, #tpu.memory_space<hbm>>
      %dma_start3A_69 = tpu.memref_squeeze %dma_start3A_68 : memref<1x632x128xf32, #tpu.memory_space<hbm>> -> memref<632x128xf32, #tpu.memory_space<hbm>>
      %dma_start3A_70 = arith.constant 0 : i32
      %dma_start3A_71 = tpu.memref_slice %arg13[%mul3A_64, %dma_start3A_70] : memref<10112x128xf32, #tpu.memory_space<vmem_shared>> -> memref<632x128xf32, #tpu.memory_space<vmem_shared>>
      tpu.enqueue_dma source(%dma_start3A_71 : memref<632x128xf32, #tpu.memory_space<vmem_shared>>) target(%dma_start3A_69 : memref<632x128xf32, #tpu.memory_space<hbm>>) target_semaphore(%run_scoped3A : memref<!tpu.dma_semaphore, #tpu.memory_space<semaphore_mem>>)
      %dma_wait3A_72 = arith.constant 0 : i32
      %dma_wait3A_73 = tpu.memref_slice %arg6[%arg0, %mul3A_66, %dma_wait3A_72] : memref<2x10112x128xf32, #tpu.memory_space<hbm>> -> memref<1x632x128xf32, #tpu.memory_space<hbm>>
      %dma_wait3A_74 = tpu.memref_squeeze %dma_wait3A_73 : memref<1x632x128xf32, #tpu.memory_space<hbm>> -> memref<632x128xf32, #tpu.memory_space<hbm>>
      %dma_wait3A_75 = arith.constant 0 : i32
      %dma_wait3A_76 = tpu.memref_slice %arg13[%mul3A_64, %dma_wait3A_75] : memref<10112x128xf32, #tpu.memory_space<vmem_shared>> -> memref<632x128xf32, #tpu.memory_space<vmem_shared>>
      tpu.wait_dma2 semaphore(%run_scoped3A : memref<!tpu.dma_semaphore, #tpu.memory_space<semaphore_mem>>) src(%dma_wait3A_76 : memref<632x128xf32, #tpu.memory_space<vmem_shared>>) dst(%dma_wait3A_74 : memref<632x128xf32, #tpu.memory_space<hbm>>)
      tpu.yield
    }) : () -> ()
    return
  }
}

module attributes {stable_mosaic.version = 14 : i64} {
  func.func @_edge_mm_body(%arg0: i32, %arg1: memref<8192x16xf32, #tpu.memory_space<vmem>>, %arg2: memref<16x15xf32, #tpu.memory_space<vmem>>, %arg3: memref<8192x15xf32, #tpu.memory_space<vmem>>, %arg4: memref<15x8192xf32, #tpu.memory_space<vmem>>) attributes {dimension_semantics = [#tpu.dimension_semantics<arbitrary>], iteration_bounds = array<i64: 40>, scalar_prefetch = 0 : i64, scratch_operands = 0 : i64, tpu.core_type = #tpu.core_type<tc>, window_params = [{transform_indices = @transform_0, window_bounds = array<i64: 8192, 16>}, {pipeline_mode = #tpu.pipeline_mode<synchronous>, transform_indices = @transform_1, window_bounds = array<i64: 16, 15>}, {transform_indices = @transform_2, window_bounds = array<i64: 8192, 15>}, {transform_indices = @transform_3, window_bounds = array<i64: 15, 8192>}]} {
    %get3A = arith.constant 0 : index
    %get3A_0 = arith.constant 0 : index
    %get3A_1 = vector.load %arg1[%get3A, %get3A_0] : memref<8192x16xf32, #tpu.memory_space<vmem>>, vector<8192x16xf32>
    %get3A_2 = arith.constant 0 : index
    %get3A_3 = arith.constant 0 : index
    %get3A_4 = vector.load %arg2[%get3A_2, %get3A_3] : memref<16x15xf32, #tpu.memory_space<vmem>>, vector<16x15xf32>
    %dot_general3A = arith.constant dense<0.000000e+00> : vector<8192x15xf32>
    %dot_general3A_5 = tpu.matmul %get3A_1, %get3A_4, %dot_general3A {dimension_numbers = #tpu.dot_dimension_numbers<[1], [0], [0], [1], [0, 0, 1, 1], [], []>, transpose_lhs_hint = false} : vector<8192x16xf32>, vector<16x15xf32>, vector<8192x15xf32> -> vector<8192x15xf32>
    %swap3A = arith.constant 0 : index
    %swap3A_6 = arith.constant 0 : index
    %swap3A_7 = vector.load %arg3[%swap3A, %swap3A_6] : memref<8192x15xf32, #tpu.memory_space<vmem>>, vector<8192x15xf32>
    tpu.vector_store %arg3[%swap3A, %swap3A_6], %dot_general3A_5 {strides = array<i32>} : memref<8192x15xf32, #tpu.memory_space<vmem>>, vector<8192x15xf32>,
    %transpose3A = tpu.transpose %dot_general3A_5, [1, 0] : vector<8192x15xf32> -> vector<15x8192xf32>
    %swap3A_8 = arith.constant 0 : index
    %swap3A_9 = arith.constant 0 : index
    %swap3A_10 = vector.load %arg4[%swap3A_8, %swap3A_9] : memref<15x8192xf32, #tpu.memory_space<vmem>>, vector<15x8192xf32>
    tpu.vector_store %arg4[%swap3A_8, %swap3A_9], %transpose3A {strides = array<i32>} : memref<15x8192xf32, #tpu.memory_space<vmem>>, vector<15x8192xf32>,
    return
  }
  func.func @transform_0(%arg0: i32) -> (i32, i32) {
    %c0_i32 = arith.constant 0 : i32
    %c0_i32_0 = arith.constant 0 : i32
    return %arg0, %c0_i32 : i32, i32
  }
  func.func @transform_1(%arg0: i32) -> (i32, i32) {
    %c0_i32 = arith.constant 0 : i32
    %c0_i32_0 = arith.constant 0 : i32
    %c0_i32_1 = arith.constant 0 : i32
    return %c0_i32, %c0_i32_0 : i32, i32
  }
  func.func @transform_2(%arg0: i32) -> (i32, i32) {
    %c0_i32 = arith.constant 0 : i32
    %c0_i32_0 = arith.constant 0 : i32
    return %arg0, %c0_i32 : i32, i32
  }
  func.func @transform_3(%arg0: i32) -> (i32, i32) {
    %c0_i32 = arith.constant 0 : i32
    %c0_i32_0 = arith.constant 0 : i32
    return %c0_i32, %arg0 : i32, i32
  }
}

module attributes {stable_mosaic.version = 14 : i64} {
  func.func @_merge_mm_body(%arg0: i32, %arg1: memref<2x1264x128xf32, #tpu.memory_space<vmem>>, %arg2: memref<128x16xf32, #tpu.memory_space<vmem>>, %arg3: memref<1264x16xf32, #tpu.memory_space<vmem>>) attributes {dimension_semantics = [#tpu.dimension_semantics<arbitrary>], iteration_bounds = array<i64: 8>, scalar_prefetch = 0 : i64, scratch_operands = 0 : i64, tpu.core_type = #tpu.core_type<tc>, window_params = [{transform_indices = @transform_0, window_bounds = array<i64: 2, 1264, 128>}, {pipeline_mode = #tpu.pipeline_mode<synchronous>, transform_indices = @transform_1, window_bounds = array<i64: 128, 16>}, {transform_indices = @transform_2, window_bounds = array<i64: 1264, 16>}]} {
    %get3A = arith.constant 0 : index
    %get3A_0 = arith.constant 0 : index
    %get3A_1 = arith.constant 0 : index
    %get3A_2 = vector.load %arg1[%get3A, %get3A_0, %get3A_1] : memref<2x1264x128xf32, #tpu.memory_space<vmem>>, vector<1x1264x128xf32>
    %get3A_3 = vector.shape_cast %get3A_2 : vector<1x1264x128xf32> to vector<1264x128xf32>
    %get3A_4 = arith.constant 1 : index
    %get3A_5 = arith.constant 0 : index
    %get3A_6 = arith.constant 0 : index
    %get3A_7 = vector.load %arg1[%get3A_4, %get3A_5, %get3A_6] : memref<2x1264x128xf32, #tpu.memory_space<vmem>>, vector<1x1264x128xf32>
    %get3A_8 = vector.shape_cast %get3A_7 : vector<1x1264x128xf32> to vector<1264x128xf32>
    %add3A = arith.addf %get3A_3, %get3A_8 : vector<1264x128xf32>
    %get3A_9 = arith.constant 0 : index
    %get3A_10 = arith.constant 0 : index
    %get3A_11 = vector.load %arg2[%get3A_9, %get3A_10] : memref<128x16xf32, #tpu.memory_space<vmem>>, vector<128x16xf32>
    %dot_general3A = arith.constant dense<0.000000e+00> : vector<1264x16xf32>
    %dot_general3A_12 = tpu.matmul %add3A, %get3A_11, %dot_general3A {dimension_numbers = #tpu.dot_dimension_numbers<[1], [0], [0], [1], [0, 0, 1, 1], [], []>, transpose_lhs_hint = false} : vector<1264x128xf32>, vector<128x16xf32>, vector<1264x16xf32> -> vector<1264x16xf32>
    %swap3A = arith.constant 0 : index
    %swap3A_13 = arith.constant 0 : index
    %swap3A_14 = vector.load %arg3[%swap3A, %swap3A_13] : memref<1264x16xf32, #tpu.memory_space<vmem>>, vector<1264x16xf32>
    tpu.vector_store %arg3[%swap3A, %swap3A_13], %dot_general3A_12 {strides = array<i32>} : memref<1264x16xf32, #tpu.memory_space<vmem>>, vector<1264x16xf32>,
    return
  }
  func.func @transform_0(%arg0: i32) -> (i32, i32, i32) {
    %c0_i32 = arith.constant 0 : i32
    %c0_i32_0 = arith.constant 0 : i32
    %c0_i32_1 = arith.constant 0 : i32
    return %c0_i32, %arg0, %c0_i32_0 : i32, i32, i32
  }
  func.func @transform_1(%arg0: i32) -> (i32, i32) {
    %c0_i32 = arith.constant 0 : i32
    %c0_i32_0 = arith.constant 0 : i32
    %c0_i32_1 = arith.constant 0 : i32
    return %c0_i32, %c0_i32_0 : i32, i32
  }
  func.func @transform_2(%arg0: i32) -> (i32, i32) {
    %c0_i32 = arith.constant 0 : i32
    %c0_i32_0 = arith.constant 0 : i32
    return %arg0, %c0_i32 : i32, i32
  }
}

</mosaic_0001>

<sc_bundles>
// kernel: kernel.6.cloned.1.call-start
scs
__scs_entry_jumppad:
0x0: {  	(pc) =	sbr.rel $0x88, $3  }
0x1: {  	(tag) =	ssettag $0x0;
	lr =	simm.s32 $0x1  }
0x2: {  	[smem:$0x3F9C] =	sst lr;
	_ =	strace $0xD0000000  }
0x3: {  	_ = 	snop  }
0x4: {  	_ = 	snop  }
0x5: {  	_ = 	snop  }
0x6: {  	_ = 	snop  }
0x7: {  	_ = 	snop  }
__scs_overlays_trampoline_lowered:
0x8: {  	[smem:$0x3FAB] =	sst s0  }
0x9: {  	[smem:$0x3FAC] =	sst s1  }
0xa: {  	[smem:$0x3FAD] =	sst s2  }
0xb: {  	[smem:$0x3FAE] =	sst s3  }
0xc: {  	[smem:$0x3FAF] =	sst s4  }
0xd: {  	[smem:$0x3FB0] =	sst s5  }
0xe: {  	[smem:$0x3FB1] =	sst s6  }
0xf: {  	[smem:$0x3FB2] =	sst s7  }
0x10: {  	[smem:$0x3FB3] =	sst s8  }
0x11: {  	[smem:$0x3FB4] =	sst s9;
	s0 =	simm.s32 @!p0 $0x0  }
0x12: {  	s1 =	sld [smem:$0x3F9A];
	s0 =	simm.s32 @p0 $0x1  }
0x13: {  	[smem:$0x3FB5] =	sst s0;
	s0 =	simm.s32 @!p1 $0x0  }
0x14: {  	s2 =	sld [smem:$0x3F99];
	s0 =	simm.s32 @p1 $0x1  }
0x15: {  	[smem:$0x3FB6] =	sst s0;
	s0 =	simm.s32 @!p2 $0x0  }
0x16: {  	s3 =	sld [smem:$0x3FDB];
	s0 =	simm.s32 @p2 $0x1  }
0x17: {  	s4 =	simm.s32 $0x1BF5;
	[smem:$0x3FB8] =	sst s0  }
0x18: {  	s0 =	sld [smem:$0x3F9B];
	_ =	swait.ge [sflag:s4], $0x0  }
0x19: {  	s7 =	sld [smem:$0x3F9C]  }
0x1a: {  	s8 =	sadd.s32 $0xFFFFE003, lr  }
0x1b: {  	s9 =	sadd.s32 $0xFFFFFEF7, lr;
	s5 =	simm.s32 $0xFFFFFFFF;
	p2 =	slt.u32 s8, $0xFFFFF086  }
0x1c: {  	p1 =	slt.u32 s9, $0xF7A;
	s5 =	simm.s32 @!p2 $0x0  }
0x1d: {  	s5 =	simm.s32 @p1 $0x1;
	p0 =	seq.s32 s7, s2  }
0x1e: {  	s7 =	smul.u32 @!p0 $0xF7A, s2;
	p2 =	seq.s32 @!p0 s5, $0x0  }
0x1f: {  	s9 =	smul.u32 $0xF7A, s1;
	s8 =	simm.s32 @!p0 $0x1BF5;
	p2 =	por !p2, p0  }
0x20: {  	[sflag:s8] =	ssyncset.s32 @!p0 $0xFFFFF086;
	s6 =	sadd.s32 @!p0 s3, s7;
	s7 =	simm.s32 @!p0 $0x108  }
0x21: {  	s3 =	sadd.s32 s3, s9;
	s6 =	sadd.s32 @!p0 $0x88, s6;
	s7 =	simm.s32 @p2 $0x1082  }
0x22: {  	[simem:s7], [sflag:s8] =	dma.local @!p0 [hbm:s6], $0xF7A  }
0x23: {  	s9 =	sor.u32 $0xD0000000, s2;
	s6 =	simm.s32 $0x108;
	_ =	swait.ge @!p0 [sflag:s8], $0x0  }
0x24: {  	s3 =	sadd.s32 $0x88, s3;
	s6 =	simm.s32 @!p1 $0x1082;
	[sflag:s4] =	ssyncset.s32 $0xFFFFF086  }
0x25: {  	[simem:s6], [sflag:s4] =	dma.local [hbm:s3], $0xF7A  }
0x26: {  	[smem:$0x3F9C] =	sst s1;
	(tag) =	ssettag s2;
	_ =	strace s9  }
0x27: {  	s1 =	sld [smem:$0x3FAC]  }
0x28: {  	s2 =	sld [smem:$0x3FAD]  }
0x29: {  	s4 =	sld [smem:$0x3FAF]  }
0x2a: {  	p0 =	seq.s32 s5, $0x0;
	s5 =	sld [smem:$0x3FB0]  }
0x2b: {  	s6 =	sld [smem:$0x3FB1]  }
0x2c: {  	s7 =	sld [smem:$0x3FB2]  }
0x2d: {  	s3 =	simm.s32 $0x108;
	s8 =	sld [smem:$0x3FB3]  }
0x2e: {  	s3 =	simm.s32 @!p0 $0x1082;
	s9 =	sld [smem:$0x3FB4]  }
0x2f: {  	lr =	sadd.s32 s0, s3;
	s0 =	sld [smem:$0x3FAB]  }
0x30: {  	s3 =	sld [smem:$0x3FAE]  }
0x31: {  	[smem:$0x3FB7] =	sst s10  }
0x32: {  	s10 =	sld [smem:$0x3FB5];
	_ =	sdelay $0x3  }
0x33: {  	p0 =	seq.s32 s10, $0x1;
	s10 =	sld [smem:$0x3FB7];
	_ =	sdelay $0x3  }
0x34: {  	[smem:$0x3FB7] =	sst s10  }
0x35: {  	s10 =	sld [smem:$0x3FB6];
	_ =	sdelay $0x3  }
0x36: {  	p1 =	seq.s32 s10, $0x1;
	s10 =	sld [smem:$0x3FB7];
	_ =	sdelay $0x3  }
0x37: {  	[smem:$0x3FB7] =	sst s10  }
0x38: {  	s10 =	sld [smem:$0x3FB8]  }
0x39: {  	_ = 	snop;
	(pc) =	sbr.ind lr, $3  }
0x3a: {  	_ = 	snop  }
0x3b: {  	_ = 	snop  }
0x3c: {  	p2 =	seq.s32 s10, $0x1;
	s10 =	sld [smem:$0x3FB7]  }
0x3d: {  	_ =	shalt  }
0x3e: {  	_ =	shalt  }
0x3f: {  	_ =	shalt  }
0x40: {  	_ =	shalt  }
0x41: {  	_ =	shalt  }
0x42: {  	_ =	shalt  }
0x43: {  	_ =	shalt  }
0x44: {  	_ =	shalt  }
0x45: {  	_ =	shalt  }
0x46: {  	_ =	shalt  }
0x47: {  	_ =	shalt  }
0x48: {  	_ =	shalt  }
0x49: {  	_ =	shalt  }
0x4a: {  	_ =	shalt  }
0x4b: {  	_ =	shalt  }
0x4c: {  	_ =	shalt  }
0x4d: {  	_ =	shalt  }
0x4e: {  	_ =	shalt  }
0x4f: {  	_ =	shalt  }
0x50: {  	_ =	shalt  }
0x51: {  	_ =	shalt  }
0x52: {  	_ =	shalt  }
0x53: {  	_ =	shalt  }
0x54: {  	_ =	shalt  }
0x55: {  	_ =	shalt  }
0x56: {  	_ =	shalt  }
0x57: {  	_ =	shalt  }
0x58: {  	_ =	shalt  }
0x59: {  	_ =	shalt  }
0x5a: {  	_ =	shalt  }
0x5b: {  	_ =	shalt  }
0x5c: {  	_ =	shalt  }
0x5d: {  	_ =	shalt  }
0x5e: {  	_ =	shalt  }
0x5f: {  	_ =	shalt  }
0x60: {  	_ =	shalt  }
0x61: {  	_ =	shalt  }
0x62: {  	_ =	shalt  }
0x63: {  	_ =	shalt  }
0x64: {  	_ =	shalt  }
0x65: {  	_ =	shalt  }
0x66: {  	_ =	shalt  }
0x67: {  	_ =	shalt  }
0x68: {  	_ =	shalt  }
0x69: {  	_ =	shalt  }
0x6a: {  	_ =	shalt  }
0x6b: {  	_ =	shalt  }
0x6c: {  	_ =	shalt  }
0x6d: {  	_ =	shalt  }
0x6e: {  	_ =	shalt  }
0x6f: {  	_ =	shalt  }
0x70: {  	_ =	shalt  }
0x71: {  	_ =	shalt  }
0x72: {  	_ =	shalt  }
0x73: {  	_ =	shalt  }
0x74: {  	_ =	shalt  }
0x75: {  	_ =	shalt  }
0x76: {  	_ =	shalt  }
0x77: {  	_ =	shalt  }
0x78: {  	_ =	shalt  }
0x79: {  	_ =	shalt  }
0x7a: {  	_ =	shalt  }
0x7b: {  	_ =	shalt  }
0x7c: {  	_ =	shalt  }
0x7d: {  	_ =	shalt  }
0x7e: {  	_ =	shalt  }
0x7f: {  	_ =	shalt  }
0x80: {  	_ =	shalt  }
0x81: {  	_ =	shalt  }
0x82: {  	_ =	shalt  }
0x83: {  	_ =	shalt  }
0x84: {  	_ =	shalt  }
0x85: {  	_ =	shalt  }
0x86: {  	_ =	shalt  }
0x87: {  	_ =	shalt  }
.Lfunc_end0:
.L_simem_size_0:
called_computation_lowered:
.L_overlay_start_0:
0x88: {  	s2 =	sld [smem:$0x3FD9]  }
0x89: {  	s3 =	sld [smem:$0x3FFE];
	_ =	sdelay $0x1  }
0x8a: {  	s1 =	srdreg.scid  }
0x8b: {  	s0 =	sand.u32 $0x1, s1  }
0x8c: {  	s14 =	sshll.u32 s0, $0xA;
	s2 =	sadd.s32 s3, s2  }
0x8d: {  	s2 =	sadd.s32 s2, s14  }
0x8e: {  	[smem:$0x3FC3] =	sst s2  }
0x8f: {  	_ = 	snop  }
0x90: {  	s2 =	sld [smem:$0x3FD0];
	_ =	sdelay $0x2  }
0x91: {  	s4 =	simm.s32 $0xA;
	s5 =	simm.s32 $0x10;
	s15 =	sld [smem:$0x3FC9]  }
0x92: {  	[smem:s5], [sflag:s4] =	dma.local [hbm:s2], $0x1  }
0x93: {  	_ =	swait.eq [sflag:s4], $0x1  }
0x94: {  	[sflag:s4] =	ssyncset.done $0x0  }
0x95: {  	s16 =	sld [smem:$0x10];
	[sflag:s4] =	ssyncadd.s32 $0xFFFFFFFF  }
0x96: {  	s17 =	sld [smem:$0x11];
	(tm) =	ssettm $0x1  }
0x97: {  	s18 =	sld [smem:$0x3FFB];
	_ =	sdelay $0x3  }
0x98: {  	_ =	strace s18  }
0x99: {  	s5 =	sld [smem:$0x3FFC];
	_ =	sdelay $0x3  }
0x9a: {  	_ =	strace s5  }
0x9b: {  	s5 =	sld [smem:$0x3FFD];
	_ =	sdelay $0x3  }
0x9c: {  	_ =	strace s5  }
0x9d: {  	_ =	strace $0x8FFFFFFF  }
0x9e: {  	s19 =	sld [smem:$0x3FDB];
	_ =	sdelay $0x1  }
0x9f: {  	s6 =	simm.s32 $_scs_section_size  }
0xa0: {  	s7 =	simm.s32 $_size__tile_overlayer_lowered;
	s8 =	simm.s32 $_tile_overlayer_lowered  }
0xa1: {  	s22 =	simm.s32 $0x1BFF;
	s21 =	sshll.u32 s8, $0x1;
	s5 =	sadd.s32 s6, s19  }
0xa2: {  	s9 =	simm.s32 $0x0;
	s20 =	sshll.u32 s7, $0x1;
	s7 =	sadd.s32 s21, s5  }
0xa3: {  	[timem:s9], [sflag:s22] =	dma.local [hbm:s7], s20  }
0xa4: {  	_ =	swait.ge [sflag:s22], s20  }
0xa5: {  	s6 =	ssub.s32 $0x0, s20;
	[sflag:s22] =	ssyncset.done $0x0  }
0xa6: {  	[sflag:s22] =	ssyncadd.s32 s6;
	_ =	sdelay $0x1  }
0xa7: {  	s23 =	simm.s32 $0x1B8B  }
0xa8: {  	_ =	swait.ge [sflag:s23], $0x1  }
0xa9: {  	[sflag:s23] =	ssyncset.done $0x0  }
0xaa: {  	s25 =	simm.s32 $0x1B8E;
	s24 =	sld [smem:$0x3FFE];
	[sflag:s23] =	ssyncadd.s32 $0xFFFFFFFF  }
0xab: {  	s26 =	simm.s32 $execute0_lowered;
	[smem:$0x3FD2] =	sst s25  }
0xac: {  	s7 =	sshll.u32 s26, $0x1;
	_ =	strace $0x80000046;
	[dreg:$0x1] =	wrdreg $0xFFFFFFFF  }
0xad: {  	s28 =	simm.s32 $_size_execute0_lowered;
	s5 =	sadd.s32 s5, s7;
	[dreg:$0x0] =	wrdreg $0x0  }
0xae: {  	s7 =	sshll.u32 s28, $0x1;
	[dreg:$0x2] =	wrdreg s5  }
0xaf: {  	[dreg:$0x3] =	wrdreg s7  }
0xb0: {  	[dreg:$0x4] =	wrdreg $0xC0  }
0xb1: {  	_ =	task [dreg:s9], $0x5FFFF  }
0xb2: {  	[dreg:$0x1] =	wrdreg $0xFFFFFFFF  }
0xb3: {  	[dreg:$0x0] =	wrdreg $0x60  }
0xb4: {  	[dreg:$0x2] =	wrdreg s15  }
0xb5: {  	[dreg:$0x3] =	wrdreg s24  }
0xb6: {  	[dreg:$0x4] =	wrdreg s16  }
0xb7: {  	[dreg:$0x5] =	wrdreg s17  }
0xb8: {  	[dreg:$0x6] =	wrdreg $0x82000  }
0xb9: {  	[dreg:$0x7] =	wrdreg $0x9  }
0xba: {  	_ =	task.clear_ibuf [dreg:s9], $0x8FFFF;
	_ =	strace $0x90000046  }
0xbb: {  	s29 =	simm.s32 $0x9;
	_ =	strace $0x80000048  }
0xbc: {  	_ =	swait.ge [sflag:s29], $0x1  }
0xbd: {  	[sflag:s29] =	ssyncadd.s32 $0xFFFFFFFF  }
0xbe: {  	_ =	strace $0x90000048  }
0xbf: {  	_ =	sfence  }
0xc0: {  	s30 =	sld [smem:$0x0];
	_ =	sdelay $0x2  }
0xc1: {  	s31 =	sshll.u32 s1, $0xD;
	s1 =	sshrl.u32 s1, $0x2  }
0xc2: {  	s3 =	sand.u32 $0x4000, s31;
	s1 =	sadd.s32 s1, s30  }
0xc3: {  	s0 =	sor.u32 s3, s0;
	s1 =	sshll.u32 s1, $0x11  }
0xc4: {  	s0 =	sor.u32 s1, s0  }
0xc5: {  	s0 =	sadd.s32 $0x8F2B, s0  }
0xc6: {  	[sflag:s0] =	ssyncadd.remote.s32 $0x1  }
0xc7: {  	_ =	sfence.sel $0xFFFF  }
0xc8: {  	[dreg:$0x0] =	wrdreg $0xFFFFFFFF;
	(pc) =	sbr.abs _section_cstart, $3  }
0xc9: {  	[dreg:$0x1] =	wrdreg $0xFFFFFFFF  }
0xca: {  	_ =	task.clear_ibuf [dreg:s9], $0x2FFFF;
	_ =	strace $0x9FFFFFFF  }
0xcb: {  	(tm) =	ssettm $0x7FFFFFFF  }
tec
execute0_lowered:
.L_overlay_start_1:
0x0: {  	(tag) =	ssettag $0x1  }
0x1: {  	s1 =	rddreg [dreg:$0x0]  }
0x2: {  	s6 =	rddreg [dreg:$0x1]  }
0x3: {  	s2 =	rddreg [dreg:$0x2]  }
0x4: {  	s11 =	rddreg [dreg:$0x3]  }
0x5: {  	s3 =	rddreg [dreg:$0x4];
	s5 =	simm.s32 $0x0  }
0x6: {  	s7 =	srdreg.scid;
	s0 =	stileid.u32;
	s16 =	simm.s32 $0x5  }
0x7: {  	s17 =	simm.s32 $0x80;
	s18 =	simm.s32 $0x40;
	s19 =	simm.s32 $0x200  }
0x8: {  	s21 =	simm.s32 $0x180;
	s20 =	simm.s32 $0x2200;
	s22 =	simm.s32 $0x4200  }
0x9: {  	s23 =	simm.s32 $0x140;
	s31 =	simm.s32 $0x6200;
	s24 =	simm.s32 $0x0  }
0xa: {  	[smem:$0x7FF] =	sst s5;
	s7 =	sand.u32 $0x1, s7;
	s8 =	smul.u32 $0x60, s0  }
0xb: {  	s9 =	sshll.u32 s0, $0x6;
	s12 =	smul.u32 $0x13C00, s0;
	_ =	strace $0x80000047  }
0xc: {  	p0 =	seq.s32 s7, $0x0;
	s10 =	sadd.s32 $0x600, s9;
	[dreg:$0x6] =	wrdreg s21  }
0xd: {  	s29 =	ssub.s32 $0x2, s7;
	s7 =	smul.u32 $0x13C000, s7;
	[dreg:$0x7] =	wrdreg s22  }
0xe: {  	s21 =	simm.s32 $0x1;
	s22 =	simm.s32 $0x100;
	[dreg:$0x9] =	wrdreg s23  }
0xf: {  	[dreg:$0x8] =	wrdreg s31;
	s23 =	simm.s32 $0x3;
	s10 =	smov.u32 @p0 s8  }
0x10: {  	s13 =	sshrl.u32 s29, $0x1;
	s15 =	sadd.s32 s12, s3;
	s10 =	sshll.u32 s10, $0x4  }
0x11: {  	s13 =	ssub.s32 s29, s13;
	s30 =	sadd.s32 s12, s7;
	s7 =	sor.u32 $0x1C05, s9  }
0x12: {  	s15 =	sshrl.u32 s15, $0x3;
	s14 =	sadd.s32 s10, s6;
	s6 =	simm.s32 $0x30  }
0x13: {  	s12 =	sshrl.u32 s30, $0x3;
	s6 =	simm.s32 @!p0 $0x20;
	s8 =	sadd.s32 $0xBC00, s14  }
0x14: {  	s9 =	sadd.s32 $0x1C00, s14;
	s11 =	sadd.s32 s11, s12;
	s12 =	smax.u32 s13, $0x1  }
0x15: {  	s13 =	sadd.s32 $0x1C20, s14;
	s14 =	sadd.s32 $0xBC20, s14;
	s10 =	sadd.s32 $0xFFFFFFFF, s6  }
.LBB2_1:
0x16: {  	[spmem:s15], [sflag:s7] =	dma.local [hbm:s2], $0x2780  }
0x17: {  	_ =	swait.ge [sflag:s16], $0x2780  }
0x18: {  	[sflag:s16] =	ssyncset.done $0x0  }
0x19: {  	[sflag:s16] =	ssyncadd.s32 $0xFFFFD880  }
0x1a: {  	[bflag:$0x0] =	sbarrier.arrive $0xFFFF  }
0x1b: {  	[tilespmem:s5], [sflag:$0x5] =	stream.linear.gather [hbm4b:s8+s5], $0x80, $0x38;
	[tilespmem:$0x1BE00] =	vst v63  }
0x1c: {  	_ =	swait.ge [sflag:s16], $0x80  }
0x1d: {  	[sflag:s16] =	ssyncset.done $0x0  }
0x1e: {  	[sflag:s16] =	ssyncadd.s32 $0xFFFFFF80  }
0x1f: {  	[tilespmem:s17], [sflag:$0x5] =	stream.linear.gather [hbm4b:s9+s5], $0x80, $0x38;
	[tilespmem:$0x1BE00] =	vst v63  }
0x20: {  	_ =	swait.ge [sflag:s16], $0x80  }
0x21: {  	[sflag:s16] =	ssyncset.done $0x0  }
0x22: {  	[sflag:s16] =	ssyncadd.s32 $0xFFFFFF80  }
0x23: {  	[tilespmem:s19], [sflag:$0x1] =	stream.indirect.gather [hbm4b:s1+s18], $0x80, s5, s18, $0xb8;
	[tilespmem:$0x1BE00] =	vst v63  }
0x24: {  	_ = 	snop  }
0x25: {  	[tilespmem:s20], [sflag:$0x1] =	stream.indirect.gather [hbm4b:s1+s18], $0x80, s18, s18, $0xb8;
	[tilespmem:$0x1BE00] =	vst v63  }
0x26: {  	p2 =	sne.s32 s6, $0x1;
	_ =	swait.ge [sflag:s21], $0x2000  }
.Ltmp0:
0x27: {  	[sflag:s21] =	ssyncset.done $0x0;
	(pc) =	sbr.rel @!p2 .LBB2_6-.Ltmp0, $4  }
0x28: {  	[sflag:s21] =	ssyncadd.s32 $0xFFFFE000  }
0x29: {  	s25 =	simm.s32 $0x1;
	_ =	swait.ge [sflag:s21], $0x2000  }
0x2a: {  	p1 =	por $0x0, $0x0;
	s28 =	smov.u32 s14;
	[sflag:s21] =	ssyncset.done $0x0  }
0x2b: {  	s26 =	smov.u32 s13;
	s29 =	simm.s32 $0x0;
	[sflag:s21] =	ssyncadd.s32 $0xFFFFE000  }
0x2c: {  	s26 =	sadd.s32 $0xFFFFFFF0, s14  }
0x2d: {  	[tilespmem:s22], [sflag:$0x5] =	stream.linear.gather [hbm4b:s26+s5], $0x80, $0x38;
	[tilespmem:$0x1BE00] =	vst v63  }
0x2e: {  	_ =	swait.ge [sflag:s16], $0x80  }
0x2f: {  	[sflag:s16] =	ssyncset.done $0x0  }
0x30: {  	s28 =	sadd.s32 $0xFFFFFFF0, s13;
	s4 =	rddreg [dreg:$0x6];
	[sflag:s16] =	ssyncadd.s32 $0xFFFFFF80  }
0x31: {  	[tilespmem:s4], [sflag:$0x5] =	stream.linear.gather [hbm4b:s28+s5], $0x80, $0x38;
	[tilespmem:$0x1BE00] =	vst v63  }
0x32: {  	_ =	swait.ge [sflag:s16], $0x80  }
0x33: {  	s31 =	rddreg [dreg:$0x7];
	[sflag:s16] =	ssyncset.done $0x0  }
0x34: {  	s28 =	rddreg [dreg:$0x9];
	[sflag:s16] =	ssyncadd.s32 $0xFFFFFF80  }
0x35: {  	[tilespmem:s31], [sflag:$0x2] =	stream.indirect.gather [hbm4b:s1+s18], $0x80, s22, s18, $0xb8;
	[tilespmem:$0x1BE00] =	vst v63  }
0x36: {  	s29 =	rddreg [dreg:$0x8]  }
0x37: {  	[tilespmem:s29], [sflag:$0x2] =	stream.indirect.gather [hbm4b:s1+s18], $0x80, s28, s18, $0xb8;
	[tilespmem:$0x1BE00] =	vst v63  }
0x38: {  	_ = 	snop  }
0x39: {  	[spmem:s3] =	stream.indirect.scatter.add.f32 [tilespmem:s19], [sflag:$0x3], $0x80, s17, s17, $0xb8;
	[tilespmem:$0x1BE00] =	vst v63  }
0x3a: {  	_ =	swait.ge [sflag:s23], $0x4000  }
0x3b: {  	p0 =	sle.u32 s10, $0x0;
	[sflag:s23] =	ssyncset.done $0x0  }
0x3c: {  	s26 =	simm.s32 @p0 $0x2;
	[sflag:s23] =	ssyncadd.s32 $0xFFFFC000  }
0x3d: {  	_ =	swait.ge @p0 [sflag:s26], $0x2000  }
0x3e: {  	[sflag:s26] =	ssyncset.done @p0 $0x0  }
0x3f: {  	[sflag:s26] =	ssyncadd.s32 @p0 $0xFFFFE000  }
0x40: {  	_ =	swait.ge @p0 [sflag:s26], $0x2000  }
0x41: {  	s30 =	simm.s32 @p0 $0x180;
	s28 =	simm.s32 @p0 $0x4200;
	[sflag:s26] =	ssyncset.done @p0 $0x0  }
0x42: {  	s29 =	simm.s32 @p0 $0x4;
	[sflag:s26] =	ssyncadd.s32 @p0 $0xFFFFE000;
	s26 =	simm.s32 @p0 $0x80  }
0x43: {  	[spmem:s3] =	stream.indirect.scatter.add.f32 @p0 [tilespmem:s28], [sflag:$0x4], $0x80, s30, s26, $0xb8;
	[tilespmem:$0x1BE00] =	vst v63  }
0x44: {  	_ =	swait.ge @p0 [sflag:s29], $0x4000  }
0x45: {  	[sflag:s29] =	ssyncset.done @p0 $0x0  }
0x46: {  	s26 =	simm.s32 @!p0 $0x0;
	s28 =	simm.s32 @!p0 $0x5;
	[sflag:s29] =	ssyncadd.s32 @p0 $0xFFFFC000  }
0x47: {  	[tilespmem:s26], [sflag:$0x5] =	stream.linear.gather @!p0 [hbm4b:s14+s26], $0x80, $0x38;
	[tilespmem:$0x1BE00] =	vst v63  }
0x48: {  	_ =	swait.ge @!p0 [sflag:s28], $0x80  }
0x49: {  	[sflag:s28] =	ssyncset.done @!p0 $0x0  }
0x4a: {  	s29 =	simm.s32 @!p0 $0x80;
	[sflag:s28] =	ssyncadd.s32 @!p0 $0xFFFFFF80  }
0x4b: {  	[tilespmem:s29], [sflag:$0x5] =	stream.linear.gather @!p0 [hbm4b:s13+s26], $0x80, $0x38;
	[tilespmem:$0x1BE00] =	vst v63  }
0x4c: {  	_ =	swait.ge @!p0 [sflag:s28], $0x80  }
0x4d: {  	[sflag:s28] =	ssyncset.done @!p0 $0x0  }
0x4e: {  	s30 =	simm.s32 @!p0 $0x200;
	[sflag:s28] =	ssyncadd.s32 @!p0 $0xFFFFFF80;
	s28 =	simm.s32 @!p0 $0x40  }
0x4f: {  	[tilespmem:s30], [sflag:$0x1] =	stream.indirect.gather @!p0 [hbm4b:s1+s28], $0x80, s26, s28, $0xb8;
	[tilespmem:$0x1BE00] =	vst v63  }
0x50: {  	s26 =	simm.s32 @!p0 $0x2200;
	s30 =	simm.s32 @!p0 $0x2  }
0x51: {  	[tilespmem:s26], [sflag:$0x1] =	stream.indirect.gather @!p0 [hbm4b:s1+s28], $0x80, s28, s28, $0xb8;
	[tilespmem:$0x1BE00] =	vst v63  }
0x52: {  	_ =	swait.ge @!p0 [sflag:s30], $0x2000  }
0x53: {  	[sflag:s30] =	ssyncset.done @!p0 $0x0  }
0x54: {  	[sflag:s30] =	ssyncadd.s32 @!p0 $0xFFFFE000  }
0x55: {  	_ =	swait.ge @!p0 [sflag:s30], $0x2000  }
0x56: {  	s26 =	simm.s32 @!p0 $0x4;
	[sflag:s30] =	ssyncset.done @!p0 $0x0  }
0x57: {  	s28 =	simm.s32 @!p0 $0x180;
	[sflag:s30] =	ssyncadd.s32 @!p0 $0xFFFFE000;
	s30 =	simm.s32 @!p0 $0x4200  }
0x58: {  	[spmem:s3] =	stream.indirect.scatter.add.f32 @!p0 [tilespmem:s30], [sflag:$0x4], $0x80, s28, s29, $0xb8;
	[tilespmem:$0x1BE00] =	vst v63  }
0x59: {  	_ =	swait.ge @!p0 [sflag:s26], $0x4000  }
0x5a: {  	[sflag:s26] =	ssyncset.done @!p0 $0x0  }
0x5b: {  	p2 =	sne.s32 s6, $0x2;
	s30 =	simm.s32 @!p0 $0x1;
	[sflag:s26] =	ssyncadd.s32 @!p0 $0xFFFFC000  }
.Ltmp1:
0x5c: {  	_ =	swait.ge @!p0 [sflag:s30], $0x2000;
	(pc) =	sbr.rel @!p2 .LBB2_3-.Ltmp1, $4  }
0x5d: {  	[sflag:s30] =	ssyncset.done @!p0 $0x0  }
0x5e: {  	[sflag:s30] =	ssyncadd.s32 @!p0 $0xFFFFE000  }
0x5f: {  	p1 =	por $0x1, $0x1;
	s29 =	simm.s32 $0x2;
	_ =	swait.ge @!p0 [sflag:s30], $0x2000  }
0x60: {  	s28 =	sadd.s32 $0x20, s14;
	s26 =	sadd.s32 $0x20, s13;
	[sflag:s30] =	ssyncset.done @!p0 $0x0  }
.LBB2_4:
0x61: {  	s31 =	sadd.s32 $0xFFFFFFF0, s28;
	[sflag:s30] =	ssyncadd.s32 @!p0 $0xFFFFE000  }
0x62: {  	[tilespmem:s22], [sflag:$0x5] =	stream.linear.gather [hbm4b:s31+s5], $0x80, $0x38;
	[tilespmem:$0x1BE00] =	vst v63  }
0x63: {  	_ =	swait.ge [sflag:s16], $0x80  }
0x64: {  	[sflag:s16] =	ssyncset.done $0x0  }
0x65: {  	s0 =	sadd.s32 $0xFFFFFFF0, s26;
	s4 =	rddreg [dreg:$0x6];
	[sflag:s16] =	ssyncadd.s32 $0xFFFFFF80  }
0x66: {  	[tilespmem:s4], [sflag:$0x5] =	stream.linear.gather [hbm4b:s0+s5], $0x80, $0x38;
	[tilespmem:$0x1BE00] =	vst v63  }
0x67: {  	_ =	swait.ge [sflag:s16], $0x80  }
0x68: {  	s0 =	rddreg [dreg:$0x7];
	[sflag:s16] =	ssyncset.done $0x0  }
0x69: {  	s31 =	rddreg [dreg:$0x9];
	[sflag:s16] =	ssyncadd.s32 $0xFFFFFF80  }
0x6a: {  	[tilespmem:s0], [sflag:$0x2] =	stream.indirect.gather [hbm4b:s1+s18], $0x80, s22, s18, $0xb8;
	[tilespmem:$0x1BE00] =	vst v63  }
0x6b: {  	s4 =	rddreg [dreg:$0x8]  }
0x6c: {  	[tilespmem:s4], [sflag:$0x2] =	stream.indirect.gather [hbm4b:s1+s18], $0x80, s31, s18, $0xb8;
	[tilespmem:$0x1BE00] =	vst v63  }
0x6d: {  	_ = 	snop  }
0x6e: {  	[spmem:s3] =	stream.indirect.scatter.add.f32 [tilespmem:s19], [sflag:$0x3], $0x80, s17, s17, $0xb8;
	[tilespmem:$0x1BE00] =	vst v63  }
0x6f: {  	_ =	swait.ge [sflag:s23], $0x4000  }
0x70: {  	p0 =	sge.u32 s25, s10;
	[sflag:s23] =	ssyncset.done $0x0  }
0x71: {  	s0 =	simm.s32 @p0 $0x2;
	[sflag:s23] =	ssyncadd.s32 $0xFFFFC000  }
0x72: {  	_ =	swait.ge @p0 [sflag:s0], $0x2000  }
0x73: {  	[sflag:s0] =	ssyncset.done @p0 $0x0  }
0x74: {  	s30 =	smov.u32 s29;
	[sflag:s0] =	ssyncadd.s32 @p0 $0xFFFFE000  }
0x75: {  	s25 =	smov.u32 s30;
	_ =	swait.ge @p0 [sflag:s0], $0x2000  }
0x76: {  	s30 =	simm.s32 @p0 $0x4;
	s4 =	simm.s32 @p0 $0x4200;
	[sflag:s0] =	ssyncset.done @p0 $0x0  }
0x77: {  	s31 =	simm.s32 @p0 $0x180;
	[sflag:s0] =	ssyncadd.s32 @p0 $0xFFFFE000;
	s0 =	simm.s32 @p0 $0x80  }
0x78: {  	[spmem:s3] =	stream.indirect.scatter.add.f32 @p0 [tilespmem:s4], [sflag:$0x4], $0x80, s31, s0, $0xb8;
	[tilespmem:$0x1BE00] =	vst v63  }
0x79: {  	_ =	swait.ge @p0 [sflag:s30], $0x4000  }
0x7a: {  	[sflag:s30] =	ssyncset.done @p0 $0x0  }
0x7b: {  	s0 =	simm.s32 @!p0 $0x0;
	s4 =	simm.s32 @!p0 $0x5;
	[sflag:s30] =	ssyncadd.s32 @p0 $0xFFFFC000  }
0x7c: {  	[tilespmem:s0], [sflag:$0x5] =	stream.linear.gather @!p0 [hbm4b:s28+s0], $0x80, $0x38;
	[tilespmem:$0x1BE00] =	vst v63  }
0x7d: {  	_ =	swait.ge @!p0 [sflag:s4], $0x80  }
0x7e: {  	[sflag:s4] =	ssyncset.done @!p0 $0x0  }
0x7f: {  	s30 =	simm.s32 @!p0 $0x80;
	[sflag:s4] =	ssyncadd.s32 @!p0 $0xFFFFFF80  }
0x80: {  	[tilespmem:s30], [sflag:$0x5] =	stream.linear.gather @!p0 [hbm4b:s26+s0], $0x80, $0x38;
	[tilespmem:$0x1BE00] =	vst v63  }
0x81: {  	_ =	swait.ge @!p0 [sflag:s4], $0x80  }
0x82: {  	[sflag:s4] =	ssyncset.done @!p0 $0x0  }
0x83: {  	s31 =	simm.s32 @!p0 $0x200;
	[sflag:s4] =	ssyncadd.s32 @!p0 $0xFFFFFF80;
	s4 =	simm.s32 @!p0 $0x40  }
0x84: {  	[tilespmem:s31], [sflag:$0x1] =	stream.indirect.gather @!p0 [hbm4b:s1+s4], $0x80, s0, s4, $0xb8;
	[tilespmem:$0x1BE00] =	vst v63  }
0x85: {  	s0 =	simm.s32 @!p0 $0x2200;
	s31 =	simm.s32 @!p0 $0x2  }
0x86: {  	[tilespmem:s0], [sflag:$0x1] =	stream.indirect.gather @!p0 [hbm4b:s1+s4], $0x80, s4, s4, $0xb8;
	[tilespmem:$0x1BE00] =	vst v63  }
0x87: {  	_ =	swait.ge @!p0 [sflag:s31], $0x2000  }
0x88: {  	[sflag:s31] =	ssyncset.done @!p0 $0x0  }
0x89: {  	[sflag:s31] =	ssyncadd.s32 @!p0 $0xFFFFE000  }
0x8a: {  	_ =	swait.ge @!p0 [sflag:s31], $0x2000  }
0x8b: {  	s0 =	simm.s32 @!p0 $0x4;
	[sflag:s31] =	ssyncset.done @!p0 $0x0  }
0x8c: {  	s4 =	simm.s32 @!p0 $0x180;
	[sflag:s31] =	ssyncadd.s32 @!p0 $0xFFFFE000;
	s31 =	simm.s32 @!p0 $0x4200  }
0x8d: {  	[spmem:s3] =	stream.indirect.scatter.add.f32 @!p0 [tilespmem:s31], [sflag:$0x4], $0x80, s4, s30, $0xb8;
	[tilespmem:$0x1BE00] =	vst v63  }
0x8e: {  	_ =	swait.ge @!p0 [sflag:s0], $0x4000  }
0x8f: {  	s29 =	sadd.s32 $0x1, s29;
	[sflag:s0] =	ssyncset.done @!p0 $0x0  }
0x90: {  	p2 =	sne.s32 s6, s29;
	s30 =	simm.s32 @!p0 $0x1;
	[sflag:s0] =	ssyncadd.s32 @!p0 $0xFFFFC000  }
.Ltmp2:
0x91: {  	_ =	swait.ge @!p0 [sflag:s30], $0x2000;
	(pc) =	sbr.rel @p2 .LBB2_4-.Ltmp2, $4  }
0x92: {  	[sflag:s30] =	ssyncset.done @!p0 $0x0  }
0x93: {  	[sflag:s30] =	ssyncadd.s32 @!p0 $0xFFFFE000  }
0x94: {  	_ =	swait.ge @!p0 [sflag:s30], $0x2000  }
0x95: {  	s28 =	sadd.s32 $0x20, s28;
	s26 =	sadd.s32 $0x20, s26;
	[sflag:s30] =	ssyncset.done @!p0 $0x0  }
0x96: {  	s29 =	smov.u32 s25  }
.LBB2_6:
0x97: {  	p0 =	por p0, !p1  }
0x98: {  	s0 =	sadd.s32 $0xFFFFFFF0, s28;
	[sflag:s30] =	ssyncadd.s32 @!p0 $0xFFFFE000  }
0x99: {  	[tilespmem:s22], [sflag:$0x5] =	stream.linear.gather [hbm4b:s0+s5], $0x80, $0x38;
	[tilespmem:$0x1BE00] =	vst v63  }
0x9a: {  	_ =	swait.ge [sflag:s16], $0x80  }
0x9b: {  	[sflag:s16] =	ssyncset.done $0x0  }
0x9c: {  	s4 =	sadd.s32 $0xFFFFFFF0, s26;
	s25 =	rddreg [dreg:$0x6];
	[sflag:s16] =	ssyncadd.s32 $0xFFFFFF80  }
0x9d: {  	[tilespmem:s25], [sflag:$0x5] =	stream.linear.gather [hbm4b:s4+s5], $0x80, $0x38;
	[tilespmem:$0x1BE00] =	vst v63  }
0x9e: {  	_ =	swait.ge [sflag:s16], $0x80  }
0x9f: {  	s30 =	rddreg [dreg:$0x7];
	[sflag:s16] =	ssyncset.done $0x0  }
0xa0: {  	s31 =	rddreg [dreg:$0x9];
	[sflag:s16] =	ssyncadd.s32 $0xFFFFFF80  }
0xa1: {  	[tilespmem:s30], [sflag:$0x2] =	stream.indirect.gather [hbm4b:s1+s18], $0x80, s22, s18, $0xb8;
	[tilespmem:$0x1BE00] =	vst v63  }
0xa2: {  	s25 =	rddreg [dreg:$0x8]  }
0xa3: {  	[tilespmem:s25], [sflag:$0x2] =	stream.indirect.gather [hbm4b:s1+s18], $0x80, s31, s18, $0xb8;
	[tilespmem:$0x1BE00] =	vst v63  }
0xa4: {  	_ = 	snop  }
0xa5: {  	[spmem:s3] =	stream.indirect.scatter.add.f32 [tilespmem:s19], [sflag:$0x3], $0x80, s17, s17, $0xb8;
	[tilespmem:$0x1BE00] =	vst v63  }
0xa6: {  	_ =	swait.ge [sflag:s23], $0x4000  }
0xa7: {  	p0 =	sge.u32 s29, s10;
	[sflag:s23] =	ssyncset.done $0x0  }
0xa8: {  	s0 =	simm.s32 @p0 $0x2;
	[sflag:s23] =	ssyncadd.s32 $0xFFFFC000  }
0xa9: {  	_ =	swait.ge @p0 [sflag:s0], $0x2000  }
0xaa: {  	[sflag:s0] =	ssyncset.done @p0 $0x0  }
0xab: {  	[sflag:s0] =	ssyncadd.s32 @p0 $0xFFFFE000  }
0xac: {  	_ =	swait.ge @p0 [sflag:s0], $0x2000  }
0xad: {  	s29 =	simm.s32 @p0 $0x180;
	s4 =	simm.s32 @p0 $0x4200;
	[sflag:s0] =	ssyncset.done @p0 $0x0  }
0xae: {  	s25 =	simm.s32 @p0 $0x4;
	[sflag:s0] =	ssyncadd.s32 @p0 $0xFFFFE000;
	s0 =	simm.s32 @p0 $0x80  }
0xaf: {  	[spmem:s3] =	stream.indirect.scatter.add.f32 @p0 [tilespmem:s4], [sflag:$0x4], $0x80, s29, s0, $0xb8;
	[tilespmem:$0x1BE00] =	vst v63  }
0xb0: {  	_ =	swait.ge @p0 [sflag:s25], $0x4000  }
0xb1: {  	[sflag:s25] =	ssyncset.done @p0 $0x0  }
0xb2: {  	s0 =	simm.s32 @!p0 $0x0;
	s4 =	simm.s32 @!p0 $0x5;
	[sflag:s25] =	ssyncadd.s32 @p0 $0xFFFFC000  }
0xb3: {  	[tilespmem:s0], [sflag:$0x5] =	stream.linear.gather @!p0 [hbm4b:s28+s0], $0x80, $0x38;
	[tilespmem:$0x1BE00] =	vst v63  }
0xb4: {  	_ =	swait.ge @!p0 [sflag:s4], $0x80  }
0xb5: {  	[sflag:s4] =	ssyncset.done @!p0 $0x0  }
0xb6: {  	s25 =	simm.s32 @!p0 $0x80;
	[sflag:s4] =	ssyncadd.s32 @!p0 $0xFFFFFF80  }
0xb7: {  	[tilespmem:s25], [sflag:$0x5] =	stream.linear.gather @!p0 [hbm4b:s26+s0], $0x80, $0x38;
	[tilespmem:$0x1BE00] =	vst v63  }
0xb8: {  	_ =	swait.ge @!p0 [sflag:s4], $0x80  }
0xb9: {  	[sflag:s4] =	ssyncset.done @!p0 $0x0  }
0xba: {  	s26 =	simm.s32 @!p0 $0x200;
	[sflag:s4] =	ssyncadd.s32 @!p0 $0xFFFFFF80;
	s4 =	simm.s32 @!p0 $0x40  }
0xbb: {  	[tilespmem:s26], [sflag:$0x1] =	stream.indirect.gather @!p0 [hbm4b:s1+s4], $0x80, s0, s4, $0xb8;
	[tilespmem:$0x1BE00] =	vst v63  }
0xbc: {  	s0 =	simm.s32 @!p0 $0x2200;
	s26 =	simm.s32 @!p0 $0x2  }
0xbd: {  	[tilespmem:s0], [sflag:$0x1] =	stream.indirect.gather @!p0 [hbm4b:s1+s4], $0x80, s4, s4, $0xb8;
	[tilespmem:$0x1BE00] =	vst v63  }
0xbe: {  	_ =	swait.ge @!p0 [sflag:s26], $0x2000  }
0xbf: {  	[sflag:s26] =	ssyncset.done @!p0 $0x0  }
0xc0: {  	[sflag:s26] =	ssyncadd.s32 @!p0 $0xFFFFE000  }
0xc1: {  	_ =	swait.ge @!p0 [sflag:s26], $0x2000  }
0xc2: {  	s0 =	simm.s32 @!p0 $0x4;
	[sflag:s26] =	ssyncset.done @!p0 $0x0  }
0xc3: {  	s4 =	simm.s32 @!p0 $0x180;
	[sflag:s26] =	ssyncadd.s32 @!p0 $0xFFFFE000;
	s26 =	simm.s32 @!p0 $0x4200  }
0xc4: {  	[spmem:s3] =	stream.indirect.scatter.add.f32 @!p0 [tilespmem:s26], [sflag:$0x4], $0x80, s4, s25, $0xb8;
	[tilespmem:$0x1BE00] =	vst v63  }
0xc5: {  	_ =	swait.ge @!p0 [sflag:s0], $0x4000  }
0xc6: {  	[sflag:s0] =	ssyncset.done @!p0 $0x0  }
0xc7: {  	[sflag:s0] =	ssyncadd.s32 @!p0 $0xFFFFC000;
	s0 =	simm.s32 @!p0 $0x1  }
0xc8: {  	_ =	swait.ge @!p0 [sflag:s0], $0x2000  }
0xc9: {  	[sflag:s0] =	ssyncset.done @!p0 $0x0  }
0xca: {  	[sflag:s0] =	ssyncadd.s32 @!p0 $0xFFFFE000  }
0xcb: {  	_ =	swait.ge @!p0 [sflag:s0], $0x2000  }
0xcc: {  	[sflag:s0] =	ssyncset.done @!p0 $0x0  }
0xcd: {  	s24 =	sadd.s32 $0x1, s24;
	[sflag:s0] =	ssyncadd.s32 @!p0 $0xFFFFE000  }
0xce: {  	p0 =	sne.s32 s24, s12;
	[bflag:$0x0] =	sbarrier.arrive $0xFFFF  }
0xcf: {  	[hbm:s11], [sflag:s7] =	dma.local [spmem:s15], $0x2780  }
.Ltmp3:
0xd0: {  	_ = 	snop;
	(pc) =	sbr.rel @p0 .LBB2_1-.Ltmp3, $4  }
.Ltmp4:
0xd1: {  	_ = 	snop;
	(pc) =	sbr.rel @!p0 .LBB2_7-.Ltmp4, $4  }
0xd2: {  	_ =	swait.ge [sflag:s16], $0x2780  }
0xd3: {  	[sflag:s16] =	ssyncset.done $0x0  }
0xd4: {  	[sflag:s16] =	ssyncadd.s32 $0xFFFFD880  }
0xd5: {  	_ = 	snop  }
.LBB2_3:
.Ltmp5:
0xd6: {  	(pc) =	sbr.rel .LBB2_6-.Ltmp5, $2  }
0xd7: {  	_ =	sdelay $0x2  }
0xd8: {  	s29 =	simm.s32 $0x1  }
.LBB2_7:
0xd9: {  	_ =	sfence.sel $0x180000  }
0xda: {  	[bflag:$0x0] =	sbarrier.arrive $0xFFFF  }
0xdb: {  	_ =	strace $0x90000047  }
0xdc: {  	s0 =	stileid.u32;
	[bflag:$0x2] =	sbarrier.arrive $0xFFFF  }
0xdd: {  	p0 =	sne.s32 s0, $0x0;
	s0 =	rddreg [dreg:$0x5]  }
0xde: {  	s0 =	sadd.s32 @!p0 $0x100000, s0  }
0xdf: {  	[sflag:s0] =	ssyncadd.tile.s32 @!p0 $0x1;
	_ =	shalt  }
.Lfunc_end2:
_tile_overlayer_lowered:
.L_overlay_start_2:
0xe0: {  	(tag) =	ssettag $0x2  }
0xe1: {  	s0 =	rddreg [dreg:$0x0];
	s2 =	stileid.u32  }
0xe2: {  	s1 =	rddreg [dreg:$0x1];
	p0 =	sne.s32 s2, $0x0  }
0xe3: {  	s3 =	rddreg [dreg:$0x2];
	[bflag:$0x3] =	sbarrier.arrive $0xFFFF;
	s2 =	simm.s32 @!p0 $0x1C05  }
0xe4: {  	[timem:s3], [sflag:s2] =	dma.local @!p0 [hbm:s0], s1  }
0xe5: {  	s0 =	simm.s32 @!p0 $0x5  }
0xe6: {  	_ =	swait.ge @!p0 [sflag:s0], s1  }
0xe7: {  	s1 =	ssub.s32 @!p0 $0x0, s1;
	[sflag:s0] =	ssyncset.done @!p0 $0x0  }
0xe8: {  	[sflag:s0] =	ssyncadd.s32 @!p0 s1  }
0xe9: {  	[bflag:$0x3] =	sbarrier.arrive $0xFFFF  }
0xea: {  	_ =	shalt  }

// kernel: kernel.9.cloned.1.call-start
scs
__scs_entry_jumppad:
0x0: {  	(pc) =	sbr.rel $0x88, $3  }
0x1: {  	(tag) =	ssettag $0x0;
	lr =	simm.s32 $0x1  }
0x2: {  	[smem:$0x3F9C] =	sst lr;
	_ =	strace $0xD0000000  }
0x3: {  	_ = 	snop  }
0x4: {  	_ = 	snop  }
0x5: {  	_ = 	snop  }
0x6: {  	_ = 	snop  }
0x7: {  	_ = 	snop  }
__scs_overlays_trampoline_lowered:
0x8: {  	[smem:$0x3FAB] =	sst s0  }
0x9: {  	[smem:$0x3FAC] =	sst s1  }
0xa: {  	[smem:$0x3FAD] =	sst s2  }
0xb: {  	[smem:$0x3FAE] =	sst s3  }
0xc: {  	[smem:$0x3FAF] =	sst s4  }
0xd: {  	[smem:$0x3FB0] =	sst s5  }
0xe: {  	[smem:$0x3FB1] =	sst s6  }
0xf: {  	[smem:$0x3FB2] =	sst s7  }
0x10: {  	[smem:$0x3FB3] =	sst s8  }
0x11: {  	[smem:$0x3FB4] =	sst s9;
	s0 =	simm.s32 @!p0 $0x0  }
0x12: {  	s1 =	sld [smem:$0x3F9A];
	s0 =	simm.s32 @p0 $0x1  }
0x13: {  	[smem:$0x3FB5] =	sst s0;
	s0 =	simm.s32 @!p1 $0x0  }
0x14: {  	s2 =	sld [smem:$0x3F99];
	s0 =	simm.s32 @p1 $0x1  }
0x15: {  	[smem:$0x3FB6] =	sst s0;
	s0 =	simm.s32 @!p2 $0x0  }
0x16: {  	s3 =	sld [smem:$0x3FDB];
	s0 =	simm.s32 @p2 $0x1  }
0x17: {  	s4 =	simm.s32 $0x1BF5;
	[smem:$0x3FB8] =	sst s0  }
0x18: {  	s0 =	sld [smem:$0x3F9B];
	_ =	swait.ge [sflag:s4], $0x0  }
0x19: {  	s7 =	sld [smem:$0x3F9C]  }
0x1a: {  	s8 =	sadd.s32 $0xFFFFE003, lr  }
0x1b: {  	s9 =	sadd.s32 $0xFFFFFEF7, lr;
	s5 =	simm.s32 $0xFFFFFFFF;
	p2 =	slt.u32 s8, $0xFFFFF086  }
0x1c: {  	p1 =	slt.u32 s9, $0xF7A;
	s5 =	simm.s32 @!p2 $0x0  }
0x1d: {  	s5 =	simm.s32 @p1 $0x1;
	p0 =	seq.s32 s7, s2  }
0x1e: {  	s7 =	smul.u32 @!p0 $0xF7A, s2;
	p2 =	seq.s32 @!p0 s5, $0x0  }
0x1f: {  	s9 =	smul.u32 $0xF7A, s1;
	s8 =	simm.s32 @!p0 $0x1BF5;
	p2 =	por !p2, p0  }
0x20: {  	[sflag:s8] =	ssyncset.s32 @!p0 $0xFFFFF086;
	s6 =	sadd.s32 @!p0 s3, s7;
	s7 =	simm.s32 @!p0 $0x108  }
0x21: {  	s3 =	sadd.s32 s3, s9;
	s6 =	sadd.s32 @!p0 $0x88, s6;
	s7 =	simm.s32 @p2 $0x1082  }
0x22: {  	[simem:s7], [sflag:s8] =	dma.local @!p0 [hbm:s6], $0xF7A  }
0x23: {  	s9 =	sor.u32 $0xD0000000, s2;
	s6 =	simm.s32 $0x108;
	_ =	swait.ge @!p0 [sflag:s8], $0x0  }
0x24: {  	s3 =	sadd.s32 $0x88, s3;
	s6 =	simm.s32 @!p1 $0x1082;
	[sflag:s4] =	ssyncset.s32 $0xFFFFF086  }
0x25: {  	[simem:s6], [sflag:s4] =	dma.local [hbm:s3], $0xF7A  }
0x26: {  	[smem:$0x3F9C] =	sst s1;
	(tag) =	ssettag s2;
	_ =	strace s9  }
0x27: {  	s1 =	sld [smem:$0x3FAC]  }
0x28: {  	s2 =	sld [smem:$0x3FAD]  }
0x29: {  	s4 =	sld [smem:$0x3FAF]  }
0x2a: {  	p0 =	seq.s32 s5, $0x0;
	s5 =	sld [smem:$0x3FB0]  }
0x2b: {  	s6 =	sld [smem:$0x3FB1]  }
0x2c: {  	s7 =	sld [smem:$0x3FB2]  }
0x2d: {  	s3 =	simm.s32 $0x108;
	s8 =	sld [smem:$0x3FB3]  }
0x2e: {  	s3 =	simm.s32 @!p0 $0x1082;
	s9 =	sld [smem:$0x3FB4]  }
0x2f: {  	lr =	sadd.s32 s0, s3;
	s0 =	sld [smem:$0x3FAB]  }
0x30: {  	s3 =	sld [smem:$0x3FAE]  }
0x31: {  	[smem:$0x3FB7] =	sst s10  }
0x32: {  	s10 =	sld [smem:$0x3FB5];
	_ =	sdelay $0x3  }
0x33: {  	p0 =	seq.s32 s10, $0x1;
	s10 =	sld [smem:$0x3FB7];
	_ =	sdelay $0x3  }
0x34: {  	[smem:$0x3FB7] =	sst s10  }
0x35: {  	s10 =	sld [smem:$0x3FB6];
	_ =	sdelay $0x3  }
0x36: {  	p1 =	seq.s32 s10, $0x1;
	s10 =	sld [smem:$0x3FB7];
	_ =	sdelay $0x3  }
0x37: {  	[smem:$0x3FB7] =	sst s10  }
0x38: {  	s10 =	sld [smem:$0x3FB8]  }
0x39: {  	_ = 	snop;
	(pc) =	sbr.ind lr, $3  }
0x3a: {  	_ = 	snop  }
0x3b: {  	_ = 	snop  }
0x3c: {  	p2 =	seq.s32 s10, $0x1;
	s10 =	sld [smem:$0x3FB7]  }
0x3d: {  	_ =	shalt  }
0x3e: {  	_ =	shalt  }
0x3f: {  	_ =	shalt  }
0x40: {  	_ =	shalt  }
0x41: {  	_ =	shalt  }
0x42: {  	_ =	shalt  }
0x43: {  	_ =	shalt  }
0x44: {  	_ =	shalt  }
0x45: {  	_ =	shalt  }
0x46: {  	_ =	shalt  }
0x47: {  	_ =	shalt  }
0x48: {  	_ =	shalt  }
0x49: {  	_ =	shalt  }
0x4a: {  	_ =	shalt  }
0x4b: {  	_ =	shalt  }
0x4c: {  	_ =	shalt  }
0x4d: {  	_ =	shalt  }
0x4e: {  	_ =	shalt  }
0x4f: {  	_ =	shalt  }
0x50: {  	_ =	shalt  }
0x51: {  	_ =	shalt  }
0x52: {  	_ =	shalt  }
0x53: {  	_ =	shalt  }
0x54: {  	_ =	shalt  }
0x55: {  	_ =	shalt  }
0x56: {  	_ =	shalt  }
0x57: {  	_ =	shalt  }
0x58: {  	_ =	shalt  }
0x59: {  	_ =	shalt  }
0x5a: {  	_ =	shalt  }
0x5b: {  	_ =	shalt  }
0x5c: {  	_ =	shalt  }
0x5d: {  	_ =	shalt  }
0x5e: {  	_ =	shalt  }
0x5f: {  	_ =	shalt  }
0x60: {  	_ =	shalt  }
0x61: {  	_ =	shalt  }
0x62: {  	_ =	shalt  }
0x63: {  	_ =	shalt  }
0x64: {  	_ =	shalt  }
0x65: {  	_ =	shalt  }
0x66: {  	_ =	shalt  }
0x67: {  	_ =	shalt  }
0x68: {  	_ =	shalt  }
0x69: {  	_ =	shalt  }
0x6a: {  	_ =	shalt  }
0x6b: {  	_ =	shalt  }
0x6c: {  	_ =	shalt  }
0x6d: {  	_ =	shalt  }
0x6e: {  	_ =	shalt  }
0x6f: {  	_ =	shalt  }
0x70: {  	_ =	shalt  }
0x71: {  	_ =	shalt  }
0x72: {  	_ =	shalt  }
0x73: {  	_ =	shalt  }
0x74: {  	_ =	shalt  }
0x75: {  	_ =	shalt  }
0x76: {  	_ =	shalt  }
0x77: {  	_ =	shalt  }
0x78: {  	_ =	shalt  }
0x79: {  	_ =	shalt  }
0x7a: {  	_ =	shalt  }
0x7b: {  	_ =	shalt  }
0x7c: {  	_ =	shalt  }
0x7d: {  	_ =	shalt  }
0x7e: {  	_ =	shalt  }
0x7f: {  	_ =	shalt  }
0x80: {  	_ =	shalt  }
0x81: {  	_ =	shalt  }
0x82: {  	_ =	shalt  }
0x83: {  	_ =	shalt  }
0x84: {  	_ =	shalt  }
0x85: {  	_ =	shalt  }
0x86: {  	_ =	shalt  }
0x87: {  	_ =	shalt  }
.Lfunc_end0:
.L_simem_size_0:
called_computation.1_lowered:
.L_overlay_start_0:
0x88: {  	s2 =	sld [smem:$0x3FD9]  }
0x89: {  	s3 =	sld [smem:$0x3FFE];
	_ =	sdelay $0x1  }
0x8a: {  	s1 =	srdreg.scid  }
0x8b: {  	s0 =	sand.u32 $0x1, s1  }
0x8c: {  	s14 =	sshll.u32 s0, $0xA;
	s2 =	sadd.s32 s3, s2  }
0x8d: {  	s2 =	sadd.s32 s2, s14  }
0x8e: {  	[smem:$0x3FC3] =	sst s2  }
0x8f: {  	_ = 	snop  }
0x90: {  	s2 =	sld [smem:$0x3FD0];
	_ =	sdelay $0x2  }
0x91: {  	s15 =	simm.s32 $0xA;
	s4 =	simm.s32 $0x10  }
0x92: {  	[smem:s4], [sflag:s15] =	dma.local [hbm:s2], $0x1  }
0x93: {  	_ =	swait.eq [sflag:s15], $0x1  }
0x94: {  	[sflag:s15] =	ssyncset.done $0x0  }
0x95: {  	[sflag:s15] =	ssyncadd.s32 $0xFFFFFFFF  }
0x96: {  	s16 =	sld [smem:$0x12];
	(tm) =	ssettm $0x1  }
0x97: {  	s17 =	sld [smem:$0x3FFB];
	_ =	sdelay $0x3  }
0x98: {  	_ =	strace s17  }
0x99: {  	s3 =	sld [smem:$0x3FFC];
	_ =	sdelay $0x3  }
0x9a: {  	_ =	strace s3  }
0x9b: {  	s3 =	sld [smem:$0x3FFD];
	_ =	sdelay $0x3  }
0x9c: {  	_ =	strace s3  }
0x9d: {  	_ =	strace $0x8FFFFFFF  }
0x9e: {  	s18 =	sld [smem:$0x3FDB];
	_ =	sdelay $0x1  }
0x9f: {  	s19 =	simm.s32 $_scs_section_size  }
0xa0: {  	s5 =	simm.s32 $_size__tile_overlayer_lowered;
	s6 =	simm.s32 $_tile_overlayer_lowered  }
0xa1: {  	s22 =	simm.s32 $0x1BFF;
	s21 =	sshll.u32 s6, $0x1;
	s3 =	sadd.s32 s19, s18  }
0xa2: {  	s7 =	simm.s32 $0x0;
	s20 =	sshll.u32 s5, $0x1;
	s5 =	sadd.s32 s21, s3  }
0xa3: {  	[timem:s7], [sflag:s22] =	dma.local [hbm:s5], s20  }
0xa4: {  	_ =	swait.ge [sflag:s22], s20  }
0xa5: {  	s4 =	ssub.s32 $0x0, s20;
	[sflag:s22] =	ssyncset.done $0x0  }
0xa6: {  	[sflag:s22] =	ssyncadd.s32 s4;
	_ =	sdelay $0x1  }
0xa7: {  	s23 =	simm.s32 $0x1B8B  }
0xa8: {  	_ =	swait.ge [sflag:s23], $0x1  }
0xa9: {  	[sflag:s23] =	ssyncset.done $0x0  }
0xaa: {  	s25 =	simm.s32 $0x1B8E;
	s24 =	sld [smem:$0x3FFE];
	[sflag:s23] =	ssyncadd.s32 $0xFFFFFFFF  }
0xab: {  	s26 =	simm.s32 $execute0_lowered;
	[smem:$0x3FD2] =	sst s25  }
0xac: {  	s5 =	sshll.u32 s26, $0x1;
	_ =	strace $0x80000049;
	[dreg:$0x1] =	wrdreg $0xFFFFFFFF  }
0xad: {  	s28 =	simm.s32 $_size_execute0_lowered;
	s3 =	sadd.s32 s3, s5;
	[dreg:$0x0] =	wrdreg $0x0  }
0xae: {  	s5 =	sshll.u32 s28, $0x1;
	[dreg:$0x2] =	wrdreg s3  }
0xaf: {  	[dreg:$0x3] =	wrdreg s5  }
0xb0: {  	[dreg:$0x4] =	wrdreg $0xC0  }
0xb1: {  	_ =	task [dreg:s7], $0x5FFFF  }
0xb2: {  	[dreg:$0x1] =	wrdreg $0xFFFFFFFF  }
0xb3: {  	[dreg:$0x0] =	wrdreg $0x60  }
0xb4: {  	[dreg:$0x2] =	wrdreg s16  }
0xb5: {  	[dreg:$0x3] =	wrdreg s24  }
0xb6: {  	[dreg:$0x4] =	wrdreg $0x9  }
0xb7: {  	_ =	task.clear_ibuf [dreg:s7], $0x5FFFF;
	_ =	strace $0x90000049  }
0xb8: {  	s29 =	simm.s32 $0x9;
	_ =	strace $0x8000004B  }
0xb9: {  	_ =	swait.ge [sflag:s29], $0x1  }
0xba: {  	[sflag:s29] =	ssyncadd.s32 $0xFFFFFFFF  }
0xbb: {  	_ =	strace $0x9000004B  }
0xbc: {  	_ =	sfence  }
0xbd: {  	s30 =	sld [smem:$0x0];
	_ =	sdelay $0x2  }
0xbe: {  	s31 =	sshll.u32 s1, $0xD;
	s1 =	sshrl.u32 s1, $0x2  }
0xbf: {  	s3 =	sand.u32 $0x4000, s31;
	s1 =	sadd.s32 s1, s30  }
0xc0: {  	s0 =	sor.u32 s3, s0;
	s1 =	sshll.u32 s1, $0x11  }
0xc1: {  	s0 =	sor.u32 s1, s0  }
0xc2: {  	s0 =	sadd.s32 $0x8F2B, s0  }
0xc3: {  	[sflag:s0] =	ssyncadd.remote.s32 $0x1  }
0xc4: {  	_ =	sfence.sel $0xFFFF  }
0xc5: {  	[dreg:$0x0] =	wrdreg $0xFFFFFFFF;
	(pc) =	sbr.abs _section_cstart, $3  }
0xc6: {  	[dreg:$0x1] =	wrdreg $0xFFFFFFFF  }
0xc7: {  	_ =	task.clear_ibuf [dreg:s7], $0x2FFFF;
	_ =	strace $0x9FFFFFFF  }
0xc8: {  	(tm) =	ssettm $0x7FFFFFFF  }
0xc9: {  	_ =	shalt  }
tec
execute0_lowered:
.L_overlay_start_1:
0x0: {  	(tag) =	ssettag $0x1  }
0x1: {  	s1 =	rddreg [dreg:$0x0]  }
0x2: {  	s0 =	rddreg [dreg:$0x1];
	s2 =	simm.s32 $0x0  }
0x3: {  	s3 =	srdreg.scid;
	s7 =	stileid.u32;
	s16 =	simm.s32 $0x7  }
0x4: {  	s17 =	simm.s32 $0x400;
	s18 =	simm.s32 $0x50000;
	s20 =	simm.s32 $0x80  }
0x5: {  	s21 =	simm.s32 $0x800;
	s22 =	simm.s32 $0x4800;
	s12 =	simm.s32 $0xC800  }
0x6: {  	s13 =	simm.s32 $0xCC00;
	s19 =	simm.s32 $0x11000;
	s28 =	simm.s32 $0x1  }
0x7: {  	s29 =	simm.s32 $0x2;
	s31 =	simm.s32 $0x4;
	s23 =	simm.s32 $0x0  }
0x8: {  	[smem:$0x7FF] =	sst s2;
	s4 =	sadd.s32 $0xBC00, s0;
	s5 =	sadd.s32 $0x1C00, s0  }
0x9: {  	s3 =	sand.u32 $0x1, s3;
	s10 =	smul.u32 $0x60, s7;
	s7 =	sshll.u32 s7, $0x6  }
0xa: {  	s6 =	sadd.s32 $0x15C00, s0;
	p0 =	seq.s32 s3, $0x0;
	s7 =	sadd.s32 $0x600, s7  }
0xb: {  	s8 =	sadd.s32 $0xABC00, s0;
	s9 =	ssub.s32 $0x2, s3;
	s7 =	smov.u32 @p0 s10  }
0xc: {  	_ =	strace $0x8000004A;
	s11 =	sshrl.u32 s9, $0x1;
	s25 =	sshll.u32 s7, $0x4  }
0xd: {  	s10 =	simm.s32 $0x6;
	s24 =	ssub.s32 s9, s11;
	s26 =	sadd.s32 s4, s25  }
0xe: {  	s10 =	simm.s32 @!p0 $0x4;
	s30 =	sadd.s32 s5, s25;
	[dreg:$0x3] =	wrdreg s26  }
0xf: {  	s9 =	simm.s32 $0xD000;
	s3 =	sadd.s32 s6, s25;
	[dreg:$0x4] =	wrdreg s30  }
0x10: {  	v0 =	vlaneseq.u32;
	s14 =	sadd.s32 $0xFFFFFFFF, s10;
	s0 =	smax.u32 s24, $0x1;
	[dreg:$0x5] =	wrdreg s3  }
0x11: {  	v0 =	vmul.u32 $0x10, v0;
	[dreg:$0x6] =	wrdreg s0;
	s0 =	simm.s32 $0x5;
	s3 =	simm.s32 $0x18C00  }
.LBB2_1:
0x12: {  	[dreg:$0x7] =	wrdreg s23  }
0x13: {  	s11 =	rddreg [dreg:$0x3]  }
0x14: {  	[tilespmem:s2], [sflag:$0x7] =	stream.linear.gather [hbm4b:s11+s2], $0x400, $0x38;
	[tilespmem:$0x19000] =	vst v63  }
0x15: {  	_ =	swait.ge [sflag:s16], $0x400  }
0x16: {  	[sflag:s16] =	ssyncset.done $0x0  }
0x17: {  	s23 =	rddreg [dreg:$0x4];
	[sflag:s16] =	ssyncadd.s32 $0xFFFFFC00  }
0x18: {  	[tilespmem:s17], [sflag:$0x7] =	stream.linear.gather [hbm4b:s23+s2], $0x400, $0x38;
	[tilespmem:$0x19000] =	vst v63  }
0x19: {  	_ =	swait.ge [sflag:s16], $0x400  }
0x1a: {  	[sflag:s16] =	ssyncset.done $0x0  }
0x1b: {  	s15 =	simm.s32 $0x8800;
	s24 =	rddreg [dreg:$0x5];
	[sflag:s16] =	ssyncadd.s32 $0xFFFFFC00  }
0x1c: {  	[tilespmem:s15], [sflag:$0x2] =	stream.strided.gather [hbm4b:s24+s17], $0x3C00, s18, s17, $0x38;
	[tilespmem:$0x19000] =	vst v63  }
0x1d: {  	_ = 	snop  }
0x1e: {  	[tilespmem:s21], [sflag:$0x1] =	stream.indirect.gather [hbm4b:s1+s20], $0x10, s2, s20, $0xb8;
	[tilespmem:$0x19000] =	vst v63  }
0x1f: {  	_ = 	snop  }
0x20: {  	[tilespmem:s22], [sflag:$0x1] =	stream.indirect.gather [hbm4b:s1+s20], $0x10, s17, s20, $0xb8;
	[tilespmem:$0x19000] =	vst v63  }
0x21: {  	s25 =	simm.s32 $0x1000  }
0x22: {  	[tilespmem:s25], [sflag:$0x1] =	stream.indirect.gather [hbm4b:s1+s20], $0x10, s20, s20, $0xb8;
	[tilespmem:$0x19000] =	vst v63  }
0x23: {  	s26 =	simm.s32 $0x480;
	s30 =	simm.s32 $0x5000  }
0x24: {  	[tilespmem:s30], [sflag:$0x1] =	stream.indirect.gather [hbm4b:s1+s20], $0x10, s26, s20, $0xb8;
	[tilespmem:$0x19000] =	vst v63  }
0x25: {  	s23 =	simm.s32 $0x1800;
	s15 =	simm.s32 $0x100  }
0x26: {  	[tilespmem:s23], [sflag:$0x1] =	stream.indirect.gather [hbm4b:s1+s20], $0x10, s15, s20, $0xb8;
	[tilespmem:$0x19000] =	vst v63  }
0x27: {  	s24 =	simm.s32 $0x500;
	s25 =	simm.s32 $0x5800  }
0x28: {  	[tilespmem:s25], [sflag:$0x1] =	stream.indirect.gather [hbm4b:s1+s20], $0x10, s24, s20, $0xb8;
	[tilespmem:$0x19000] =	vst v63  }
0x29: {  	s26 =	simm.s32 $0x180;
	s30 =	simm.s32 $0x2000  }
0x2a: {  	[tilespmem:s30], [sflag:$0x1] =	stream.indirect.gather [hbm4b:s1+s20], $0x10, s26, s20, $0xb8;
	[tilespmem:$0x19000] =	vst v63  }
0x2b: {  	s15 =	simm.s32 $0x580;
	s23 =	simm.s32 $0x6000  }
0x2c: {  	[tilespmem:s23], [sflag:$0x1] =	stream.indirect.gather [hbm4b:s1+s20], $0x10, s15, s20, $0xb8;
	[tilespmem:$0x19000] =	vst v63  }
0x2d: {  	s24 =	simm.s32 $0x200;
	s25 =	simm.s32 $0x2800  }
0x2e: {  	[tilespmem:s25], [sflag:$0x1] =	stream.indirect.gather [hbm4b:s1+s20], $0x10, s24, s20, $0xb8;
	[tilespmem:$0x19000] =	vst v63  }
0x2f: {  	s26 =	simm.s32 $0x600;
	s30 =	simm.s32 $0x6800  }
0x30: {  	[tilespmem:s30], [sflag:$0x1] =	stream.indirect.gather [hbm4b:s1+s20], $0x10, s26, s20, $0xb8;
	[tilespmem:$0x19000] =	vst v63  }
0x31: {  	s15 =	simm.s32 $0x280;
	s23 =	simm.s32 $0x3000  }
0x32: {  	[tilespmem:s23], [sflag:$0x1] =	stream.indirect.gather [hbm4b:s1+s20], $0x10, s15, s20, $0xb8;
	[tilespmem:$0x19000] =	vst v63  }
0x33: {  	s24 =	simm.s32 $0x680;
	s25 =	simm.s32 $0x7000  }
0x34: {  	[tilespmem:s25], [sflag:$0x1] =	stream.indirect.gather [hbm4b:s1+s20], $0x10, s24, s20, $0xb8;
	[tilespmem:$0x19000] =	vst v63  }
0x35: {  	s26 =	simm.s32 $0x300;
	s30 =	simm.s32 $0x3800  }
0x36: {  	[tilespmem:s30], [sflag:$0x1] =	stream.indirect.gather [hbm4b:s1+s20], $0x10, s26, s20, $0xb8;
	[tilespmem:$0x19000] =	vst v63  }
0x37: {  	s15 =	simm.s32 $0x700;
	s23 =	simm.s32 $0x7800  }
0x38: {  	[tilespmem:s23], [sflag:$0x1] =	stream.indirect.gather [hbm4b:s1+s20], $0x10, s15, s20, $0xb8;
	[tilespmem:$0x19000] =	vst v63  }
0x39: {  	s24 =	simm.s32 $0x380;
	s25 =	simm.s32 $0x4000  }
0x3a: {  	[tilespmem:s25], [sflag:$0x1] =	stream.indirect.gather [hbm4b:s1+s20], $0x10, s24, s20, $0xb8;
	[tilespmem:$0x19000] =	vst v63  }
0x3b: {  	s11 =	simm.s32 $0x0;
	s26 =	simm.s32 $0x780;
	s30 =	simm.s32 $0x8000  }
0x3c: {  	[tilespmem:s30], [sflag:$0x1] =	stream.indirect.gather [hbm4b:s1+s20], $0x10, s26, s20, $0xb8;
	[tilespmem:$0x19000] =	vst v63  }
.LBB2_2:
0x3d: {  	s15 =	sshll.u32 s11, $0x4  }
0x3e: {  	s24 =	sadd.s32 s7, s15  }
0x3f: {  	s15 =	sshll.u32 s24, $0x7  }
0x40: {  	s23 =	sshrl.u32 s15, $0x3  }
0x41: {  	s15 =	sor.u32 $0x80, s23  }
0x42: {  	s25 =	sadd.s32 s4, s15  }
0x43: {  	[tilespmem:s12], [sflag:$0x7] =	stream.linear.gather [hbm4b:s25+s2], $0x400, $0x38;
	[tilespmem:$0x19000] =	vst v63  }
0x44: {  	_ =	swait.ge [sflag:s16], $0x400  }
0x45: {  	[sflag:s16] =	ssyncset.done $0x0  }
0x46: {  	s26 =	sadd.s32 s5, s15;
	[sflag:s16] =	ssyncadd.s32 $0xFFFFFC00  }
0x47: {  	[tilespmem:s13], [sflag:$0x7] =	stream.linear.gather [hbm4b:s26+s2], $0x400, $0x38;
	[tilespmem:$0x19000] =	vst v63  }
0x48: {  	_ =	swait.ge [sflag:s16], $0x400  }
0x49: {  	[sflag:s16] =	ssyncset.done $0x0  }
0x4a: {  	s25 =	sadd.s32 s6, s15;
	s26 =	simm.s32 $0x15000;
	[sflag:s16] =	ssyncadd.s32 $0xFFFFFC00  }
0x4b: {  	[tilespmem:s26], [sflag:$0x5] =	stream.strided.gather [hbm4b:s25+s17], $0x3C00, s18, s17, $0x38;
	[tilespmem:$0x19000] =	vst v63  }
0x4c: {  	_ = 	snop  }
0x4d: {  	[tilespmem:s9], [sflag:$0x4] =	stream.indirect.gather [hbm4b:s1+s20], $0x10, s12, s20, $0xb8;
	[tilespmem:$0x19000] =	vst v63  }
0x4e: {  	_ = 	snop  }
0x4f: {  	[tilespmem:s19], [sflag:$0x4] =	stream.indirect.gather [hbm4b:s1+s20], $0x10, s13, s20, $0xb8;
	[tilespmem:$0x19000] =	vst v63  }
0x50: {  	s25 =	simm.s32 $0xC880;
	s26 =	simm.s32 $0xD800  }
0x51: {  	[tilespmem:s26], [sflag:$0x4] =	stream.indirect.gather [hbm4b:s1+s20], $0x10, s25, s20, $0xb8;
	[tilespmem:$0x19000] =	vst v63  }
0x52: {  	s25 =	simm.s32 $0xCC80;
	s26 =	simm.s32 $0x11800  }
0x53: {  	[tilespmem:s26], [sflag:$0x4] =	stream.indirect.gather [hbm4b:s1+s20], $0x10, s25, s20, $0xb8;
	[tilespmem:$0x19000] =	vst v63  }
0x54: {  	s25 =	simm.s32 $0xC900;
	s26 =	simm.s32 $0xE000  }
0x55: {  	[tilespmem:s26], [sflag:$0x4] =	stream.indirect.gather [hbm4b:s1+s20], $0x10, s25, s20, $0xb8;
	[tilespmem:$0x19000] =	vst v63  }
0x56: {  	s25 =	simm.s32 $0xCD00;
	s26 =	simm.s32 $0x12000  }
0x57: {  	[tilespmem:s26], [sflag:$0x4] =	stream.indirect.gather [hbm4b:s1+s20], $0x10, s25, s20, $0xb8;
	[tilespmem:$0x19000] =	vst v63  }
0x58: {  	s25 =	simm.s32 $0xC980;
	s26 =	simm.s32 $0xE800  }
0x59: {  	[tilespmem:s26], [sflag:$0x4] =	stream.indirect.gather [hbm4b:s1+s20], $0x10, s25, s20, $0xb8;
	[tilespmem:$0x19000] =	vst v63  }
0x5a: {  	s25 =	simm.s32 $0xCD80;
	s26 =	simm.s32 $0x12800  }
0x5b: {  	[tilespmem:s26], [sflag:$0x4] =	stream.indirect.gather [hbm4b:s1+s20], $0x10, s25, s20, $0xb8;
	[tilespmem:$0x19000] =	vst v63  }
0x5c: {  	s25 =	simm.s32 $0xCA00;
	s26 =	simm.s32 $0xF000  }
0x5d: {  	[tilespmem:s26], [sflag:$0x4] =	stream.indirect.gather [hbm4b:s1+s20], $0x10, s25, s20, $0xb8;
	[tilespmem:$0x19000] =	vst v63  }
0x5e: {  	s25 =	simm.s32 $0xCE00;
	s26 =	simm.s32 $0x13000  }
0x5f: {  	[tilespmem:s26], [sflag:$0x4] =	stream.indirect.gather [hbm4b:s1+s20], $0x10, s25, s20, $0xb8;
	[tilespmem:$0x19000] =	vst v63  }
0x60: {  	s25 =	simm.s32 $0xCA80;
	s26 =	simm.s32 $0xF800  }
0x61: {  	[tilespmem:s26], [sflag:$0x4] =	stream.indirect.gather [hbm4b:s1+s20], $0x10, s25, s20, $0xb8;
	[tilespmem:$0x19000] =	vst v63  }
0x62: {  	s25 =	simm.s32 $0xCE80;
	s26 =	simm.s32 $0x13800  }
0x63: {  	[tilespmem:s26], [sflag:$0x4] =	stream.indirect.gather [hbm4b:s1+s20], $0x10, s25, s20, $0xb8;
	[tilespmem:$0x19000] =	vst v63  }
0x64: {  	s25 =	simm.s32 $0xCB00;
	s26 =	simm.s32 $0x10000  }
0x65: {  	[tilespmem:s26], [sflag:$0x4] =	stream.indirect.gather [hbm4b:s1+s20], $0x10, s25, s20, $0xb8;
	[tilespmem:$0x19000] =	vst v63  }
0x66: {  	s25 =	simm.s32 $0xCF00;
	s26 =	simm.s32 $0x14000  }
0x67: {  	[tilespmem:s26], [sflag:$0x4] =	stream.indirect.gather [hbm4b:s1+s20], $0x10, s25, s20, $0xb8;
	[tilespmem:$0x19000] =	vst v63  }
0x68: {  	s25 =	simm.s32 $0xCB80;
	s26 =	simm.s32 $0x10800  }
0x69: {  	[tilespmem:s26], [sflag:$0x4] =	stream.indirect.gather [hbm4b:s1+s20], $0x10, s25, s20, $0xb8;
	[tilespmem:$0x19000] =	vst v63  }
0x6a: {  	s25 =	simm.s32 $0xCF80;
	s26 =	simm.s32 $0x14800  }
0x6b: {  	[tilespmem:s26], [sflag:$0x4] =	stream.indirect.gather [hbm4b:s1+s20], $0x10, s25, s20, $0xb8;
	[tilespmem:$0x19000] =	vst v63  }
0x6c: {  	_ =	swait.ge [sflag:s28], $0x800  }
0x6d: {  	[sflag:s28] =	ssyncset.done $0x0  }
0x6e: {  	[sflag:s28] =	ssyncadd.s32 $0xFFFFF800  }
0x6f: {  	_ =	swait.ge [sflag:s28], $0x800  }
0x70: {  	[sflag:s28] =	ssyncset.done $0x0  }
0x71: {  	[sflag:s28] =	ssyncadd.s32 $0xFFFFF800  }
0x72: {  	_ =	swait.ge [sflag:s28], $0x800  }
0x73: {  	[sflag:s28] =	ssyncset.done $0x0  }
0x74: {  	[sflag:s28] =	ssyncadd.s32 $0xFFFFF800  }
0x75: {  	_ =	swait.ge [sflag:s28], $0x800  }
0x76: {  	[sflag:s28] =	ssyncset.done $0x0  }
0x77: {  	[sflag:s28] =	ssyncadd.s32 $0xFFFFF800  }
0x78: {  	_ =	swait.ge [sflag:s28], $0x800  }
0x79: {  	[sflag:s28] =	ssyncset.done $0x0  }
0x7a: {  	[sflag:s28] =	ssyncadd.s32 $0xFFFFF800  }
0x7b: {  	_ =	swait.ge [sflag:s28], $0x800  }
0x7c: {  	[sflag:s28] =	ssyncset.done $0x0  }
0x7d: {  	[sflag:s28] =	ssyncadd.s32 $0xFFFFF800  }
0x7e: {  	_ =	swait.ge [sflag:s28], $0x800  }
0x7f: {  	[sflag:s28] =	ssyncset.done $0x0  }
0x80: {  	[sflag:s28] =	ssyncadd.s32 $0xFFFFF800  }
0x81: {  	_ =	swait.ge [sflag:s28], $0x800  }
0x82: {  	[sflag:s28] =	ssyncset.done $0x0  }
0x83: {  	[sflag:s28] =	ssyncadd.s32 $0xFFFFF800  }
0x84: {  	_ =	swait.ge [sflag:s28], $0x800  }
0x85: {  	[sflag:s28] =	ssyncset.done $0x0  }
0x86: {  	[sflag:s28] =	ssyncadd.s32 $0xFFFFF800  }
0x87: {  	_ =	swait.ge [sflag:s28], $0x800  }
0x88: {  	[sflag:s28] =	ssyncset.done $0x0  }
0x89: {  	[sflag:s28] =	ssyncadd.s32 $0xFFFFF800  }
0x8a: {  	_ =	swait.ge [sflag:s28], $0x800  }
0x8b: {  	[sflag:s28] =	ssyncset.done $0x0  }
0x8c: {  	[sflag:s28] =	ssyncadd.s32 $0xFFFFF800  }
0x8d: {  	_ =	swait.ge [sflag:s28], $0x800  }
0x8e: {  	[sflag:s28] =	ssyncset.done $0x0  }
0x8f: {  	[sflag:s28] =	ssyncadd.s32 $0xFFFFF800  }
0x90: {  	_ =	swait.ge [sflag:s28], $0x800  }
0x91: {  	[sflag:s28] =	ssyncset.done $0x0  }
0x92: {  	[sflag:s28] =	ssyncadd.s32 $0xFFFFF800  }
0x93: {  	_ =	swait.ge [sflag:s28], $0x800  }
0x94: {  	[sflag:s28] =	ssyncset.done $0x0  }
0x95: {  	[sflag:s28] =	ssyncadd.s32 $0xFFFFF800  }
0x96: {  	_ =	swait.ge [sflag:s28], $0x800  }
0x97: {  	[sflag:s28] =	ssyncset.done $0x0  }
0x98: {  	[sflag:s28] =	ssyncadd.s32 $0xFFFFF800  }
0x99: {  	s26 =	simm.s32 $0x0;
	_ =	swait.ge [sflag:s28], $0x800  }
0x9a: {  	v1 =	vmov s26;
	[sflag:s28] =	ssyncset.done $0x0  }
0x9b: {  	v1 =	vshll.u32 v1, $0x4;
	[sflag:s28] =	ssyncadd.s32 $0xFFFFF800  }
0x9c: {  	v1 =	vor.u32 v0, v1;
	_ =	swait.ge [sflag:s29], $0x3C00  }
0x9d: {  	p0 =	seq.s32 s11, $0x0;
	v2 =	vor.u32 $0xD, v1;
	[sflag:s29] =	ssyncset.done $0x0  }
0x9e: {  	s25 =	simm.s32 @!p0 $0x3;
	v3 =	vor.u32 $0xC, v1;
	[sflag:s29] =	ssyncadd.s32 $0xFFFFC400  }
0x9f: {  	v4 =	vor.u32 $0xB, v1;
	_ =	swait.ge @!p0 [sflag:s25], $0x400  }
0xa0: {  	v5 =	vor.u32 $0xA, v1;
	[sflag:s25] =	ssyncset.done @!p0 $0x0  }
0xa1: {  	v6 =	vor.u32 $0x9, v1;
	[sflag:s25] =	ssyncadd.s32 @!p0 $0xFFFFFC00  }
0xa2: {  	v7 =	vor.u32 $0x8, v1;
	v8 =	vld.idx.msk [tilespmem:v2+s22+$0x0], $0xffff  }
0xa3: {  	v9 =	vor.u32 $0x7, v1;
	v10 =	vld.idx.msk [tilespmem:v3+s22+$0x0], $0xffff  }
0xa4: {  	v11 =	vor.u32 $0x6, v1;
	v12 =	vld.idx.msk [tilespmem:v4+s22+$0x0], $0xffff  }
0xa5: {  	v13 =	vor.u32 $0x5, v1;
	v14 =	vld.idx.msk [tilespmem:v5+s22+$0x0], $0xffff  }
0xa6: {  	v15 =	vor.u32 $0x4, v1;
	v16 =	vld.idx.msk [tilespmem:v6+s22+$0x0], $0xffff  }
0xa7: {  	v17 =	vor.u32 $0x3, v1;
	v18 =	vld.idx.msk [tilespmem:v7+s22+$0x0], $0xffff  }
0xa8: {  	v19 =	vld.idx.msk [tilespmem:v9+s22+$0x0], $0xffff  }
0xa9: {  	v20 =	vor.u32 $0x1, v1;
	v21 =	vld.idx.msk [tilespmem:v11+s22+$0x0], $0xffff  }
0xaa: {  	v22 =	vor.u32 $0x2, v1;
	v23 =	vld.idx.msk [tilespmem:v13+s22+$0x0], $0xffff  }
0xab: {  	v24 =	vld.idx.msk [tilespmem:v15+s22+$0x0], $0xffff  }
0xac: {  	v25 =	vld.idx.msk [tilespmem:v17+s22+$0x0], $0xffff  }
0xad: {  	v26 =	vld.idx.msk [tilespmem:v1+s22+$0x0], $0xffff  }
0xae: {  	v27 =	vld.idx.msk [tilespmem:v20+s22+$0x0], $0xffff  }
0xaf: {  	s25 =	simm.s32 $0xA400;
	v28 =	vld.idx.msk [tilespmem:v22+s21+$0x0], $0xffff  }
0xb0: {  	v29 =	vld [tilespmem:s25+$0xFFFFE400]  }
0xb1: {  	v30 =	vld.idx.msk [tilespmem:v1+s21+$0x0], $0xffff  }
0xb2: {  	v20 =	vld.idx.msk [tilespmem:v20+s21+$0x0], $0xffff  }
0xb3: {  	v31 =	vld [tilespmem:s25+$0xFFFFE800]  }
0xb4: {  	v32 =	vld [tilespmem:s25+$0xFFFFEC00]  }
0xb5: {  	v22 =	vld.idx.msk [tilespmem:v22+s22+$0x0], $0xffff  }
0xb6: {  	v17 =	vld.idx.msk [tilespmem:v17+s21+$0x0], $0xffff  }
0xb7: {  	v33 =	vld [tilespmem:s25+$0xFFFFF000]  }
0xb8: {  	v15 =	vld.idx.msk [tilespmem:v15+s21+$0x0], $0xffff;
	v29 =	vmul.f32 v29, v30;
	v20 =	vmul.f32 v31, v20  }
0xb9: {  	v61 =	vld [tilespmem:s25+$0xFFFFF400];
	v28 =	vmul.f32 v32, v28  }
0xba: {  	v13 =	vld.idx.msk [tilespmem:v13+s21+$0x0], $0xffff;
	v26 =	vmul.f32 v29, v26;
	v20 =	vmul.f32 v20, v27  }
0xbb: {  	v62 =	vld [tilespmem:s25+$0xFFFFF800]  }
0xbc: {  	v11 =	vld.idx.msk [tilespmem:v11+s21+$0x0], $0xffff;
	v17 =	vmul.f32 v33, v17;
	v22 =	vmul.f32 v28, v22;
	v20 =	vadd.f32 v20, v26  }
0xbd: {  	v63 =	vld [tilespmem:s25+$0xFFFFFC00]  }
0xbe: {  	v9 =	vld.idx.msk [tilespmem:v9+s21+$0x0], $0xffff;
	v15 =	vmul.f32 v61, v15;
	v17 =	vmul.f32 v17, v25;
	v20 =	vadd.f32 v22, v20  }
0xbf: {  	v22 =	vld [tilespmem:s25+$0x0]  }
0xc0: {  	v7 =	vld.idx.msk [tilespmem:v7+s21+$0x0], $0xffff;
	v13 =	vmul.f32 v62, v13;
	v15 =	vmul.f32 v15, v24;
	v17 =	vadd.f32 v17, v20  }
0xc1: {  	v20 =	vld [tilespmem:s25+$0x400]  }
0xc2: {  	v6 =	vld.idx.msk [tilespmem:v6+s21+$0x0], $0xffff;
	v11 =	vmul.f32 v63, v11;
	v13 =	vmul.f32 v13, v23;
	v15 =	vadd.f32 v15, v17  }
0xc3: {  	v17 =	vld [tilespmem:s25+$0x800]  }
0xc4: {  	v5 =	vld.idx.msk [tilespmem:v5+s21+$0x0], $0xffff;
	v11 =	vmul.f32 v11, v21;
	v9 =	vmul.f32 v22, v9;
	v13 =	vadd.f32 v13, v15  }
0xc5: {  	v15 =	vld [tilespmem:s25+$0xC00]  }
0xc6: {  	v4 =	vld.idx.msk [tilespmem:v4+s21+$0x0], $0xffff;
	v9 =	vmul.f32 v9, v19;
	v7 =	vmul.f32 v20, v7;
	v11 =	vadd.f32 v11, v13  }
0xc7: {  	v1 =	vor.u32 $0xE, v1;
	v13 =	vld [tilespmem:s25+$0x1000]  }
0xc8: {  	v3 =	vld.idx.msk [tilespmem:v3+s21+$0x0], $0xffff;
	v7 =	vmul.f32 v7, v18;
	v6 =	vmul.f32 v17, v6;
	v9 =	vadd.f32 v9, v11  }
0xc9: {  	v11 =	vld [tilespmem:s25+$0x1400]  }
0xca: {  	v2 =	vld.idx.msk [tilespmem:v2+s21+$0x0], $0xffff;
	v6 =	vmul.f32 v6, v16;
	v5 =	vmul.f32 v15, v5;
	v7 =	vadd.f32 v7, v9  }
0xcb: {  	v9 =	vld [tilespmem:s25+$0x1800]  }
0xcc: {  	v5 =	vmul.f32 v5, v14;
	v4 =	vmul.f32 v13, v4;
	v13 =	vld [tilespmem:s25+$0x1C00];
	v6 =	vadd.f32 v6, v7  }
0xcd: {  	v7 =	vld.idx.msk [tilespmem:v1+s21+$0x0], $0xffff  }
0xce: {  	v4 =	vmul.f32 v4, v12;
	v3 =	vmul.f32 v11, v3;
	v5 =	vadd.f32 v5, v6  }
0xcf: {  	v1 =	vld.idx.msk [tilespmem:v1+s22+$0x0], $0xffff  }
0xd0: {  	v3 =	vmul.f32 v3, v10;
	v2 =	vmul.f32 v9, v2;
	v4 =	vadd.f32 v4, v5;
	_ =	sdelay $0x1  }
0xd1: {  	v2 =	vmul.f32 v2, v8;
	v3 =	vadd.f32 v3, v4;
	v4 =	vmul.f32 v13, v7;
	_ =	sdelay $0x1  }
0xd2: {  	v2 =	vadd.f32 v2, v3;
	v1 =	vmul.f32 v4, v1;
	_ =	sdelay $0x1  }
0xd3: {  	v1 =	vadd.f32 v1, v2;
	_ =	sdelay $0x1  }
0xd4: {  	v1 =	vsub.f32 $0.0e+00, v1;
	_ =	sdelay $0x1  }
0xd5: {  	v1 =	vmul.f32 $1.442695020e+00, v1;
	_ =	sdelay $0x1  }
0xd6: {  	(erf) = vpow2.f32 v1;
	_ =	sdelay $0x8  }
0xd7: {  	v1 =	vpop (erf)  }
0xd8: {  	v1 =	vadd.f32 $1.000000000e+00, v1;
	_ =	sdelay $0x1  }
0xd9: {  	(erf) = vrcp.f32 v1;
	_ =	sdelay $0x1  }
0xda: {  	s26 =	simm.s32 $0x10  }
0xdb: {  	v1 =	vmov s26  }
0xdc: {  	v1 =	vshll.u32 v1, $0x4  }
0xdd: {  	v6 =	vor.u32 v0, v1  }
0xde: {  	v3 =	vor.u32 $0xD, v6  }
0xdf: {  	v5 =	vor.u32 $0xC, v6  }
0xe0: {  	v8 =	vor.u32 $0xB, v6  }
0xe1: {  	s26 =	simm.s32 $0xC400;
	v10 =	vor.u32 $0xA, v6;
	v1 =	vpop (erf)  }
0xe2: {  	v12 =	vor.u32 $0x9, v6;
	[tilespmem:s26+$0x0] =	vst v1  }
0xe3: {  	v14 =	vor.u32 $0x8, v6;
	v1 =	vld.idx.msk [tilespmem:v3+s22+$0x0], $0xffff  }
0xe4: {  	v16 =	vor.u32 $0x7, v6;
	v2 =	vld.idx.msk [tilespmem:v5+s22+$0x0], $0xffff  }
0xe5: {  	v18 =	vor.u32 $0x6, v6;
	v4 =	vld.idx.msk [tilespmem:v8+s22+$0x0], $0xffff  }
0xe6: {  	v19 =	vor.u32 $0x5, v6;
	v7 =	vld.idx.msk [tilespmem:v10+s22+$0x0], $0xffff  }
0xe7: {  	v20 =	vor.u32 $0x4, v6;
	v9 =	vld.idx.msk [tilespmem:v12+s22+$0x0], $0xffff  }
0xe8: {  	v21 =	vor.u32 $0x3, v6;
	v11 =	vld.idx.msk [tilespmem:v14+s22+$0x0], $0xffff  }
0xe9: {  	v13 =	vld.idx.msk [tilespmem:v16+s22+$0x0], $0xffff  }
0xea: {  	v23 =	vor.u32 $0x1, v6;
	v15 =	vld.idx.msk [tilespmem:v18+s22+$0x0], $0xffff  }
0xeb: {  	s30 =	simm.s32 $0x20;
	v22 =	vor.u32 $0x2, v6;
	v17 =	vld.idx.msk [tilespmem:v19+s22+$0x0], $0xffff  }
.LBB2_3:
0xec: {  	p1 =	sne.s32 s30, $0x3F0;
	v24 =	vld.idx.msk [tilespmem:v20+s22+$0x0], $0xffff  }
0xed: {  	v25 =	vld.idx.msk [tilespmem:v21+s22+$0x0], $0xffff  }
0xee: {  	v26 =	vld.idx.msk [tilespmem:v6+s22+$0x0], $0xffff  }
0xef: {  	v27 =	vld.idx.msk [tilespmem:v23+s22+$0x0], $0xffff  }
0xf0: {  	s25 =	sadd.s32 $0x10, s25;
	v28 =	vld.idx.msk [tilespmem:v22+s21+$0x0], $0xffff  }
0xf1: {  	v29 =	vld [tilespmem:s25+$0xFFFFE400]  }
0xf2: {  	v30 =	vld.idx.msk [tilespmem:v6+s21+$0x0], $0xffff  }
0xf3: {  	v23 =	vld.idx.msk [tilespmem:v23+s21+$0x0], $0xffff  }
0xf4: {  	v31 =	vld [tilespmem:s25+$0xFFFFE800]  }
0xf5: {  	v32 =	vld [tilespmem:s25+$0xFFFFEC00]  }
0xf6: {  	v22 =	vld.idx.msk [tilespmem:v22+s22+$0x0], $0xffff  }
0xf7: {  	v21 =	vld.idx.msk [tilespmem:v21+s21+$0x0], $0xffff  }
0xf8: {  	v33 =	vld [tilespmem:s25+$0xFFFFF000]  }
0xf9: {  	v29 =	vmul.f32 v29, v30;
	v23 =	vmul.f32 v31, v23;
	v20 =	vld.idx.msk [tilespmem:v20+s21+$0x0], $0xffff  }
0xfa: {  	v28 =	vmul.f32 v32, v28;
	v30 =	vld [tilespmem:s25+$0xFFFFF400]  }
0xfb: {  	v26 =	vmul.f32 v29, v26;
	v23 =	vmul.f32 v23, v27;
	v19 =	vld.idx.msk [tilespmem:v19+s21+$0x0], $0xffff  }
0xfc: {  	v27 =	vld [tilespmem:s25+$0xFFFFF800]  }
0xfd: {  	v22 =	vmul.f32 v28, v22;
	v23 =	vadd.f32 v23, v26;
	v21 =	vmul.f32 v33, v21;
	v18 =	vld.idx.msk [tilespmem:v18+s21+$0x0], $0xffff  }
0xfe: {  	v26 =	vld [tilespmem:s25+$0xFFFFFC00]  }
0xff: {  	v22 =	vadd.f32 v22, v23;
	v21 =	vmul.f32 v21, v25;
	v20 =	vmul.f32 v30, v20;
	v16 =	vld.idx.msk [tilespmem:v16+s21+$0x0], $0xffff  }
0x100: {  	v23 =	vld [tilespmem:s25+$0x0]  }
0x101: {  	v21 =	vadd.f32 v21, v22;
	v20 =	vmul.f32 v20, v24;
	v19 =	vmul.f32 v27, v19;
	v14 =	vld.idx.msk [tilespmem:v14+s21+$0x0], $0xffff  }
0x102: {  	v22 =	vld [tilespmem:s25+$0x400]  }
0x103: {  	v20 =	vadd.f32 v20, v21;
	v17 =	vmul.f32 v19, v17;
	v18 =	vmul.f32 v26, v18;
	v12 =	vld.idx.msk [tilespmem:v12+s21+$0x0], $0xffff  }
0x104: {  	v19 =	vld [tilespmem:s25+$0x800]  }
0x105: {  	v17 =	vadd.f32 v17, v20;
	v15 =	vmul.f32 v18, v15;
	v16 =	vmul.f32 v23, v16;
	v10 =	vld.idx.msk [tilespmem:v10+s21+$0x0], $0xffff  }
0x106: {  	v18 =	vld [tilespmem:s25+$0xC00]  }
0x107: {  	v15 =	vadd.f32 v15, v17;
	v13 =	vmul.f32 v16, v13;
	v14 =	vmul.f32 v22, v14;
	v8 =	vld.idx.msk [tilespmem:v8+s21+$0x0], $0xffff  }
0x108: {  	v6 =	vor.u32 $0xE, v6;
	v16 =	vld [tilespmem:s25+$0x1000]  }
0x109: {  	v13 =	vadd.f32 v13, v15;
	v11 =	vmul.f32 v14, v11;
	v12 =	vmul.f32 v19, v12;
	v5 =	vld.idx.msk [tilespmem:v5+s21+$0x0], $0xffff  }
0x10a: {  	v14 =	vld [tilespmem:s25+$0x1400]  }
0x10b: {  	v11 =	vadd.f32 v11, v13;
	v9 =	vmul.f32 v12, v9;
	v10 =	vmul.f32 v18, v10;
	v3 =	vld.idx.msk [tilespmem:v3+s21+$0x0], $0xffff  }
0x10c: {  	v12 =	vld [tilespmem:s25+$0x1800]  }
0x10d: {  	v9 =	vadd.f32 v9, v11;
	v7 =	vmul.f32 v10, v7;
	v8 =	vmul.f32 v16, v8;
	v10 =	vld.idx.msk [tilespmem:v6+s21+$0x0], $0xffff  }
0x10e: {  	v11 =	vld [tilespmem:s25+$0x1C00]  }
0x10f: {  	v7 =	vadd.f32 v7, v9;
	v4 =	vmul.f32 v8, v4;
	v5 =	vmul.f32 v14, v5;
	v6 =	vld.idx.msk [tilespmem:v6+s22+$0x0], $0xffff;
	_ =	sdelay $0x1  }
0x110: {  	v4 =	vadd.f32 v4, v7;
	v2 =	vmul.f32 v5, v2;
	v3 =	vmul.f32 v12, v3;
	_ =	sdelay $0x1  }
0x111: {  	v2 =	vadd.f32 v2, v4;
	v1 =	vmul.f32 v3, v1;
	v3 =	vmul.f32 v11, v10;
	_ =	sdelay $0x1  }
0x112: {  	v1 =	vadd.f32 v1, v2;
	v2 =	vmul.f32 v3, v6;
	_ =	sdelay $0x1  }
0x113: {  	v1 =	vadd.f32 v2, v1;
	_ =	sdelay $0x1  }
0x114: {  	v1 =	vsub.f32 $0.0e+00, v1;
	_ =	sdelay $0x1  }
0x115: {  	v1 =	vmul.f32 $1.442695020e+00, v1;
	_ =	sdelay $0x1  }
0x116: {  	(erf) = vpow2.f32 v1;
	_ =	sdelay $0x8  }
0x117: {  	v1 =	vpop (erf)  }
0x118: {  	v1 =	vadd.f32 $1.000000000e+00, v1;
	_ =	sdelay $0x1  }
0x119: {  	(erf) = vrcp.f32 v1;
	_ =	sdelay $0x2  }
0x11a: {  	v1 =	vmov s30  }
0x11b: {  	v1 =	vshll.u32 v1, $0x4  }
0x11c: {  	v6 =	vor.u32 v0, v1  }
0x11d: {  	v3 =	vor.u32 $0xD, v6  }
0x11e: {  	v5 =	vor.u32 $0xC, v6  }
0x11f: {  	v8 =	vor.u32 $0xB, v6  }
0x120: {  	s26 =	sadd.s32 $0x10, s26;
	v10 =	vor.u32 $0xA, v6;
	v1 =	vpop (erf)  }
0x121: {  	v12 =	vor.u32 $0x9, v6;
	[tilespmem:s26+$0x0] =	vst v1  }
0x122: {  	v14 =	vor.u32 $0x8, v6;
	v1 =	vld.idx.msk [tilespmem:v3+s22+$0x0], $0xffff  }
0x123: {  	v16 =	vor.u32 $0x7, v6;
	v2 =	vld.idx.msk [tilespmem:v5+s22+$0x0], $0xffff  }
0x124: {  	v18 =	vor.u32 $0x6, v6;
	v4 =	vld.idx.msk [tilespmem:v8+s22+$0x0], $0xffff  }
0x125: {  	v19 =	vor.u32 $0x5, v6;
	v7 =	vld.idx.msk [tilespmem:v10+s22+$0x0], $0xffff  }
.Ltmp0:
0x126: {  	v20 =	vor.u32 $0x4, v6;
	v9 =	vld.idx.msk [tilespmem:v12+s22+$0x0], $0xffff;
	(pc) =	sbr.rel @p1 .LBB2_3-.Ltmp0, $4  }
0x127: {  	v21 =	vor.u32 $0x3, v6;
	v11 =	vld.idx.msk [tilespmem:v14+s22+$0x0], $0xffff  }
0x128: {  	v13 =	vld.idx.msk [tilespmem:v16+s22+$0x0], $0xffff  }
0x129: {  	v23 =	vor.u32 $0x1, v6;
	v15 =	vld.idx.msk [tilespmem:v18+s22+$0x0], $0xffff  }
0x12a: {  	s30 =	sadd.s32 $0x10, s30;
	v22 =	vor.u32 $0x2, v6;
	v17 =	vld.idx.msk [tilespmem:v19+s22+$0x0], $0xffff  }
0x12b: {  	_ =	sdelay $0x3  }
0x12c: {  	v24 =	vld.idx.msk [tilespmem:v20+s22+$0x0], $0xffff  }
0x12d: {  	v25 =	vld.idx.msk [tilespmem:v21+s22+$0x0], $0xffff  }
0x12e: {  	v26 =	vld.idx.msk [tilespmem:v6+s22+$0x0], $0xffff  }
0x12f: {  	v27 =	vld.idx.msk [tilespmem:v23+s22+$0x0], $0xffff  }
0x130: {  	v28 =	vld.idx.msk [tilespmem:v22+s21+$0x0], $0xffff  }
0x131: {  	v30 =	vld.idx.msk [tilespmem:v6+s21+$0x0], $0xffff  }
0x132: {  	s25 =	sadd.s32 $0x10, s25;
	v47 =	vld.idx.msk [tilespmem:v23+s21+$0x0], $0xffff  }
0x133: {  	v29 =	vld [tilespmem:s25+$0xFFFFE400]  }
0x134: {  	v31 =	vld [tilespmem:s25+$0xFFFFE800]  }
0x135: {  	v32 =	vld [tilespmem:s25+$0xFFFFEC00]  }
0x136: {  	v48 =	vld.idx.msk [tilespmem:v22+s22+$0x0], $0xffff  }
0x137: {  	v49 =	vld.idx.msk [tilespmem:v21+s21+$0x0], $0xffff  }
0x138: {  	v33 =	vld [tilespmem:s25+$0xFFFFF000]  }
0x139: {  	v50 =	vld.idx.msk [tilespmem:v20+s21+$0x0], $0xffff;
	v29 =	vmul.f32 v29, v30;
	v23 =	vmul.f32 v31, v47  }
0x13a: {  	v51 =	vld [tilespmem:s25+$0xFFFFF400];
	v28 =	vmul.f32 v32, v28  }
0x13b: {  	v19 =	vld.idx.msk [tilespmem:v19+s21+$0x0], $0xffff;
	v26 =	vmul.f32 v29, v26;
	v23 =	vmul.f32 v23, v27  }
0x13c: {  	v52 =	vld [tilespmem:s25+$0xFFFFF800]  }
0x13d: {  	v18 =	vld.idx.msk [tilespmem:v18+s21+$0x0], $0xffff;
	v21 =	vmul.f32 v33, v49;
	v22 =	vmul.f32 v28, v48;
	v23 =	vadd.f32 v23, v26  }
0x13e: {  	v53 =	vld [tilespmem:s25+$0xFFFFFC00]  }
0x13f: {  	v16 =	vld.idx.msk [tilespmem:v16+s21+$0x0], $0xffff;
	v20 =	vmul.f32 v51, v50;
	v21 =	vmul.f32 v21, v25;
	v22 =	vadd.f32 v22, v23  }
0x140: {  	v54 =	vld [tilespmem:s25+$0x0]  }
0x141: {  	v14 =	vld.idx.msk [tilespmem:v14+s21+$0x0], $0xffff;
	v19 =	vmul.f32 v52, v19;
	v20 =	vmul.f32 v20, v24;
	v21 =	vadd.f32 v21, v22  }
0x142: {  	v55 =	vld [tilespmem:s25+$0x400]  }
0x143: {  	v12 =	vld.idx.msk [tilespmem:v12+s21+$0x0], $0xffff;
	v18 =	vmul.f32 v53, v18;
	v17 =	vmul.f32 v19, v17;
	v20 =	vadd.f32 v20, v21  }
0x144: {  	v56 =	vld [tilespmem:s25+$0x800]  }
0x145: {  	v10 =	vld.idx.msk [tilespmem:v10+s21+$0x0], $0xffff;
	v16 =	vmul.f32 v54, v16;
	v15 =	vmul.f32 v18, v15;
	v17 =	vadd.f32 v17, v20  }
0x146: {  	v57 =	vld [tilespmem:s25+$0xC00]  }
0x147: {  	v8 =	vld.idx.msk [tilespmem:v8+s21+$0x0], $0xffff;
	v14 =	vmul.f32 v55, v14;
	v13 =	vmul.f32 v16, v13;
	v15 =	vadd.f32 v15, v17  }
0x148: {  	v59 =	vor.u32 $0xE, v6;
	v58 =	vld [tilespmem:s25+$0x1000]  }
0x149: {  	v5 =	vld.idx.msk [tilespmem:v5+s21+$0x0], $0xffff;
	v12 =	vmul.f32 v56, v12;
	v11 =	vmul.f32 v14, v11;
	v13 =	vadd.f32 v13, v15  }
0x14a: {  	v60 =	vld [tilespmem:s25+$0x1400]  }
0x14b: {  	v3 =	vld.idx.msk [tilespmem:v3+s21+$0x0], $0xffff;
	v10 =	vmul.f32 v57, v10;
	v9 =	vmul.f32 v12, v9;
	v11 =	vadd.f32 v11, v13  }
0x14c: {  	v61 =	vld [tilespmem:s25+$0x1800]  }
0x14d: {  	v63 =	vld [tilespmem:s25+$0x1C00];
	v8 =	vmul.f32 v58, v8;
	v7 =	vmul.f32 v10, v7;
	v9 =	vadd.f32 v9, v11  }
0x14e: {  	v62 =	vld.idx.msk [tilespmem:v59+s21+$0x0], $0xffff  }
0x14f: {  	v5 =	vmul.f32 v60, v5;
	v4 =	vmul.f32 v8, v4;
	v7 =	vadd.f32 v7, v9  }
0x150: {  	v6 =	vld.idx.msk [tilespmem:v59+s22+$0x0], $0xffff  }
0x151: {  	v3 =	vmul.f32 v61, v3;
	v2 =	vmul.f32 v5, v2;
	v4 =	vadd.f32 v4, v7;
	_ =	sdelay $0x1  }
0x152: {  	v1 =	vmul.f32 v3, v1;
	v3 =	vmul.f32 v63, v62;
	v2 =	vadd.f32 v2, v4;
	_ =	sdelay $0x1  }
0x153: {  	v1 =	vadd.f32 v1, v2;
	v2 =	vmul.f32 v3, v6;
	_ =	sdelay $0x1  }
0x154: {  	v1 =	vadd.f32 v2, v1;
	_ =	sdelay $0x1  }
0x155: {  	v1 =	vsub.f32 $0.0e+00, v1;
	_ =	sdelay $0x1  }
0x156: {  	v1 =	vmul.f32 $1.442695020e+00, v1;
	_ =	sdelay $0x1  }
0x157: {  	(erf) = vpow2.f32 v1;
	_ =	sdelay $0x8  }
0x158: {  	v1 =	vpop (erf)  }
0x159: {  	v1 =	vadd.f32 $1.000000000e+00, v1;
	_ =	sdelay $0x1  }
0x15a: {  	(erf) = vrcp.f32 v1;
	_ =	sdelay $0x5  }
0x15b: {  	p1 =	sge.u32 s11, s14  }
.Ltmp1:
0x15c: {  	_ = 	snop;
	(pc) =	sbr.rel @p1 .LBB2_6-.Ltmp1, $4  }
0x15d: {  	s24 =	sshll.u32 s24, $0x4  }
0x15e: {  	s26 =	sadd.s32 $0x10, s26;
	s24 =	sand.u32 $0x1FFFFF00, s24;
	v1 =	vpop (erf)  }
0x15f: {  	s30 =	simm.s32 $0xC400;
	s24 =	sadd.s32 s8, s24;
	[tilespmem:s26+$0x0] =	vst v1  }
0x160: {  	[hbm4b:s24+s2] =	stream.linear.scatter [tilespmem:s30], [sflag:$0x3], $0x400, $0x38;
	[tilespmem:$0x19000] =	vst v63  }
0x161: {  	s23 =	sadd.s32 $0x100, s23  }
0x162: {  	s24 =	sadd.s32 s4, s23  }
0x163: {  	[tilespmem:s2], [sflag:$0x7] =	stream.linear.gather [hbm4b:s24+s2], $0x400, $0x38;
	[tilespmem:$0x19000] =	vst v63  }
0x164: {  	_ =	swait.ge [sflag:s16], $0x400  }
0x165: {  	[sflag:s16] =	ssyncset.done $0x0  }
0x166: {  	s26 =	sadd.s32 s5, s23;
	[sflag:s16] =	ssyncadd.s32 $0xFFFFFC00  }
0x167: {  	[tilespmem:s17], [sflag:$0x7] =	stream.linear.gather [hbm4b:s26+s2], $0x400, $0x38;
	[tilespmem:$0x19000] =	vst v63  }
0x168: {  	_ =	swait.ge [sflag:s16], $0x400  }
0x169: {  	[sflag:s16] =	ssyncset.done $0x0  }
0x16a: {  	s30 =	simm.s32 $0x8800;
	s23 =	sadd.s32 s6, s23;
	[sflag:s16] =	ssyncadd.s32 $0xFFFFFC00  }
0x16b: {  	[tilespmem:s30], [sflag:$0x2] =	stream.strided.gather [hbm4b:s23+s17], $0x3C00, s18, s17, $0x38;
	[tilespmem:$0x19000] =	vst v63  }
0x16c: {  	_ = 	snop  }
0x16d: {  	[tilespmem:s21], [sflag:$0x1] =	stream.indirect.gather [hbm4b:s1+s20], $0x10, s2, s20, $0xb8;
	[tilespmem:$0x19000] =	vst v63  }
0x16e: {  	_ = 	snop  }
0x16f: {  	[tilespmem:s22], [sflag:$0x1] =	stream.indirect.gather [hbm4b:s1+s20], $0x10, s17, s20, $0xb8;
	[tilespmem:$0x19000] =	vst v63  }
0x170: {  	s25 =	simm.s32 $0x1000  }
0x171: {  	[tilespmem:s25], [sflag:$0x1] =	stream.indirect.gather [hbm4b:s1+s20], $0x10, s20, s20, $0xb8;
	[tilespmem:$0x19000] =	vst v63  }
0x172: {  	s26 =	simm.s32 $0x480;
	s30 =	simm.s32 $0x5000  }
0x173: {  	[tilespmem:s30], [sflag:$0x1] =	stream.indirect.gather [hbm4b:s1+s20], $0x10, s26, s20, $0xb8;
	[tilespmem:$0x19000] =	vst v63  }
0x174: {  	s24 =	simm.s32 $0x100;
	s25 =	simm.s32 $0x1800  }
0x175: {  	[tilespmem:s25], [sflag:$0x1] =	stream.indirect.gather [hbm4b:s1+s20], $0x10, s24, s20, $0xb8;
	[tilespmem:$0x19000] =	vst v63  }
0x176: {  	s26 =	simm.s32 $0x500;
	s30 =	simm.s32 $0x5800  }
0x177: {  	[tilespmem:s30], [sflag:$0x1] =	stream.indirect.gather [hbm4b:s1+s20], $0x10, s26, s20, $0xb8;
	[tilespmem:$0x19000] =	vst v63  }
0x178: {  	s24 =	simm.s32 $0x180;
	s25 =	simm.s32 $0x2000  }
0x179: {  	[tilespmem:s25], [sflag:$0x1] =	stream.indirect.gather [hbm4b:s1+s20], $0x10, s24, s20, $0xb8;
	[tilespmem:$0x19000] =	vst v63  }
0x17a: {  	s26 =	simm.s32 $0x580;
	s30 =	simm.s32 $0x6000  }
0x17b: {  	[tilespmem:s30], [sflag:$0x1] =	stream.indirect.gather [hbm4b:s1+s20], $0x10, s26, s20, $0xb8;
	[tilespmem:$0x19000] =	vst v63  }
0x17c: {  	s24 =	simm.s32 $0x200;
	s25 =	simm.s32 $0x2800  }
0x17d: {  	[tilespmem:s25], [sflag:$0x1] =	stream.indirect.gather [hbm4b:s1+s20], $0x10, s24, s20, $0xb8;
	[tilespmem:$0x19000] =	vst v63  }
0x17e: {  	s26 =	simm.s32 $0x600;
	s30 =	simm.s32 $0x6800  }
0x17f: {  	[tilespmem:s30], [sflag:$0x1] =	stream.indirect.gather [hbm4b:s1+s20], $0x10, s26, s20, $0xb8;
	[tilespmem:$0x19000] =	vst v63  }
0x180: {  	s24 =	simm.s32 $0x280;
	s25 =	simm.s32 $0x3000  }
0x181: {  	[tilespmem:s25], [sflag:$0x1] =	stream.indirect.gather [hbm4b:s1+s20], $0x10, s24, s20, $0xb8;
	[tilespmem:$0x19000] =	vst v63  }
0x182: {  	s26 =	simm.s32 $0x680;
	s30 =	simm.s32 $0x7000  }
0x183: {  	[tilespmem:s30], [sflag:$0x1] =	stream.indirect.gather [hbm4b:s1+s20], $0x10, s26, s20, $0xb8;
	[tilespmem:$0x19000] =	vst v63  }
0x184: {  	s24 =	simm.s32 $0x300;
	s25 =	simm.s32 $0x3800  }
0x185: {  	[tilespmem:s25], [sflag:$0x1] =	stream.indirect.gather [hbm4b:s1+s20], $0x10, s24, s20, $0xb8;
	[tilespmem:$0x19000] =	vst v63  }
0x186: {  	s26 =	simm.s32 $0x700;
	s30 =	simm.s32 $0x7800  }
0x187: {  	[tilespmem:s30], [sflag:$0x1] =	stream.indirect.gather [hbm4b:s1+s20], $0x10, s26, s20, $0xb8;
	[tilespmem:$0x19000] =	vst v63  }
0x188: {  	s24 =	simm.s32 $0x380;
	s25 =	simm.s32 $0x4000  }
0x189: {  	[tilespmem:s25], [sflag:$0x1] =	stream.indirect.gather [hbm4b:s1+s20], $0x10, s24, s20, $0xb8;
	[tilespmem:$0x19000] =	vst v63  }
0x18a: {  	s26 =	simm.s32 $0x780;
	s30 =	simm.s32 $0x8000  }
0x18b: {  	[tilespmem:s30], [sflag:$0x1] =	stream.indirect.gather [hbm4b:s1+s20], $0x10, s26, s20, $0xb8;
	[tilespmem:$0x19000] =	vst v63  }
.LBB2_6:
0x18c: {  	_ =	swait.ge [sflag:s31], $0x800  }
0x18d: {  	[sflag:s31] =	ssyncset.done $0x0  }
0x18e: {  	[sflag:s31] =	ssyncadd.s32 $0xFFFFF800  }
0x18f: {  	_ =	swait.ge [sflag:s31], $0x800  }
0x190: {  	[sflag:s31] =	ssyncset.done $0x0  }
0x191: {  	[sflag:s31] =	ssyncadd.s32 $0xFFFFF800  }
0x192: {  	_ =	swait.ge [sflag:s31], $0x800  }
0x193: {  	[sflag:s31] =	ssyncset.done $0x0  }
0x194: {  	[sflag:s31] =	ssyncadd.s32 $0xFFFFF800  }
0x195: {  	_ =	swait.ge [sflag:s31], $0x800  }
0x196: {  	[sflag:s31] =	ssyncset.done $0x0  }
0x197: {  	[sflag:s31] =	ssyncadd.s32 $0xFFFFF800  }
0x198: {  	_ =	swait.ge [sflag:s31], $0x800  }
0x199: {  	[sflag:s31] =	ssyncset.done $0x0  }
0x19a: {  	[sflag:s31] =	ssyncadd.s32 $0xFFFFF800  }
0x19b: {  	_ =	swait.ge [sflag:s31], $0x800  }
0x19c: {  	[sflag:s31] =	ssyncset.done $0x0  }
0x19d: {  	[sflag:s31] =	ssyncadd.s32 $0xFFFFF800  }
0x19e: {  	_ =	swait.ge [sflag:s31], $0x800  }
0x19f: {  	[sflag:s31] =	ssyncset.done $0x0  }
0x1a0: {  	[sflag:s31] =	ssyncadd.s32 $0xFFFFF800  }
0x1a1: {  	_ =	swait.ge [sflag:s31], $0x800  }
0x1a2: {  	[sflag:s31] =	ssyncset.done $0x0  }
0x1a3: {  	[sflag:s31] =	ssyncadd.s32 $0xFFFFF800  }
0x1a4: {  	_ =	swait.ge [sflag:s31], $0x800  }
0x1a5: {  	[sflag:s31] =	ssyncset.done $0x0  }
0x1a6: {  	[sflag:s31] =	ssyncadd.s32 $0xFFFFF800  }
0x1a7: {  	_ =	swait.ge [sflag:s31], $0x800  }
0x1a8: {  	[sflag:s31] =	ssyncset.done $0x0  }
0x1a9: {  	[sflag:s31] =	ssyncadd.s32 $0xFFFFF800  }
0x1aa: {  	_ =	swait.ge [sflag:s31], $0x800  }
0x1ab: {  	[sflag:s31] =	ssyncset.done $0x0  }
0x1ac: {  	[sflag:s31] =	ssyncadd.s32 $0xFFFFF800  }
0x1ad: {  	_ =	swait.ge [sflag:s31], $0x800  }
0x1ae: {  	[sflag:s31] =	ssyncset.done $0x0  }
0x1af: {  	[sflag:s31] =	ssyncadd.s32 $0xFFFFF800  }
0x1b0: {  	_ =	swait.ge [sflag:s31], $0x800  }
0x1b1: {  	[sflag:s31] =	ssyncset.done $0x0  }
0x1b2: {  	[sflag:s31] =	ssyncadd.s32 $0xFFFFF800  }
0x1b3: {  	_ =	swait.ge [sflag:s31], $0x800  }
0x1b4: {  	[sflag:s31] =	ssyncset.done $0x0  }
0x1b5: {  	[sflag:s31] =	ssyncadd.s32 $0xFFFFF800  }
0x1b6: {  	_ =	swait.ge [sflag:s31], $0x800  }
0x1b7: {  	[sflag:s31] =	ssyncset.done $0x0  }
0x1b8: {  	[sflag:s31] =	ssyncadd.s32 $0xFFFFF800  }
0x1b9: {  	s23 =	simm.s32 $0x0;
	_ =	swait.ge [sflag:s31], $0x800  }
0x1ba: {  	v1 =	vmov s23;
	[sflag:s31] =	ssyncset.done $0x0  }
0x1bb: {  	v1 =	vshll.u32 v1, $0x4;
	[sflag:s31] =	ssyncadd.s32 $0xFFFFF800  }
0x1bc: {  	v1 =	vor.u32 v0, v1;
	_ =	swait.ge [sflag:s0], $0x3C00  }
0x1bd: {  	v2 =	vor.u32 $0xD, v1;
	[sflag:s0] =	ssyncset.done $0x0  }
0x1be: {  	s23 =	simm.s32 @!p0 $0x6;
	v3 =	vor.u32 $0xC, v1;
	[sflag:s0] =	ssyncadd.s32 $0xFFFFC400  }
0x1bf: {  	v4 =	vor.u32 $0xB, v1;
	_ =	swait.ge @!p0 [sflag:s23], $0x400  }
0x1c0: {  	v5 =	vor.u32 $0xA, v1;
	[sflag:s23] =	ssyncset.done @!p0 $0x0  }
0x1c1: {  	v6 =	vor.u32 $0x9, v1;
	[sflag:s23] =	ssyncadd.s32 @!p0 $0xFFFFFC00  }
0x1c2: {  	v7 =	vor.u32 $0x8, v1;
	v8 =	vld.idx.msk [tilespmem:v2+s19+$0x0], $0xffff  }
0x1c3: {  	v9 =	vor.u32 $0x7, v1;
	v10 =	vld.idx.msk [tilespmem:v3+s19+$0x0], $0xffff  }
0x1c4: {  	v11 =	vor.u32 $0x6, v1;
	v12 =	vld.idx.msk [tilespmem:v4+s19+$0x0], $0xffff  }
0x1c5: {  	v13 =	vor.u32 $0x5, v1;
	v14 =	vld.idx.msk [tilespmem:v5+s19+$0x0], $0xffff  }
0x1c6: {  	v15 =	vor.u32 $0x4, v1;
	v16 =	vld.idx.msk [tilespmem:v6+s19+$0x0], $0xffff  }
0x1c7: {  	v17 =	vor.u32 $0x3, v1;
	v18 =	vld.idx.msk [tilespmem:v7+s19+$0x0], $0xffff  }
0x1c8: {  	v19 =	vld.idx.msk [tilespmem:v9+s19+$0x0], $0xffff  }
0x1c9: {  	v20 =	vor.u32 $0x1, v1;
	v21 =	vld.idx.msk [tilespmem:v11+s19+$0x0], $0xffff  }
0x1ca: {  	v22 =	vor.u32 $0x2, v1;
	v23 =	vld.idx.msk [tilespmem:v13+s19+$0x0], $0xffff  }
0x1cb: {  	v24 =	vld.idx.msk [tilespmem:v15+s19+$0x0], $0xffff  }
0x1cc: {  	v25 =	vld.idx.msk [tilespmem:v17+s19+$0x0], $0xffff  }
0x1cd: {  	v26 =	vld.idx.msk [tilespmem:v1+s19+$0x0], $0xffff  }
0x1ce: {  	v27 =	vld.idx.msk [tilespmem:v20+s19+$0x0], $0xffff  }
0x1cf: {  	s23 =	simm.s32 $0x16C00;
	v28 =	vld.idx.msk [tilespmem:v22+s9+$0x0], $0xffff  }
0x1d0: {  	v29 =	vld [tilespmem:s23+$0xFFFFE400]  }
0x1d1: {  	v30 =	vld.idx.msk [tilespmem:v1+s9+$0x0], $0xffff  }
0x1d2: {  	v20 =	vld.idx.msk [tilespmem:v20+s9+$0x0], $0xffff  }
0x1d3: {  	v31 =	vld [tilespmem:s23+$0xFFFFE800]  }
0x1d4: {  	v32 =	vld [tilespmem:s23+$0xFFFFEC00]  }
0x1d5: {  	v22 =	vld.idx.msk [tilespmem:v22+s19+$0x0], $0xffff  }
0x1d6: {  	v17 =	vld.idx.msk [tilespmem:v17+s9+$0x0], $0xffff  }
0x1d7: {  	v33 =	vld [tilespmem:s23+$0xFFFFF000]  }
0x1d8: {  	v15 =	vld.idx.msk [tilespmem:v15+s9+$0x0], $0xffff;
	v29 =	vmul.f32 v29, v30;
	v20 =	vmul.f32 v31, v20  }
0x1d9: {  	v61 =	vld [tilespmem:s23+$0xFFFFF400];
	v28 =	vmul.f32 v32, v28  }
0x1da: {  	v13 =	vld.idx.msk [tilespmem:v13+s9+$0x0], $0xffff;
	v26 =	vmul.f32 v29, v26;
	v20 =	vmul.f32 v20, v27  }
0x1db: {  	v62 =	vld [tilespmem:s23+$0xFFFFF800]  }
0x1dc: {  	v11 =	vld.idx.msk [tilespmem:v11+s9+$0x0], $0xffff;
	v17 =	vmul.f32 v33, v17;
	v22 =	vmul.f32 v28, v22;
	v20 =	vadd.f32 v20, v26  }
0x1dd: {  	v63 =	vld [tilespmem:s23+$0xFFFFFC00]  }
0x1de: {  	v9 =	vld.idx.msk [tilespmem:v9+s9+$0x0], $0xffff;
	v15 =	vmul.f32 v61, v15;
	v17 =	vmul.f32 v17, v25;
	v20 =	vadd.f32 v22, v20  }
0x1df: {  	v22 =	vld [tilespmem:s23+$0x0]  }
0x1e0: {  	v7 =	vld.idx.msk [tilespmem:v7+s9+$0x0], $0xffff;
	v13 =	vmul.f32 v62, v13;
	v15 =	vmul.f32 v15, v24;
	v17 =	vadd.f32 v17, v20  }
0x1e1: {  	v20 =	vld [tilespmem:s23+$0x400]  }
0x1e2: {  	v6 =	vld.idx.msk [tilespmem:v6+s9+$0x0], $0xffff;
	v11 =	vmul.f32 v63, v11;
	v13 =	vmul.f32 v13, v23;
	v15 =	vadd.f32 v15, v17  }
0x1e3: {  	v17 =	vld [tilespmem:s23+$0x800]  }
0x1e4: {  	v5 =	vld.idx.msk [tilespmem:v5+s9+$0x0], $0xffff;
	v11 =	vmul.f32 v11, v21;
	v9 =	vmul.f32 v22, v9;
	v13 =	vadd.f32 v13, v15  }
0x1e5: {  	v15 =	vld [tilespmem:s23+$0xC00]  }
0x1e6: {  	v4 =	vld.idx.msk [tilespmem:v4+s9+$0x0], $0xffff;
	v9 =	vmul.f32 v9, v19;
	v7 =	vmul.f32 v20, v7;
	v11 =	vadd.f32 v11, v13  }
0x1e7: {  	v1 =	vor.u32 $0xE, v1;
	v13 =	vld [tilespmem:s23+$0x1000]  }
0x1e8: {  	v3 =	vld.idx.msk [tilespmem:v3+s9+$0x0], $0xffff;
	v7 =	vmul.f32 v7, v18;
	v6 =	vmul.f32 v17, v6;
	v9 =	vadd.f32 v9, v11  }
0x1e9: {  	v11 =	vld [tilespmem:s23+$0x1400]  }
0x1ea: {  	v2 =	vld.idx.msk [tilespmem:v2+s9+$0x0], $0xffff;
	v6 =	vmul.f32 v6, v16;
	v5 =	vmul.f32 v15, v5;
	v7 =	vadd.f32 v7, v9  }
0x1eb: {  	v9 =	vld [tilespmem:s23+$0x1800]  }
0x1ec: {  	v5 =	vmul.f32 v5, v14;
	v4 =	vmul.f32 v13, v4;
	v13 =	vld [tilespmem:s23+$0x1C00];
	v6 =	vadd.f32 v6, v7  }
0x1ed: {  	v7 =	vld.idx.msk [tilespmem:v1+s9+$0x0], $0xffff  }
0x1ee: {  	v4 =	vmul.f32 v4, v12;
	v3 =	vmul.f32 v11, v3;
	v5 =	vadd.f32 v5, v6  }
0x1ef: {  	v1 =	vld.idx.msk [tilespmem:v1+s19+$0x0], $0xffff  }
0x1f0: {  	v3 =	vmul.f32 v3, v10;
	v2 =	vmul.f32 v9, v2;
	v4 =	vadd.f32 v4, v5;
	_ =	sdelay $0x1  }
0x1f1: {  	v2 =	vmul.f32 v2, v8;
	v3 =	vadd.f32 v3, v4;
	v4 =	vmul.f32 v13, v7;
	_ =	sdelay $0x1  }
0x1f2: {  	v2 =	vadd.f32 v2, v3;
	v1 =	vmul.f32 v4, v1;
	_ =	sdelay $0x1  }
0x1f3: {  	v1 =	vadd.f32 v1, v2;
	_ =	sdelay $0x1  }
0x1f4: {  	v1 =	vsub.f32 $0.0e+00, v1;
	_ =	sdelay $0x1  }
0x1f5: {  	v1 =	vmul.f32 $1.442695020e+00, v1;
	_ =	sdelay $0x1  }
0x1f6: {  	(erf) = vpow2.f32 v1;
	_ =	sdelay $0x8  }
0x1f7: {  	v1 =	vpop (erf)  }
0x1f8: {  	v1 =	vadd.f32 $1.000000000e+00, v1;
	_ =	sdelay $0x1  }
0x1f9: {  	(erf) = vrcp.f32 v1;
	_ =	sdelay $0x1  }
0x1fa: {  	s24 =	simm.s32 $0x10  }
0x1fb: {  	v1 =	vmov s24  }
0x1fc: {  	v1 =	vshll.u32 v1, $0x4  }
0x1fd: {  	v6 =	vor.u32 v0, v1  }
0x1fe: {  	v3 =	vor.u32 $0xD, v6  }
0x1ff: {  	v5 =	vor.u32 $0xC, v6  }
0x200: {  	v8 =	vor.u32 $0xB, v6  }
0x201: {  	s24 =	simm.s32 $0x18C00;
	v10 =	vor.u32 $0xA, v6;
	v1 =	vpop (erf)  }
0x202: {  	v12 =	vor.u32 $0x9, v6;
	[tilespmem:s24+$0x0] =	vst v1  }
0x203: {  	v14 =	vor.u32 $0x8, v6;
	v1 =	vld.idx.msk [tilespmem:v3+s19+$0x0], $0xffff  }
0x204: {  	v16 =	vor.u32 $0x7, v6;
	v2 =	vld.idx.msk [tilespmem:v5+s19+$0x0], $0xffff  }
0x205: {  	v18 =	vor.u32 $0x6, v6;
	v4 =	vld.idx.msk [tilespmem:v8+s19+$0x0], $0xffff  }
0x206: {  	v19 =	vor.u32 $0x5, v6;
	v7 =	vld.idx.msk [tilespmem:v10+s19+$0x0], $0xffff  }
0x207: {  	v20 =	vor.u32 $0x4, v6;
	v9 =	vld.idx.msk [tilespmem:v12+s19+$0x0], $0xffff  }
0x208: {  	v21 =	vor.u32 $0x3, v6;
	v11 =	vld.idx.msk [tilespmem:v14+s19+$0x0], $0xffff  }
0x209: {  	v13 =	vld.idx.msk [tilespmem:v16+s19+$0x0], $0xffff  }
0x20a: {  	v23 =	vor.u32 $0x1, v6;
	v15 =	vld.idx.msk [tilespmem:v18+s19+$0x0], $0xffff  }
0x20b: {  	s25 =	simm.s32 $0x20;
	v22 =	vor.u32 $0x2, v6;
	v17 =	vld.idx.msk [tilespmem:v19+s19+$0x0], $0xffff  }
.LBB2_7:
0x20c: {  	p0 =	sne.s32 s25, $0x3F0;
	v24 =	vld.idx.msk [tilespmem:v20+s19+$0x0], $0xffff  }
0x20d: {  	v25 =	vld.idx.msk [tilespmem:v21+s19+$0x0], $0xffff  }
0x20e: {  	v26 =	vld.idx.msk [tilespmem:v6+s19+$0x0], $0xffff  }
0x20f: {  	v27 =	vld.idx.msk [tilespmem:v23+s19+$0x0], $0xffff  }
0x210: {  	s23 =	sadd.s32 $0x10, s23;
	v28 =	vld.idx.msk [tilespmem:v22+s9+$0x0], $0xffff  }
0x211: {  	v29 =	vld [tilespmem:s23+$0xFFFFE400]  }
0x212: {  	v30 =	vld.idx.msk [tilespmem:v6+s9+$0x0], $0xffff  }
0x213: {  	v23 =	vld.idx.msk [tilespmem:v23+s9+$0x0], $0xffff  }
0x214: {  	v31 =	vld [tilespmem:s23+$0xFFFFE800]  }
0x215: {  	v32 =	vld [tilespmem:s23+$0xFFFFEC00]  }
0x216: {  	v22 =	vld.idx.msk [tilespmem:v22+s19+$0x0], $0xffff  }
0x217: {  	v21 =	vld.idx.msk [tilespmem:v21+s9+$0x0], $0xffff  }
0x218: {  	v33 =	vld [tilespmem:s23+$0xFFFFF000]  }
0x219: {  	v29 =	vmul.f32 v29, v30;
	v23 =	vmul.f32 v31, v23;
	v20 =	vld.idx.msk [tilespmem:v20+s9+$0x0], $0xffff  }
0x21a: {  	v28 =	vmul.f32 v32, v28;
	v30 =	vld [tilespmem:s23+$0xFFFFF400]  }
0x21b: {  	v26 =	vmul.f32 v29, v26;
	v23 =	vmul.f32 v23, v27;
	v19 =	vld.idx.msk [tilespmem:v19+s9+$0x0], $0xffff  }
0x21c: {  	v27 =	vld [tilespmem:s23+$0xFFFFF800]  }
0x21d: {  	v22 =	vmul.f32 v28, v22;
	v23 =	vadd.f32 v23, v26;
	v21 =	vmul.f32 v33, v21;
	v18 =	vld.idx.msk [tilespmem:v18+s9+$0x0], $0xffff  }
0x21e: {  	v26 =	vld [tilespmem:s23+$0xFFFFFC00]  }
0x21f: {  	v22 =	vadd.f32 v22, v23;
	v21 =	vmul.f32 v21, v25;
	v20 =	vmul.f32 v30, v20;
	v16 =	vld.idx.msk [tilespmem:v16+s9+$0x0], $0xffff  }
0x220: {  	v23 =	vld [tilespmem:s23+$0x0]  }
0x221: {  	v21 =	vadd.f32 v21, v22;
	v20 =	vmul.f32 v20, v24;
	v19 =	vmul.f32 v27, v19;
	v14 =	vld.idx.msk [tilespmem:v14+s9+$0x0], $0xffff  }
0x222: {  	v22 =	vld [tilespmem:s23+$0x400]  }
0x223: {  	v20 =	vadd.f32 v20, v21;
	v17 =	vmul.f32 v19, v17;
	v18 =	vmul.f32 v26, v18;
	v12 =	vld.idx.msk [tilespmem:v12+s9+$0x0], $0xffff  }
0x224: {  	v19 =	vld [tilespmem:s23+$0x800]  }
0x225: {  	v17 =	vadd.f32 v17, v20;
	v15 =	vmul.f32 v18, v15;
	v16 =	vmul.f32 v23, v16;
	v10 =	vld.idx.msk [tilespmem:v10+s9+$0x0], $0xffff  }
0x226: {  	v18 =	vld [tilespmem:s23+$0xC00]  }
0x227: {  	v15 =	vadd.f32 v15, v17;
	v13 =	vmul.f32 v16, v13;
	v14 =	vmul.f32 v22, v14;
	v8 =	vld.idx.msk [tilespmem:v8+s9+$0x0], $0xffff  }
0x228: {  	v6 =	vor.u32 $0xE, v6;
	v16 =	vld [tilespmem:s23+$0x1000]  }
0x229: {  	v13 =	vadd.f32 v13, v15;
	v11 =	vmul.f32 v14, v11;
	v12 =	vmul.f32 v19, v12;
	v5 =	vld.idx.msk [tilespmem:v5+s9+$0x0], $0xffff  }
0x22a: {  	v14 =	vld [tilespmem:s23+$0x1400]  }
0x22b: {  	v11 =	vadd.f32 v11, v13;
	v9 =	vmul.f32 v12, v9;
	v10 =	vmul.f32 v18, v10;
	v3 =	vld.idx.msk [tilespmem:v3+s9+$0x0], $0xffff  }
0x22c: {  	v12 =	vld [tilespmem:s23+$0x1800]  }
0x22d: {  	v9 =	vadd.f32 v9, v11;
	v7 =	vmul.f32 v10, v7;
	v8 =	vmul.f32 v16, v8;
	v10 =	vld.idx.msk [tilespmem:v6+s9+$0x0], $0xffff  }
0x22e: {  	v11 =	vld [tilespmem:s23+$0x1C00]  }
0x22f: {  	v7 =	vadd.f32 v7, v9;
	v4 =	vmul.f32 v8, v4;
	v5 =	vmul.f32 v14, v5;
	v6 =	vld.idx.msk [tilespmem:v6+s19+$0x0], $0xffff;
	_ =	sdelay $0x1  }
0x230: {  	v4 =	vadd.f32 v4, v7;
	v2 =	vmul.f32 v5, v2;
	v3 =	vmul.f32 v12, v3;
	_ =	sdelay $0x1  }
0x231: {  	v2 =	vadd.f32 v2, v4;
	v1 =	vmul.f32 v3, v1;
	v3 =	vmul.f32 v11, v10;
	_ =	sdelay $0x1  }
0x232: {  	v1 =	vadd.f32 v1, v2;
	v2 =	vmul.f32 v3, v6;
	_ =	sdelay $0x1  }
0x233: {  	v1 =	vadd.f32 v2, v1;
	_ =	sdelay $0x1  }
0x234: {  	v1 =	vsub.f32 $0.0e+00, v1;
	_ =	sdelay $0x1  }
0x235: {  	v1 =	vmul.f32 $1.442695020e+00, v1;
	_ =	sdelay $0x1  }
0x236: {  	(erf) = vpow2.f32 v1;
	_ =	sdelay $0x8  }
0x237: {  	v1 =	vpop (erf)  }
0x238: {  	v1 =	vadd.f32 $1.000000000e+00, v1;
	_ =	sdelay $0x1  }
0x239: {  	(erf) = vrcp.f32 v1;
	_ =	sdelay $0x2  }
0x23a: {  	v1 =	vmov s25  }
0x23b: {  	v1 =	vshll.u32 v1, $0x4  }
0x23c: {  	v6 =	vor.u32 v0, v1  }
0x23d: {  	v3 =	vor.u32 $0xD, v6  }
0x23e: {  	v5 =	vor.u32 $0xC, v6  }
0x23f: {  	v8 =	vor.u32 $0xB, v6  }
0x240: {  	s24 =	sadd.s32 $0x10, s24;
	v10 =	vor.u32 $0xA, v6;
	v1 =	vpop (erf)  }
0x241: {  	v12 =	vor.u32 $0x9, v6;
	[tilespmem:s24+$0x0] =	vst v1  }
0x242: {  	v14 =	vor.u32 $0x8, v6;
	v1 =	vld.idx.msk [tilespmem:v3+s19+$0x0], $0xffff  }
0x243: {  	v16 =	vor.u32 $0x7, v6;
	v2 =	vld.idx.msk [tilespmem:v5+s19+$0x0], $0xffff  }
0x244: {  	v18 =	vor.u32 $0x6, v6;
	v4 =	vld.idx.msk [tilespmem:v8+s19+$0x0], $0xffff  }
0x245: {  	v19 =	vor.u32 $0x5, v6;
	v7 =	vld.idx.msk [tilespmem:v10+s19+$0x0], $0xffff  }
.Ltmp2:
0x246: {  	v20 =	vor.u32 $0x4, v6;
	v9 =	vld.idx.msk [tilespmem:v12+s19+$0x0], $0xffff;
	(pc) =	sbr.rel @p0 .LBB2_7-.Ltmp2, $4  }
0x247: {  	v21 =	vor.u32 $0x3, v6;
	v11 =	vld.idx.msk [tilespmem:v14+s19+$0x0], $0xffff  }
0x248: {  	v13 =	vld.idx.msk [tilespmem:v16+s19+$0x0], $0xffff  }
0x249: {  	v23 =	vor.u32 $0x1, v6;
	v15 =	vld.idx.msk [tilespmem:v18+s19+$0x0], $0xffff  }
0x24a: {  	s25 =	sadd.s32 $0x10, s25;
	v22 =	vor.u32 $0x2, v6;
	v17 =	vld.idx.msk [tilespmem:v19+s19+$0x0], $0xffff  }
0x24b: {  	_ =	sdelay $0x3  }
0x24c: {  	v24 =	vld.idx.msk [tilespmem:v20+s19+$0x0], $0xffff  }
0x24d: {  	v25 =	vld.idx.msk [tilespmem:v21+s19+$0x0], $0xffff  }
0x24e: {  	v26 =	vld.idx.msk [tilespmem:v6+s19+$0x0], $0xffff  }
0x24f: {  	v27 =	vld.idx.msk [tilespmem:v23+s19+$0x0], $0xffff  }
0x250: {  	v28 =	vld.idx.msk [tilespmem:v22+s9+$0x0], $0xffff  }
0x251: {  	v30 =	vld.idx.msk [tilespmem:v6+s9+$0x0], $0xffff  }
0x252: {  	s23 =	sadd.s32 $0x10, s23;
	v47 =	vld.idx.msk [tilespmem:v23+s9+$0x0], $0xffff  }
0x253: {  	v29 =	vld [tilespmem:s23+$0xFFFFE400]  }
0x254: {  	v31 =	vld [tilespmem:s23+$0xFFFFE800]  }
0x255: {  	v32 =	vld [tilespmem:s23+$0xFFFFEC00]  }
0x256: {  	v48 =	vld.idx.msk [tilespmem:v22+s19+$0x0], $0xffff  }
0x257: {  	v49 =	vld.idx.msk [tilespmem:v21+s9+$0x0], $0xffff  }
0x258: {  	v33 =	vld [tilespmem:s23+$0xFFFFF000]  }
0x259: {  	v50 =	vld.idx.msk [tilespmem:v20+s9+$0x0], $0xffff;
	v29 =	vmul.f32 v29, v30;
	v23 =	vmul.f32 v31, v47  }
0x25a: {  	v51 =	vld [tilespmem:s23+$0xFFFFF400];
	v28 =	vmul.f32 v32, v28  }
0x25b: {  	v19 =	vld.idx.msk [tilespmem:v19+s9+$0x0], $0xffff;
	v26 =	vmul.f32 v29, v26;
	v23 =	vmul.f32 v23, v27  }
0x25c: {  	v52 =	vld [tilespmem:s23+$0xFFFFF800]  }
0x25d: {  	v18 =	vld.idx.msk [tilespmem:v18+s9+$0x0], $0xffff;
	v21 =	vmul.f32 v33, v49;
	v22 =	vmul.f32 v28, v48;
	v23 =	vadd.f32 v23, v26  }
0x25e: {  	v53 =	vld [tilespmem:s23+$0xFFFFFC00]  }
0x25f: {  	v16 =	vld.idx.msk [tilespmem:v16+s9+$0x0], $0xffff;
	v20 =	vmul.f32 v51, v50;
	v21 =	vmul.f32 v21, v25;
	v22 =	vadd.f32 v22, v23  }
0x260: {  	v54 =	vld [tilespmem:s23+$0x0]  }
0x261: {  	v14 =	vld.idx.msk [tilespmem:v14+s9+$0x0], $0xffff;
	v19 =	vmul.f32 v52, v19;
	v20 =	vmul.f32 v20, v24;
	v21 =	vadd.f32 v21, v22  }
0x262: {  	v55 =	vld [tilespmem:s23+$0x400]  }
0x263: {  	v12 =	vld.idx.msk [tilespmem:v12+s9+$0x0], $0xffff;
	v18 =	vmul.f32 v53, v18;
	v17 =	vmul.f32 v19, v17;
	v20 =	vadd.f32 v20, v21  }
0x264: {  	v56 =	vld [tilespmem:s23+$0x800]  }
0x265: {  	v10 =	vld.idx.msk [tilespmem:v10+s9+$0x0], $0xffff;
	v16 =	vmul.f32 v54, v16;
	v15 =	vmul.f32 v18, v15;
	v17 =	vadd.f32 v17, v20  }
0x266: {  	v57 =	vld [tilespmem:s23+$0xC00]  }
0x267: {  	v8 =	vld.idx.msk [tilespmem:v8+s9+$0x0], $0xffff;
	v14 =	vmul.f32 v55, v14;
	v13 =	vmul.f32 v16, v13;
	v15 =	vadd.f32 v15, v17  }
0x268: {  	v59 =	vor.u32 $0xE, v6;
	v58 =	vld [tilespmem:s23+$0x1000]  }
0x269: {  	v5 =	vld.idx.msk [tilespmem:v5+s9+$0x0], $0xffff;
	v12 =	vmul.f32 v56, v12;
	v11 =	vmul.f32 v14, v11;
	v13 =	vadd.f32 v13, v15  }
0x26a: {  	v60 =	vld [tilespmem:s23+$0x1400]  }
0x26b: {  	v3 =	vld.idx.msk [tilespmem:v3+s9+$0x0], $0xffff;
	v10 =	vmul.f32 v57, v10;
	v9 =	vmul.f32 v12, v9;
	v11 =	vadd.f32 v11, v13  }
0x26c: {  	v61 =	vld [tilespmem:s23+$0x1800]  }
0x26d: {  	v63 =	vld [tilespmem:s23+$0x1C00];
	v8 =	vmul.f32 v58, v8;
	v7 =	vmul.f32 v10, v7;
	v9 =	vadd.f32 v9, v11  }
0x26e: {  	v62 =	vld.idx.msk [tilespmem:v59+s9+$0x0], $0xffff  }
0x26f: {  	v5 =	vmul.f32 v60, v5;
	v4 =	vmul.f32 v8, v4;
	v7 =	vadd.f32 v7, v9  }
0x270: {  	v6 =	vld.idx.msk [tilespmem:v59+s19+$0x0], $0xffff  }
0x271: {  	v3 =	vmul.f32 v61, v3;
	v2 =	vmul.f32 v5, v2;
	v4 =	vadd.f32 v4, v7;
	_ =	sdelay $0x1  }
0x272: {  	v1 =	vmul.f32 v3, v1;
	v3 =	vmul.f32 v63, v62;
	v2 =	vadd.f32 v2, v4;
	_ =	sdelay $0x1  }
0x273: {  	v1 =	vadd.f32 v1, v2;
	v2 =	vmul.f32 v3, v6;
	_ =	sdelay $0x1  }
0x274: {  	v1 =	vadd.f32 v2, v1;
	_ =	sdelay $0x1  }
0x275: {  	v1 =	vsub.f32 $0.0e+00, v1;
	_ =	sdelay $0x1  }
0x276: {  	v1 =	vmul.f32 $1.442695020e+00, v1;
	_ =	sdelay $0x1  }
0x277: {  	(erf) = vpow2.f32 v1;
	_ =	sdelay $0x8  }
0x278: {  	v1 =	vpop (erf)  }
0x279: {  	v1 =	vadd.f32 $1.000000000e+00, v1;
	_ =	sdelay $0x1  }
0x27a: {  	(erf) = vrcp.f32 v1;
	_ =	sdelay $0x4  }
0x27b: {  	s11 =	sadd.s32 $0x1, s11  }
0x27c: {  	p0 =	sne.s32 s11, s10  }
.Ltmp3:
0x27d: {  	_ = 	snop;
	(pc) =	sbr.rel @p0 .LBB2_2-.Ltmp3, $4  }
0x27e: {  	_ = 	snop  }
0x27f: {  	s30 =	sadd.s32 $0x10, s24;
	v1 =	vpop (erf)  }
0x280: {  	s15 =	sadd.s32 s8, s15;
	[tilespmem:s30+$0x0] =	vst v1  }
0x281: {  	[hbm4b:s15+s2] =	stream.linear.scatter [tilespmem:s3], [sflag:$0x6], $0x400, $0x38;
	[tilespmem:$0x19000] =	vst v63  }
0x282: {  	s11 =	simm.s32 $0x3  }
0x283: {  	_ =	swait.ge [sflag:s11], $0x400  }
0x284: {  	[sflag:s11] =	ssyncset.done $0x0  }
0x285: {  	s30 =	simm.s32 $0x6;
	[sflag:s11] =	ssyncadd.s32 $0xFFFFFC00  }
0x286: {  	_ =	swait.ge [sflag:s30], $0x400  }
0x287: {  	s23 =	rddreg [dreg:$0x7]  }
0x288: {  	s15 =	rddreg [dreg:$0x6];
	s23 =	sadd.s32 $0x1, s23  }
0x289: {  	p0 =	sne.s32 s23, s15  }
.Ltmp4:
0x28a: {  	_ = 	snop;
	(pc) =	sbr.rel @p0 .LBB2_1-.Ltmp4, $3  }
0x28b: {  	_ =	sdelay $0x1  }
0x28c: {  	[sflag:s30] =	ssyncset.done $0x0  }
0x28d: {  	[sflag:s30] =	ssyncadd.s32 $0xFFFFFC00  }
0x28e: {  	_ =	sfence.sel $0x180000  }
0x28f: {  	[bflag:$0x0] =	sbarrier.arrive $0xFFFF  }
0x290: {  	_ =	strace $0x9000004A  }
0x291: {  	s0 =	stileid.u32;
	[bflag:$0x2] =	sbarrier.arrive $0xFFFF  }
0x292: {  	p0 =	sne.s32 s0, $0x0;
	s0 =	rddreg [dreg:$0x2]  }
0x293: {  	s0 =	sadd.s32 @!p0 $0x100000, s0  }
0x294: {  	[sflag:s0] =	ssyncadd.tile.s32 @!p0 $0x1;
	_ =	shalt  }
.Lfunc_end2:
_tile_overlayer_lowered:
.L_overlay_start_2:
0x295: {  	(tag) =	ssettag $0x2  }
0x296: {  	s0 =	rddreg [dreg:$0x0];
	s2 =	stileid.u32  }
0x297: {  	s1 =	rddreg [dreg:$0x1];
	p0 =	sne.s32 s2, $0x0  }
0x298: {  	s3 =	rddreg [dreg:$0x2];
	[bflag:$0x3] =	sbarrier.arrive $0xFFFF;
	s2 =	simm.s32 @!p0 $0x1C07  }
0x299: {  	[timem:s3], [sflag:s2] =	dma.local @!p0 [hbm:s0], s1  }
0x29a: {  	s0 =	simm.s32 @!p0 $0x7  }
0x29b: {  	_ =	swait.ge @!p0 [sflag:s0], s1  }
0x29c: {  	s1 =	ssub.s32 @!p0 $0x0, s1;
	[sflag:s0] =	ssyncset.done @!p0 $0x0  }
0x29d: {  	[sflag:s0] =	ssyncadd.s32 @!p0 s1  }
0x29e: {  	[bflag:$0x3] =	sbarrier.arrive $0xFFFF  }
0x29f: {  	_ =	shalt  }

</sc_bundles>
